<compile_context>
chip_gen: v7x
topology: tpu7x:2x2x1
jax: 0.10.2.dev20260603
libtpu: 0.0.44.dev20260713+nightly
codegen_flags: <defaults>
</compile_context>

<pallas_src>
import functools

import jax
import jax.numpy as jnp
from jax import lax
from jax.experimental import pallas as pl
from jax.experimental.pallas import tpu as pltpu
from jax.experimental.pallas import tpu_sc as plsc

_B, _C, _H, _W = 16, 96, 32, 32
_N = _H * _W
_K = 7
_R = _B * _N
_CNT = float(_B * _N)


def _fc_stats_body(x_ref, w_ref, b_ref, y_ref, st_ref):
    bidx = pl.program_id(0)
    y = jnp.dot(w_ref[...], x_ref[0], preferred_element_type=jnp.float32)
    y = y + b_ref[...]
    y_ref[0] = y

    @pl.when(bidx == 0)
    def _():
        st_ref[...] = jnp.zeros_like(st_ref)

    acc = st_ref[...]
    for nt in range(_N // 128):
        acc = acc + y[:, nt * 128:(nt + 1) * 128]
    st_ref[...] = acc


def _fc_stats(x, w, b2):
    cout = w.shape[0]
    return pl.pallas_call(
        _fc_stats_body,
        grid=(_B,),
        in_specs=[
            pl.BlockSpec((1, x.shape[1], _N), lambda b: (b, 0, 0)),
            pl.BlockSpec(w.shape, lambda b: (0, 0)),
            pl.BlockSpec(b2.shape, lambda b: (0, 0)),
        ],
        out_specs=[
            pl.BlockSpec((1, cout, _N), lambda b: (b, 0, 0)),
            pl.BlockSpec((cout, 128), lambda b: (0, 0)),
        ],
        out_shape=[
            jax.ShapeDtypeStruct((_B, cout, _N), jnp.float32),
            jax.ShapeDtypeStruct((cout, 128), jnp.float32),
        ],
    )(x, w, b2)


def _center_var_body(y_ref, st_ref, v_ref):
    bidx = pl.program_id(0)
    mean = jnp.sum(st_ref[...], axis=1, keepdims=True) / _CNT
    d = y_ref[0] - mean
    dd = d * d

    @pl.when(bidx == 0)
    def _():
        v_ref[...] = jnp.zeros_like(v_ref)

    acc = v_ref[...]
    for nt in range(_N // 128):
        acc = acc + dd[:, nt * 128:(nt + 1) * 128]
    v_ref[...] = acc


def _center_var(y, st):
    return pl.pallas_call(
        _center_var_body,
        grid=(_B,),
        in_specs=[
            pl.BlockSpec((1, _C, _N), lambda b: (b, 0, 0)),
            pl.BlockSpec((_C, 128), lambda b: (0, 0)),
        ],
        out_specs=pl.BlockSpec((_C, 128), lambda b: (0, 0)),
        out_shape=jax.ShapeDtypeStruct((_C, 128), jnp.float32),
    )(y, st)


def _knn_body(yr_ref, st_ref, v_ref, g_ref, b_ref,
              rel_ref, ycn_ref, ync_ref, idx_ref):
    bidx = pl.program_id(0)
    mean = jnp.sum(st_ref[...], axis=1, keepdims=True) / _CNT
    var = jnp.sum(v_ref[...], axis=1, keepdims=True) / _CNT
    y = (yr_ref[0] - mean) * (1.0 / jnp.sqrt(var + 1e-5)) * g_ref[...] \
        + b_ref[...]
    ycn_ref[0] = y
    yt = jnp.transpose(y)
    ync_ref[0] = jnp.concatenate(
        [yt, jnp.zeros((_N, 128 - _C), jnp.float32)], axis=1)
    nrm = jnp.sqrt(jnp.sum(y * y, axis=0, keepdims=True))
    xn = y * (1.0 / jnp.maximum(nrm, 1e-12))
    xnt = jnp.transpose(xn)
    sqr = jnp.sum(xn * xn, axis=0, keepdims=True)
    sqc = jnp.transpose(sqr)

    ch = 128
    imin = jnp.int32(-2**31)
    vals = []
    gidx = []
    lio = lax.broadcasted_iota(jnp.int32, (_N, ch), 1)
    for c in range(_N // ch):
        sl = slice(c * ch, (c + 1) * ch)
        inner = jnp.dot(xnt, xn[:, sl], preferred_element_type=jnp.float32)
        neg = -(((sqc - 2.0 * inner) + sqr[:, sl]) + rel_ref[0, :, sl])
        bits = lax.bitcast_convert_type(neg, jnp.int32)
        qk = jnp.where(bits >= 0, bits, (imin - bits) - 1)
        for _ in range(_K):
            rmax = jnp.max(qk, axis=1, keepdims=True)
            cand = jnp.where(qk == rmax, lio, ch)
            argl = jnp.min(cand, axis=1, keepdims=True)
            vals.append(rmax)
            gidx.append(argl + c * ch)
            qk = jnp.where(lio == argl, imin, qk)
    v = jnp.concatenate(vals, axis=1)
    g = jnp.concatenate(gidx, axis=1)
    cols = []
    for _ in range(_K):
        rmax = jnp.max(v, axis=1, keepdims=True)
        cand = jnp.where(v == rmax, g, _N)
        chosen = jnp.min(cand, axis=1, keepdims=True)
        cols.append(chosen)
        v = jnp.where(g == chosen, imin, v)
    idx = jnp.concatenate(cols + [jnp.zeros((_N, 1), jnp.int32)], axis=1)
    idx_ref[0] = idx + bidx * _N


def _knn(yr, st, vv, g2, b2, rel):
    return pl.pallas_call(
        _knn_body,
        grid=(_B,),
        in_specs=[
            pl.BlockSpec((1, _C, _N), lambda b: (b, 0, 0)),
            pl.BlockSpec((_C, 128), lambda b: (0, 0)),
            pl.BlockSpec((_C, 128), lambda b: (0, 0)),
            pl.BlockSpec((_C, 1), lambda b: (0, 0)),
            pl.BlockSpec((_C, 1), lambda b: (0, 0)),
            pl.BlockSpec((1, _N, _N), lambda b: (0, 0, 0)),
        ],
        out_specs=[
            pl.BlockSpec((1, _C, _N), lambda b: (b, 0, 0)),
            pl.BlockSpec((1, _N, 128), lambda b: (b, 0, 0)),
            pl.BlockSpec((1, _N, 8), lambda b: (b, 0, 0)),
        ],
        out_shape=[
            jax.ShapeDtypeStruct((_B, _C, _N), jnp.float32),
            jax.ShapeDtypeStruct((_B, _N, 128), jnp.float32),
            jax.ShapeDtypeStruct((_B, _N, 8), jnp.int32),
        ],
    )(yr, st, vv, g2, b2, rel)


def _gather_max(table, idx2d):
    info = plsc.get_sparse_core_info()
    nw = info.num_cores * info.num_subcores
    nodes_per_w = _R // nw
    chn = 64
    n_chunks = nodes_per_w // chn
    mesh = plsc.VectorSubcoreMesh(core_axis_name="c", subcore_axis_name="s")
    scratch = (
        [pltpu.VMEM((chn,), jnp.int32) for _ in range(_K)]
        + [pltpu.VMEM((chn, 128), jnp.float32) for _ in range(_K)]
        + [pltpu.VMEM((chn, _C), jnp.float32), pltpu.SemaphoreType.DMA]
    )

    @functools.partial(
        pl.kernel,
        mesh=mesh,
        out_type=jax.ShapeDtypeStruct((_R, _C), jnp.float32),
        scratch_types=scratch,
    )
    def k(table_hbm, idx_hbm, out_hbm, *refs):
        idxb = refs[0:_K]
        rows = refs[_K:2 * _K]
        outv = refs[2 * _K]
        sem = refs[2 * _K + 1]
        wid = lax.axis_index("s") * info.num_cores + lax.axis_index("c")

        def chunk_body(ci, carry):
            nb = wid * nodes_per_w + ci * chn
            nrow = nb // 128
            ncol = nb % 128
            for j in range(_K):
                pltpu.sync_copy(idx_hbm.at[j * 128 + nrow, pl.ds(ncol, chn)],
                                idxb[j])
            copies = [
                pltpu.async_copy(table_hbm.at[idxb[j]], rows[j], sem)
                for j in range(_K)
            ]
            for cp in copies:
                cp.wait()

            def node_body(n, c2):
                for cc in range(_C // 16):
                    sl = pl.ds(cc * 16, 16)
                    m = rows[0][n, sl]
                    for j in range(1, _K):
                        m = jnp.maximum(m, rows[j][n, sl])
                    outv[n, sl] = m
                return c2

            lax.fori_loop(0, chn, node_body, 0)
            pltpu.sync_copy(outv, out_hbm.at[pl.ds(nb, chn)])
            return carry

        lax.fori_loop(0, n_chunks, chunk_body, 0)

    return k(table, idx2d)


def _mr_fc2_body(ycn_ref, mx_ref, wy_ref, wd_ref, mb_ref, w2_ref, b2_ref,
                 z_ref, st_ref):
    bidx = pl.program_id(0)
    y = ycn_ref[0]
    d = jnp.transpose(mx_ref[0]) - y
    parts = []
    for g in range(4):
        so = slice(g * 48, (g + 1) * 48)
        si = slice(g * 24, (g + 1) * 24)
        pg = jnp.dot(wy_ref[...][so], y[si], preferred_element_type=jnp.float32)
        pg = pg + jnp.dot(wd_ref[...][so], d[si],
                          preferred_element_type=jnp.float32)
        parts.append(pg)
    m = jnp.concatenate(parts, axis=0) + mb_ref[...]
    mu = jnp.mean(m, axis=1, keepdims=True)
    mc = m - mu
    var = jnp.mean(mc * mc, axis=1, keepdims=True)
    m = jax.nn.gelu(mc / jnp.sqrt(var + 1e-5))
    z = jnp.dot(w2_ref[...], m, preferred_element_type=jnp.float32)
    z = z + b2_ref[...]
    z_ref[0] = z
    s = jnp.sum(z, axis=1, keepdims=True)
    s2 = jnp.sum(z * z, axis=1, keepdims=True)

    @pl.when(bidx == 0)
    def _():
        st_ref[...] = jnp.zeros_like(st_ref)

    st_ref[...] += jnp.concatenate([s, s2], axis=1)


def _mr_fc2(ycn, mx, wy, wd, mb, w2, b2):
    return pl.pallas_call(
        _mr_fc2_body,
        grid=(_B,),
        in_specs=[
            pl.BlockSpec((1, _C, _N), lambda b: (b, 0, 0)),
            pl.BlockSpec((1, _N, _C), lambda b: (b, 0, 0)),
            pl.BlockSpec((2 * _C, _C // 4), lambda b: (0, 0)),
            pl.BlockSpec((2 * _C, _C // 4), lambda b: (0, 0)),
            pl.BlockSpec((2 * _C, 1), lambda b: (0, 0)),
            pl.BlockSpec((_C, 2 * _C), lambda b: (0, 0)),
            pl.BlockSpec((_C, 1), lambda b: (0, 0)),
        ],
        out_specs=[
            pl.BlockSpec((1, _C, _N), lambda b: (b, 0, 0)),
            pl.BlockSpec((_C, 2), lambda b: (0, 0)),
        ],
        out_shape=[
            jax.ShapeDtypeStruct((_B, _C, _N), jnp.float32),
            jax.ShapeDtypeStruct((_C, 2), jnp.float32),
        ],
    )(ycn, mx, wy, wd, mb, w2, b2)


def _scconv_common(z_ref, st_ref, g2_ref, b2_ref, tmp_ref, gnw_ref, gnb_ref,
                   sq1_ref, sq2_ref, gwc_ref, gwcb_ref, pw1_ref, pw2_ref):
    mean = st_ref[:, 0:1] / _CNT
    var = st_ref[:, 1:2] / _CNT - mean * mean
    scale = g2_ref[...] / jnp.sqrt(var + 1e-5)
    shift = b2_ref[...] - mean * scale
    xin = z_ref[0] * scale + shift + tmp_ref[0]
    gs = []
    for g in range(4):
        xg = xin[g * 24:(g + 1) * 24]
        mg = jnp.mean(xg)
        xc = xg - mg
        sg = jnp.sqrt(jnp.mean(xc * xc))
        gs.append(xc / (sg + 1e-10))
    gn = jnp.concatenate(gs, axis=0) * gnw_ref[...] + gnb_ref[...]
    wg = gnw_ref[...] / jnp.sum(gnw_ref[...])
    rw = jax.nn.sigmoid(gn * wg)
    info = (rw >= 0.5).astype(jnp.float32)
    x1 = info * gn
    x2 = gn - x1
    yy = jnp.concatenate([x1[:48] + x2[48:], x1[48:] + x2[:48]], axis=0)
    up = jnp.dot(sq1_ref[...], yy[:48], preferred_element_type=jnp.float32)
    low = jnp.dot(sq2_ref[...], yy[48:], preferred_element_type=jnp.float32)

    li = lax.broadcasted_iota(jnp.int32, (1, _N), 1)
    hh = li // _W
    ww = li % _W
    top = jnp.zeros((48, _N), jnp.float32)
    bot = jnp.zeros((48, _N), jnp.float32)
    for t in range(9):
        dy, dx = t // 3 - 1, t % 3 - 1
        s = (dy * _W + dx) % _N
        rolled = up if s == 0 else jnp.concatenate([up[:, s:], up[:, :s]],
                                                   axis=1)
        valid = ((hh + dy >= 0) & (hh + dy < _H)
                 & (ww + dx >= 0) & (ww + dx < _W))
        sh = rolled * valid.astype(jnp.float32)
        wt = gwc_ref[t]
        top = top + jnp.dot(wt[0:48], sh[0:12],
                            preferred_element_type=jnp.float32)
        bot = bot + jnp.dot(wt[48:96], sh[12:24],
                            preferred_element_type=jnp.float32)
    y1 = jnp.concatenate([top, bot], axis=0)
    y1 = y1 + jnp.dot(pw1_ref[...], up, preferred_element_type=jnp.float32)
    y1 = y1 + gwcb_ref[...]
    y2 = jnp.concatenate(
        [jnp.dot(pw2_ref[...], low, preferred_element_type=jnp.float32), low],
        axis=0)
    out = jnp.concatenate([y1, y2], axis=0)
    mu = jnp.mean(out, axis=1, keepdims=True)
    a = jnp.exp(mu - jnp.max(mu))
    att = a / jnp.sum(a)
    out = out * att
    res = out[:96] + out[96:]
    rm = jnp.mean(res, axis=1, keepdims=True)
    rc = res - rm
    rv = jnp.mean(rc * rc, axis=1, keepdims=True)
    return rc / jnp.sqrt(rv + 1e-5)


def _scconv_mid_body(z_ref, st_ref, g2_ref, b2_ref, tmp_ref, gnw_ref, gnb_ref,
                     sq1_ref, sq2_ref, gwc_ref, gwcb_ref, pw1_ref, pw2_ref,
                     fw_ref, fb_ref, t2_ref, y2_ref, st2_ref):
    bidx = pl.program_id(0)
    rn = _scconv_common(z_ref, st_ref, g2_ref, b2_ref, tmp_ref, gnw_ref,
                        gnb_ref, sq1_ref, sq2_ref, gwc_ref, gwcb_ref,
                        pw1_ref, pw2_ref)
    t2 = jnp.maximum(rn, 0.0)
    t2_ref[0] = t2
    y2 = jnp.dot(fw_ref[...], t2, preferred_element_type=jnp.float32)
    y2 = y2 + fb_ref[...]
    y2_ref[0] = y2

    @pl.when(bidx == 0)
    def _():
        st2_ref[...] = jnp.zeros_like(st2_ref)

    acc = st2_ref[...]
    for nt in range(_N // 128):
        acc = acc + y2[:, nt * 128:(nt + 1) * 128]
    st2_ref[...] = acc


def _scconv_final_body(z_ref, st_ref, g2_ref, b2_ref, tmp_ref, gnw_ref,
                       gnb_ref, sq1_ref, sq2_ref, gwc_ref, gwcb_ref, pw1_ref,
                       pw2_ref, x0_ref, out_ref):
    rn = _scconv_common(z_ref, st_ref, g2_ref, b2_ref, tmp_ref, gnw_ref,
                        gnb_ref, sq1_ref, sq2_ref, gwc_ref, gwcb_ref,
                        pw1_ref, pw2_ref)
    out_ref[0] = x0_ref[0] + rn


_SC_IN_SPECS = [
    pl.BlockSpec((1, _C, _N), lambda b: (b, 0, 0)),
    pl.BlockSpec((_C, 2), lambda b: (0, 0)),
    pl.BlockSpec((_C, 1), lambda b: (0, 0)),
    pl.BlockSpec((_C, 1), lambda b: (0, 0)),
    pl.BlockSpec((1, _C, _N), lambda b: (b, 0, 0)),
    pl.BlockSpec((_C, 1), lambda b: (0, 0)),
    pl.BlockSpec((_C, 1), lambda b: (0, 0)),
    pl.BlockSpec((24, 48), lambda b: (0, 0)),
    pl.BlockSpec((24, 48), lambda b: (0, 0)),
    pl.BlockSpec((9, _C, 12), lambda b: (0, 0, 0)),
    pl.BlockSpec((_C, 1), lambda b: (0, 0)),
    pl.BlockSpec((_C, 24), lambda b: (0, 0)),
    pl.BlockSpec((_C - 24, 24), lambda b: (0, 0)),
]


def _scconv_mid(z, st, g2, b2, tmp, gnw, gnb, sq1, sq2, gwc, gwcb, pw1, pw2,
                fw, fb):
    return pl.pallas_call(
        _scconv_mid_body,
        grid=(_B,),
        in_specs=_SC_IN_SPECS + [
            pl.BlockSpec((_C, _C), lambda b: (0, 0)),
            pl.BlockSpec((_C, 1), lambda b: (0, 0)),
        ],
        out_specs=[
            pl.BlockSpec((1, _C, _N), lambda b: (b, 0, 0)),
            pl.BlockSpec((1, _C, _N), lambda b: (b, 0, 0)),
            pl.BlockSpec((_C, 128), lambda b: (0, 0)),
        ],
        out_shape=[
            jax.ShapeDtypeStruct((_B, _C, _N), jnp.float32),
            jax.ShapeDtypeStruct((_B, _C, _N), jnp.float32),
            jax.ShapeDtypeStruct((_C, 128), jnp.float32),
        ],
    )(z, st, g2, b2, tmp, gnw, gnb, sq1, sq2, gwc, gwcb, pw1, pw2, fw, fb)


def _scconv_final(z, st, g2, b2, tmp, gnw, gnb, sq1, sq2, gwc, gwcb, pw1, pw2,
                  x0):
    return pl.pallas_call(
        _scconv_final_body,
        grid=(_B,),
        in_specs=_SC_IN_SPECS + [
            pl.BlockSpec((1, _C, _N), lambda b: (b, 0, 0)),
        ],
        out_specs=pl.BlockSpec((1, _C, _N), lambda b: (b, 0, 0)),
        out_shape=jax.ShapeDtypeStruct((_B, _C, _N), jnp.float32),
    )(z, st, g2, b2, tmp, gnw, gnb, sq1, sq2, gwc, gwcb, pw1, pw2, x0)


def _col(v):
    return v.reshape(-1, 1)


def _split_mr(w):
    wr = w.reshape(4, 48, 48)
    wy = wr[:, :, 0::2].reshape(2 * _C, _C // 4)
    wd = wr[:, :, 1::2].reshape(2 * _C, _C // 4)
    return wy, wd


def _taps(gwc_w):
    return gwc_w.transpose(2, 3, 0, 1).reshape(9, _C, 12)


def _neighbor_major(idx):
    return jnp.transpose(idx, (2, 0, 1)).reshape(8 * _R // 128, 128)


def _grapher(x0, fc1_w, fc1_b, bn1_g, bn1_b, rel, mr_w, mr_b, fc2_w, fc2_b,
             y_raw=None, st=None):
    if y_raw is None:
        y_raw, st = _fc_stats(x0, fc1_w, _col(fc1_b))
    vv = _center_var(y_raw, st)
    ycn, ync, idx = _knn(y_raw, st, vv, _col(bn1_g), _col(bn1_b), rel)
    mx = _gather_max(ync.reshape(_R, 128), _neighbor_major(idx))
    wy, wd = _split_mr(mr_w)
    return _mr_fc2(ycn, mx.reshape(_B, _N, _C), wy, wd, _col(mr_b), fc2_w,
                   _col(fc2_b))


def kernel(x, g1_fc1_w, g1_fc1_b, g1_bn1_g, g1_bn1_b, g1_rel, g1_mr_w,
           g1_mr_b, g1_fc2_w, g1_fc2_b, g1_bn2_g, g1_bn2_b,
           g2_fc1_w, g2_fc1_b, g2_bn1_g, g2_bn1_b, g2_rel, g2_mr_w,
           g2_mr_b, g2_fc2_w, g2_fc2_b, g2_bn2_g, g2_bn2_b,
           s1_gn_w, s1_gn_b, s1_sq1_w, s1_sq2_w, s1_gwc_w, s1_gwc_b,
           s1_pwc1_w, s1_pwc2_w,
           s2_gn_w, s2_gn_b, s2_sq1_w, s2_sq2_w, s2_gwc_w, s2_gwc_b,
           s2_pwc1_w, s2_pwc2_w):
    x0 = x.reshape(_B, _C, _N)
    z1, st1b = _grapher(x0, g1_fc1_w, g1_fc1_b, g1_bn1_g, g1_bn1_b, g1_rel,
                        g1_mr_w, g1_mr_b, g1_fc2_w, g1_fc2_b)
    t2, y2_raw, st2 = _scconv_mid(
        z1, st1b, _col(g1_bn2_g), _col(g1_bn2_b), x0, _col(s1_gn_w),
        _col(s1_gn_b), s1_sq1_w, s1_sq2_w, _taps(s1_gwc_w), _col(s1_gwc_b),
        s1_pwc1_w, s1_pwc2_w, g2_fc1_w, _col(g2_fc1_b))
    z2, st2b = _grapher(None, None, None, g2_bn1_g, g2_bn1_b, g2_rel,
                        g2_mr_w, g2_mr_b, g2_fc2_w, g2_fc2_b,
                        y_raw=y2_raw, st=st2)
    out = _scconv_final(
        z2, st2b, _col(g2_bn2_g), _col(g2_bn2_b), t2, _col(s2_gn_w),
        _col(s2_gn_b), s2_sq1_w, s2_sq2_w, _taps(s2_gwc_w), _col(s2_gwc_b),
        s2_pwc1_w, s2_pwc2_w, x0)
    return out.reshape(_B, _C, _H, _W)

# --- scband reference (transcript-rebuilt; emitter-appended) ---
"""Pipeline reference for scband-vi-gblock-7138235646516 (READ-ONLY COPY).

The authoritative reference and input builder live on the scoring server;
editing this copy changes nothing except your own understanding.
"""

import jax, jax.numpy as jnp
import numpy as np

B, C, H, W = 16, 96, 32, 32
N = H * W
K = 7

def conv1x1(x, w, b=None, groups=1):
    Bn, Cin, Hh, Ww = x.shape
    Cout = w.shape[0]
    if groups == 1:
        y = jnp.einsum('bchw,oc->bohw', x, w)
    else:
        xg = x.reshape(Bn, groups, Cin // groups, Hh, Ww)
        wg = w.reshape(groups, Cout // groups, Cin // groups)
        y = jnp.einsum('bgihw,goi->bgohw', xg, wg).reshape(Bn, Cout, Hh, Ww)
    if b is not None:
        y = y + b[None, :, None, None]
    return y

def conv3x3(x, w, b, groups):
    y = jax.lax.conv_general_dilated(x, w, (1, 1), 'SAME',
        dimension_numbers=('NCHW', 'OIHW', 'NCHW'), feature_group_count=groups)
    return y + b[None, :, None, None]

def batchnorm(x, g, b, eps=1e-5):
    m = x.mean(axis=(0, 2, 3), keepdims=True)
    v = x.var(axis=(0, 2, 3), keepdims=True)
    return (x - m) / jnp.sqrt(v + eps) * g[None, :, None, None] + b[None, :, None, None]

def instnorm(x, eps=1e-5):
    m = x.mean(axis=(2, 3), keepdims=True)
    v = x.var(axis=(2, 3), keepdims=True)
    return (x - m) / jnp.sqrt(v + eps)

def dense_knn(xf, k, rel):
    xn = xf / jnp.maximum(jnp.linalg.norm(xf, axis=1, keepdims=True), 1e-12)
    xt = xn.transpose(0, 2, 1)
    sq = jnp.sum(xt * xt, axis=-1)
    inner = jnp.einsum('bnc,bmc->bnm', xt, xt)
    dist = sq[:, :, None] - 2.0 * inner + sq[:, None, :] + rel
    _, idx = jax.lax.top_k(-dist, k)
    return idx

def batched_gather(xf, idx):
    Bn, Cn, Nn = xf.shape
    k = idx.shape[-1]
    flat = jnp.broadcast_to(idx.reshape(Bn, 1, Nn * k), (Bn, Cn, Nn * k))
    return jnp.take_along_axis(xf, flat, axis=2).reshape(Bn, Cn, Nn, k)

def grapher(x, p, pre):
    tmp = x
    y = conv1x1(x, p[pre + '_fc1_w'], p[pre + '_fc1_b'])
    y = batchnorm(y, p[pre + '_bn1_g'], p[pre + '_bn1_b'])
    Bn, Cn, Hh, Ww = y.shape
    yf = y.reshape(Bn, Cn, Hh * Ww)
    idx = dense_knn(yf, K, p[pre + '_rel'])
    xj = batched_gather(yf, idx)
    xi = yf[:, :, :, None]
    d = jnp.max(xj - xi, axis=-1, keepdims=True)
    m = jnp.stack([xi, d], axis=2).reshape(Bn, 2 * Cn, Hh * Ww, 1)
    m = conv1x1(m, p[pre + '_mr_w'], p[pre + '_mr_b'], groups=4)
    m = instnorm(m)
    m = jax.nn.gelu(m)
    m = m.reshape(Bn, 2 * Cn, Hh, Ww)
    out = conv1x1(m, p[pre + '_fc2_w'], p[pre + '_fc2_b'])
    out = batchnorm(out, p[pre + '_bn2_g'], p[pre + '_bn2_b'])
    return out + tmp

def group_bn(x, w, b, groups=4, eps=1e-10):
    Bn, Cn, Hh, Ww = x.shape
    xg = x.reshape(Bn, groups, -1)
    m = xg.mean(-1, keepdims=True)
    s = xg.std(-1, keepdims=True)
    xg = (xg - m) / (s + eps)
    return xg.reshape(Bn, Cn, Hh, Ww) * w[None, :, None, None] + b[None, :, None, None]

def scconv(x, p, pre):
    gn_x = group_bn(x, p[pre + '_gn_w'], p[pre + '_gn_b'])
    wg = (p[pre + '_gn_w'] / jnp.sum(p[pre + '_gn_w'])).reshape(1, -1, 1, 1)
    rw = jax.nn.sigmoid(gn_x * wg)
    info = (rw >= 0.5).astype(x.dtype)
    x1 = info * gn_x
    x2 = (1.0 - info) * gn_x
    Cn = x.shape[1]
    h = Cn // 2
    y = jnp.concatenate([x1[:, :h] + x2[:, h:], x1[:, h:] + x2[:, :h]], axis=1)
    up, low = y[:, :h], y[:, h:]
    up = conv1x1(up, p[pre + '_sq1_w'])
    low = conv1x1(low, p[pre + '_sq2_w'])
    y1 = conv3x3(up, p[pre + '_gwc_w'], p[pre + '_gwc_b'], groups=2) + conv1x1(up, p[pre + '_pwc1_w'])
    y2 = jnp.concatenate([conv1x1(low, p[pre + '_pwc2_w']), low], axis=1)
    out = jnp.concatenate([y1, y2], axis=1)
    att = jax.nn.softmax(out.mean(axis=(2, 3), keepdims=True), axis=1)
    out = att * out
    return out[:, :Cn] + out[:, Cn:]

def vig_block(x, p):
    y = grapher(x, p, 'g1')
    y = scconv(y, p, 's1')
    y = jax.nn.relu(instnorm(y))
    y = grapher(y, p, 'g2')
    y = scconv(y, p, 's2')
    y = instnorm(y)
    return x + y

def setup_inputs(seed: int = 0):
    key = jax.random.key(seed)
    ks = iter(jax.random.split(key, 64))
    def rn(shape, s=0.05):
        return jax.random.normal(next(ks), shape, dtype=jnp.float32) * s
    inp = {'x': jax.random.normal(next(ks), (B, C, H, W), dtype=jnp.float32)}
    for i in ('g1', 'g2'):
        inp[i + '_fc1_w'] = rn((C, C))
        inp[i + '_fc1_b'] = jnp.zeros((C,), jnp.float32)
        inp[i + '_bn1_g'] = jnp.ones((C,), jnp.float32)
        inp[i + '_bn1_b'] = jnp.zeros((C,), jnp.float32)
        inp[i + '_rel'] = rn((1, N, N), 0.02)
        inp[i + '_mr_w'] = rn((2 * C, (2 * C) // 4))
        inp[i + '_mr_b'] = jnp.zeros((2 * C,), jnp.float32)
        inp[i + '_fc2_w'] = rn((C, 2 * C))
        inp[i + '_fc2_b'] = jnp.zeros((C,), jnp.float32)
        inp[i + '_bn2_g'] = jnp.ones((C,), jnp.float32)
        inp[i + '_bn2_b'] = jnp.zeros((C,), jnp.float32)
    for i in ('s1', 's2'):
        inp[i + '_gn_w'] = jnp.ones((C,), jnp.float32) + rn((C,), 0.1)
        inp[i + '_gn_b'] = jnp.zeros((C,), jnp.float32)
        h = C // 2
        sq = h // 2
        inp[i + '_sq1_w'] = rn((sq, h))
        inp[i + '_sq2_w'] = rn((sq, h))
        inp[i + '_gwc_w'] = rn((C, sq // 2, 3, 3))
        inp[i + '_gwc_b'] = jnp.zeros((C,), jnp.float32)
        inp[i + '_pwc1_w'] = rn((C, sq))
        inp[i + '_pwc2_w'] = rn((C - sq, sq))
    return inp

def reference(x, g1_fc1_w, g1_fc1_b, g1_bn1_g, g1_bn1_b, g1_rel, g1_mr_w,
              g1_mr_b, g1_fc2_w, g1_fc2_b, g1_bn2_g, g1_bn2_b,
              g2_fc1_w, g2_fc1_b, g2_bn1_g, g2_bn1_b, g2_rel, g2_mr_w,
              g2_mr_b, g2_fc2_w, g2_fc2_b, g2_bn2_g, g2_bn2_b,
              s1_gn_w, s1_gn_b, s1_sq1_w, s1_sq2_w, s1_gwc_w, s1_gwc_b,
              s1_pwc1_w, s1_pwc2_w,
              s2_gn_w, s2_gn_b, s2_sq1_w, s2_sq2_w, s2_gwc_w, s2_gwc_b,
              s2_pwc1_w, s2_pwc2_w):
    p = dict(locals())
    x = p.pop('x')
    return vig_block(x, p)

if __name__ == "__main__":
    import jax
    _d = setup_inputs()
    print(jax.jit(kernel)(*tuple(_d.values())))

</pallas_src>

<mosaic_0001>
#map = affine_map<(d0, d1) -> (0, 0)>
module attributes {stable_mosaic.version = 14 : i64} {
  func.func @k(%arg0: i32, %arg1: i32, %arg2: memref<16384x128xf32, #tpu.memory_space<hbm>>, %arg3: memref<1024x128xi32, #tpu.memory_space<hbm>>, %arg4: memref<16384x96xf32, #tpu.memory_space<hbm>>, %arg5: memref<64xi32, #tpu.memory_space<vmem>>, %arg6: memref<64xi32, #tpu.memory_space<vmem>>, %arg7: memref<64xi32, #tpu.memory_space<vmem>>, %arg8: memref<64xi32, #tpu.memory_space<vmem>>, %arg9: memref<64xi32, #tpu.memory_space<vmem>>, %arg10: memref<64xi32, #tpu.memory_space<vmem>>, %arg11: memref<64xi32, #tpu.memory_space<vmem>>, %arg12: memref<64x128xf32, #tpu.memory_space<vmem>>, %arg13: memref<64x128xf32, #tpu.memory_space<vmem>>, %arg14: memref<64x128xf32, #tpu.memory_space<vmem>>, %arg15: memref<64x128xf32, #tpu.memory_space<vmem>>, %arg16: memref<64x128xf32, #tpu.memory_space<vmem>>, %arg17: memref<64x128xf32, #tpu.memory_space<vmem>>, %arg18: memref<64x128xf32, #tpu.memory_space<vmem>>, %arg19: memref<64x96xf32, #tpu.memory_space<vmem>>, %arg20: memref<!tpu.dma_semaphore, #tpu.memory_space<semaphore_mem>>) attributes {dimension_semantics = [#tpu.dimension_semantics<core_parallel>, #tpu.dimension_semantics<subcore_parallel>], iteration_bounds = array<i64: 2, 16>, scalar_prefetch = 0 : i64, scratch_operands = 16 : i64, tpu.core_type = #tpu.core_type<sc_vector_subcore>, window_params = [{transform_indices = #map}, {transform_indices = #map}, {transform_indices = #map}]} {
    %mul3A = arith.constant 2 : i32
    %mul3A_0 = arith.muli %arg1, %mul3A : i32
    %add3A = arith.addi %mul3A_0, %arg0 : i32
    %scan3A = arith.constant 0 : i32
    %scan3A_1 = arith.constant 0 : i32
    %scan3A_2 = arith.constant 8 : i32
    %scan3A_3 = arith.addi %scan3A_1, %scan3A_2 : i32
    %scan3A_4 = arith.constant 1 : i32
    scf.for %scan3A_6 = %scan3A_1 to %scan3A_3 step %scan3A_4  : i32 {
      %mul3A_7 = arith.constant 512 : i32
      %mul3A_8 = arith.muli %add3A, %mul3A_7 : i32
      %mul3A_9 = arith.constant 64 : i32
      %mul3A_10 = arith.muli %scan3A_6, %mul3A_9 : i32
      %add3A_11 = arith.addi %mul3A_8, %mul3A_10 : i32
      %jit3A = arith.constant 128 : i32
      %div3A = arith.divsi %add3A_11, %jit3A : i32
      %sign3A = arith.constant 0 : i32
      %sign3A_12 = arith.cmpi sgt, %add3A_11, %sign3A : i32
      %sign3A_13 = arith.extui %sign3A_12 : i1 to i32
      %sign3A_14 = arith.constant 0 : i32
      %sign3A_15 = arith.cmpi slt, %add3A_11, %sign3A_14 : i32
      %sign3A_16 = arith.extui %sign3A_15 : i1 to i32
      %sign3A_17 = arith.subi %sign3A_13, %sign3A_16 : i32
      %sign3A_18 = arith.constant 0 : i32
      %sign3A_19 = arith.cmpi sgt, %jit3A, %sign3A_18 : i32
      %sign3A_20 = arith.extui %sign3A_19 : i1 to i32
      %sign3A_21 = arith.constant 0 : i32
      %sign3A_22 = arith.cmpi slt, %jit3A, %sign3A_21 : i32
      %sign3A_23 = arith.extui %sign3A_22 : i1 to i32
      %sign3A_24 = arith.subi %sign3A_20, %sign3A_23 : i32
      %ne3A = arith.cmpi ne, %sign3A_17, %sign3A_24 : i32
      %rem3A = arith.remsi %add3A_11, %jit3A : i32
      %ne3A_25 = arith.constant 0 : i32
      %ne3A_26 = arith.cmpi ne, %rem3A, %ne3A_25 : i32
      %and3A = arith.andi %ne3A, %ne3A_26 : i1
      %sub3A = arith.constant 1 : i32
      %sub3A_27 = arith.subi %div3A, %sub3A : i32
      %select_n3A = arith.select %and3A, %sub3A_27, %div3A : i32
      %jit3A_28 = arith.constant 128 : i32
      %eq3A = arith.constant 0 : i32
      %eq3A_29 = arith.cmpi eq, %jit3A_28, %eq3A : i32
      %jit3A_30 = arith.constant 1 : i32
      %select_n3A_31 = arith.select %eq3A_29, %jit3A_30, %jit3A_28 : i32
      %rem3A_32 = arith.remsi %add3A_11, %select_n3A_31 : i32
      %ne3A_33 = arith.constant 0 : i32
      %ne3A_34 = arith.cmpi ne, %rem3A_32, %ne3A_33 : i32
      %lt3A = arith.constant 0 : i32
      %lt3A_35 = arith.cmpi slt, %rem3A_32, %lt3A : i32
      %lt3A_36 = arith.constant 0 : i32
      %lt3A_37 = arith.cmpi slt, %select_n3A_31, %lt3A_36 : i32
      %ne3A_38 = arith.xori %lt3A_35, %lt3A_37 : i1
      %and3A_39 = arith.andi %ne3A_38, %ne3A_34 : i1
      %add3A_40 = arith.addi %rem3A_32, %select_n3A_31 : i32
      %select_n3A_41 = arith.select %and3A_39, %add3A_40, %rem3A_32 : i32
      %add3A_42 = arith.constant 0 : i32
      %add3A_43 = arith.addi %add3A_42, %select_n3A : i32
      "tpu.region"() ({
        %run_scoped3A = tpu.sem_alloc : memref<!tpu.dma_semaphore, #tpu.memory_space<semaphore_mem>>
        %dma_start3A_102 = tpu.memref_slice %arg3[%add3A_43, %select_n3A_41] : memref<1024x128xi32, #tpu.memory_space<hbm>> -> memref<1x64xi32, #tpu.memory_space<hbm>>
        %dma_start3A_103 = tpu.memref_squeeze %dma_start3A_102 : memref<1x64xi32, #tpu.memory_space<hbm>> -> memref<64xi32, #tpu.memory_space<hbm>>
        %dma_start3A_104 = tpu.memref_slice %arg3[%add3A_43, %select_n3A_41] : memref<1024x128xi32, #tpu.memory_space<hbm>> -> memref<1x64xi32, #tpu.memory_space<hbm>>
        %dma_start3A_105 = tpu.memref_squeeze %dma_start3A_104 : memref<1x64xi32, #tpu.memory_space<hbm>> -> memref<64xi32, #tpu.memory_space<hbm>>
        tpu.enqueue_dma source(%dma_start3A_105 : memref<64xi32, #tpu.memory_space<hbm>>) target(%arg5 : memref<64xi32, #tpu.memory_space<vmem>>) target_semaphore(%run_scoped3A : memref<!tpu.dma_semaphore, #tpu.memory_space<semaphore_mem>>)
        %dma_wait3A_106 = tpu.memref_slice %arg3[%add3A_43, %select_n3A_41] : memref<1024x128xi32, #tpu.memory_space<hbm>> -> memref<1x64xi32, #tpu.memory_space<hbm>>
        %dma_wait3A_107 = tpu.memref_squeeze %dma_wait3A_106 : memref<1x64xi32, #tpu.memory_space<hbm>> -> memref<64xi32, #tpu.memory_space<hbm>>
        %dma_wait3A_108 = tpu.memref_slice %arg3[%add3A_43, %select_n3A_41] : memref<1024x128xi32, #tpu.memory_space<hbm>> -> memref<1x64xi32, #tpu.memory_space<hbm>>
        %dma_wait3A_109 = tpu.memref_squeeze %dma_wait3A_108 : memref<1x64xi32, #tpu.memory_space<hbm>> -> memref<64xi32, #tpu.memory_space<hbm>>
        tpu.wait_dma2 semaphore(%run_scoped3A : memref<!tpu.dma_semaphore, #tpu.memory_space<semaphore_mem>>) src(%dma_wait3A_109 : memref<64xi32, #tpu.memory_space<hbm>>) dst(%arg5 : memref<64xi32, #tpu.memory_space<vmem>>)
        tpu.yield
      }) : () -> ()
      %add3A_44 = arith.constant 128 : i32
      %add3A_45 = arith.addi %add3A_44, %select_n3A : i32
      "tpu.region"() ({
        %run_scoped3A = tpu.sem_alloc : memref<!tpu.dma_semaphore, #tpu.memory_space<semaphore_mem>>
        %dma_start3A_102 = tpu.memref_slice %arg3[%add3A_45, %select_n3A_41] : memref<1024x128xi32, #tpu.memory_space<hbm>> -> memref<1x64xi32, #tpu.memory_space<hbm>>
        %dma_start3A_103 = tpu.memref_squeeze %dma_start3A_102 : memref<1x64xi32, #tpu.memory_space<hbm>> -> memref<64xi32, #tpu.memory_space<hbm>>
        %dma_start3A_104 = tpu.memref_slice %arg3[%add3A_45, %select_n3A_41] : memref<1024x128xi32, #tpu.memory_space<hbm>> -> memref<1x64xi32, #tpu.memory_space<hbm>>
        %dma_start3A_105 = tpu.memref_squeeze %dma_start3A_104 : memref<1x64xi32, #tpu.memory_space<hbm>> -> memref<64xi32, #tpu.memory_space<hbm>>
        tpu.enqueue_dma source(%dma_start3A_105 : memref<64xi32, #tpu.memory_space<hbm>>) target(%arg6 : memref<64xi32, #tpu.memory_space<vmem>>) target_semaphore(%run_scoped3A : memref<!tpu.dma_semaphore, #tpu.memory_space<semaphore_mem>>)
        %dma_wait3A_106 = tpu.memref_slice %arg3[%add3A_45, %select_n3A_41] : memref<1024x128xi32, #tpu.memory_space<hbm>> -> memref<1x64xi32, #tpu.memory_space<hbm>>
        %dma_wait3A_107 = tpu.memref_squeeze %dma_wait3A_106 : memref<1x64xi32, #tpu.memory_space<hbm>> -> memref<64xi32, #tpu.memory_space<hbm>>
        %dma_wait3A_108 = tpu.memref_slice %arg3[%add3A_45, %select_n3A_41] : memref<1024x128xi32, #tpu.memory_space<hbm>> -> memref<1x64xi32, #tpu.memory_space<hbm>>
        %dma_wait3A_109 = tpu.memref_squeeze %dma_wait3A_108 : memref<1x64xi32, #tpu.memory_space<hbm>> -> memref<64xi32, #tpu.memory_space<hbm>>
        tpu.wait_dma2 semaphore(%run_scoped3A : memref<!tpu.dma_semaphore, #tpu.memory_space<semaphore_mem>>) src(%dma_wait3A_109 : memref<64xi32, #tpu.memory_space<hbm>>) dst(%arg6 : memref<64xi32, #tpu.memory_space<vmem>>)
        tpu.yield
      }) : () -> ()
      %add3A_46 = arith.constant 256 : i32
      %add3A_47 = arith.addi %add3A_46, %select_n3A : i32
      "tpu.region"() ({
        %run_scoped3A = tpu.sem_alloc : memref<!tpu.dma_semaphore, #tpu.memory_space<semaphore_mem>>
        %dma_start3A_102 = tpu.memref_slice %arg3[%add3A_47, %select_n3A_41] : memref<1024x128xi32, #tpu.memory_space<hbm>> -> memref<1x64xi32, #tpu.memory_space<hbm>>
        %dma_start3A_103 = tpu.memref_squeeze %dma_start3A_102 : memref<1x64xi32, #tpu.memory_space<hbm>> -> memref<64xi32, #tpu.memory_space<hbm>>
        %dma_start3A_104 = tpu.memref_slice %arg3[%add3A_47, %select_n3A_41] : memref<1024x128xi32, #tpu.memory_space<hbm>> -> memref<1x64xi32, #tpu.memory_space<hbm>>
        %dma_start3A_105 = tpu.memref_squeeze %dma_start3A_104 : memref<1x64xi32, #tpu.memory_space<hbm>> -> memref<64xi32, #tpu.memory_space<hbm>>
        tpu.enqueue_dma source(%dma_start3A_105 : memref<64xi32, #tpu.memory_space<hbm>>) target(%arg7 : memref<64xi32, #tpu.memory_space<vmem>>) target_semaphore(%run_scoped3A : memref<!tpu.dma_semaphore, #tpu.memory_space<semaphore_mem>>)
        %dma_wait3A_106 = tpu.memref_slice %arg3[%add3A_47, %select_n3A_41] : memref<1024x128xi32, #tpu.memory_space<hbm>> -> memref<1x64xi32, #tpu.memory_space<hbm>>
        %dma_wait3A_107 = tpu.memref_squeeze %dma_wait3A_106 : memref<1x64xi32, #tpu.memory_space<hbm>> -> memref<64xi32, #tpu.memory_space<hbm>>
        %dma_wait3A_108 = tpu.memref_slice %arg3[%add3A_47, %select_n3A_41] : memref<1024x128xi32, #tpu.memory_space<hbm>> -> memref<1x64xi32, #tpu.memory_space<hbm>>
        %dma_wait3A_109 = tpu.memref_squeeze %dma_wait3A_108 : memref<1x64xi32, #tpu.memory_space<hbm>> -> memref<64xi32, #tpu.memory_space<hbm>>
        tpu.wait_dma2 semaphore(%run_scoped3A : memref<!tpu.dma_semaphore, #tpu.memory_space<semaphore_mem>>) src(%dma_wait3A_109 : memref<64xi32, #tpu.memory_space<hbm>>) dst(%arg7 : memref<64xi32, #tpu.memory_space<vmem>>)
        tpu.yield
      }) : () -> ()
      %add3A_48 = arith.constant 384 : i32
      %add3A_49 = arith.addi %add3A_48, %select_n3A : i32
      "tpu.region"() ({
        %run_scoped3A = tpu.sem_alloc : memref<!tpu.dma_semaphore, #tpu.memory_space<semaphore_mem>>
        %dma_start3A_102 = tpu.memref_slice %arg3[%add3A_49, %select_n3A_41] : memref<1024x128xi32, #tpu.memory_space<hbm>> -> memref<1x64xi32, #tpu.memory_space<hbm>>
        %dma_start3A_103 = tpu.memref_squeeze %dma_start3A_102 : memref<1x64xi32, #tpu.memory_space<hbm>> -> memref<64xi32, #tpu.memory_space<hbm>>
        %dma_start3A_104 = tpu.memref_slice %arg3[%add3A_49, %select_n3A_41] : memref<1024x128xi32, #tpu.memory_space<hbm>> -> memref<1x64xi32, #tpu.memory_space<hbm>>
        %dma_start3A_105 = tpu.memref_squeeze %dma_start3A_104 : memref<1x64xi32, #tpu.memory_space<hbm>> -> memref<64xi32, #tpu.memory_space<hbm>>
        tpu.enqueue_dma source(%dma_start3A_105 : memref<64xi32, #tpu.memory_space<hbm>>) target(%arg8 : memref<64xi32, #tpu.memory_space<vmem>>) target_semaphore(%run_scoped3A : memref<!tpu.dma_semaphore, #tpu.memory_space<semaphore_mem>>)
        %dma_wait3A_106 = tpu.memref_slice %arg3[%add3A_49, %select_n3A_41] : memref<1024x128xi32, #tpu.memory_space<hbm>> -> memref<1x64xi32, #tpu.memory_space<hbm>>
        %dma_wait3A_107 = tpu.memref_squeeze %dma_wait3A_106 : memref<1x64xi32, #tpu.memory_space<hbm>> -> memref<64xi32, #tpu.memory_space<hbm>>
        %dma_wait3A_108 = tpu.memref_slice %arg3[%add3A_49, %select_n3A_41] : memref<1024x128xi32, #tpu.memory_space<hbm>> -> memref<1x64xi32, #tpu.memory_space<hbm>>
        %dma_wait3A_109 = tpu.memref_squeeze %dma_wait3A_108 : memref<1x64xi32, #tpu.memory_space<hbm>> -> memref<64xi32, #tpu.memory_space<hbm>>
        tpu.wait_dma2 semaphore(%run_scoped3A : memref<!tpu.dma_semaphore, #tpu.memory_space<semaphore_mem>>) src(%dma_wait3A_109 : memref<64xi32, #tpu.memory_space<hbm>>) dst(%arg8 : memref<64xi32, #tpu.memory_space<vmem>>)
        tpu.yield
      }) : () -> ()
      %add3A_50 = arith.constant 512 : i32
      %add3A_51 = arith.addi %add3A_50, %select_n3A : i32
      "tpu.region"() ({
        %run_scoped3A = tpu.sem_alloc : memref<!tpu.dma_semaphore, #tpu.memory_space<semaphore_mem>>
        %dma_start3A_102 = tpu.memref_slice %arg3[%add3A_51, %select_n3A_41] : memref<1024x128xi32, #tpu.memory_space<hbm>> -> memref<1x64xi32, #tpu.memory_space<hbm>>
        %dma_start3A_103 = tpu.memref_squeeze %dma_start3A_102 : memref<1x64xi32, #tpu.memory_space<hbm>> -> memref<64xi32, #tpu.memory_space<hbm>>
        %dma_start3A_104 = tpu.memref_slice %arg3[%add3A_51, %select_n3A_41] : memref<1024x128xi32, #tpu.memory_space<hbm>> -> memref<1x64xi32, #tpu.memory_space<hbm>>
        %dma_start3A_105 = tpu.memref_squeeze %dma_start3A_104 : memref<1x64xi32, #tpu.memory_space<hbm>> -> memref<64xi32, #tpu.memory_space<hbm>>
        tpu.enqueue_dma source(%dma_start3A_105 : memref<64xi32, #tpu.memory_space<hbm>>) target(%arg9 : memref<64xi32, #tpu.memory_space<vmem>>) target_semaphore(%run_scoped3A : memref<!tpu.dma_semaphore, #tpu.memory_space<semaphore_mem>>)
        %dma_wait3A_106 = tpu.memref_slice %arg3[%add3A_51, %select_n3A_41] : memref<1024x128xi32, #tpu.memory_space<hbm>> -> memref<1x64xi32, #tpu.memory_space<hbm>>
        %dma_wait3A_107 = tpu.memref_squeeze %dma_wait3A_106 : memref<1x64xi32, #tpu.memory_space<hbm>> -> memref<64xi32, #tpu.memory_space<hbm>>
        %dma_wait3A_108 = tpu.memref_slice %arg3[%add3A_51, %select_n3A_41] : memref<1024x128xi32, #tpu.memory_space<hbm>> -> memref<1x64xi32, #tpu.memory_space<hbm>>
        %dma_wait3A_109 = tpu.memref_squeeze %dma_wait3A_108 : memref<1x64xi32, #tpu.memory_space<hbm>> -> memref<64xi32, #tpu.memory_space<hbm>>
        tpu.wait_dma2 semaphore(%run_scoped3A : memref<!tpu.dma_semaphore, #tpu.memory_space<semaphore_mem>>) src(%dma_wait3A_109 : memref<64xi32, #tpu.memory_space<hbm>>) dst(%arg9 : memref<64xi32, #tpu.memory_space<vmem>>)
        tpu.yield
      }) : () -> ()
      %add3A_52 = arith.constant 640 : i32
      %add3A_53 = arith.addi %add3A_52, %select_n3A : i32
      "tpu.region"() ({
        %run_scoped3A = tpu.sem_alloc : memref<!tpu.dma_semaphore, #tpu.memory_space<semaphore_mem>>
        %dma_start3A_102 = tpu.memref_slice %arg3[%add3A_53, %select_n3A_41] : memref<1024x128xi32, #tpu.memory_space<hbm>> -> memref<1x64xi32, #tpu.memory_space<hbm>>
        %dma_start3A_103 = tpu.memref_squeeze %dma_start3A_102 : memref<1x64xi32, #tpu.memory_space<hbm>> -> memref<64xi32, #tpu.memory_space<hbm>>
        %dma_start3A_104 = tpu.memref_slice %arg3[%add3A_53, %select_n3A_41] : memref<1024x128xi32, #tpu.memory_space<hbm>> -> memref<1x64xi32, #tpu.memory_space<hbm>>
        %dma_start3A_105 = tpu.memref_squeeze %dma_start3A_104 : memref<1x64xi32, #tpu.memory_space<hbm>> -> memref<64xi32, #tpu.memory_space<hbm>>
        tpu.enqueue_dma source(%dma_start3A_105 : memref<64xi32, #tpu.memory_space<hbm>>) target(%arg10 : memref<64xi32, #tpu.memory_space<vmem>>) target_semaphore(%run_scoped3A : memref<!tpu.dma_semaphore, #tpu.memory_space<semaphore_mem>>)
        %dma_wait3A_106 = tpu.memref_slice %arg3[%add3A_53, %select_n3A_41] : memref<1024x128xi32, #tpu.memory_space<hbm>> -> memref<1x64xi32, #tpu.memory_space<hbm>>
        %dma_wait3A_107 = tpu.memref_squeeze %dma_wait3A_106 : memref<1x64xi32, #tpu.memory_space<hbm>> -> memref<64xi32, #tpu.memory_space<hbm>>
        %dma_wait3A_108 = tpu.memref_slice %arg3[%add3A_53, %select_n3A_41] : memref<1024x128xi32, #tpu.memory_space<hbm>> -> memref<1x64xi32, #tpu.memory_space<hbm>>
        %dma_wait3A_109 = tpu.memref_squeeze %dma_wait3A_108 : memref<1x64xi32, #tpu.memory_space<hbm>> -> memref<64xi32, #tpu.memory_space<hbm>>
        tpu.wait_dma2 semaphore(%run_scoped3A : memref<!tpu.dma_semaphore, #tpu.memory_space<semaphore_mem>>) src(%dma_wait3A_109 : memref<64xi32, #tpu.memory_space<hbm>>) dst(%arg10 : memref<64xi32, #tpu.memory_space<vmem>>)
        tpu.yield
      }) : () -> ()
      %add3A_54 = arith.constant 768 : i32
      %add3A_55 = arith.addi %add3A_54, %select_n3A : i32
      "tpu.region"() ({
        %run_scoped3A = tpu.sem_alloc : memref<!tpu.dma_semaphore, #tpu.memory_space<semaphore_mem>>
        %dma_start3A_102 = tpu.memref_slice %arg3[%add3A_55, %select_n3A_41] : memref<1024x128xi32, #tpu.memory_space<hbm>> -> memref<1x64xi32, #tpu.memory_space<hbm>>
        %dma_start3A_103 = tpu.memref_squeeze %dma_start3A_102 : memref<1x64xi32, #tpu.memory_space<hbm>> -> memref<64xi32, #tpu.memory_space<hbm>>
        %dma_start3A_104 = tpu.memref_slice %arg3[%add3A_55, %select_n3A_41] : memref<1024x128xi32, #tpu.memory_space<hbm>> -> memref<1x64xi32, #tpu.memory_space<hbm>>
        %dma_start3A_105 = tpu.memref_squeeze %dma_start3A_104 : memref<1x64xi32, #tpu.memory_space<hbm>> -> memref<64xi32, #tpu.memory_space<hbm>>
        tpu.enqueue_dma source(%dma_start3A_105 : memref<64xi32, #tpu.memory_space<hbm>>) target(%arg11 : memref<64xi32, #tpu.memory_space<vmem>>) target_semaphore(%run_scoped3A : memref<!tpu.dma_semaphore, #tpu.memory_space<semaphore_mem>>)
        %dma_wait3A_106 = tpu.memref_slice %arg3[%add3A_55, %select_n3A_41] : memref<1024x128xi32, #tpu.memory_space<hbm>> -> memref<1x64xi32, #tpu.memory_space<hbm>>
        %dma_wait3A_107 = tpu.memref_squeeze %dma_wait3A_106 : memref<1x64xi32, #tpu.memory_space<hbm>> -> memref<64xi32, #tpu.memory_space<hbm>>
        %dma_wait3A_108 = tpu.memref_slice %arg3[%add3A_55, %select_n3A_41] : memref<1024x128xi32, #tpu.memory_space<hbm>> -> memref<1x64xi32, #tpu.memory_space<hbm>>
        %dma_wait3A_109 = tpu.memref_squeeze %dma_wait3A_108 : memref<1x64xi32, #tpu.memory_space<hbm>> -> memref<64xi32, #tpu.memory_space<hbm>>
        tpu.wait_dma2 semaphore(%run_scoped3A : memref<!tpu.dma_semaphore, #tpu.memory_space<semaphore_mem>>) src(%dma_wait3A_109 : memref<64xi32, #tpu.memory_space<hbm>>) dst(%arg11 : memref<64xi32, #tpu.memory_space<vmem>>)
        tpu.yield
      }) : () -> ()
      %dma_start3A = arith.constant 0 : i32
      %dma_start3A_56 = arith.constant 0 : i32
      %dma_start3A_57 = tpu.memref_slice %arg2[%dma_start3A, %dma_start3A_56] : memref<16384x128xf32, #tpu.memory_space<hbm>> -> memref<16384x128xf32, #tpu.memory_space<hbm>>
      tpu.enqueue_indirect_dma source(%dma_start3A_57 : memref<16384x128xf32, #tpu.memory_space<hbm>>) target(%arg12 : memref<64x128xf32, #tpu.memory_space<vmem>>) offsets(%arg5 : memref<64xi32, #tpu.memory_space<vmem>>) semaphore(%arg20 : memref<!tpu.dma_semaphore, #tpu.memory_space<semaphore_mem>>)
      %dma_start3A_58 = arith.constant 0 : i32
      %dma_start3A_59 = arith.constant 0 : i32
      %dma_start3A_60 = tpu.memref_slice %arg2[%dma_start3A_58, %dma_start3A_59] : memref<16384x128xf32, #tpu.memory_space<hbm>> -> memref<16384x128xf32, #tpu.memory_space<hbm>>
      tpu.enqueue_indirect_dma source(%dma_start3A_60 : memref<16384x128xf32, #tpu.memory_space<hbm>>) target(%arg13 : memref<64x128xf32, #tpu.memory_space<vmem>>) offsets(%arg6 : memref<64xi32, #tpu.memory_space<vmem>>) semaphore(%arg20 : memref<!tpu.dma_semaphore, #tpu.memory_space<semaphore_mem>>)
      %dma_start3A_61 = arith.constant 0 : i32
      %dma_start3A_62 = arith.constant 0 : i32
      %dma_start3A_63 = tpu.memref_slice %arg2[%dma_start3A_61, %dma_start3A_62] : memref<16384x128xf32, #tpu.memory_space<hbm>> -> memref<16384x128xf32, #tpu.memory_space<hbm>>
      tpu.enqueue_indirect_dma source(%dma_start3A_63 : memref<16384x128xf32, #tpu.memory_space<hbm>>) target(%arg14 : memref<64x128xf32, #tpu.memory_space<vmem>>) offsets(%arg7 : memref<64xi32, #tpu.memory_space<vmem>>) semaphore(%arg20 : memref<!tpu.dma_semaphore, #tpu.memory_space<semaphore_mem>>)
      %dma_start3A_64 = arith.constant 0 : i32
      %dma_start3A_65 = arith.constant 0 : i32
      %dma_start3A_66 = tpu.memref_slice %arg2[%dma_start3A_64, %dma_start3A_65] : memref<16384x128xf32, #tpu.memory_space<hbm>> -> memref<16384x128xf32, #tpu.memory_space<hbm>>
      tpu.enqueue_indirect_dma source(%dma_start3A_66 : memref<16384x128xf32, #tpu.memory_space<hbm>>) target(%arg15 : memref<64x128xf32, #tpu.memory_space<vmem>>) offsets(%arg8 : memref<64xi32, #tpu.memory_space<vmem>>) semaphore(%arg20 : memref<!tpu.dma_semaphore, #tpu.memory_space<semaphore_mem>>)
      %dma_start3A_67 = arith.constant 0 : i32
      %dma_start3A_68 = arith.constant 0 : i32
      %dma_start3A_69 = tpu.memref_slice %arg2[%dma_start3A_67, %dma_start3A_68] : memref<16384x128xf32, #tpu.memory_space<hbm>> -> memref<16384x128xf32, #tpu.memory_space<hbm>>
      tpu.enqueue_indirect_dma source(%dma_start3A_69 : memref<16384x128xf32, #tpu.memory_space<hbm>>) target(%arg16 : memref<64x128xf32, #tpu.memory_space<vmem>>) offsets(%arg9 : memref<64xi32, #tpu.memory_space<vmem>>) semaphore(%arg20 : memref<!tpu.dma_semaphore, #tpu.memory_space<semaphore_mem>>)
      %dma_start3A_70 = arith.constant 0 : i32
      %dma_start3A_71 = arith.constant 0 : i32
      %dma_start3A_72 = tpu.memref_slice %arg2[%dma_start3A_70, %dma_start3A_71] : memref<16384x128xf32, #tpu.memory_space<hbm>> -> memref<16384x128xf32, #tpu.memory_space<hbm>>
      tpu.enqueue_indirect_dma source(%dma_start3A_72 : memref<16384x128xf32, #tpu.memory_space<hbm>>) target(%arg17 : memref<64x128xf32, #tpu.memory_space<vmem>>) offsets(%arg10 : memref<64xi32, #tpu.memory_space<vmem>>) semaphore(%arg20 : memref<!tpu.dma_semaphore, #tpu.memory_space<semaphore_mem>>)
      %dma_start3A_73 = arith.constant 0 : i32
      %dma_start3A_74 = arith.constant 0 : i32
      %dma_start3A_75 = tpu.memref_slice %arg2[%dma_start3A_73, %dma_start3A_74] : memref<16384x128xf32, #tpu.memory_space<hbm>> -> memref<16384x128xf32, #tpu.memory_space<hbm>>
      tpu.enqueue_indirect_dma source(%dma_start3A_75 : memref<16384x128xf32, #tpu.memory_space<hbm>>) target(%arg18 : memref<64x128xf32, #tpu.memory_space<vmem>>) offsets(%arg11 : memref<64xi32, #tpu.memory_space<vmem>>) semaphore(%arg20 : memref<!tpu.dma_semaphore, #tpu.memory_space<semaphore_mem>>)
      %dma_wait3A = arith.constant 0 : i32
      %dma_wait3A_76 = arith.constant 0 : i32
      %dma_wait3A_77 = tpu.memref_slice %arg2[%dma_wait3A, %dma_wait3A_76] : memref<16384x128xf32, #tpu.memory_space<hbm>> -> memref<16384x128xf32, #tpu.memory_space<hbm>>
      tpu.wait_indirect_dma semaphore(%arg20 : memref<!tpu.dma_semaphore, #tpu.memory_space<semaphore_mem>>) src(%dma_wait3A_77 : memref<16384x128xf32, #tpu.memory_space<hbm>>) dst(%arg12 : memref<64x128xf32, #tpu.memory_space<vmem>>)
      %dma_wait3A_78 = arith.constant 0 : i32
      %dma_wait3A_79 = arith.constant 0 : i32
      %dma_wait3A_80 = tpu.memref_slice %arg2[%dma_wait3A_78, %dma_wait3A_79] : memref<16384x128xf32, #tpu.memory_space<hbm>> -> memref<16384x128xf32, #tpu.memory_space<hbm>>
      tpu.wait_indirect_dma semaphore(%arg20 : memref<!tpu.dma_semaphore, #tpu.memory_space<semaphore_mem>>) src(%dma_wait3A_80 : memref<16384x128xf32, #tpu.memory_space<hbm>>) dst(%arg13 : memref<64x128xf32, #tpu.memory_space<vmem>>)
      %dma_wait3A_81 = arith.constant 0 : i32
      %dma_wait3A_82 = arith.constant 0 : i32
      %dma_wait3A_83 = tpu.memref_slice %arg2[%dma_wait3A_81, %dma_wait3A_82] : memref<16384x128xf32, #tpu.memory_space<hbm>> -> memref<16384x128xf32, #tpu.memory_space<hbm>>
      tpu.wait_indirect_dma semaphore(%arg20 : memref<!tpu.dma_semaphore, #tpu.memory_space<semaphore_mem>>) src(%dma_wait3A_83 : memref<16384x128xf32, #tpu.memory_space<hbm>>) dst(%arg14 : memref<64x128xf32, #tpu.memory_space<vmem>>)
      %dma_wait3A_84 = arith.constant 0 : i32
      %dma_wait3A_85 = arith.constant 0 : i32
      %dma_wait3A_86 = tpu.memref_slice %arg2[%dma_wait3A_84, %dma_wait3A_85] : memref<16384x128xf32, #tpu.memory_space<hbm>> -> memref<16384x128xf32, #tpu.memory_space<hbm>>
      tpu.wait_indirect_dma semaphore(%arg20 : memref<!tpu.dma_semaphore, #tpu.memory_space<semaphore_mem>>) src(%dma_wait3A_86 : memref<16384x128xf32, #tpu.memory_space<hbm>>) dst(%arg15 : memref<64x128xf32, #tpu.memory_space<vmem>>)
      %dma_wait3A_87 = arith.constant 0 : i32
      %dma_wait3A_88 = arith.constant 0 : i32
      %dma_wait3A_89 = tpu.memref_slice %arg2[%dma_wait3A_87, %dma_wait3A_88] : memref<16384x128xf32, #tpu.memory_space<hbm>> -> memref<16384x128xf32, #tpu.memory_space<hbm>>
      tpu.wait_indirect_dma semaphore(%arg20 : memref<!tpu.dma_semaphore, #tpu.memory_space<semaphore_mem>>) src(%dma_wait3A_89 : memref<16384x128xf32, #tpu.memory_space<hbm>>) dst(%arg16 : memref<64x128xf32, #tpu.memory_space<vmem>>)
      %dma_wait3A_90 = arith.constant 0 : i32
      %dma_wait3A_91 = arith.constant 0 : i32
      %dma_wait3A_92 = tpu.memref_slice %arg2[%dma_wait3A_90, %dma_wait3A_91] : memref<16384x128xf32, #tpu.memory_space<hbm>> -> memref<16384x128xf32, #tpu.memory_space<hbm>>
      tpu.wait_indirect_dma semaphore(%arg20 : memref<!tpu.dma_semaphore, #tpu.memory_space<semaphore_mem>>) src(%dma_wait3A_92 : memref<16384x128xf32, #tpu.memory_space<hbm>>) dst(%arg17 : memref<64x128xf32, #tpu.memory_space<vmem>>)
      %dma_wait3A_93 = arith.constant 0 : i32
      %dma_wait3A_94 = arith.constant 0 : i32
      %dma_wait3A_95 = tpu.memref_slice %arg2[%dma_wait3A_93, %dma_wait3A_94] : memref<16384x128xf32, #tpu.memory_space<hbm>> -> memref<16384x128xf32, #tpu.memory_space<hbm>>
      tpu.wait_indirect_dma semaphore(%arg20 : memref<!tpu.dma_semaphore, #tpu.memory_space<semaphore_mem>>) src(%dma_wait3A_95 : memref<16384x128xf32, #tpu.memory_space<hbm>>) dst(%arg18 : memref<64x128xf32, #tpu.memory_space<vmem>>)
      %scan3A_96 = arith.constant 0 : i32
      %scan3A_97 = arith.constant 0 : i32
      %scan3A_98 = arith.constant 64 : i32
      %scan3A_99 = arith.addi %scan3A_97, %scan3A_98 : i32
      %scan3A_100 = arith.constant 1 : i32
      scf.for %scan3A_102 = %scan3A_97 to %scan3A_99 step %scan3A_100  : i32 {
        %get3A = arith.index_cast %scan3A_102 : i32 to index
        %get3A_103 = arith.constant 0 : index
        %get3A_104 = tpu.vector_load %arg12[%get3A, %get3A_103] {strides = array<i32>} : memref<64x128xf32, #tpu.memory_space<vmem>>, vector<1x16xf32>,
        %get3A_105 = vector.shape_cast %get3A_104 : vector<1x16xf32> to vector<16xf32>
        %get3A_106 = arith.index_cast %scan3A_102 : i32 to index
        %get3A_107 = arith.constant 0 : index
        %get3A_108 = tpu.vector_load %arg13[%get3A_106, %get3A_107] {strides = array<i32>} : memref<64x128xf32, #tpu.memory_space<vmem>>, vector<1x16xf32>,
        %get3A_109 = vector.shape_cast %get3A_108 : vector<1x16xf32> to vector<16xf32>
        %max3A = arith.maximumf %get3A_105, %get3A_109 : vector<16xf32>
        %get3A_110 = arith.index_cast %scan3A_102 : i32 to index
        %get3A_111 = arith.constant 0 : index
        %get3A_112 = tpu.vector_load %arg14[%get3A_110, %get3A_111] {strides = array<i32>} : memref<64x128xf32, #tpu.memory_space<vmem>>, vector<1x16xf32>,
        %get3A_113 = vector.shape_cast %get3A_112 : vector<1x16xf32> to vector<16xf32>
        %max3A_114 = arith.maximumf %max3A, %get3A_113 : vector<16xf32>
        %get3A_115 = arith.index_cast %scan3A_102 : i32 to index
        %get3A_116 = arith.constant 0 : index
        %get3A_117 = tpu.vector_load %arg15[%get3A_115, %get3A_116] {strides = array<i32>} : memref<64x128xf32, #tpu.memory_space<vmem>>, vector<1x16xf32>,
        %get3A_118 = vector.shape_cast %get3A_117 : vector<1x16xf32> to vector<16xf32>
        %max3A_119 = arith.maximumf %max3A_114, %get3A_118 : vector<16xf32>
        %get3A_120 = arith.index_cast %scan3A_102 : i32 to index
        %get3A_121 = arith.constant 0 : index
        %get3A_122 = tpu.vector_load %arg16[%get3A_120, %get3A_121] {strides = array<i32>} : memref<64x128xf32, #tpu.memory_space<vmem>>, vector<1x16xf32>,
        %get3A_123 = vector.shape_cast %get3A_122 : vector<1x16xf32> to vector<16xf32>
        %max3A_124 = arith.maximumf %max3A_119, %get3A_123 : vector<16xf32>
        %get3A_125 = arith.index_cast %scan3A_102 : i32 to index
        %get3A_126 = arith.constant 0 : index
        %get3A_127 = tpu.vector_load %arg17[%get3A_125, %get3A_126] {strides = array<i32>} : memref<64x128xf32, #tpu.memory_space<vmem>>, vector<1x16xf32>,
        %get3A_128 = vector.shape_cast %get3A_127 : vector<1x16xf32> to vector<16xf32>
        %max3A_129 = arith.maximumf %max3A_124, %get3A_128 : vector<16xf32>
        %get3A_130 = arith.index_cast %scan3A_102 : i32 to index
        %get3A_131 = arith.constant 0 : index
        %get3A_132 = tpu.vector_load %arg18[%get3A_130, %get3A_131] {strides = array<i32>} : memref<64x128xf32, #tpu.memory_space<vmem>>, vector<1x16xf32>,
        %get3A_133 = vector.shape_cast %get3A_132 : vector<1x16xf32> to vector<16xf32>
        %max3A_134 = arith.maximumf %max3A_129, %get3A_133 : vector<16xf32>
        %swap3A = arith.index_cast %scan3A_102 : i32 to index
        %swap3A_135 = arith.constant 0 : index
        %swap3A_136 = tpu.vector_load %arg19[%swap3A, %swap3A_135] {strides = array<i32>} : memref<64x96xf32, #tpu.memory_space<vmem>>, vector<1x16xf32>,
        %swap3A_137 = vector.shape_cast %swap3A_136 : vector<1x16xf32> to vector<16xf32>
        %swap3A_138 = vector.shape_cast %max3A_134 : vector<16xf32> to vector<1x16xf32>
        tpu.vector_store %arg19[%swap3A, %swap3A_135], %swap3A_138 {strides = array<i32>} : memref<64x96xf32, #tpu.memory_space<vmem>>, vector<1x16xf32>,
        %get3A_139 = arith.index_cast %scan3A_102 : i32 to index
        %get3A_140 = arith.constant 16 : index
        %get3A_141 = tpu.vector_load %arg12[%get3A_139, %get3A_140] {strides = array<i32>} : memref<64x128xf32, #tpu.memory_space<vmem>>, vector<1x16xf32>,
        %get3A_142 = vector.shape_cast %get3A_141 : vector<1x16xf32> to vector<16xf32>
        %get3A_143 = arith.index_cast %scan3A_102 : i32 to index
        %get3A_144 = arith.constant 16 : index
        %get3A_145 = tpu.vector_load %arg13[%get3A_143, %get3A_144] {strides = array<i32>} : memref<64x128xf32, #tpu.memory_space<vmem>>, vector<1x16xf32>,
        %get3A_146 = vector.shape_cast %get3A_145 : vector<1x16xf32> to vector<16xf32>
        %max3A_147 = arith.maximumf %get3A_142, %get3A_146 : vector<16xf32>
        %get3A_148 = arith.index_cast %scan3A_102 : i32 to index
        %get3A_149 = arith.constant 16 : index
        %get3A_150 = tpu.vector_load %arg14[%get3A_148, %get3A_149] {strides = array<i32>} : memref<64x128xf32, #tpu.memory_space<vmem>>, vector<1x16xf32>,
        %get3A_151 = vector.shape_cast %get3A_150 : vector<1x16xf32> to vector<16xf32>
        %max3A_152 = arith.maximumf %max3A_147, %get3A_151 : vector<16xf32>
        %get3A_153 = arith.index_cast %scan3A_102 : i32 to index
        %get3A_154 = arith.constant 16 : index
        %get3A_155 = tpu.vector_load %arg15[%get3A_153, %get3A_154] {strides = array<i32>} : memref<64x128xf32, #tpu.memory_space<vmem>>, vector<1x16xf32>,
        %get3A_156 = vector.shape_cast %get3A_155 : vector<1x16xf32> to vector<16xf32>
        %max3A_157 = arith.maximumf %max3A_152, %get3A_156 : vector<16xf32>
        %get3A_158 = arith.index_cast %scan3A_102 : i32 to index
        %get3A_159 = arith.constant 16 : index
        %get3A_160 = tpu.vector_load %arg16[%get3A_158, %get3A_159] {strides = array<i32>} : memref<64x128xf32, #tpu.memory_space<vmem>>, vector<1x16xf32>,
        %get3A_161 = vector.shape_cast %get3A_160 : vector<1x16xf32> to vector<16xf32>
        %max3A_162 = arith.maximumf %max3A_157, %get3A_161 : vector<16xf32>
        %get3A_163 = arith.index_cast %scan3A_102 : i32 to index
        %get3A_164 = arith.constant 16 : index
        %get3A_165 = tpu.vector_load %arg17[%get3A_163, %get3A_164] {strides = array<i32>} : memref<64x128xf32, #tpu.memory_space<vmem>>, vector<1x16xf32>,
        %get3A_166 = vector.shape_cast %get3A_165 : vector<1x16xf32> to vector<16xf32>
        %max3A_167 = arith.maximumf %max3A_162, %get3A_166 : vector<16xf32>
        %get3A_168 = arith.index_cast %scan3A_102 : i32 to index
        %get3A_169 = arith.constant 16 : index
        %get3A_170 = tpu.vector_load %arg18[%get3A_168, %get3A_169] {strides = array<i32>} : memref<64x128xf32, #tpu.memory_space<vmem>>, vector<1x16xf32>,
        %get3A_171 = vector.shape_cast %get3A_170 : vector<1x16xf32> to vector<16xf32>
        %max3A_172 = arith.maximumf %max3A_167, %get3A_171 : vector<16xf32>
        %swap3A_173 = arith.index_cast %scan3A_102 : i32 to index
        %swap3A_174 = arith.constant 16 : index
        %swap3A_175 = tpu.vector_load %arg19[%swap3A_173, %swap3A_174] {strides = array<i32>} : memref<64x96xf32, #tpu.memory_space<vmem>>, vector<1x16xf32>,
        %swap3A_176 = vector.shape_cast %swap3A_175 : vector<1x16xf32> to vector<16xf32>
        %swap3A_177 = vector.shape_cast %max3A_172 : vector<16xf32> to vector<1x16xf32>
        tpu.vector_store %arg19[%swap3A_173, %swap3A_174], %swap3A_177 {strides = array<i32>} : memref<64x96xf32, #tpu.memory_space<vmem>>, vector<1x16xf32>,
        %get3A_178 = arith.index_cast %scan3A_102 : i32 to index
        %get3A_179 = arith.constant 32 : index
        %get3A_180 = tpu.vector_load %arg12[%get3A_178, %get3A_179] {strides = array<i32>} : memref<64x128xf32, #tpu.memory_space<vmem>>, vector<1x16xf32>,
        %get3A_181 = vector.shape_cast %get3A_180 : vector<1x16xf32> to vector<16xf32>
        %get3A_182 = arith.index_cast %scan3A_102 : i32 to index
        %get3A_183 = arith.constant 32 : index
        %get3A_184 = tpu.vector_load %arg13[%get3A_182, %get3A_183] {strides = array<i32>} : memref<64x128xf32, #tpu.memory_space<vmem>>, vector<1x16xf32>,
        %get3A_185 = vector.shape_cast %get3A_184 : vector<1x16xf32> to vector<16xf32>
        %max3A_186 = arith.maximumf %get3A_181, %get3A_185 : vector<16xf32>
        %get3A_187 = arith.index_cast %scan3A_102 : i32 to index
        %get3A_188 = arith.constant 32 : index
        %get3A_189 = tpu.vector_load %arg14[%get3A_187, %get3A_188] {strides = array<i32>} : memref<64x128xf32, #tpu.memory_space<vmem>>, vector<1x16xf32>,
        %get3A_190 = vector.shape_cast %get3A_189 : vector<1x16xf32> to vector<16xf32>
        %max3A_191 = arith.maximumf %max3A_186, %get3A_190 : vector<16xf32>
        %get3A_192 = arith.index_cast %scan3A_102 : i32 to index
        %get3A_193 = arith.constant 32 : index
        %get3A_194 = tpu.vector_load %arg15[%get3A_192, %get3A_193] {strides = array<i32>} : memref<64x128xf32, #tpu.memory_space<vmem>>, vector<1x16xf32>,
        %get3A_195 = vector.shape_cast %get3A_194 : vector<1x16xf32> to vector<16xf32>
        %max3A_196 = arith.maximumf %max3A_191, %get3A_195 : vector<16xf32>
        %get3A_197 = arith.index_cast %scan3A_102 : i32 to index
        %get3A_198 = arith.constant 32 : index
        %get3A_199 = tpu.vector_load %arg16[%get3A_197, %get3A_198] {strides = array<i32>} : memref<64x128xf32, #tpu.memory_space<vmem>>, vector<1x16xf32>,
        %get3A_200 = vector.shape_cast %get3A_199 : vector<1x16xf32> to vector<16xf32>
        %max3A_201 = arith.maximumf %max3A_196, %get3A_200 : vector<16xf32>
        %get3A_202 = arith.index_cast %scan3A_102 : i32 to index
        %get3A_203 = arith.constant 32 : index
        %get3A_204 = tpu.vector_load %arg17[%get3A_202, %get3A_203] {strides = array<i32>} : memref<64x128xf32, #tpu.memory_space<vmem>>, vector<1x16xf32>,
        %get3A_205 = vector.shape_cast %get3A_204 : vector<1x16xf32> to vector<16xf32>
        %max3A_206 = arith.maximumf %max3A_201, %get3A_205 : vector<16xf32>
        %get3A_207 = arith.index_cast %scan3A_102 : i32 to index
        %get3A_208 = arith.constant 32 : index
        %get3A_209 = tpu.vector_load %arg18[%get3A_207, %get3A_208] {strides = array<i32>} : memref<64x128xf32, #tpu.memory_space<vmem>>, vector<1x16xf32>,
        %get3A_210 = vector.shape_cast %get3A_209 : vector<1x16xf32> to vector<16xf32>
        %max3A_211 = arith.maximumf %max3A_206, %get3A_210 : vector<16xf32>
        %swap3A_212 = arith.index_cast %scan3A_102 : i32 to index
        %swap3A_213 = arith.constant 32 : index
        %swap3A_214 = tpu.vector_load %arg19[%swap3A_212, %swap3A_213] {strides = array<i32>} : memref<64x96xf32, #tpu.memory_space<vmem>>, vector<1x16xf32>,
        %swap3A_215 = vector.shape_cast %swap3A_214 : vector<1x16xf32> to vector<16xf32>
        %swap3A_216 = vector.shape_cast %max3A_211 : vector<16xf32> to vector<1x16xf32>
        tpu.vector_store %arg19[%swap3A_212, %swap3A_213], %swap3A_216 {strides = array<i32>} : memref<64x96xf32, #tpu.memory_space<vmem>>, vector<1x16xf32>,
        %get3A_217 = arith.index_cast %scan3A_102 : i32 to index
        %get3A_218 = arith.constant 48 : index
        %get3A_219 = tpu.vector_load %arg12[%get3A_217, %get3A_218] {strides = array<i32>} : memref<64x128xf32, #tpu.memory_space<vmem>>, vector<1x16xf32>,
        %get3A_220 = vector.shape_cast %get3A_219 : vector<1x16xf32> to vector<16xf32>
        %get3A_221 = arith.index_cast %scan3A_102 : i32 to index
        %get3A_222 = arith.constant 48 : index
        %get3A_223 = tpu.vector_load %arg13[%get3A_221, %get3A_222] {strides = array<i32>} : memref<64x128xf32, #tpu.memory_space<vmem>>, vector<1x16xf32>,
        %get3A_224 = vector.shape_cast %get3A_223 : vector<1x16xf32> to vector<16xf32>
        %max3A_225 = arith.maximumf %get3A_220, %get3A_224 : vector<16xf32>
        %get3A_226 = arith.index_cast %scan3A_102 : i32 to index
        %get3A_227 = arith.constant 48 : index
        %get3A_228 = tpu.vector_load %arg14[%get3A_226, %get3A_227] {strides = array<i32>} : memref<64x128xf32, #tpu.memory_space<vmem>>, vector<1x16xf32>,
        %get3A_229 = vector.shape_cast %get3A_228 : vector<1x16xf32> to vector<16xf32>
        %max3A_230 = arith.maximumf %max3A_225, %get3A_229 : vector<16xf32>
        %get3A_231 = arith.index_cast %scan3A_102 : i32 to index
        %get3A_232 = arith.constant 48 : index
        %get3A_233 = tpu.vector_load %arg15[%get3A_231, %get3A_232] {strides = array<i32>} : memref<64x128xf32, #tpu.memory_space<vmem>>, vector<1x16xf32>,
        %get3A_234 = vector.shape_cast %get3A_233 : vector<1x16xf32> to vector<16xf32>
        %max3A_235 = arith.maximumf %max3A_230, %get3A_234 : vector<16xf32>
        %get3A_236 = arith.index_cast %scan3A_102 : i32 to index
        %get3A_237 = arith.constant 48 : index
        %get3A_238 = tpu.vector_load %arg16[%get3A_236, %get3A_237] {strides = array<i32>} : memref<64x128xf32, #tpu.memory_space<vmem>>, vector<1x16xf32>,
        %get3A_239 = vector.shape_cast %get3A_238 : vector<1x16xf32> to vector<16xf32>
        %max3A_240 = arith.maximumf %max3A_235, %get3A_239 : vector<16xf32>
        %get3A_241 = arith.index_cast %scan3A_102 : i32 to index
        %get3A_242 = arith.constant 48 : index
        %get3A_243 = tpu.vector_load %arg17[%get3A_241, %get3A_242] {strides = array<i32>} : memref<64x128xf32, #tpu.memory_space<vmem>>, vector<1x16xf32>,
        %get3A_244 = vector.shape_cast %get3A_243 : vector<1x16xf32> to vector<16xf32>
        %max3A_245 = arith.maximumf %max3A_240, %get3A_244 : vector<16xf32>
        %get3A_246 = arith.index_cast %scan3A_102 : i32 to index
        %get3A_247 = arith.constant 48 : index
        %get3A_248 = tpu.vector_load %arg18[%get3A_246, %get3A_247] {strides = array<i32>} : memref<64x128xf32, #tpu.memory_space<vmem>>, vector<1x16xf32>,
        %get3A_249 = vector.shape_cast %get3A_248 : vector<1x16xf32> to vector<16xf32>
        %max3A_250 = arith.maximumf %max3A_245, %get3A_249 : vector<16xf32>
        %swap3A_251 = arith.index_cast %scan3A_102 : i32 to index
        %swap3A_252 = arith.constant 48 : index
        %swap3A_253 = tpu.vector_load %arg19[%swap3A_251, %swap3A_252] {strides = array<i32>} : memref<64x96xf32, #tpu.memory_space<vmem>>, vector<1x16xf32>,
        %swap3A_254 = vector.shape_cast %swap3A_253 : vector<1x16xf32> to vector<16xf32>
        %swap3A_255 = vector.shape_cast %max3A_250 : vector<16xf32> to vector<1x16xf32>
        tpu.vector_store %arg19[%swap3A_251, %swap3A_252], %swap3A_255 {strides = array<i32>} : memref<64x96xf32, #tpu.memory_space<vmem>>, vector<1x16xf32>,
        %get3A_256 = arith.index_cast %scan3A_102 : i32 to index
        %get3A_257 = arith.constant 64 : index
        %get3A_258 = tpu.vector_load %arg12[%get3A_256, %get3A_257] {strides = array<i32>} : memref<64x128xf32, #tpu.memory_space<vmem>>, vector<1x16xf32>,
        %get3A_259 = vector.shape_cast %get3A_258 : vector<1x16xf32> to vector<16xf32>
        %get3A_260 = arith.index_cast %scan3A_102 : i32 to index
        %get3A_261 = arith.constant 64 : index
        %get3A_262 = tpu.vector_load %arg13[%get3A_260, %get3A_261] {strides = array<i32>} : memref<64x128xf32, #tpu.memory_space<vmem>>, vector<1x16xf32>,
        %get3A_263 = vector.shape_cast %get3A_262 : vector<1x16xf32> to vector<16xf32>
        %max3A_264 = arith.maximumf %get3A_259, %get3A_263 : vector<16xf32>
        %get3A_265 = arith.index_cast %scan3A_102 : i32 to index
        %get3A_266 = arith.constant 64 : index
        %get3A_267 = tpu.vector_load %arg14[%get3A_265, %get3A_266] {strides = array<i32>} : memref<64x128xf32, #tpu.memory_space<vmem>>, vector<1x16xf32>,
        %get3A_268 = vector.shape_cast %get3A_267 : vector<1x16xf32> to vector<16xf32>
        %max3A_269 = arith.maximumf %max3A_264, %get3A_268 : vector<16xf32>
        %get3A_270 = arith.index_cast %scan3A_102 : i32 to index
        %get3A_271 = arith.constant 64 : index
        %get3A_272 = tpu.vector_load %arg15[%get3A_270, %get3A_271] {strides = array<i32>} : memref<64x128xf32, #tpu.memory_space<vmem>>, vector<1x16xf32>,
        %get3A_273 = vector.shape_cast %get3A_272 : vector<1x16xf32> to vector<16xf32>
        %max3A_274 = arith.maximumf %max3A_269, %get3A_273 : vector<16xf32>
        %get3A_275 = arith.index_cast %scan3A_102 : i32 to index
        %get3A_276 = arith.constant 64 : index
        %get3A_277 = tpu.vector_load %arg16[%get3A_275, %get3A_276] {strides = array<i32>} : memref<64x128xf32, #tpu.memory_space<vmem>>, vector<1x16xf32>,
        %get3A_278 = vector.shape_cast %get3A_277 : vector<1x16xf32> to vector<16xf32>
        %max3A_279 = arith.maximumf %max3A_274, %get3A_278 : vector<16xf32>
        %get3A_280 = arith.index_cast %scan3A_102 : i32 to index
        %get3A_281 = arith.constant 64 : index
        %get3A_282 = tpu.vector_load %arg17[%get3A_280, %get3A_281] {strides = array<i32>} : memref<64x128xf32, #tpu.memory_space<vmem>>, vector<1x16xf32>,
        %get3A_283 = vector.shape_cast %get3A_282 : vector<1x16xf32> to vector<16xf32>
        %max3A_284 = arith.maximumf %max3A_279, %get3A_283 : vector<16xf32>
        %get3A_285 = arith.index_cast %scan3A_102 : i32 to index
        %get3A_286 = arith.constant 64 : index
        %get3A_287 = tpu.vector_load %arg18[%get3A_285, %get3A_286] {strides = array<i32>} : memref<64x128xf32, #tpu.memory_space<vmem>>, vector<1x16xf32>,
        %get3A_288 = vector.shape_cast %get3A_287 : vector<1x16xf32> to vector<16xf32>
        %max3A_289 = arith.maximumf %max3A_284, %get3A_288 : vector<16xf32>
        %swap3A_290 = arith.index_cast %scan3A_102 : i32 to index
        %swap3A_291 = arith.constant 64 : index
        %swap3A_292 = tpu.vector_load %arg19[%swap3A_290, %swap3A_291] {strides = array<i32>} : memref<64x96xf32, #tpu.memory_space<vmem>>, vector<1x16xf32>,
        %swap3A_293 = vector.shape_cast %swap3A_292 : vector<1x16xf32> to vector<16xf32>
        %swap3A_294 = vector.shape_cast %max3A_289 : vector<16xf32> to vector<1x16xf32>
        tpu.vector_store %arg19[%swap3A_290, %swap3A_291], %swap3A_294 {strides = array<i32>} : memref<64x96xf32, #tpu.memory_space<vmem>>, vector<1x16xf32>,
        %get3A_295 = arith.index_cast %scan3A_102 : i32 to index
        %get3A_296 = arith.constant 80 : index
        %get3A_297 = tpu.vector_load %arg12[%get3A_295, %get3A_296] {strides = array<i32>} : memref<64x128xf32, #tpu.memory_space<vmem>>, vector<1x16xf32>,
        %get3A_298 = vector.shape_cast %get3A_297 : vector<1x16xf32> to vector<16xf32>
        %get3A_299 = arith.index_cast %scan3A_102 : i32 to index
        %get3A_300 = arith.constant 80 : index
        %get3A_301 = tpu.vector_load %arg13[%get3A_299, %get3A_300] {strides = array<i32>} : memref<64x128xf32, #tpu.memory_space<vmem>>, vector<1x16xf32>,
        %get3A_302 = vector.shape_cast %get3A_301 : vector<1x16xf32> to vector<16xf32>
        %max3A_303 = arith.maximumf %get3A_298, %get3A_302 : vector<16xf32>
        %get3A_304 = arith.index_cast %scan3A_102 : i32 to index
        %get3A_305 = arith.constant 80 : index
        %get3A_306 = tpu.vector_load %arg14[%get3A_304, %get3A_305] {strides = array<i32>} : memref<64x128xf32, #tpu.memory_space<vmem>>, vector<1x16xf32>,
        %get3A_307 = vector.shape_cast %get3A_306 : vector<1x16xf32> to vector<16xf32>
        %max3A_308 = arith.maximumf %max3A_303, %get3A_307 : vector<16xf32>
        %get3A_309 = arith.index_cast %scan3A_102 : i32 to index
        %get3A_310 = arith.constant 80 : index
        %get3A_311 = tpu.vector_load %arg15[%get3A_309, %get3A_310] {strides = array<i32>} : memref<64x128xf32, #tpu.memory_space<vmem>>, vector<1x16xf32>,
        %get3A_312 = vector.shape_cast %get3A_311 : vector<1x16xf32> to vector<16xf32>
        %max3A_313 = arith.maximumf %max3A_308, %get3A_312 : vector<16xf32>
        %get3A_314 = arith.index_cast %scan3A_102 : i32 to index
        %get3A_315 = arith.constant 80 : index
        %get3A_316 = tpu.vector_load %arg16[%get3A_314, %get3A_315] {strides = array<i32>} : memref<64x128xf32, #tpu.memory_space<vmem>>, vector<1x16xf32>,
        %get3A_317 = vector.shape_cast %get3A_316 : vector<1x16xf32> to vector<16xf32>
        %max3A_318 = arith.maximumf %max3A_313, %get3A_317 : vector<16xf32>
        %get3A_319 = arith.index_cast %scan3A_102 : i32 to index
        %get3A_320 = arith.constant 80 : index
        %get3A_321 = tpu.vector_load %arg17[%get3A_319, %get3A_320] {strides = array<i32>} : memref<64x128xf32, #tpu.memory_space<vmem>>, vector<1x16xf32>,
        %get3A_322 = vector.shape_cast %get3A_321 : vector<1x16xf32> to vector<16xf32>
        %max3A_323 = arith.maximumf %max3A_318, %get3A_322 : vector<16xf32>
        %get3A_324 = arith.index_cast %scan3A_102 : i32 to index
        %get3A_325 = arith.constant 80 : index
        %get3A_326 = tpu.vector_load %arg18[%get3A_324, %get3A_325] {strides = array<i32>} : memref<64x128xf32, #tpu.memory_space<vmem>>, vector<1x16xf32>,
        %get3A_327 = vector.shape_cast %get3A_326 : vector<1x16xf32> to vector<16xf32>
        %max3A_328 = arith.maximumf %max3A_323, %get3A_327 : vector<16xf32>
        %swap3A_329 = arith.index_cast %scan3A_102 : i32 to index
        %swap3A_330 = arith.constant 80 : index
        %swap3A_331 = tpu.vector_load %arg19[%swap3A_329, %swap3A_330] {strides = array<i32>} : memref<64x96xf32, #tpu.memory_space<vmem>>, vector<1x16xf32>,
        %swap3A_332 = vector.shape_cast %swap3A_331 : vector<1x16xf32> to vector<16xf32>
        %swap3A_333 = vector.shape_cast %max3A_328 : vector<16xf32> to vector<1x16xf32>
        tpu.vector_store %arg19[%swap3A_329, %swap3A_330], %swap3A_333 {strides = array<i32>} : memref<64x96xf32, #tpu.memory_space<vmem>>, vector<1x16xf32>,
      }
      %scan3A_101 = arith.constant 64 : i32
      "tpu.region"() ({
        %run_scoped3A = tpu.sem_alloc : memref<!tpu.dma_semaphore, #tpu.memory_space<semaphore_mem>>
        %dma_start3A_102 = arith.constant 0 : i32
        %dma_start3A_103 = tpu.memref_slice %arg4[%add3A_11, %dma_start3A_102] : memref<16384x96xf32, #tpu.memory_space<hbm>> -> memref<64x96xf32, #tpu.memory_space<hbm>>
        %dma_start3A_104 = arith.constant 0 : i32
        %dma_start3A_105 = tpu.memref_slice %arg4[%add3A_11, %dma_start3A_104] : memref<16384x96xf32, #tpu.memory_space<hbm>> -> memref<64x96xf32, #tpu.memory_space<hbm>>
        tpu.enqueue_dma source(%arg19 : memref<64x96xf32, #tpu.memory_space<vmem>>) target(%dma_start3A_105 : memref<64x96xf32, #tpu.memory_space<hbm>>) target_semaphore(%run_scoped3A : memref<!tpu.dma_semaphore, #tpu.memory_space<semaphore_mem>>)
        %dma_wait3A_106 = arith.constant 0 : i32
        %dma_wait3A_107 = tpu.memref_slice %arg4[%add3A_11, %dma_wait3A_106] : memref<16384x96xf32, #tpu.memory_space<hbm>> -> memref<64x96xf32, #tpu.memory_space<hbm>>
        %dma_wait3A_108 = arith.constant 0 : i32
        %dma_wait3A_109 = tpu.memref_slice %arg4[%add3A_11, %dma_wait3A_108] : memref<16384x96xf32, #tpu.memory_space<hbm>> -> memref<64x96xf32, #tpu.memory_space<hbm>>
        tpu.wait_dma2 semaphore(%run_scoped3A : memref<!tpu.dma_semaphore, #tpu.memory_space<semaphore_mem>>) src(%arg19 : memref<64x96xf32, #tpu.memory_space<vmem>>) dst(%dma_wait3A_109 : memref<64x96xf32, #tpu.memory_space<hbm>>)
        tpu.yield
      }) : () -> ()
    }
    %scan3A_5 = arith.constant 8 : i32
    return
  }
}

#map = affine_map<(d0, d1) -> (0, 0)>
module attributes {stable_mosaic.version = 14 : i64} {
  func.func @k(%arg0: i32, %arg1: i32, %arg2: memref<16384x128xf32, #tpu.memory_space<hbm>>, %arg3: memref<1024x128xi32, #tpu.memory_space<hbm>>, %arg4: memref<16384x96xf32, #tpu.memory_space<hbm>>, %arg5: memref<64xi32, #tpu.memory_space<vmem>>, %arg6: memref<64xi32, #tpu.memory_space<vmem>>, %arg7: memref<64xi32, #tpu.memory_space<vmem>>, %arg8: memref<64xi32, #tpu.memory_space<vmem>>, %arg9: memref<64xi32, #tpu.memory_space<vmem>>, %arg10: memref<64xi32, #tpu.memory_space<vmem>>, %arg11: memref<64xi32, #tpu.memory_space<vmem>>, %arg12: memref<64x128xf32, #tpu.memory_space<vmem>>, %arg13: memref<64x128xf32, #tpu.memory_space<vmem>>, %arg14: memref<64x128xf32, #tpu.memory_space<vmem>>, %arg15: memref<64x128xf32, #tpu.memory_space<vmem>>, %arg16: memref<64x128xf32, #tpu.memory_space<vmem>>, %arg17: memref<64x128xf32, #tpu.memory_space<vmem>>, %arg18: memref<64x128xf32, #tpu.memory_space<vmem>>, %arg19: memref<64x96xf32, #tpu.memory_space<vmem>>, %arg20: memref<!tpu.dma_semaphore, #tpu.memory_space<semaphore_mem>>) attributes {dimension_semantics = [#tpu.dimension_semantics<core_parallel>, #tpu.dimension_semantics<subcore_parallel>], iteration_bounds = array<i64: 2, 16>, scalar_prefetch = 0 : i64, scratch_operands = 16 : i64, tpu.core_type = #tpu.core_type<sc_vector_subcore>, window_params = [{transform_indices = #map}, {transform_indices = #map}, {transform_indices = #map}]} {
    %mul3A = arith.constant 2 : i32
    %mul3A_0 = arith.muli %arg1, %mul3A : i32
    %add3A = arith.addi %mul3A_0, %arg0 : i32
    %scan3A = arith.constant 0 : i32
    %scan3A_1 = arith.constant 0 : i32
    %scan3A_2 = arith.constant 8 : i32
    %scan3A_3 = arith.addi %scan3A_1, %scan3A_2 : i32
    %scan3A_4 = arith.constant 1 : i32
    scf.for %scan3A_6 = %scan3A_1 to %scan3A_3 step %scan3A_4  : i32 {
      %mul3A_7 = arith.constant 512 : i32
      %mul3A_8 = arith.muli %add3A, %mul3A_7 : i32
      %mul3A_9 = arith.constant 64 : i32
      %mul3A_10 = arith.muli %scan3A_6, %mul3A_9 : i32
      %add3A_11 = arith.addi %mul3A_8, %mul3A_10 : i32
      %jit3A = arith.constant 128 : i32
      %div3A = arith.divsi %add3A_11, %jit3A : i32
      %sign3A = arith.constant 0 : i32
      %sign3A_12 = arith.cmpi sgt, %add3A_11, %sign3A : i32
      %sign3A_13 = arith.extui %sign3A_12 : i1 to i32
      %sign3A_14 = arith.constant 0 : i32
      %sign3A_15 = arith.cmpi slt, %add3A_11, %sign3A_14 : i32
      %sign3A_16 = arith.extui %sign3A_15 : i1 to i32
      %sign3A_17 = arith.subi %sign3A_13, %sign3A_16 : i32
      %sign3A_18 = arith.constant 0 : i32
      %sign3A_19 = arith.cmpi sgt, %jit3A, %sign3A_18 : i32
      %sign3A_20 = arith.extui %sign3A_19 : i1 to i32
      %sign3A_21 = arith.constant 0 : i32
      %sign3A_22 = arith.cmpi slt, %jit3A, %sign3A_21 : i32
      %sign3A_23 = arith.extui %sign3A_22 : i1 to i32
      %sign3A_24 = arith.subi %sign3A_20, %sign3A_23 : i32
      %ne3A = arith.cmpi ne, %sign3A_17, %sign3A_24 : i32
      %rem3A = arith.remsi %add3A_11, %jit3A : i32
      %ne3A_25 = arith.constant 0 : i32
      %ne3A_26 = arith.cmpi ne, %rem3A, %ne3A_25 : i32
      %and3A = arith.andi %ne3A, %ne3A_26 : i1
      %sub3A = arith.constant 1 : i32
      %sub3A_27 = arith.subi %div3A, %sub3A : i32
      %select_n3A = arith.select %and3A, %sub3A_27, %div3A : i32
      %jit3A_28 = arith.constant 128 : i32
      %eq3A = arith.constant 0 : i32
      %eq3A_29 = arith.cmpi eq, %jit3A_28, %eq3A : i32
      %jit3A_30 = arith.constant 1 : i32
      %select_n3A_31 = arith.select %eq3A_29, %jit3A_30, %jit3A_28 : i32
      %rem3A_32 = arith.remsi %add3A_11, %select_n3A_31 : i32
      %ne3A_33 = arith.constant 0 : i32
      %ne3A_34 = arith.cmpi ne, %rem3A_32, %ne3A_33 : i32
      %lt3A = arith.constant 0 : i32
      %lt3A_35 = arith.cmpi slt, %rem3A_32, %lt3A : i32
      %lt3A_36 = arith.constant 0 : i32
      %lt3A_37 = arith.cmpi slt, %select_n3A_31, %lt3A_36 : i32
      %ne3A_38 = arith.xori %lt3A_35, %lt3A_37 : i1
      %and3A_39 = arith.andi %ne3A_38, %ne3A_34 : i1
      %add3A_40 = arith.addi %rem3A_32, %select_n3A_31 : i32
      %select_n3A_41 = arith.select %and3A_39, %add3A_40, %rem3A_32 : i32
      %add3A_42 = arith.constant 0 : i32
      %add3A_43 = arith.addi %add3A_42, %select_n3A : i32
      "tpu.region"() ({
        %run_scoped3A = tpu.sem_alloc : memref<!tpu.dma_semaphore, #tpu.memory_space<semaphore_mem>>
        %dma_start3A_102 = tpu.memref_slice %arg3[%add3A_43, %select_n3A_41] : memref<1024x128xi32, #tpu.memory_space<hbm>> -> memref<1x64xi32, #tpu.memory_space<hbm>>
        %dma_start3A_103 = tpu.memref_squeeze %dma_start3A_102 : memref<1x64xi32, #tpu.memory_space<hbm>> -> memref<64xi32, #tpu.memory_space<hbm>>
        %dma_start3A_104 = tpu.memref_slice %arg3[%add3A_43, %select_n3A_41] : memref<1024x128xi32, #tpu.memory_space<hbm>> -> memref<1x64xi32, #tpu.memory_space<hbm>>
        %dma_start3A_105 = tpu.memref_squeeze %dma_start3A_104 : memref<1x64xi32, #tpu.memory_space<hbm>> -> memref<64xi32, #tpu.memory_space<hbm>>
        tpu.enqueue_dma source(%dma_start3A_105 : memref<64xi32, #tpu.memory_space<hbm>>) target(%arg5 : memref<64xi32, #tpu.memory_space<vmem>>) target_semaphore(%run_scoped3A : memref<!tpu.dma_semaphore, #tpu.memory_space<semaphore_mem>>)
        %dma_wait3A_106 = tpu.memref_slice %arg3[%add3A_43, %select_n3A_41] : memref<1024x128xi32, #tpu.memory_space<hbm>> -> memref<1x64xi32, #tpu.memory_space<hbm>>
        %dma_wait3A_107 = tpu.memref_squeeze %dma_wait3A_106 : memref<1x64xi32, #tpu.memory_space<hbm>> -> memref<64xi32, #tpu.memory_space<hbm>>
        %dma_wait3A_108 = tpu.memref_slice %arg3[%add3A_43, %select_n3A_41] : memref<1024x128xi32, #tpu.memory_space<hbm>> -> memref<1x64xi32, #tpu.memory_space<hbm>>
        %dma_wait3A_109 = tpu.memref_squeeze %dma_wait3A_108 : memref<1x64xi32, #tpu.memory_space<hbm>> -> memref<64xi32, #tpu.memory_space<hbm>>
        tpu.wait_dma2 semaphore(%run_scoped3A : memref<!tpu.dma_semaphore, #tpu.memory_space<semaphore_mem>>) src(%dma_wait3A_109 : memref<64xi32, #tpu.memory_space<hbm>>) dst(%arg5 : memref<64xi32, #tpu.memory_space<vmem>>)
        tpu.yield
      }) : () -> ()
      %add3A_44 = arith.constant 128 : i32
      %add3A_45 = arith.addi %add3A_44, %select_n3A : i32
      "tpu.region"() ({
        %run_scoped3A = tpu.sem_alloc : memref<!tpu.dma_semaphore, #tpu.memory_space<semaphore_mem>>
        %dma_start3A_102 = tpu.memref_slice %arg3[%add3A_45, %select_n3A_41] : memref<1024x128xi32, #tpu.memory_space<hbm>> -> memref<1x64xi32, #tpu.memory_space<hbm>>
        %dma_start3A_103 = tpu.memref_squeeze %dma_start3A_102 : memref<1x64xi32, #tpu.memory_space<hbm>> -> memref<64xi32, #tpu.memory_space<hbm>>
        %dma_start3A_104 = tpu.memref_slice %arg3[%add3A_45, %select_n3A_41] : memref<1024x128xi32, #tpu.memory_space<hbm>> -> memref<1x64xi32, #tpu.memory_space<hbm>>
        %dma_start3A_105 = tpu.memref_squeeze %dma_start3A_104 : memref<1x64xi32, #tpu.memory_space<hbm>> -> memref<64xi32, #tpu.memory_space<hbm>>
        tpu.enqueue_dma source(%dma_start3A_105 : memref<64xi32, #tpu.memory_space<hbm>>) target(%arg6 : memref<64xi32, #tpu.memory_space<vmem>>) target_semaphore(%run_scoped3A : memref<!tpu.dma_semaphore, #tpu.memory_space<semaphore_mem>>)
        %dma_wait3A_106 = tpu.memref_slice %arg3[%add3A_45, %select_n3A_41] : memref<1024x128xi32, #tpu.memory_space<hbm>> -> memref<1x64xi32, #tpu.memory_space<hbm>>
        %dma_wait3A_107 = tpu.memref_squeeze %dma_wait3A_106 : memref<1x64xi32, #tpu.memory_space<hbm>> -> memref<64xi32, #tpu.memory_space<hbm>>
        %dma_wait3A_108 = tpu.memref_slice %arg3[%add3A_45, %select_n3A_41] : memref<1024x128xi32, #tpu.memory_space<hbm>> -> memref<1x64xi32, #tpu.memory_space<hbm>>
        %dma_wait3A_109 = tpu.memref_squeeze %dma_wait3A_108 : memref<1x64xi32, #tpu.memory_space<hbm>> -> memref<64xi32, #tpu.memory_space<hbm>>
        tpu.wait_dma2 semaphore(%run_scoped3A : memref<!tpu.dma_semaphore, #tpu.memory_space<semaphore_mem>>) src(%dma_wait3A_109 : memref<64xi32, #tpu.memory_space<hbm>>) dst(%arg6 : memref<64xi32, #tpu.memory_space<vmem>>)
        tpu.yield
      }) : () -> ()
      %add3A_46 = arith.constant 256 : i32
      %add3A_47 = arith.addi %add3A_46, %select_n3A : i32
      "tpu.region"() ({
        %run_scoped3A = tpu.sem_alloc : memref<!tpu.dma_semaphore, #tpu.memory_space<semaphore_mem>>
        %dma_start3A_102 = tpu.memref_slice %arg3[%add3A_47, %select_n3A_41] : memref<1024x128xi32, #tpu.memory_space<hbm>> -> memref<1x64xi32, #tpu.memory_space<hbm>>
        %dma_start3A_103 = tpu.memref_squeeze %dma_start3A_102 : memref<1x64xi32, #tpu.memory_space<hbm>> -> memref<64xi32, #tpu.memory_space<hbm>>
        %dma_start3A_104 = tpu.memref_slice %arg3[%add3A_47, %select_n3A_41] : memref<1024x128xi32, #tpu.memory_space<hbm>> -> memref<1x64xi32, #tpu.memory_space<hbm>>
        %dma_start3A_105 = tpu.memref_squeeze %dma_start3A_104 : memref<1x64xi32, #tpu.memory_space<hbm>> -> memref<64xi32, #tpu.memory_space<hbm>>
        tpu.enqueue_dma source(%dma_start3A_105 : memref<64xi32, #tpu.memory_space<hbm>>) target(%arg7 : memref<64xi32, #tpu.memory_space<vmem>>) target_semaphore(%run_scoped3A : memref<!tpu.dma_semaphore, #tpu.memory_space<semaphore_mem>>)
        %dma_wait3A_106 = tpu.memref_slice %arg3[%add3A_47, %select_n3A_41] : memref<1024x128xi32, #tpu.memory_space<hbm>> -> memref<1x64xi32, #tpu.memory_space<hbm>>
        %dma_wait3A_107 = tpu.memref_squeeze %dma_wait3A_106 : memref<1x64xi32, #tpu.memory_space<hbm>> -> memref<64xi32, #tpu.memory_space<hbm>>
        %dma_wait3A_108 = tpu.memref_slice %arg3[%add3A_47, %select_n3A_41] : memref<1024x128xi32, #tpu.memory_space<hbm>> -> memref<1x64xi32, #tpu.memory_space<hbm>>
        %dma_wait3A_109 = tpu.memref_squeeze %dma_wait3A_108 : memref<1x64xi32, #tpu.memory_space<hbm>> -> memref<64xi32, #tpu.memory_space<hbm>>
        tpu.wait_dma2 semaphore(%run_scoped3A : memref<!tpu.dma_semaphore, #tpu.memory_space<semaphore_mem>>) src(%dma_wait3A_109 : memref<64xi32, #tpu.memory_space<hbm>>) dst(%arg7 : memref<64xi32, #tpu.memory_space<vmem>>)
        tpu.yield
      }) : () -> ()
      %add3A_48 = arith.constant 384 : i32
      %add3A_49 = arith.addi %add3A_48, %select_n3A : i32
      "tpu.region"() ({
        %run_scoped3A = tpu.sem_alloc : memref<!tpu.dma_semaphore, #tpu.memory_space<semaphore_mem>>
        %dma_start3A_102 = tpu.memref_slice %arg3[%add3A_49, %select_n3A_41] : memref<1024x128xi32, #tpu.memory_space<hbm>> -> memref<1x64xi32, #tpu.memory_space<hbm>>
        %dma_start3A_103 = tpu.memref_squeeze %dma_start3A_102 : memref<1x64xi32, #tpu.memory_space<hbm>> -> memref<64xi32, #tpu.memory_space<hbm>>
        %dma_start3A_104 = tpu.memref_slice %arg3[%add3A_49, %select_n3A_41] : memref<1024x128xi32, #tpu.memory_space<hbm>> -> memref<1x64xi32, #tpu.memory_space<hbm>>
        %dma_start3A_105 = tpu.memref_squeeze %dma_start3A_104 : memref<1x64xi32, #tpu.memory_space<hbm>> -> memref<64xi32, #tpu.memory_space<hbm>>
        tpu.enqueue_dma source(%dma_start3A_105 : memref<64xi32, #tpu.memory_space<hbm>>) target(%arg8 : memref<64xi32, #tpu.memory_space<vmem>>) target_semaphore(%run_scoped3A : memref<!tpu.dma_semaphore, #tpu.memory_space<semaphore_mem>>)
        %dma_wait3A_106 = tpu.memref_slice %arg3[%add3A_49, %select_n3A_41] : memref<1024x128xi32, #tpu.memory_space<hbm>> -> memref<1x64xi32, #tpu.memory_space<hbm>>
        %dma_wait3A_107 = tpu.memref_squeeze %dma_wait3A_106 : memref<1x64xi32, #tpu.memory_space<hbm>> -> memref<64xi32, #tpu.memory_space<hbm>>
        %dma_wait3A_108 = tpu.memref_slice %arg3[%add3A_49, %select_n3A_41] : memref<1024x128xi32, #tpu.memory_space<hbm>> -> memref<1x64xi32, #tpu.memory_space<hbm>>
        %dma_wait3A_109 = tpu.memref_squeeze %dma_wait3A_108 : memref<1x64xi32, #tpu.memory_space<hbm>> -> memref<64xi32, #tpu.memory_space<hbm>>
        tpu.wait_dma2 semaphore(%run_scoped3A : memref<!tpu.dma_semaphore, #tpu.memory_space<semaphore_mem>>) src(%dma_wait3A_109 : memref<64xi32, #tpu.memory_space<hbm>>) dst(%arg8 : memref<64xi32, #tpu.memory_space<vmem>>)
        tpu.yield
      }) : () -> ()
      %add3A_50 = arith.constant 512 : i32
      %add3A_51 = arith.addi %add3A_50, %select_n3A : i32
      "tpu.region"() ({
        %run_scoped3A = tpu.sem_alloc : memref<!tpu.dma_semaphore, #tpu.memory_space<semaphore_mem>>
        %dma_start3A_102 = tpu.memref_slice %arg3[%add3A_51, %select_n3A_41] : memref<1024x128xi32, #tpu.memory_space<hbm>> -> memref<1x64xi32, #tpu.memory_space<hbm>>
        %dma_start3A_103 = tpu.memref_squeeze %dma_start3A_102 : memref<1x64xi32, #tpu.memory_space<hbm>> -> memref<64xi32, #tpu.memory_space<hbm>>
        %dma_start3A_104 = tpu.memref_slice %arg3[%add3A_51, %select_n3A_41] : memref<1024x128xi32, #tpu.memory_space<hbm>> -> memref<1x64xi32, #tpu.memory_space<hbm>>
        %dma_start3A_105 = tpu.memref_squeeze %dma_start3A_104 : memref<1x64xi32, #tpu.memory_space<hbm>> -> memref<64xi32, #tpu.memory_space<hbm>>
        tpu.enqueue_dma source(%dma_start3A_105 : memref<64xi32, #tpu.memory_space<hbm>>) target(%arg9 : memref<64xi32, #tpu.memory_space<vmem>>) target_semaphore(%run_scoped3A : memref<!tpu.dma_semaphore, #tpu.memory_space<semaphore_mem>>)
        %dma_wait3A_106 = tpu.memref_slice %arg3[%add3A_51, %select_n3A_41] : memref<1024x128xi32, #tpu.memory_space<hbm>> -> memref<1x64xi32, #tpu.memory_space<hbm>>
        %dma_wait3A_107 = tpu.memref_squeeze %dma_wait3A_106 : memref<1x64xi32, #tpu.memory_space<hbm>> -> memref<64xi32, #tpu.memory_space<hbm>>
        %dma_wait3A_108 = tpu.memref_slice %arg3[%add3A_51, %select_n3A_41] : memref<1024x128xi32, #tpu.memory_space<hbm>> -> memref<1x64xi32, #tpu.memory_space<hbm>>
        %dma_wait3A_109 = tpu.memref_squeeze %dma_wait3A_108 : memref<1x64xi32, #tpu.memory_space<hbm>> -> memref<64xi32, #tpu.memory_space<hbm>>
        tpu.wait_dma2 semaphore(%run_scoped3A : memref<!tpu.dma_semaphore, #tpu.memory_space<semaphore_mem>>) src(%dma_wait3A_109 : memref<64xi32, #tpu.memory_space<hbm>>) dst(%arg9 : memref<64xi32, #tpu.memory_space<vmem>>)
        tpu.yield
      }) : () -> ()
      %add3A_52 = arith.constant 640 : i32
      %add3A_53 = arith.addi %add3A_52, %select_n3A : i32
      "tpu.region"() ({
        %run_scoped3A = tpu.sem_alloc : memref<!tpu.dma_semaphore, #tpu.memory_space<semaphore_mem>>
        %dma_start3A_102 = tpu.memref_slice %arg3[%add3A_53, %select_n3A_41] : memref<1024x128xi32, #tpu.memory_space<hbm>> -> memref<1x64xi32, #tpu.memory_space<hbm>>
        %dma_start3A_103 = tpu.memref_squeeze %dma_start3A_102 : memref<1x64xi32, #tpu.memory_space<hbm>> -> memref<64xi32, #tpu.memory_space<hbm>>
        %dma_start3A_104 = tpu.memref_slice %arg3[%add3A_53, %select_n3A_41] : memref<1024x128xi32, #tpu.memory_space<hbm>> -> memref<1x64xi32, #tpu.memory_space<hbm>>
        %dma_start3A_105 = tpu.memref_squeeze %dma_start3A_104 : memref<1x64xi32, #tpu.memory_space<hbm>> -> memref<64xi32, #tpu.memory_space<hbm>>
        tpu.enqueue_dma source(%dma_start3A_105 : memref<64xi32, #tpu.memory_space<hbm>>) target(%arg10 : memref<64xi32, #tpu.memory_space<vmem>>) target_semaphore(%run_scoped3A : memref<!tpu.dma_semaphore, #tpu.memory_space<semaphore_mem>>)
        %dma_wait3A_106 = tpu.memref_slice %arg3[%add3A_53, %select_n3A_41] : memref<1024x128xi32, #tpu.memory_space<hbm>> -> memref<1x64xi32, #tpu.memory_space<hbm>>
        %dma_wait3A_107 = tpu.memref_squeeze %dma_wait3A_106 : memref<1x64xi32, #tpu.memory_space<hbm>> -> memref<64xi32, #tpu.memory_space<hbm>>
        %dma_wait3A_108 = tpu.memref_slice %arg3[%add3A_53, %select_n3A_41] : memref<1024x128xi32, #tpu.memory_space<hbm>> -> memref<1x64xi32, #tpu.memory_space<hbm>>
        %dma_wait3A_109 = tpu.memref_squeeze %dma_wait3A_108 : memref<1x64xi32, #tpu.memory_space<hbm>> -> memref<64xi32, #tpu.memory_space<hbm>>
        tpu.wait_dma2 semaphore(%run_scoped3A : memref<!tpu.dma_semaphore, #tpu.memory_space<semaphore_mem>>) src(%dma_wait3A_109 : memref<64xi32, #tpu.memory_space<hbm>>) dst(%arg10 : memref<64xi32, #tpu.memory_space<vmem>>)
        tpu.yield
      }) : () -> ()
      %add3A_54 = arith.constant 768 : i32
      %add3A_55 = arith.addi %add3A_54, %select_n3A : i32
      "tpu.region"() ({
        %run_scoped3A = tpu.sem_alloc : memref<!tpu.dma_semaphore, #tpu.memory_space<semaphore_mem>>
        %dma_start3A_102 = tpu.memref_slice %arg3[%add3A_55, %select_n3A_41] : memref<1024x128xi32, #tpu.memory_space<hbm>> -> memref<1x64xi32, #tpu.memory_space<hbm>>
        %dma_start3A_103 = tpu.memref_squeeze %dma_start3A_102 : memref<1x64xi32, #tpu.memory_space<hbm>> -> memref<64xi32, #tpu.memory_space<hbm>>
        %dma_start3A_104 = tpu.memref_slice %arg3[%add3A_55, %select_n3A_41] : memref<1024x128xi32, #tpu.memory_space<hbm>> -> memref<1x64xi32, #tpu.memory_space<hbm>>
        %dma_start3A_105 = tpu.memref_squeeze %dma_start3A_104 : memref<1x64xi32, #tpu.memory_space<hbm>> -> memref<64xi32, #tpu.memory_space<hbm>>
        tpu.enqueue_dma source(%dma_start3A_105 : memref<64xi32, #tpu.memory_space<hbm>>) target(%arg11 : memref<64xi32, #tpu.memory_space<vmem>>) target_semaphore(%run_scoped3A : memref<!tpu.dma_semaphore, #tpu.memory_space<semaphore_mem>>)
        %dma_wait3A_106 = tpu.memref_slice %arg3[%add3A_55, %select_n3A_41] : memref<1024x128xi32, #tpu.memory_space<hbm>> -> memref<1x64xi32, #tpu.memory_space<hbm>>
        %dma_wait3A_107 = tpu.memref_squeeze %dma_wait3A_106 : memref<1x64xi32, #tpu.memory_space<hbm>> -> memref<64xi32, #tpu.memory_space<hbm>>
        %dma_wait3A_108 = tpu.memref_slice %arg3[%add3A_55, %select_n3A_41] : memref<1024x128xi32, #tpu.memory_space<hbm>> -> memref<1x64xi32, #tpu.memory_space<hbm>>
        %dma_wait3A_109 = tpu.memref_squeeze %dma_wait3A_108 : memref<1x64xi32, #tpu.memory_space<hbm>> -> memref<64xi32, #tpu.memory_space<hbm>>
        tpu.wait_dma2 semaphore(%run_scoped3A : memref<!tpu.dma_semaphore, #tpu.memory_space<semaphore_mem>>) src(%dma_wait3A_109 : memref<64xi32, #tpu.memory_space<hbm>>) dst(%arg11 : memref<64xi32, #tpu.memory_space<vmem>>)
        tpu.yield
      }) : () -> ()
      %dma_start3A = arith.constant 0 : i32
      %dma_start3A_56 = arith.constant 0 : i32
      %dma_start3A_57 = tpu.memref_slice %arg2[%dma_start3A, %dma_start3A_56] : memref<16384x128xf32, #tpu.memory_space<hbm>> -> memref<16384x128xf32, #tpu.memory_space<hbm>>
      tpu.enqueue_indirect_dma source(%dma_start3A_57 : memref<16384x128xf32, #tpu.memory_space<hbm>>) target(%arg12 : memref<64x128xf32, #tpu.memory_space<vmem>>) offsets(%arg5 : memref<64xi32, #tpu.memory_space<vmem>>) semaphore(%arg20 : memref<!tpu.dma_semaphore, #tpu.memory_space<semaphore_mem>>)
      %dma_start3A_58 = arith.constant 0 : i32
      %dma_start3A_59 = arith.constant 0 : i32
      %dma_start3A_60 = tpu.memref_slice %arg2[%dma_start3A_58, %dma_start3A_59] : memref<16384x128xf32, #tpu.memory_space<hbm>> -> memref<16384x128xf32, #tpu.memory_space<hbm>>
      tpu.enqueue_indirect_dma source(%dma_start3A_60 : memref<16384x128xf32, #tpu.memory_space<hbm>>) target(%arg13 : memref<64x128xf32, #tpu.memory_space<vmem>>) offsets(%arg6 : memref<64xi32, #tpu.memory_space<vmem>>) semaphore(%arg20 : memref<!tpu.dma_semaphore, #tpu.memory_space<semaphore_mem>>)
      %dma_start3A_61 = arith.constant 0 : i32
      %dma_start3A_62 = arith.constant 0 : i32
      %dma_start3A_63 = tpu.memref_slice %arg2[%dma_start3A_61, %dma_start3A_62] : memref<16384x128xf32, #tpu.memory_space<hbm>> -> memref<16384x128xf32, #tpu.memory_space<hbm>>
      tpu.enqueue_indirect_dma source(%dma_start3A_63 : memref<16384x128xf32, #tpu.memory_space<hbm>>) target(%arg14 : memref<64x128xf32, #tpu.memory_space<vmem>>) offsets(%arg7 : memref<64xi32, #tpu.memory_space<vmem>>) semaphore(%arg20 : memref<!tpu.dma_semaphore, #tpu.memory_space<semaphore_mem>>)
      %dma_start3A_64 = arith.constant 0 : i32
      %dma_start3A_65 = arith.constant 0 : i32
      %dma_start3A_66 = tpu.memref_slice %arg2[%dma_start3A_64, %dma_start3A_65] : memref<16384x128xf32, #tpu.memory_space<hbm>> -> memref<16384x128xf32, #tpu.memory_space<hbm>>
      tpu.enqueue_indirect_dma source(%dma_start3A_66 : memref<16384x128xf32, #tpu.memory_space<hbm>>) target(%arg15 : memref<64x128xf32, #tpu.memory_space<vmem>>) offsets(%arg8 : memref<64xi32, #tpu.memory_space<vmem>>) semaphore(%arg20 : memref<!tpu.dma_semaphore, #tpu.memory_space<semaphore_mem>>)
      %dma_start3A_67 = arith.constant 0 : i32
      %dma_start3A_68 = arith.constant 0 : i32
      %dma_start3A_69 = tpu.memref_slice %arg2[%dma_start3A_67, %dma_start3A_68] : memref<16384x128xf32, #tpu.memory_space<hbm>> -> memref<16384x128xf32, #tpu.memory_space<hbm>>
      tpu.enqueue_indirect_dma source(%dma_start3A_69 : memref<16384x128xf32, #tpu.memory_space<hbm>>) target(%arg16 : memref<64x128xf32, #tpu.memory_space<vmem>>) offsets(%arg9 : memref<64xi32, #tpu.memory_space<vmem>>) semaphore(%arg20 : memref<!tpu.dma_semaphore, #tpu.memory_space<semaphore_mem>>)
      %dma_start3A_70 = arith.constant 0 : i32
      %dma_start3A_71 = arith.constant 0 : i32
      %dma_start3A_72 = tpu.memref_slice %arg2[%dma_start3A_70, %dma_start3A_71] : memref<16384x128xf32, #tpu.memory_space<hbm>> -> memref<16384x128xf32, #tpu.memory_space<hbm>>
      tpu.enqueue_indirect_dma source(%dma_start3A_72 : memref<16384x128xf32, #tpu.memory_space<hbm>>) target(%arg17 : memref<64x128xf32, #tpu.memory_space<vmem>>) offsets(%arg10 : memref<64xi32, #tpu.memory_space<vmem>>) semaphore(%arg20 : memref<!tpu.dma_semaphore, #tpu.memory_space<semaphore_mem>>)
      %dma_start3A_73 = arith.constant 0 : i32
      %dma_start3A_74 = arith.constant 0 : i32
      %dma_start3A_75 = tpu.memref_slice %arg2[%dma_start3A_73, %dma_start3A_74] : memref<16384x128xf32, #tpu.memory_space<hbm>> -> memref<16384x128xf32, #tpu.memory_space<hbm>>
      tpu.enqueue_indirect_dma source(%dma_start3A_75 : memref<16384x128xf32, #tpu.memory_space<hbm>>) target(%arg18 : memref<64x128xf32, #tpu.memory_space<vmem>>) offsets(%arg11 : memref<64xi32, #tpu.memory_space<vmem>>) semaphore(%arg20 : memref<!tpu.dma_semaphore, #tpu.memory_space<semaphore_mem>>)
      %dma_wait3A = arith.constant 0 : i32
      %dma_wait3A_76 = arith.constant 0 : i32
      %dma_wait3A_77 = tpu.memref_slice %arg2[%dma_wait3A, %dma_wait3A_76] : memref<16384x128xf32, #tpu.memory_space<hbm>> -> memref<16384x128xf32, #tpu.memory_space<hbm>>
      tpu.wait_indirect_dma semaphore(%arg20 : memref<!tpu.dma_semaphore, #tpu.memory_space<semaphore_mem>>) src(%dma_wait3A_77 : memref<16384x128xf32, #tpu.memory_space<hbm>>) dst(%arg12 : memref<64x128xf32, #tpu.memory_space<vmem>>)
      %dma_wait3A_78 = arith.constant 0 : i32
      %dma_wait3A_79 = arith.constant 0 : i32
      %dma_wait3A_80 = tpu.memref_slice %arg2[%dma_wait3A_78, %dma_wait3A_79] : memref<16384x128xf32, #tpu.memory_space<hbm>> -> memref<16384x128xf32, #tpu.memory_space<hbm>>
      tpu.wait_indirect_dma semaphore(%arg20 : memref<!tpu.dma_semaphore, #tpu.memory_space<semaphore_mem>>) src(%dma_wait3A_80 : memref<16384x128xf32, #tpu.memory_space<hbm>>) dst(%arg13 : memref<64x128xf32, #tpu.memory_space<vmem>>)
      %dma_wait3A_81 = arith.constant 0 : i32
      %dma_wait3A_82 = arith.constant 0 : i32
      %dma_wait3A_83 = tpu.memref_slice %arg2[%dma_wait3A_81, %dma_wait3A_82] : memref<16384x128xf32, #tpu.memory_space<hbm>> -> memref<16384x128xf32, #tpu.memory_space<hbm>>
      tpu.wait_indirect_dma semaphore(%arg20 : memref<!tpu.dma_semaphore, #tpu.memory_space<semaphore_mem>>) src(%dma_wait3A_83 : memref<16384x128xf32, #tpu.memory_space<hbm>>) dst(%arg14 : memref<64x128xf32, #tpu.memory_space<vmem>>)
      %dma_wait3A_84 = arith.constant 0 : i32
      %dma_wait3A_85 = arith.constant 0 : i32
      %dma_wait3A_86 = tpu.memref_slice %arg2[%dma_wait3A_84, %dma_wait3A_85] : memref<16384x128xf32, #tpu.memory_space<hbm>> -> memref<16384x128xf32, #tpu.memory_space<hbm>>
      tpu.wait_indirect_dma semaphore(%arg20 : memref<!tpu.dma_semaphore, #tpu.memory_space<semaphore_mem>>) src(%dma_wait3A_86 : memref<16384x128xf32, #tpu.memory_space<hbm>>) dst(%arg15 : memref<64x128xf32, #tpu.memory_space<vmem>>)
      %dma_wait3A_87 = arith.constant 0 : i32
      %dma_wait3A_88 = arith.constant 0 : i32
      %dma_wait3A_89 = tpu.memref_slice %arg2[%dma_wait3A_87, %dma_wait3A_88] : memref<16384x128xf32, #tpu.memory_space<hbm>> -> memref<16384x128xf32, #tpu.memory_space<hbm>>
      tpu.wait_indirect_dma semaphore(%arg20 : memref<!tpu.dma_semaphore, #tpu.memory_space<semaphore_mem>>) src(%dma_wait3A_89 : memref<16384x128xf32, #tpu.memory_space<hbm>>) dst(%arg16 : memref<64x128xf32, #tpu.memory_space<vmem>>)
      %dma_wait3A_90 = arith.constant 0 : i32
      %dma_wait3A_91 = arith.constant 0 : i32
      %dma_wait3A_92 = tpu.memref_slice %arg2[%dma_wait3A_90, %dma_wait3A_91] : memref<16384x128xf32, #tpu.memory_space<hbm>> -> memref<16384x128xf32, #tpu.memory_space<hbm>>
      tpu.wait_indirect_dma semaphore(%arg20 : memref<!tpu.dma_semaphore, #tpu.memory_space<semaphore_mem>>) src(%dma_wait3A_92 : memref<16384x128xf32, #tpu.memory_space<hbm>>) dst(%arg17 : memref<64x128xf32, #tpu.memory_space<vmem>>)
      %dma_wait3A_93 = arith.constant 0 : i32
      %dma_wait3A_94 = arith.constant 0 : i32
      %dma_wait3A_95 = tpu.memref_slice %arg2[%dma_wait3A_93, %dma_wait3A_94] : memref<16384x128xf32, #tpu.memory_space<hbm>> -> memref<16384x128xf32, #tpu.memory_space<hbm>>
      tpu.wait_indirect_dma semaphore(%arg20 : memref<!tpu.dma_semaphore, #tpu.memory_space<semaphore_mem>>) src(%dma_wait3A_95 : memref<16384x128xf32, #tpu.memory_space<hbm>>) dst(%arg18 : memref<64x128xf32, #tpu.memory_space<vmem>>)
      %scan3A_96 = arith.constant 0 : i32
      %scan3A_97 = arith.constant 0 : i32
      %scan3A_98 = arith.constant 64 : i32
      %scan3A_99 = arith.addi %scan3A_97, %scan3A_98 : i32
      %scan3A_100 = arith.constant 1 : i32
      scf.for %scan3A_102 = %scan3A_97 to %scan3A_99 step %scan3A_100  : i32 {
        %get3A = arith.index_cast %scan3A_102 : i32 to index
        %get3A_103 = arith.constant 0 : index
        %get3A_104 = tpu.vector_load %arg12[%get3A, %get3A_103] {strides = array<i32>} : memref<64x128xf32, #tpu.memory_space<vmem>>, vector<1x16xf32>,
        %get3A_105 = vector.shape_cast %get3A_104 : vector<1x16xf32> to vector<16xf32>
        %get3A_106 = arith.index_cast %scan3A_102 : i32 to index
        %get3A_107 = arith.constant 0 : index
        %get3A_108 = tpu.vector_load %arg13[%get3A_106, %get3A_107] {strides = array<i32>} : memref<64x128xf32, #tpu.memory_space<vmem>>, vector<1x16xf32>,
        %get3A_109 = vector.shape_cast %get3A_108 : vector<1x16xf32> to vector<16xf32>
        %max3A = arith.maximumf %get3A_105, %get3A_109 : vector<16xf32>
        %get3A_110 = arith.index_cast %scan3A_102 : i32 to index
        %get3A_111 = arith.constant 0 : index
        %get3A_112 = tpu.vector_load %arg14[%get3A_110, %get3A_111] {strides = array<i32>} : memref<64x128xf32, #tpu.memory_space<vmem>>, vector<1x16xf32>,
        %get3A_113 = vector.shape_cast %get3A_112 : vector<1x16xf32> to vector<16xf32>
        %max3A_114 = arith.maximumf %max3A, %get3A_113 : vector<16xf32>
        %get3A_115 = arith.index_cast %scan3A_102 : i32 to index
        %get3A_116 = arith.constant 0 : index
        %get3A_117 = tpu.vector_load %arg15[%get3A_115, %get3A_116] {strides = array<i32>} : memref<64x128xf32, #tpu.memory_space<vmem>>, vector<1x16xf32>,
        %get3A_118 = vector.shape_cast %get3A_117 : vector<1x16xf32> to vector<16xf32>
        %max3A_119 = arith.maximumf %max3A_114, %get3A_118 : vector<16xf32>
        %get3A_120 = arith.index_cast %scan3A_102 : i32 to index
        %get3A_121 = arith.constant 0 : index
        %get3A_122 = tpu.vector_load %arg16[%get3A_120, %get3A_121] {strides = array<i32>} : memref<64x128xf32, #tpu.memory_space<vmem>>, vector<1x16xf32>,
        %get3A_123 = vector.shape_cast %get3A_122 : vector<1x16xf32> to vector<16xf32>
        %max3A_124 = arith.maximumf %max3A_119, %get3A_123 : vector<16xf32>
        %get3A_125 = arith.index_cast %scan3A_102 : i32 to index
        %get3A_126 = arith.constant 0 : index
        %get3A_127 = tpu.vector_load %arg17[%get3A_125, %get3A_126] {strides = array<i32>} : memref<64x128xf32, #tpu.memory_space<vmem>>, vector<1x16xf32>,
        %get3A_128 = vector.shape_cast %get3A_127 : vector<1x16xf32> to vector<16xf32>
        %max3A_129 = arith.maximumf %max3A_124, %get3A_128 : vector<16xf32>
        %get3A_130 = arith.index_cast %scan3A_102 : i32 to index
        %get3A_131 = arith.constant 0 : index
        %get3A_132 = tpu.vector_load %arg18[%get3A_130, %get3A_131] {strides = array<i32>} : memref<64x128xf32, #tpu.memory_space<vmem>>, vector<1x16xf32>,
        %get3A_133 = vector.shape_cast %get3A_132 : vector<1x16xf32> to vector<16xf32>
        %max3A_134 = arith.maximumf %max3A_129, %get3A_133 : vector<16xf32>
        %swap3A = arith.index_cast %scan3A_102 : i32 to index
        %swap3A_135 = arith.constant 0 : index
        %swap3A_136 = tpu.vector_load %arg19[%swap3A, %swap3A_135] {strides = array<i32>} : memref<64x96xf32, #tpu.memory_space<vmem>>, vector<1x16xf32>,
        %swap3A_137 = vector.shape_cast %swap3A_136 : vector<1x16xf32> to vector<16xf32>
        %swap3A_138 = vector.shape_cast %max3A_134 : vector<16xf32> to vector<1x16xf32>
        tpu.vector_store %arg19[%swap3A, %swap3A_135], %swap3A_138 {strides = array<i32>} : memref<64x96xf32, #tpu.memory_space<vmem>>, vector<1x16xf32>,
        %get3A_139 = arith.index_cast %scan3A_102 : i32 to index
        %get3A_140 = arith.constant 16 : index
        %get3A_141 = tpu.vector_load %arg12[%get3A_139, %get3A_140] {strides = array<i32>} : memref<64x128xf32, #tpu.memory_space<vmem>>, vector<1x16xf32>,
        %get3A_142 = vector.shape_cast %get3A_141 : vector<1x16xf32> to vector<16xf32>
        %get3A_143 = arith.index_cast %scan3A_102 : i32 to index
        %get3A_144 = arith.constant 16 : index
        %get3A_145 = tpu.vector_load %arg13[%get3A_143, %get3A_144] {strides = array<i32>} : memref<64x128xf32, #tpu.memory_space<vmem>>, vector<1x16xf32>,
        %get3A_146 = vector.shape_cast %get3A_145 : vector<1x16xf32> to vector<16xf32>
        %max3A_147 = arith.maximumf %get3A_142, %get3A_146 : vector<16xf32>
        %get3A_148 = arith.index_cast %scan3A_102 : i32 to index
        %get3A_149 = arith.constant 16 : index
        %get3A_150 = tpu.vector_load %arg14[%get3A_148, %get3A_149] {strides = array<i32>} : memref<64x128xf32, #tpu.memory_space<vmem>>, vector<1x16xf32>,
        %get3A_151 = vector.shape_cast %get3A_150 : vector<1x16xf32> to vector<16xf32>
        %max3A_152 = arith.maximumf %max3A_147, %get3A_151 : vector<16xf32>
        %get3A_153 = arith.index_cast %scan3A_102 : i32 to index
        %get3A_154 = arith.constant 16 : index
        %get3A_155 = tpu.vector_load %arg15[%get3A_153, %get3A_154] {strides = array<i32>} : memref<64x128xf32, #tpu.memory_space<vmem>>, vector<1x16xf32>,
        %get3A_156 = vector.shape_cast %get3A_155 : vector<1x16xf32> to vector<16xf32>
        %max3A_157 = arith.maximumf %max3A_152, %get3A_156 : vector<16xf32>
        %get3A_158 = arith.index_cast %scan3A_102 : i32 to index
        %get3A_159 = arith.constant 16 : index
        %get3A_160 = tpu.vector_load %arg16[%get3A_158, %get3A_159] {strides = array<i32>} : memref<64x128xf32, #tpu.memory_space<vmem>>, vector<1x16xf32>,
        %get3A_161 = vector.shape_cast %get3A_160 : vector<1x16xf32> to vector<16xf32>
        %max3A_162 = arith.maximumf %max3A_157, %get3A_161 : vector<16xf32>
        %get3A_163 = arith.index_cast %scan3A_102 : i32 to index
        %get3A_164 = arith.constant 16 : index
        %get3A_165 = tpu.vector_load %arg17[%get3A_163, %get3A_164] {strides = array<i32>} : memref<64x128xf32, #tpu.memory_space<vmem>>, vector<1x16xf32>,
        %get3A_166 = vector.shape_cast %get3A_165 : vector<1x16xf32> to vector<16xf32>
        %max3A_167 = arith.maximumf %max3A_162, %get3A_166 : vector<16xf32>
        %get3A_168 = arith.index_cast %scan3A_102 : i32 to index
        %get3A_169 = arith.constant 16 : index
        %get3A_170 = tpu.vector_load %arg18[%get3A_168, %get3A_169] {strides = array<i32>} : memref<64x128xf32, #tpu.memory_space<vmem>>, vector<1x16xf32>,
        %get3A_171 = vector.shape_cast %get3A_170 : vector<1x16xf32> to vector<16xf32>
        %max3A_172 = arith.maximumf %max3A_167, %get3A_171 : vector<16xf32>
        %swap3A_173 = arith.index_cast %scan3A_102 : i32 to index
        %swap3A_174 = arith.constant 16 : index
        %swap3A_175 = tpu.vector_load %arg19[%swap3A_173, %swap3A_174] {strides = array<i32>} : memref<64x96xf32, #tpu.memory_space<vmem>>, vector<1x16xf32>,
        %swap3A_176 = vector.shape_cast %swap3A_175 : vector<1x16xf32> to vector<16xf32>
        %swap3A_177 = vector.shape_cast %max3A_172 : vector<16xf32> to vector<1x16xf32>
        tpu.vector_store %arg19[%swap3A_173, %swap3A_174], %swap3A_177 {strides = array<i32>} : memref<64x96xf32, #tpu.memory_space<vmem>>, vector<1x16xf32>,
        %get3A_178 = arith.index_cast %scan3A_102 : i32 to index
        %get3A_179 = arith.constant 32 : index
        %get3A_180 = tpu.vector_load %arg12[%get3A_178, %get3A_179] {strides = array<i32>} : memref<64x128xf32, #tpu.memory_space<vmem>>, vector<1x16xf32>,
        %get3A_181 = vector.shape_cast %get3A_180 : vector<1x16xf32> to vector<16xf32>
        %get3A_182 = arith.index_cast %scan3A_102 : i32 to index
        %get3A_183 = arith.constant 32 : index
        %get3A_184 = tpu.vector_load %arg13[%get3A_182, %get3A_183] {strides = array<i32>} : memref<64x128xf32, #tpu.memory_space<vmem>>, vector<1x16xf32>,
        %get3A_185 = vector.shape_cast %get3A_184 : vector<1x16xf32> to vector<16xf32>
        %max3A_186 = arith.maximumf %get3A_181, %get3A_185 : vector<16xf32>
        %get3A_187 = arith.index_cast %scan3A_102 : i32 to index
        %get3A_188 = arith.constant 32 : index
        %get3A_189 = tpu.vector_load %arg14[%get3A_187, %get3A_188] {strides = array<i32>} : memref<64x128xf32, #tpu.memory_space<vmem>>, vector<1x16xf32>,
        %get3A_190 = vector.shape_cast %get3A_189 : vector<1x16xf32> to vector<16xf32>
        %max3A_191 = arith.maximumf %max3A_186, %get3A_190 : vector<16xf32>
        %get3A_192 = arith.index_cast %scan3A_102 : i32 to index
        %get3A_193 = arith.constant 32 : index
        %get3A_194 = tpu.vector_load %arg15[%get3A_192, %get3A_193] {strides = array<i32>} : memref<64x128xf32, #tpu.memory_space<vmem>>, vector<1x16xf32>,
        %get3A_195 = vector.shape_cast %get3A_194 : vector<1x16xf32> to vector<16xf32>
        %max3A_196 = arith.maximumf %max3A_191, %get3A_195 : vector<16xf32>
        %get3A_197 = arith.index_cast %scan3A_102 : i32 to index
        %get3A_198 = arith.constant 32 : index
        %get3A_199 = tpu.vector_load %arg16[%get3A_197, %get3A_198] {strides = array<i32>} : memref<64x128xf32, #tpu.memory_space<vmem>>, vector<1x16xf32>,
        %get3A_200 = vector.shape_cast %get3A_199 : vector<1x16xf32> to vector<16xf32>
        %max3A_201 = arith.maximumf %max3A_196, %get3A_200 : vector<16xf32>
        %get3A_202 = arith.index_cast %scan3A_102 : i32 to index
        %get3A_203 = arith.constant 32 : index
        %get3A_204 = tpu.vector_load %arg17[%get3A_202, %get3A_203] {strides = array<i32>} : memref<64x128xf32, #tpu.memory_space<vmem>>, vector<1x16xf32>,
        %get3A_205 = vector.shape_cast %get3A_204 : vector<1x16xf32> to vector<16xf32>
        %max3A_206 = arith.maximumf %max3A_201, %get3A_205 : vector<16xf32>
        %get3A_207 = arith.index_cast %scan3A_102 : i32 to index
        %get3A_208 = arith.constant 32 : index
        %get3A_209 = tpu.vector_load %arg18[%get3A_207, %get3A_208] {strides = array<i32>} : memref<64x128xf32, #tpu.memory_space<vmem>>, vector<1x16xf32>,
        %get3A_210 = vector.shape_cast %get3A_209 : vector<1x16xf32> to vector<16xf32>
        %max3A_211 = arith.maximumf %max3A_206, %get3A_210 : vector<16xf32>
        %swap3A_212 = arith.index_cast %scan3A_102 : i32 to index
        %swap3A_213 = arith.constant 32 : index
        %swap3A_214 = tpu.vector_load %arg19[%swap3A_212, %swap3A_213] {strides = array<i32>} : memref<64x96xf32, #tpu.memory_space<vmem>>, vector<1x16xf32>,
        %swap3A_215 = vector.shape_cast %swap3A_214 : vector<1x16xf32> to vector<16xf32>
        %swap3A_216 = vector.shape_cast %max3A_211 : vector<16xf32> to vector<1x16xf32>
        tpu.vector_store %arg19[%swap3A_212, %swap3A_213], %swap3A_216 {strides = array<i32>} : memref<64x96xf32, #tpu.memory_space<vmem>>, vector<1x16xf32>,
        %get3A_217 = arith.index_cast %scan3A_102 : i32 to index
        %get3A_218 = arith.constant 48 : index
        %get3A_219 = tpu.vector_load %arg12[%get3A_217, %get3A_218] {strides = array<i32>} : memref<64x128xf32, #tpu.memory_space<vmem>>, vector<1x16xf32>,
        %get3A_220 = vector.shape_cast %get3A_219 : vector<1x16xf32> to vector<16xf32>
        %get3A_221 = arith.index_cast %scan3A_102 : i32 to index
        %get3A_222 = arith.constant 48 : index
        %get3A_223 = tpu.vector_load %arg13[%get3A_221, %get3A_222] {strides = array<i32>} : memref<64x128xf32, #tpu.memory_space<vmem>>, vector<1x16xf32>,
        %get3A_224 = vector.shape_cast %get3A_223 : vector<1x16xf32> to vector<16xf32>
        %max3A_225 = arith.maximumf %get3A_220, %get3A_224 : vector<16xf32>
        %get3A_226 = arith.index_cast %scan3A_102 : i32 to index
        %get3A_227 = arith.constant 48 : index
        %get3A_228 = tpu.vector_load %arg14[%get3A_226, %get3A_227] {strides = array<i32>} : memref<64x128xf32, #tpu.memory_space<vmem>>, vector<1x16xf32>,
        %get3A_229 = vector.shape_cast %get3A_228 : vector<1x16xf32> to vector<16xf32>
        %max3A_230 = arith.maximumf %max3A_225, %get3A_229 : vector<16xf32>
        %get3A_231 = arith.index_cast %scan3A_102 : i32 to index
        %get3A_232 = arith.constant 48 : index
        %get3A_233 = tpu.vector_load %arg15[%get3A_231, %get3A_232] {strides = array<i32>} : memref<64x128xf32, #tpu.memory_space<vmem>>, vector<1x16xf32>,
        %get3A_234 = vector.shape_cast %get3A_233 : vector<1x16xf32> to vector<16xf32>
        %max3A_235 = arith.maximumf %max3A_230, %get3A_234 : vector<16xf32>
        %get3A_236 = arith.index_cast %scan3A_102 : i32 to index
        %get3A_237 = arith.constant 48 : index
        %get3A_238 = tpu.vector_load %arg16[%get3A_236, %get3A_237] {strides = array<i32>} : memref<64x128xf32, #tpu.memory_space<vmem>>, vector<1x16xf32>,
        %get3A_239 = vector.shape_cast %get3A_238 : vector<1x16xf32> to vector<16xf32>
        %max3A_240 = arith.maximumf %max3A_235, %get3A_239 : vector<16xf32>
        %get3A_241 = arith.index_cast %scan3A_102 : i32 to index
        %get3A_242 = arith.constant 48 : index
        %get3A_243 = tpu.vector_load %arg17[%get3A_241, %get3A_242] {strides = array<i32>} : memref<64x128xf32, #tpu.memory_space<vmem>>, vector<1x16xf32>,
        %get3A_244 = vector.shape_cast %get3A_243 : vector<1x16xf32> to vector<16xf32>
        %max3A_245 = arith.maximumf %max3A_240, %get3A_244 : vector<16xf32>
        %get3A_246 = arith.index_cast %scan3A_102 : i32 to index
        %get3A_247 = arith.constant 48 : index
        %get3A_248 = tpu.vector_load %arg18[%get3A_246, %get3A_247] {strides = array<i32>} : memref<64x128xf32, #tpu.memory_space<vmem>>, vector<1x16xf32>,
        %get3A_249 = vector.shape_cast %get3A_248 : vector<1x16xf32> to vector<16xf32>
        %max3A_250 = arith.maximumf %max3A_245, %get3A_249 : vector<16xf32>
        %swap3A_251 = arith.index_cast %scan3A_102 : i32 to index
        %swap3A_252 = arith.constant 48 : index
        %swap3A_253 = tpu.vector_load %arg19[%swap3A_251, %swap3A_252] {strides = array<i32>} : memref<64x96xf32, #tpu.memory_space<vmem>>, vector<1x16xf32>,
        %swap3A_254 = vector.shape_cast %swap3A_253 : vector<1x16xf32> to vector<16xf32>
        %swap3A_255 = vector.shape_cast %max3A_250 : vector<16xf32> to vector<1x16xf32>
        tpu.vector_store %arg19[%swap3A_251, %swap3A_252], %swap3A_255 {strides = array<i32>} : memref<64x96xf32, #tpu.memory_space<vmem>>, vector<1x16xf32>,
        %get3A_256 = arith.index_cast %scan3A_102 : i32 to index
        %get3A_257 = arith.constant 64 : index
        %get3A_258 = tpu.vector_load %arg12[%get3A_256, %get3A_257] {strides = array<i32>} : memref<64x128xf32, #tpu.memory_space<vmem>>, vector<1x16xf32>,
        %get3A_259 = vector.shape_cast %get3A_258 : vector<1x16xf32> to vector<16xf32>
        %get3A_260 = arith.index_cast %scan3A_102 : i32 to index
        %get3A_261 = arith.constant 64 : index
        %get3A_262 = tpu.vector_load %arg13[%get3A_260, %get3A_261] {strides = array<i32>} : memref<64x128xf32, #tpu.memory_space<vmem>>, vector<1x16xf32>,
        %get3A_263 = vector.shape_cast %get3A_262 : vector<1x16xf32> to vector<16xf32>
        %max3A_264 = arith.maximumf %get3A_259, %get3A_263 : vector<16xf32>
        %get3A_265 = arith.index_cast %scan3A_102 : i32 to index
        %get3A_266 = arith.constant 64 : index
        %get3A_267 = tpu.vector_load %arg14[%get3A_265, %get3A_266] {strides = array<i32>} : memref<64x128xf32, #tpu.memory_space<vmem>>, vector<1x16xf32>,
        %get3A_268 = vector.shape_cast %get3A_267 : vector<1x16xf32> to vector<16xf32>
        %max3A_269 = arith.maximumf %max3A_264, %get3A_268 : vector<16xf32>
        %get3A_270 = arith.index_cast %scan3A_102 : i32 to index
        %get3A_271 = arith.constant 64 : index
        %get3A_272 = tpu.vector_load %arg15[%get3A_270, %get3A_271] {strides = array<i32>} : memref<64x128xf32, #tpu.memory_space<vmem>>, vector<1x16xf32>,
        %get3A_273 = vector.shape_cast %get3A_272 : vector<1x16xf32> to vector<16xf32>
        %max3A_274 = arith.maximumf %max3A_269, %get3A_273 : vector<16xf32>
        %get3A_275 = arith.index_cast %scan3A_102 : i32 to index
        %get3A_276 = arith.constant 64 : index
        %get3A_277 = tpu.vector_load %arg16[%get3A_275, %get3A_276] {strides = array<i32>} : memref<64x128xf32, #tpu.memory_space<vmem>>, vector<1x16xf32>,
        %get3A_278 = vector.shape_cast %get3A_277 : vector<1x16xf32> to vector<16xf32>
        %max3A_279 = arith.maximumf %max3A_274, %get3A_278 : vector<16xf32>
        %get3A_280 = arith.index_cast %scan3A_102 : i32 to index
        %get3A_281 = arith.constant 64 : index
        %get3A_282 = tpu.vector_load %arg17[%get3A_280, %get3A_281] {strides = array<i32>} : memref<64x128xf32, #tpu.memory_space<vmem>>, vector<1x16xf32>,
        %get3A_283 = vector.shape_cast %get3A_282 : vector<1x16xf32> to vector<16xf32>
        %max3A_284 = arith.maximumf %max3A_279, %get3A_283 : vector<16xf32>
        %get3A_285 = arith.index_cast %scan3A_102 : i32 to index
        %get3A_286 = arith.constant 64 : index
        %get3A_287 = tpu.vector_load %arg18[%get3A_285, %get3A_286] {strides = array<i32>} : memref<64x128xf32, #tpu.memory_space<vmem>>, vector<1x16xf32>,
        %get3A_288 = vector.shape_cast %get3A_287 : vector<1x16xf32> to vector<16xf32>
        %max3A_289 = arith.maximumf %max3A_284, %get3A_288 : vector<16xf32>
        %swap3A_290 = arith.index_cast %scan3A_102 : i32 to index
        %swap3A_291 = arith.constant 64 : index
        %swap3A_292 = tpu.vector_load %arg19[%swap3A_290, %swap3A_291] {strides = array<i32>} : memref<64x96xf32, #tpu.memory_space<vmem>>, vector<1x16xf32>,
        %swap3A_293 = vector.shape_cast %swap3A_292 : vector<1x16xf32> to vector<16xf32>
        %swap3A_294 = vector.shape_cast %max3A_289 : vector<16xf32> to vector<1x16xf32>
        tpu.vector_store %arg19[%swap3A_290, %swap3A_291], %swap3A_294 {strides = array<i32>} : memref<64x96xf32, #tpu.memory_space<vmem>>, vector<1x16xf32>,
        %get3A_295 = arith.index_cast %scan3A_102 : i32 to index
        %get3A_296 = arith.constant 80 : index
        %get3A_297 = tpu.vector_load %arg12[%get3A_295, %get3A_296] {strides = array<i32>} : memref<64x128xf32, #tpu.memory_space<vmem>>, vector<1x16xf32>,
        %get3A_298 = vector.shape_cast %get3A_297 : vector<1x16xf32> to vector<16xf32>
        %get3A_299 = arith.index_cast %scan3A_102 : i32 to index
        %get3A_300 = arith.constant 80 : index
        %get3A_301 = tpu.vector_load %arg13[%get3A_299, %get3A_300] {strides = array<i32>} : memref<64x128xf32, #tpu.memory_space<vmem>>, vector<1x16xf32>,
        %get3A_302 = vector.shape_cast %get3A_301 : vector<1x16xf32> to vector<16xf32>
        %max3A_303 = arith.maximumf %get3A_298, %get3A_302 : vector<16xf32>
        %get3A_304 = arith.index_cast %scan3A_102 : i32 to index
        %get3A_305 = arith.constant 80 : index
        %get3A_306 = tpu.vector_load %arg14[%get3A_304, %get3A_305] {strides = array<i32>} : memref<64x128xf32, #tpu.memory_space<vmem>>, vector<1x16xf32>,
        %get3A_307 = vector.shape_cast %get3A_306 : vector<1x16xf32> to vector<16xf32>
        %max3A_308 = arith.maximumf %max3A_303, %get3A_307 : vector<16xf32>
        %get3A_309 = arith.index_cast %scan3A_102 : i32 to index
        %get3A_310 = arith.constant 80 : index
        %get3A_311 = tpu.vector_load %arg15[%get3A_309, %get3A_310] {strides = array<i32>} : memref<64x128xf32, #tpu.memory_space<vmem>>, vector<1x16xf32>,
        %get3A_312 = vector.shape_cast %get3A_311 : vector<1x16xf32> to vector<16xf32>
        %max3A_313 = arith.maximumf %max3A_308, %get3A_312 : vector<16xf32>
        %get3A_314 = arith.index_cast %scan3A_102 : i32 to index
        %get3A_315 = arith.constant 80 : index
        %get3A_316 = tpu.vector_load %arg16[%get3A_314, %get3A_315] {strides = array<i32>} : memref<64x128xf32, #tpu.memory_space<vmem>>, vector<1x16xf32>,
        %get3A_317 = vector.shape_cast %get3A_316 : vector<1x16xf32> to vector<16xf32>
        %max3A_318 = arith.maximumf %max3A_313, %get3A_317 : vector<16xf32>
        %get3A_319 = arith.index_cast %scan3A_102 : i32 to index
        %get3A_320 = arith.constant 80 : index
        %get3A_321 = tpu.vector_load %arg17[%get3A_319, %get3A_320] {strides = array<i32>} : memref<64x128xf32, #tpu.memory_space<vmem>>, vector<1x16xf32>,
        %get3A_322 = vector.shape_cast %get3A_321 : vector<1x16xf32> to vector<16xf32>
        %max3A_323 = arith.maximumf %max3A_318, %get3A_322 : vector<16xf32>
        %get3A_324 = arith.index_cast %scan3A_102 : i32 to index
        %get3A_325 = arith.constant 80 : index
        %get3A_326 = tpu.vector_load %arg18[%get3A_324, %get3A_325] {strides = array<i32>} : memref<64x128xf32, #tpu.memory_space<vmem>>, vector<1x16xf32>,
        %get3A_327 = vector.shape_cast %get3A_326 : vector<1x16xf32> to vector<16xf32>
        %max3A_328 = arith.maximumf %max3A_323, %get3A_327 : vector<16xf32>
        %swap3A_329 = arith.index_cast %scan3A_102 : i32 to index
        %swap3A_330 = arith.constant 80 : index
        %swap3A_331 = tpu.vector_load %arg19[%swap3A_329, %swap3A_330] {strides = array<i32>} : memref<64x96xf32, #tpu.memory_space<vmem>>, vector<1x16xf32>,
        %swap3A_332 = vector.shape_cast %swap3A_331 : vector<1x16xf32> to vector<16xf32>
        %swap3A_333 = vector.shape_cast %max3A_328 : vector<16xf32> to vector<1x16xf32>
        tpu.vector_store %arg19[%swap3A_329, %swap3A_330], %swap3A_333 {strides = array<i32>} : memref<64x96xf32, #tpu.memory_space<vmem>>, vector<1x16xf32>,
      }
      %scan3A_101 = arith.constant 64 : i32
      "tpu.region"() ({
        %run_scoped3A = tpu.sem_alloc : memref<!tpu.dma_semaphore, #tpu.memory_space<semaphore_mem>>
        %dma_start3A_102 = arith.constant 0 : i32
        %dma_start3A_103 = tpu.memref_slice %arg4[%add3A_11, %dma_start3A_102] : memref<16384x96xf32, #tpu.memory_space<hbm>> -> memref<64x96xf32, #tpu.memory_space<hbm>>
        %dma_start3A_104 = arith.constant 0 : i32
        %dma_start3A_105 = tpu.memref_slice %arg4[%add3A_11, %dma_start3A_104] : memref<16384x96xf32, #tpu.memory_space<hbm>> -> memref<64x96xf32, #tpu.memory_space<hbm>>
        tpu.enqueue_dma source(%arg19 : memref<64x96xf32, #tpu.memory_space<vmem>>) target(%dma_start3A_105 : memref<64x96xf32, #tpu.memory_space<hbm>>) target_semaphore(%run_scoped3A : memref<!tpu.dma_semaphore, #tpu.memory_space<semaphore_mem>>)
        %dma_wait3A_106 = arith.constant 0 : i32
        %dma_wait3A_107 = tpu.memref_slice %arg4[%add3A_11, %dma_wait3A_106] : memref<16384x96xf32, #tpu.memory_space<hbm>> -> memref<64x96xf32, #tpu.memory_space<hbm>>
        %dma_wait3A_108 = arith.constant 0 : i32
        %dma_wait3A_109 = tpu.memref_slice %arg4[%add3A_11, %dma_wait3A_108] : memref<16384x96xf32, #tpu.memory_space<hbm>> -> memref<64x96xf32, #tpu.memory_space<hbm>>
        tpu.wait_dma2 semaphore(%run_scoped3A : memref<!tpu.dma_semaphore, #tpu.memory_space<semaphore_mem>>) src(%arg19 : memref<64x96xf32, #tpu.memory_space<vmem>>) dst(%dma_wait3A_109 : memref<64x96xf32, #tpu.memory_space<hbm>>)
        tpu.yield
      }) : () -> ()
    }
    %scan3A_5 = arith.constant 8 : i32
    return
  }
}

module attributes {stable_mosaic.version = 14 : i64} {
  func.func @_fc_stats_body(%arg0: i32, %arg1: memref<1x96x1024xf32, #tpu.memory_space<vmem>>, %arg2: memref<96x96xf32, #tpu.memory_space<vmem>>, %arg3: memref<96x1xf32, #tpu.memory_space<vmem>>, %arg4: memref<1x96x1024xf32, #tpu.memory_space<vmem>>, %arg5: memref<96x128xf32, #tpu.memory_space<vmem>>) attributes {dimension_semantics = [#tpu.dimension_semantics<arbitrary>], iteration_bounds = array<i64: 16>, scalar_prefetch = 0 : i64, scratch_operands = 0 : i64, tpu.core_type = #tpu.core_type<tc>, window_params = [{transform_indices = @transform_0, window_bounds = array<i64: 1, 96, 1024>}, {pipeline_mode = #tpu.pipeline_mode<synchronous>, transform_indices = @transform_1, window_bounds = array<i64: 96, 96>}, {pipeline_mode = #tpu.pipeline_mode<synchronous>, transform_indices = @transform_2, window_bounds = array<i64: 96, 1>}, {transform_indices = @transform_3, window_bounds = array<i64: 1, 96, 1024>}, {pipeline_mode = #tpu.pipeline_mode<synchronous>, transform_indices = @transform_4, window_bounds = array<i64: 96, 128>}]} {
    %get3A = arith.constant 0 : index
    %get3A_0 = arith.constant 0 : index
    %get3A_1 = vector.load %arg2[%get3A, %get3A_0] : memref<96x96xf32, #tpu.memory_space<vmem>>, vector<96x96xf32>
    %get3A_2 = arith.constant 0 : index
    %get3A_3 = arith.constant 0 : index
    %get3A_4 = arith.constant 0 : index
    %get3A_5 = vector.load %arg1[%get3A_2, %get3A_3, %get3A_4] : memref<1x96x1024xf32, #tpu.memory_space<vmem>>, vector<1x96x1024xf32>
    %get3A_6 = vector.shape_cast %get3A_5 : vector<1x96x1024xf32> to vector<96x1024xf32>
    %dot_general3A = arith.constant dense<0.000000e+00> : vector<96x1024xf32>
    %dot_general3A_7 = tpu.matmul %get3A_1, %get3A_6, %dot_general3A {dimension_numbers = #tpu.dot_dimension_numbers<[1], [0], [0], [1], [0, 0, 1, 1], [], []>, transpose_lhs_hint = false} : vector<96x96xf32>, vector<96x1024xf32>, vector<96x1024xf32> -> vector<96x1024xf32>
    %get3A_8 = arith.constant 0 : index
    %get3A_9 = arith.constant 0 : index
    %get3A_10 = vector.load %arg3[%get3A_8, %get3A_9] : memref<96x1xf32, #tpu.memory_space<vmem>>, vector<96x1xf32>
    %add3A = vector.broadcast %get3A_10 : vector<96x1xf32> to vector<96x1024xf32>
    %add3A_11 = arith.addf %dot_general3A_7, %add3A : vector<96x1024xf32>
    %swap3A = arith.constant 0 : index
    %swap3A_12 = arith.constant 0 : index
    %swap3A_13 = arith.constant 0 : index
    %swap3A_14 = vector.load %arg4[%swap3A, %swap3A_12, %swap3A_13] : memref<1x96x1024xf32, #tpu.memory_space<vmem>>, vector<1x96x1024xf32>
    %swap3A_15 = vector.shape_cast %swap3A_14 : vector<1x96x1024xf32> to vector<96x1024xf32>
    %swap3A_16 = vector.shape_cast %add3A_11 : vector<96x1024xf32> to vector<1x96x1024xf32>
    tpu.vector_store %arg4[%swap3A, %swap3A_12, %swap3A_13], %swap3A_16 {strides = array<i32>} : memref<1x96x1024xf32, #tpu.memory_space<vmem>>, vector<1x96x1024xf32>,
    %eq3A = arith.constant 0 : i32
    %eq3A_17 = arith.cmpi eq, %arg0, %eq3A : i32
    %convert_element_type3A = arith.extui %eq3A_17 : i1 to i32
    %cond3A = arith.constant 0 : i32
    %cond3A_18 = arith.cmpi ne, %convert_element_type3A, %cond3A : i32
    scf.if %cond3A_18 {
      %broadcast_in_dim3A = arith.constant 0.000000e+00 : f32
      %broadcast_in_dim3A_40 = vector.broadcast %broadcast_in_dim3A : f32 to vector<96x128xf32>
      %swap3A_41 = arith.constant 0 : index
      %swap3A_42 = arith.constant 0 : index
      %swap3A_43 = vector.load %arg5[%swap3A_41, %swap3A_42] : memref<96x128xf32, #tpu.memory_space<vmem>>, vector<96x128xf32>
      tpu.vector_store %arg5[%swap3A_41, %swap3A_42], %broadcast_in_dim3A_40 {strides = array<i32>} : memref<96x128xf32, #tpu.memory_space<vmem>>, vector<96x128xf32>,
    } else {
    }
    %get3A_19 = arith.constant 0 : index
    %get3A_20 = arith.constant 0 : index
    %get3A_21 = vector.load %arg5[%get3A_19, %get3A_20] : memref<96x128xf32, #tpu.memory_space<vmem>>, vector<96x128xf32>
    %slice3A = vector.extract_strided_slice %add3A_11 {offsets = [0, 0], sizes = [96, 128], strides = [1, 1]} : vector<96x1024xf32> to vector<96x128xf32>
    %add3A_22 = arith.addf %get3A_21, %slice3A : vector<96x128xf32>
    %slice3A_23 = vector.extract_strided_slice %add3A_11 {offsets = [0, 128], sizes = [96, 128], strides = [1, 1]} : vector<96x1024xf32> to vector<96x128xf32>
    %add3A_24 = arith.addf %add3A_22, %slice3A_23 : vector<96x128xf32>
    %slice3A_25 = vector.extract_strided_slice %add3A_11 {offsets = [0, 256], sizes = [96, 128], strides = [1, 1]} : vector<96x1024xf32> to vector<96x128xf32>
    %add3A_26 = arith.addf %add3A_24, %slice3A_25 : vector<96x128xf32>
    %slice3A_27 = vector.extract_strided_slice %add3A_11 {offsets = [0, 384], sizes = [96, 128], strides = [1, 1]} : vector<96x1024xf32> to vector<96x128xf32>
    %add3A_28 = arith.addf %add3A_26, %slice3A_27 : vector<96x128xf32>
    %slice3A_29 = vector.extract_strided_slice %add3A_11 {offsets = [0, 512], sizes = [96, 128], strides = [1, 1]} : vector<96x1024xf32> to vector<96x128xf32>
    %add3A_30 = arith.addf %add3A_28, %slice3A_29 : vector<96x128xf32>
    %slice3A_31 = vector.extract_strided_slice %add3A_11 {offsets = [0, 640], sizes = [96, 128], strides = [1, 1]} : vector<96x1024xf32> to vector<96x128xf32>
    %add3A_32 = arith.addf %add3A_30, %slice3A_31 : vector<96x128xf32>
    %slice3A_33 = vector.extract_strided_slice %add3A_11 {offsets = [0, 768], sizes = [96, 128], strides = [1, 1]} : vector<96x1024xf32> to vector<96x128xf32>
    %add3A_34 = arith.addf %add3A_32, %slice3A_33 : vector<96x128xf32>
    %slice3A_35 = vector.extract_strided_slice %add3A_11 {offsets = [0, 896], sizes = [96, 128], strides = [1, 1]} : vector<96x1024xf32> to vector<96x128xf32>
    %add3A_36 = arith.addf %add3A_34, %slice3A_35 : vector<96x128xf32>
    %swap3A_37 = arith.constant 0 : index
    %swap3A_38 = arith.constant 0 : index
    %swap3A_39 = vector.load %arg5[%swap3A_37, %swap3A_38] : memref<96x128xf32, #tpu.memory_space<vmem>>, vector<96x128xf32>
    tpu.vector_store %arg5[%swap3A_37, %swap3A_38], %add3A_36 {strides = array<i32>} : memref<96x128xf32, #tpu.memory_space<vmem>>, vector<96x128xf32>,
    return
  }
  func.func @transform_0(%arg0: i32) -> (i32, i32, i32) {
    %c0_i32 = arith.constant 0 : i32
    %c0_i32_0 = arith.constant 0 : i32
    %c0_i32_1 = arith.constant 0 : i32
    return %arg0, %c0_i32, %c0_i32_0 : i32, i32, i32
  }
  func.func @transform_1(%arg0: i32) -> (i32, i32) {
    %c0_i32 = arith.constant 0 : i32
    %c0_i32_0 = arith.constant 0 : i32
    %c0_i32_1 = arith.constant 0 : i32
    return %c0_i32, %c0_i32_0 : i32, i32
  }
  func.func @transform_2(%arg0: i32) -> (i32, i32) {
    %c0_i32 = arith.constant 0 : i32
    %c0_i32_0 = arith.constant 0 : i32
    %c0_i32_1 = arith.constant 0 : i32
    return %c0_i32, %c0_i32_0 : i32, i32
  }
  func.func @transform_3(%arg0: i32) -> (i32, i32, i32) {
    %c0_i32 = arith.constant 0 : i32
    %c0_i32_0 = arith.constant 0 : i32
    %c0_i32_1 = arith.constant 0 : i32
    return %arg0, %c0_i32, %c0_i32_0 : i32, i32, i32
  }
  func.func @transform_4(%arg0: i32) -> (i32, i32) {
    %c0_i32 = arith.constant 0 : i32
    %c0_i32_0 = arith.constant 0 : i32
    %c0_i32_1 = arith.constant 0 : i32
    return %c0_i32, %c0_i32_0 : i32, i32
  }
}

module attributes {stable_mosaic.version = 14 : i64} {
  func.func @_center_var_body(%arg0: i32, %arg1: memref<1x96x1024xf32, #tpu.memory_space<vmem>>, %arg2: memref<96x128xf32, #tpu.memory_space<vmem>>, %arg3: memref<96x128xf32, #tpu.memory_space<vmem>>) attributes {dimension_semantics = [#tpu.dimension_semantics<arbitrary>], iteration_bounds = array<i64: 16>, scalar_prefetch = 0 : i64, scratch_operands = 0 : i64, tpu.core_type = #tpu.core_type<tc>, window_params = [{transform_indices = @transform_0, window_bounds = array<i64: 1, 96, 1024>}, {pipeline_mode = #tpu.pipeline_mode<synchronous>, transform_indices = @transform_1, window_bounds = array<i64: 96, 128>}, {pipeline_mode = #tpu.pipeline_mode<synchronous>, transform_indices = @transform_2, window_bounds = array<i64: 96, 128>}]} {
    %get3A = arith.constant 0 : index
    %get3A_0 = arith.constant 0 : index
    %get3A_1 = vector.load %arg2[%get3A, %get3A_0] : memref<96x128xf32, #tpu.memory_space<vmem>>, vector<96x128xf32>
    %reduce_sum3A = arith.constant dense<0.000000e+00> : vector<96xf32>
    %reduce_sum3A_2 = vector.multi_reduction <add>, %get3A_1, %reduce_sum3A [1] : vector<96x128xf32> to vector<96xf32>
    %broadcast_in_dim3A = vector.shape_cast %reduce_sum3A_2 : vector<96xf32> to vector<96x1xf32>
    %div3A = arith.constant 1.638400e+04 : f32
    %div3A_3 = vector.broadcast %div3A : f32 to vector<96x1xf32>
    %div3A_4 = arith.divf %broadcast_in_dim3A, %div3A_3 : vector<96x1xf32>
    %get3A_5 = arith.constant 0 : index
    %get3A_6 = arith.constant 0 : index
    %get3A_7 = arith.constant 0 : index
    %get3A_8 = vector.load %arg1[%get3A_5, %get3A_6, %get3A_7] : memref<1x96x1024xf32, #tpu.memory_space<vmem>>, vector<1x96x1024xf32>
    %get3A_9 = vector.shape_cast %get3A_8 : vector<1x96x1024xf32> to vector<96x1024xf32>
    %sub3A = vector.broadcast %div3A_4 : vector<96x1xf32> to vector<96x1024xf32>
    %sub3A_10 = arith.subf %get3A_9, %sub3A : vector<96x1024xf32>
    %mul3A = arith.mulf %sub3A_10, %sub3A_10 : vector<96x1024xf32>
    %eq3A = arith.constant 0 : i32
    %eq3A_11 = arith.cmpi eq, %arg0, %eq3A : i32
    %convert_element_type3A = arith.extui %eq3A_11 : i1 to i32
    %cond3A = arith.constant 0 : i32
    %cond3A_12 = arith.cmpi ne, %convert_element_type3A, %cond3A : i32
    scf.if %cond3A_12 {
      %broadcast_in_dim3A_32 = arith.constant 0.000000e+00 : f32
      %broadcast_in_dim3A_33 = vector.broadcast %broadcast_in_dim3A_32 : f32 to vector<96x128xf32>
      %swap3A_34 = arith.constant 0 : index
      %swap3A_35 = arith.constant 0 : index
      %swap3A_36 = vector.load %arg3[%swap3A_34, %swap3A_35] : memref<96x128xf32, #tpu.memory_space<vmem>>, vector<96x128xf32>
      tpu.vector_store %arg3[%swap3A_34, %swap3A_35], %broadcast_in_dim3A_33 {strides = array<i32>} : memref<96x128xf32, #tpu.memory_space<vmem>>, vector<96x128xf32>,
    } else {
    }
    %get3A_13 = arith.constant 0 : index
    %get3A_14 = arith.constant 0 : index
    %get3A_15 = vector.load %arg3[%get3A_13, %get3A_14] : memref<96x128xf32, #tpu.memory_space<vmem>>, vector<96x128xf32>
    %slice3A = vector.extract_strided_slice %mul3A {offsets = [0, 0], sizes = [96, 128], strides = [1, 1]} : vector<96x1024xf32> to vector<96x128xf32>
    %add3A = arith.addf %get3A_15, %slice3A : vector<96x128xf32>
    %slice3A_16 = vector.extract_strided_slice %mul3A {offsets = [0, 128], sizes = [96, 128], strides = [1, 1]} : vector<96x1024xf32> to vector<96x128xf32>
    %add3A_17 = arith.addf %add3A, %slice3A_16 : vector<96x128xf32>
    %slice3A_18 = vector.extract_strided_slice %mul3A {offsets = [0, 256], sizes = [96, 128], strides = [1, 1]} : vector<96x1024xf32> to vector<96x128xf32>
    %add3A_19 = arith.addf %add3A_17, %slice3A_18 : vector<96x128xf32>
    %slice3A_20 = vector.extract_strided_slice %mul3A {offsets = [0, 384], sizes = [96, 128], strides = [1, 1]} : vector<96x1024xf32> to vector<96x128xf32>
    %add3A_21 = arith.addf %add3A_19, %slice3A_20 : vector<96x128xf32>
    %slice3A_22 = vector.extract_strided_slice %mul3A {offsets = [0, 512], sizes = [96, 128], strides = [1, 1]} : vector<96x1024xf32> to vector<96x128xf32>
    %add3A_23 = arith.addf %add3A_21, %slice3A_22 : vector<96x128xf32>
    %slice3A_24 = vector.extract_strided_slice %mul3A {offsets = [0, 640], sizes = [96, 128], strides = [1, 1]} : vector<96x1024xf32> to vector<96x128xf32>
    %add3A_25 = arith.addf %add3A_23, %slice3A_24 : vector<96x128xf32>
    %slice3A_26 = vector.extract_strided_slice %mul3A {offsets = [0, 768], sizes = [96, 128], strides = [1, 1]} : vector<96x1024xf32> to vector<96x128xf32>
    %add3A_27 = arith.addf %add3A_25, %slice3A_26 : vector<96x128xf32>
    %slice3A_28 = vector.extract_strided_slice %mul3A {offsets = [0, 896], sizes = [96, 128], strides = [1, 1]} : vector<96x1024xf32> to vector<96x128xf32>
    %add3A_29 = arith.addf %add3A_27, %slice3A_28 : vector<96x128xf32>
    %swap3A = arith.constant 0 : index
    %swap3A_30 = arith.constant 0 : index
    %swap3A_31 = vector.load %arg3[%swap3A, %swap3A_30] : memref<96x128xf32, #tpu.memory_space<vmem>>, vector<96x128xf32>
    tpu.vector_store %arg3[%swap3A, %swap3A_30], %add3A_29 {strides = array<i32>} : memref<96x128xf32, #tpu.memory_space<vmem>>, vector<96x128xf32>,
    return
  }
  func.func @transform_0(%arg0: i32) -> (i32, i32, i32) {
    %c0_i32 = arith.constant 0 : i32
    %c0_i32_0 = arith.constant 0 : i32
    %c0_i32_1 = arith.constant 0 : i32
    return %arg0, %c0_i32, %c0_i32_0 : i32, i32, i32
  }
  func.func @transform_1(%arg0: i32) -> (i32, i32) {
    %c0_i32 = arith.constant 0 : i32
    %c0_i32_0 = arith.constant 0 : i32
    %c0_i32_1 = arith.constant 0 : i32
    return %c0_i32, %c0_i32_0 : i32, i32
  }
  func.func @transform_2(%arg0: i32) -> (i32, i32) {
    %c0_i32 = arith.constant 0 : i32
    %c0_i32_0 = arith.constant 0 : i32
    %c0_i32_1 = arith.constant 0 : i32
    return %c0_i32, %c0_i32_0 : i32, i32
  }
}

module attributes {stable_mosaic.version = 14 : i64} {
  func.func @_knn_body(%arg0: i32, %arg1: memref<1x96x1024xf32, #tpu.memory_space<vmem>>, %arg2: memref<96x128xf32, #tpu.memory_space<vmem>>, %arg3: memref<96x128xf32, #tpu.memory_space<vmem>>, %arg4: memref<96x1xf32, #tpu.memory_space<vmem>>, %arg5: memref<96x1xf32, #tpu.memory_space<vmem>>, %arg6: memref<1x1024x1024xf32, #tpu.memory_space<vmem>>, %arg7: memref<1x96x1024xf32, #tpu.memory_space<vmem>>, %arg8: memref<1x1024x128xf32, #tpu.memory_space<vmem>>, %arg9: memref<1x1024x8xi32, #tpu.memory_space<vmem>>) attributes {dimension_semantics = [#tpu.dimension_semantics<arbitrary>], iteration_bounds = array<i64: 16>, scalar_prefetch = 0 : i64, scratch_operands = 0 : i64, tpu.core_type = #tpu.core_type<tc>, window_params = [{transform_indices = @transform_0, window_bounds = array<i64: 1, 96, 1024>}, {pipeline_mode = #tpu.pipeline_mode<synchronous>, transform_indices = @transform_1, window_bounds = array<i64: 96, 128>}, {pipeline_mode = #tpu.pipeline_mode<synchronous>, transform_indices = @transform_2, window_bounds = array<i64: 96, 128>}, {pipeline_mode = #tpu.pipeline_mode<synchronous>, transform_indices = @transform_3, window_bounds = array<i64: 96, 1>}, {pipeline_mode = #tpu.pipeline_mode<synchronous>, transform_indices = @transform_4, window_bounds = array<i64: 96, 1>}, {pipeline_mode = #tpu.pipeline_mode<synchronous>, transform_indices = @transform_5, window_bounds = array<i64: 1, 1024, 1024>}, {transform_indices = @transform_6, window_bounds = array<i64: 1, 96, 1024>}, {transform_indices = @transform_7, window_bounds = array<i64: 1, 1024, 128>}, {transform_indices = @transform_8, window_bounds = array<i64: 1, 1024, 8>}]} {
    %get3A = arith.constant 0 : index
    %get3A_0 = arith.constant 0 : index
    %get3A_1 = vector.load %arg2[%get3A, %get3A_0] : memref<96x128xf32, #tpu.memory_space<vmem>>, vector<96x128xf32>
    %reduce_sum3A = arith.constant dense<0.000000e+00> : vector<96xf32>
    %reduce_sum3A_2 = vector.multi_reduction <add>, %get3A_1, %reduce_sum3A [1] : vector<96x128xf32> to vector<96xf32>
    %broadcast_in_dim3A = vector.shape_cast %reduce_sum3A_2 : vector<96xf32> to vector<96x1xf32>
    %div3A = arith.constant 1.638400e+04 : f32
    %div3A_3 = vector.broadcast %div3A : f32 to vector<96x1xf32>
    %div3A_4 = arith.divf %broadcast_in_dim3A, %div3A_3 : vector<96x1xf32>
    %get3A_5 = arith.constant 0 : index
    %get3A_6 = arith.constant 0 : index
    %get3A_7 = vector.load %arg3[%get3A_5, %get3A_6] : memref<96x128xf32, #tpu.memory_space<vmem>>, vector<96x128xf32>
    %reduce_sum3A_8 = arith.constant dense<0.000000e+00> : vector<96xf32>
    %reduce_sum3A_9 = vector.multi_reduction <add>, %get3A_7, %reduce_sum3A_8 [1] : vector<96x128xf32> to vector<96xf32>
    %broadcast_in_dim3A_10 = vector.shape_cast %reduce_sum3A_9 : vector<96xf32> to vector<96x1xf32>
    %div3A_11 = arith.constant 1.638400e+04 : f32
    %div3A_12 = vector.broadcast %div3A_11 : f32 to vector<96x1xf32>
    %div3A_13 = arith.divf %broadcast_in_dim3A_10, %div3A_12 : vector<96x1xf32>
    %get3A_14 = arith.constant 0 : index
    %get3A_15 = arith.constant 0 : index
    %get3A_16 = arith.constant 0 : index
    %get3A_17 = vector.load %arg1[%get3A_14, %get3A_15, %get3A_16] : memref<1x96x1024xf32, #tpu.memory_space<vmem>>, vector<1x96x1024xf32>
    %get3A_18 = vector.shape_cast %get3A_17 : vector<1x96x1024xf32> to vector<96x1024xf32>
    %sub3A = vector.broadcast %div3A_4 : vector<96x1xf32> to vector<96x1024xf32>
    %sub3A_19 = arith.subf %get3A_18, %sub3A : vector<96x1024xf32>
    %add3A = arith.constant 9.99999974E-6 : f32
    %add3A_20 = vector.broadcast %add3A : f32 to vector<96x1xf32>
    %add3A_21 = arith.addf %div3A_13, %add3A_20 : vector<96x1xf32>
    %sqrt3A = math.sqrt %add3A_21 : vector<96x1xf32>
    %div3A_22 = arith.constant 1.000000e+00 : f32
    %div3A_23 = vector.broadcast %div3A_22 : f32 to vector<96x1xf32>
    %div3A_24 = arith.divf %div3A_23, %sqrt3A : vector<96x1xf32>
    %mul3A = vector.broadcast %div3A_24 : vector<96x1xf32> to vector<96x1024xf32>
    %mul3A_25 = arith.mulf %sub3A_19, %mul3A : vector<96x1024xf32>
    %get3A_26 = arith.constant 0 : index
    %get3A_27 = arith.constant 0 : index
    %get3A_28 = vector.load %arg4[%get3A_26, %get3A_27] : memref<96x1xf32, #tpu.memory_space<vmem>>, vector<96x1xf32>
    %mul3A_29 = vector.broadcast %get3A_28 : vector<96x1xf32> to vector<96x1024xf32>
    %mul3A_30 = arith.mulf %mul3A_25, %mul3A_29 : vector<96x1024xf32>
    %get3A_31 = arith.constant 0 : index
    %get3A_32 = arith.constant 0 : index
    %get3A_33 = vector.load %arg5[%get3A_31, %get3A_32] : memref<96x1xf32, #tpu.memory_space<vmem>>, vector<96x1xf32>
    %add3A_34 = vector.broadcast %get3A_33 : vector<96x1xf32> to vector<96x1024xf32>
    %add3A_35 = arith.addf %mul3A_30, %add3A_34 : vector<96x1024xf32>
    %swap3A = arith.constant 0 : index
    %swap3A_36 = arith.constant 0 : index
    %swap3A_37 = arith.constant 0 : index
    %swap3A_38 = vector.load %arg7[%swap3A, %swap3A_36, %swap3A_37] : memref<1x96x1024xf32, #tpu.memory_space<vmem>>, vector<1x96x1024xf32>
    %swap3A_39 = vector.shape_cast %swap3A_38 : vector<1x96x1024xf32> to vector<96x1024xf32>
    %swap3A_40 = vector.shape_cast %add3A_35 : vector<96x1024xf32> to vector<1x96x1024xf32>
    tpu.vector_store %arg7[%swap3A, %swap3A_36, %swap3A_37], %swap3A_40 {strides = array<i32>} : memref<1x96x1024xf32, #tpu.memory_space<vmem>>, vector<1x96x1024xf32>,
    %transpose3A = tpu.transpose %add3A_35, [1, 0] : vector<96x1024xf32> -> vector<1024x96xf32>
    %broadcast_in_dim3A_41 = arith.constant 0.000000e+00 : f32
    %broadcast_in_dim3A_42 = vector.broadcast %broadcast_in_dim3A_41 : f32 to vector<1024x32xf32>
    %concatenate3A = tpu.concatenate %transpose3A, %broadcast_in_dim3A_42 in 1 : vector<1024x96xf32>, vector<1024x32xf32> -> vector<1024x128xf32>
    %swap3A_43 = arith.constant 0 : index
    %swap3A_44 = arith.constant 0 : index
    %swap3A_45 = arith.constant 0 : index
    %swap3A_46 = vector.load %arg8[%swap3A_43, %swap3A_44, %swap3A_45] : memref<1x1024x128xf32, #tpu.memory_space<vmem>>, vector<1x1024x128xf32>
    %swap3A_47 = vector.shape_cast %swap3A_46 : vector<1x1024x128xf32> to vector<1024x128xf32>
    %swap3A_48 = vector.shape_cast %concatenate3A : vector<1024x128xf32> to vector<1x1024x128xf32>
    tpu.vector_store %arg8[%swap3A_43, %swap3A_44, %swap3A_45], %swap3A_48 {strides = array<i32>} : memref<1x1024x128xf32, #tpu.memory_space<vmem>>, vector<1x1024x128xf32>,
    %mul3A_49 = arith.mulf %add3A_35, %add3A_35 : vector<96x1024xf32>
    %reduce_sum3A_50 = arith.constant dense<0.000000e+00> : vector<1024xf32>
    %reduce_sum3A_51 = vector.multi_reduction <add>, %mul3A_49, %reduce_sum3A_50 [0] : vector<96x1024xf32> to vector<1024xf32>
    %broadcast_in_dim3A_52 = vector.shape_cast %reduce_sum3A_51 : vector<1024xf32> to vector<1x1024xf32>
    %sqrt3A_53 = math.sqrt %broadcast_in_dim3A_52 : vector<1x1024xf32>
    %max3A = arith.constant 9.99999996E-13 : f32
    %max3A_54 = vector.broadcast %max3A : f32 to vector<1x1024xf32>
    %max3A_55 = arith.maximumf %sqrt3A_53, %max3A_54 : vector<1x1024xf32>
    %div3A_56 = arith.constant 1.000000e+00 : f32
    %div3A_57 = vector.broadcast %div3A_56 : f32 to vector<1x1024xf32>
    %div3A_58 = arith.divf %div3A_57, %max3A_55 : vector<1x1024xf32>
    %mul3A_59 = vector.broadcast %div3A_58 : vector<1x1024xf32> to vector<96x1024xf32>
    %mul3A_60 = arith.mulf %add3A_35, %mul3A_59 : vector<96x1024xf32>
    %transpose3A_61 = tpu.transpose %mul3A_60, [1, 0] : vector<96x1024xf32> -> vector<1024x96xf32>
    %mul3A_62 = arith.mulf %mul3A_60, %mul3A_60 : vector<96x1024xf32>
    %reduce_sum3A_63 = arith.constant dense<0.000000e+00> : vector<1024xf32>
    %reduce_sum3A_64 = vector.multi_reduction <add>, %mul3A_62, %reduce_sum3A_63 [0] : vector<96x1024xf32> to vector<1024xf32>
    %broadcast_in_dim3A_65 = vector.shape_cast %reduce_sum3A_64 : vector<1024xf32> to vector<1x1024xf32>
    %transpose3A_66 = tpu.transpose %broadcast_in_dim3A_65, [1, 0] : vector<1x1024xf32> -> vector<1024x1xf32>
    %iota3A = tpu.iota {dimensions = array<i32: 1>} : vector<1024x128xi32>
    %slice3A = vector.extract_strided_slice %mul3A_60 {offsets = [0, 0], sizes = [96, 128], strides = [1, 1]} : vector<96x1024xf32> to vector<96x128xf32>
    %dot_general3A = arith.constant dense<0.000000e+00> : vector<1024x128xf32>
    %dot_general3A_67 = tpu.matmul %transpose3A_61, %slice3A, %dot_general3A {dimension_numbers = #tpu.dot_dimension_numbers<[1], [0], [0], [1], [0, 0, 1, 1], [], []>, transpose_lhs_hint = false} : vector<1024x96xf32>, vector<96x128xf32>, vector<1024x128xf32> -> vector<1024x128xf32>
    %mul3A_68 = arith.constant 2.000000e+00 : f32
    %mul3A_69 = vector.broadcast %mul3A_68 : f32 to vector<1024x128xf32>
    %mul3A_70 = arith.mulf %mul3A_69, %dot_general3A_67 : vector<1024x128xf32>
    %sub3A_71 = vector.broadcast %transpose3A_66 : vector<1024x1xf32> to vector<1024x128xf32>
    %sub3A_72 = arith.subf %sub3A_71, %mul3A_70 : vector<1024x128xf32>
    %slice3A_73 = vector.extract_strided_slice %broadcast_in_dim3A_65 {offsets = [0, 0], sizes = [1, 128], strides = [1, 1]} : vector<1x1024xf32> to vector<1x128xf32>
    %add3A_74 = vector.broadcast %slice3A_73 : vector<1x128xf32> to vector<1024x128xf32>
    %add3A_75 = arith.addf %sub3A_72, %add3A_74 : vector<1024x128xf32>
    %get3A_76 = arith.constant 0 : index
    %get3A_77 = arith.constant 0 : index
    %get3A_78 = arith.constant 0 : index
    %get3A_79 = vector.load %arg6[%get3A_76, %get3A_77, %get3A_78] : memref<1x1024x1024xf32, #tpu.memory_space<vmem>>, vector<1x1024x128xf32>
    %get3A_80 = vector.shape_cast %get3A_79 : vector<1x1024x128xf32> to vector<1024x128xf32>
    %add3A_81 = arith.addf %add3A_75, %get3A_80 : vector<1024x128xf32>
    %neg3A = arith.constant 0.000000e+00 : f32
    %neg3A_82 = vector.broadcast %neg3A : f32 to vector<1024x128xf32>
    %neg3A_83 = arith.subf %neg3A_82, %add3A_81 : vector<1024x128xf32>
    %bitcast_convert_type3A = tpu.bitcast %neg3A_83 : vector<1024x128xf32> -> vector<1024x128xi32>
    %ge3A = arith.constant 0 : i32
    %ge3A_84 = vector.broadcast %ge3A : i32 to vector<1024x128xi32>
    %ge3A_85 = arith.cmpi sge, %bitcast_convert_type3A, %ge3A_84 : vector<1024x128xi32>
    %sub3A_86 = arith.constant -2147483648 : i32
    %sub3A_87 = vector.broadcast %sub3A_86 : i32 to vector<1024x128xi32>
    %sub3A_88 = arith.subi %sub3A_87, %bitcast_convert_type3A : vector<1024x128xi32>
    %sub3A_89 = arith.constant 1 : i32
    %sub3A_90 = vector.broadcast %sub3A_89 : i32 to vector<1024x128xi32>
    %sub3A_91 = arith.subi %sub3A_88, %sub3A_90 : vector<1024x128xi32>
    %select_n3A = arith.select %ge3A_85, %bitcast_convert_type3A, %sub3A_91 : vector<1024x128xi1>, vector<1024x128xi32>
    %reduce_max3A = arith.constant dense<-2147483648> : vector<1024xi32>
    %reduce_max3A_92 = vector.multi_reduction <maxsi>, %select_n3A, %reduce_max3A [1] : vector<1024x128xi32> to vector<1024xi32>
    %broadcast_in_dim3A_93 = vector.shape_cast %reduce_max3A_92 : vector<1024xi32> to vector<1024x1xi32>
    %eq3A = vector.broadcast %broadcast_in_dim3A_93 : vector<1024x1xi32> to vector<1024x128xi32>
    %eq3A_94 = arith.cmpi eq, %select_n3A, %eq3A : vector<1024x128xi32>
    %jit3A = arith.constant 128 : i32
    %broadcast_in_dim3A_95 = vector.broadcast %jit3A : i32 to vector<1024x128xi32>
    %select_n3A_96 = arith.select %eq3A_94, %iota3A, %broadcast_in_dim3A_95 : vector<1024x128xi1>, vector<1024x128xi32>
    %reduce_min3A = arith.constant dense<2147483647> : vector<1024xi32>
    %reduce_min3A_97 = vector.multi_reduction <minsi>, %select_n3A_96, %reduce_min3A [1] : vector<1024x128xi32> to vector<1024xi32>
    %broadcast_in_dim3A_98 = vector.shape_cast %reduce_min3A_97 : vector<1024xi32> to vector<1024x1xi32>
    %add3A_99 = arith.constant 0 : i32
    %add3A_100 = vector.broadcast %add3A_99 : i32 to vector<1024x1xi32>
    %add3A_101 = arith.addi %broadcast_in_dim3A_98, %add3A_100 : vector<1024x1xi32>
    %eq3A_102 = vector.broadcast %broadcast_in_dim3A_98 : vector<1024x1xi32> to vector<1024x128xi32>
    %eq3A_103 = arith.cmpi eq, %iota3A, %eq3A_102 : vector<1024x128xi32>
    %jit3A_104 = arith.constant -2147483648 : i32
    %broadcast_in_dim3A_105 = vector.broadcast %jit3A_104 : i32 to vector<1024x128xi32>
    %select_n3A_106 = arith.select %eq3A_103, %broadcast_in_dim3A_105, %select_n3A : vector<1024x128xi1>, vector<1024x128xi32>
    %reduce_max3A_107 = arith.constant dense<-2147483648> : vector<1024xi32>
    %reduce_max3A_108 = vector.multi_reduction <maxsi>, %select_n3A_106, %reduce_max3A_107 [1] : vector<1024x128xi32> to vector<1024xi32>
    %broadcast_in_dim3A_109 = vector.shape_cast %reduce_max3A_108 : vector<1024xi32> to vector<1024x1xi32>
    %eq3A_110 = vector.broadcast %broadcast_in_dim3A_109 : vector<1024x1xi32> to vector<1024x128xi32>
    %eq3A_111 = arith.cmpi eq, %select_n3A_106, %eq3A_110 : vector<1024x128xi32>
    %jit3A_112 = arith.constant 128 : i32
    %broadcast_in_dim3A_113 = vector.broadcast %jit3A_112 : i32 to vector<1024x128xi32>
    %select_n3A_114 = arith.select %eq3A_111, %iota3A, %broadcast_in_dim3A_113 : vector<1024x128xi1>, vector<1024x128xi32>
    %reduce_min3A_115 = arith.constant dense<2147483647> : vector<1024xi32>
    %reduce_min3A_116 = vector.multi_reduction <minsi>, %select_n3A_114, %reduce_min3A_115 [1] : vector<1024x128xi32> to vector<1024xi32>
    %broadcast_in_dim3A_117 = vector.shape_cast %reduce_min3A_116 : vector<1024xi32> to vector<1024x1xi32>
    %add3A_118 = arith.constant 0 : i32
    %add3A_119 = vector.broadcast %add3A_118 : i32 to vector<1024x1xi32>
    %add3A_120 = arith.addi %broadcast_in_dim3A_117, %add3A_119 : vector<1024x1xi32>
    %eq3A_121 = vector.broadcast %broadcast_in_dim3A_117 : vector<1024x1xi32> to vector<1024x128xi32>
    %eq3A_122 = arith.cmpi eq, %iota3A, %eq3A_121 : vector<1024x128xi32>
    %jit3A_123 = arith.constant -2147483648 : i32
    %broadcast_in_dim3A_124 = vector.broadcast %jit3A_123 : i32 to vector<1024x128xi32>
    %select_n3A_125 = arith.select %eq3A_122, %broadcast_in_dim3A_124, %select_n3A_106 : vector<1024x128xi1>, vector<1024x128xi32>
    %reduce_max3A_126 = arith.constant dense<-2147483648> : vector<1024xi32>
    %reduce_max3A_127 = vector.multi_reduction <maxsi>, %select_n3A_125, %reduce_max3A_126 [1] : vector<1024x128xi32> to vector<1024xi32>
    %broadcast_in_dim3A_128 = vector.shape_cast %reduce_max3A_127 : vector<1024xi32> to vector<1024x1xi32>
    %eq3A_129 = vector.broadcast %broadcast_in_dim3A_128 : vector<1024x1xi32> to vector<1024x128xi32>
    %eq3A_130 = arith.cmpi eq, %select_n3A_125, %eq3A_129 : vector<1024x128xi32>
    %jit3A_131 = arith.constant 128 : i32
    %broadcast_in_dim3A_132 = vector.broadcast %jit3A_131 : i32 to vector<1024x128xi32>
    %select_n3A_133 = arith.select %eq3A_130, %iota3A, %broadcast_in_dim3A_132 : vector<1024x128xi1>, vector<1024x128xi32>
    %reduce_min3A_134 = arith.constant dense<2147483647> : vector<1024xi32>
    %reduce_min3A_135 = vector.multi_reduction <minsi>, %select_n3A_133, %reduce_min3A_134 [1] : vector<1024x128xi32> to vector<1024xi32>
    %broadcast_in_dim3A_136 = vector.shape_cast %reduce_min3A_135 : vector<1024xi32> to vector<1024x1xi32>
    %add3A_137 = arith.constant 0 : i32
    %add3A_138 = vector.broadcast %add3A_137 : i32 to vector<1024x1xi32>
    %add3A_139 = arith.addi %broadcast_in_dim3A_136, %add3A_138 : vector<1024x1xi32>
    %eq3A_140 = vector.broadcast %broadcast_in_dim3A_136 : vector<1024x1xi32> to vector<1024x128xi32>
    %eq3A_141 = arith.cmpi eq, %iota3A, %eq3A_140 : vector<1024x128xi32>
    %jit3A_142 = arith.constant -2147483648 : i32
    %broadcast_in_dim3A_143 = vector.broadcast %jit3A_142 : i32 to vector<1024x128xi32>
    %select_n3A_144 = arith.select %eq3A_141, %broadcast_in_dim3A_143, %select_n3A_125 : vector<1024x128xi1>, vector<1024x128xi32>
    %reduce_max3A_145 = arith.constant dense<-2147483648> : vector<1024xi32>
    %reduce_max3A_146 = vector.multi_reduction <maxsi>, %select_n3A_144, %reduce_max3A_145 [1] : vector<1024x128xi32> to vector<1024xi32>
    %broadcast_in_dim3A_147 = vector.shape_cast %reduce_max3A_146 : vector<1024xi32> to vector<1024x1xi32>
    %eq3A_148 = vector.broadcast %broadcast_in_dim3A_147 : vector<1024x1xi32> to vector<1024x128xi32>
    %eq3A_149 = arith.cmpi eq, %select_n3A_144, %eq3A_148 : vector<1024x128xi32>
    %jit3A_150 = arith.constant 128 : i32
    %broadcast_in_dim3A_151 = vector.broadcast %jit3A_150 : i32 to vector<1024x128xi32>
    %select_n3A_152 = arith.select %eq3A_149, %iota3A, %broadcast_in_dim3A_151 : vector<1024x128xi1>, vector<1024x128xi32>
    %reduce_min3A_153 = arith.constant dense<2147483647> : vector<1024xi32>
    %reduce_min3A_154 = vector.multi_reduction <minsi>, %select_n3A_152, %reduce_min3A_153 [1] : vector<1024x128xi32> to vector<1024xi32>
    %broadcast_in_dim3A_155 = vector.shape_cast %reduce_min3A_154 : vector<1024xi32> to vector<1024x1xi32>
    %add3A_156 = arith.constant 0 : i32
    %add3A_157 = vector.broadcast %add3A_156 : i32 to vector<1024x1xi32>
    %add3A_158 = arith.addi %broadcast_in_dim3A_155, %add3A_157 : vector<1024x1xi32>
    %eq3A_159 = vector.broadcast %broadcast_in_dim3A_155 : vector<1024x1xi32> to vector<1024x128xi32>
    %eq3A_160 = arith.cmpi eq, %iota3A, %eq3A_159 : vector<1024x128xi32>
    %jit3A_161 = arith.constant -2147483648 : i32
    %broadcast_in_dim3A_162 = vector.broadcast %jit3A_161 : i32 to vector<1024x128xi32>
    %select_n3A_163 = arith.select %eq3A_160, %broadcast_in_dim3A_162, %select_n3A_144 : vector<1024x128xi1>, vector<1024x128xi32>
    %reduce_max3A_164 = arith.constant dense<-2147483648> : vector<1024xi32>
    %reduce_max3A_165 = vector.multi_reduction <maxsi>, %select_n3A_163, %reduce_max3A_164 [1] : vector<1024x128xi32> to vector<1024xi32>
    %broadcast_in_dim3A_166 = vector.shape_cast %reduce_max3A_165 : vector<1024xi32> to vector<1024x1xi32>
    %eq3A_167 = vector.broadcast %broadcast_in_dim3A_166 : vector<1024x1xi32> to vector<1024x128xi32>
    %eq3A_168 = arith.cmpi eq, %select_n3A_163, %eq3A_167 : vector<1024x128xi32>
    %jit3A_169 = arith.constant 128 : i32
    %broadcast_in_dim3A_170 = vector.broadcast %jit3A_169 : i32 to vector<1024x128xi32>
    %select_n3A_171 = arith.select %eq3A_168, %iota3A, %broadcast_in_dim3A_170 : vector<1024x128xi1>, vector<1024x128xi32>
    %reduce_min3A_172 = arith.constant dense<2147483647> : vector<1024xi32>
    %reduce_min3A_173 = vector.multi_reduction <minsi>, %select_n3A_171, %reduce_min3A_172 [1] : vector<1024x128xi32> to vector<1024xi32>
    %broadcast_in_dim3A_174 = vector.shape_cast %reduce_min3A_173 : vector<1024xi32> to vector<1024x1xi32>
    %add3A_175 = arith.constant 0 : i32
    %add3A_176 = vector.broadcast %add3A_175 : i32 to vector<1024x1xi32>
    %add3A_177 = arith.addi %broadcast_in_dim3A_174, %add3A_176 : vector<1024x1xi32>
    %eq3A_178 = vector.broadcast %broadcast_in_dim3A_174 : vector<1024x1xi32> to vector<1024x128xi32>
    %eq3A_179 = arith.cmpi eq, %iota3A, %eq3A_178 : vector<1024x128xi32>
    %jit3A_180 = arith.constant -2147483648 : i32
    %broadcast_in_dim3A_181 = vector.broadcast %jit3A_180 : i32 to vector<1024x128xi32>
    %select_n3A_182 = arith.select %eq3A_179, %broadcast_in_dim3A_181, %select_n3A_163 : vector<1024x128xi1>, vector<1024x128xi32>
    %reduce_max3A_183 = arith.constant dense<-2147483648> : vector<1024xi32>
    %reduce_max3A_184 = vector.multi_reduction <maxsi>, %select_n3A_182, %reduce_max3A_183 [1] : vector<1024x128xi32> to vector<1024xi32>
    %broadcast_in_dim3A_185 = vector.shape_cast %reduce_max3A_184 : vector<1024xi32> to vector<1024x1xi32>
    %eq3A_186 = vector.broadcast %broadcast_in_dim3A_185 : vector<1024x1xi32> to vector<1024x128xi32>
    %eq3A_187 = arith.cmpi eq, %select_n3A_182, %eq3A_186 : vector<1024x128xi32>
    %jit3A_188 = arith.constant 128 : i32
    %broadcast_in_dim3A_189 = vector.broadcast %jit3A_188 : i32 to vector<1024x128xi32>
    %select_n3A_190 = arith.select %eq3A_187, %iota3A, %broadcast_in_dim3A_189 : vector<1024x128xi1>, vector<1024x128xi32>
    %reduce_min3A_191 = arith.constant dense<2147483647> : vector<1024xi32>
    %reduce_min3A_192 = vector.multi_reduction <minsi>, %select_n3A_190, %reduce_min3A_191 [1] : vector<1024x128xi32> to vector<1024xi32>
    %broadcast_in_dim3A_193 = vector.shape_cast %reduce_min3A_192 : vector<1024xi32> to vector<1024x1xi32>
    %add3A_194 = arith.constant 0 : i32
    %add3A_195 = vector.broadcast %add3A_194 : i32 to vector<1024x1xi32>
    %add3A_196 = arith.addi %broadcast_in_dim3A_193, %add3A_195 : vector<1024x1xi32>
    %eq3A_197 = vector.broadcast %broadcast_in_dim3A_193 : vector<1024x1xi32> to vector<1024x128xi32>
    %eq3A_198 = arith.cmpi eq, %iota3A, %eq3A_197 : vector<1024x128xi32>
    %jit3A_199 = arith.constant -2147483648 : i32
    %broadcast_in_dim3A_200 = vector.broadcast %jit3A_199 : i32 to vector<1024x128xi32>
    %select_n3A_201 = arith.select %eq3A_198, %broadcast_in_dim3A_200, %select_n3A_182 : vector<1024x128xi1>, vector<1024x128xi32>
    %reduce_max3A_202 = arith.constant dense<-2147483648> : vector<1024xi32>
    %reduce_max3A_203 = vector.multi_reduction <maxsi>, %select_n3A_201, %reduce_max3A_202 [1] : vector<1024x128xi32> to vector<1024xi32>
    %broadcast_in_dim3A_204 = vector.shape_cast %reduce_max3A_203 : vector<1024xi32> to vector<1024x1xi32>
    %eq3A_205 = vector.broadcast %broadcast_in_dim3A_204 : vector<1024x1xi32> to vector<1024x128xi32>
    %eq3A_206 = arith.cmpi eq, %select_n3A_201, %eq3A_205 : vector<1024x128xi32>
    %jit3A_207 = arith.constant 128 : i32
    %broadcast_in_dim3A_208 = vector.broadcast %jit3A_207 : i32 to vector<1024x128xi32>
    %select_n3A_209 = arith.select %eq3A_206, %iota3A, %broadcast_in_dim3A_208 : vector<1024x128xi1>, vector<1024x128xi32>
    %reduce_min3A_210 = arith.constant dense<2147483647> : vector<1024xi32>
    %reduce_min3A_211 = vector.multi_reduction <minsi>, %select_n3A_209, %reduce_min3A_210 [1] : vector<1024x128xi32> to vector<1024xi32>
    %broadcast_in_dim3A_212 = vector.shape_cast %reduce_min3A_211 : vector<1024xi32> to vector<1024x1xi32>
    %add3A_213 = arith.constant 0 : i32
    %add3A_214 = vector.broadcast %add3A_213 : i32 to vector<1024x1xi32>
    %add3A_215 = arith.addi %broadcast_in_dim3A_212, %add3A_214 : vector<1024x1xi32>
    %slice3A_216 = vector.extract_strided_slice %mul3A_60 {offsets = [0, 128], sizes = [96, 128], strides = [1, 1]} : vector<96x1024xf32> to vector<96x128xf32>
    %dot_general3A_217 = arith.constant dense<0.000000e+00> : vector<1024x128xf32>
    %dot_general3A_218 = tpu.matmul %transpose3A_61, %slice3A_216, %dot_general3A_217 {dimension_numbers = #tpu.dot_dimension_numbers<[1], [0], [0], [1], [0, 0, 1, 1], [], []>, transpose_lhs_hint = false} : vector<1024x96xf32>, vector<96x128xf32>, vector<1024x128xf32> -> vector<1024x128xf32>
    %mul3A_219 = arith.constant 2.000000e+00 : f32
    %mul3A_220 = vector.broadcast %mul3A_219 : f32 to vector<1024x128xf32>
    %mul3A_221 = arith.mulf %mul3A_220, %dot_general3A_218 : vector<1024x128xf32>
    %sub3A_222 = vector.broadcast %transpose3A_66 : vector<1024x1xf32> to vector<1024x128xf32>
    %sub3A_223 = arith.subf %sub3A_222, %mul3A_221 : vector<1024x128xf32>
    %slice3A_224 = vector.extract_strided_slice %broadcast_in_dim3A_65 {offsets = [0, 128], sizes = [1, 128], strides = [1, 1]} : vector<1x1024xf32> to vector<1x128xf32>
    %add3A_225 = vector.broadcast %slice3A_224 : vector<1x128xf32> to vector<1024x128xf32>
    %add3A_226 = arith.addf %sub3A_223, %add3A_225 : vector<1024x128xf32>
    %get3A_227 = arith.constant 0 : index
    %get3A_228 = arith.constant 0 : index
    %get3A_229 = arith.constant 128 : index
    %get3A_230 = vector.load %arg6[%get3A_227, %get3A_228, %get3A_229] : memref<1x1024x1024xf32, #tpu.memory_space<vmem>>, vector<1x1024x128xf32>
    %get3A_231 = vector.shape_cast %get3A_230 : vector<1x1024x128xf32> to vector<1024x128xf32>
    %add3A_232 = arith.addf %add3A_226, %get3A_231 : vector<1024x128xf32>
    %neg3A_233 = arith.constant 0.000000e+00 : f32
    %neg3A_234 = vector.broadcast %neg3A_233 : f32 to vector<1024x128xf32>
    %neg3A_235 = arith.subf %neg3A_234, %add3A_232 : vector<1024x128xf32>
    %bitcast_convert_type3A_236 = tpu.bitcast %neg3A_235 : vector<1024x128xf32> -> vector<1024x128xi32>
    %ge3A_237 = arith.constant 0 : i32
    %ge3A_238 = vector.broadcast %ge3A_237 : i32 to vector<1024x128xi32>
    %ge3A_239 = arith.cmpi sge, %bitcast_convert_type3A_236, %ge3A_238 : vector<1024x128xi32>
    %sub3A_240 = arith.constant -2147483648 : i32
    %sub3A_241 = vector.broadcast %sub3A_240 : i32 to vector<1024x128xi32>
    %sub3A_242 = arith.subi %sub3A_241, %bitcast_convert_type3A_236 : vector<1024x128xi32>
    %sub3A_243 = arith.constant 1 : i32
    %sub3A_244 = vector.broadcast %sub3A_243 : i32 to vector<1024x128xi32>
    %sub3A_245 = arith.subi %sub3A_242, %sub3A_244 : vector<1024x128xi32>
    %select_n3A_246 = arith.select %ge3A_239, %bitcast_convert_type3A_236, %sub3A_245 : vector<1024x128xi1>, vector<1024x128xi32>
    %reduce_max3A_247 = arith.constant dense<-2147483648> : vector<1024xi32>
    %reduce_max3A_248 = vector.multi_reduction <maxsi>, %select_n3A_246, %reduce_max3A_247 [1] : vector<1024x128xi32> to vector<1024xi32>
    %broadcast_in_dim3A_249 = vector.shape_cast %reduce_max3A_248 : vector<1024xi32> to vector<1024x1xi32>
    %eq3A_250 = vector.broadcast %broadcast_in_dim3A_249 : vector<1024x1xi32> to vector<1024x128xi32>
    %eq3A_251 = arith.cmpi eq, %select_n3A_246, %eq3A_250 : vector<1024x128xi32>
    %jit3A_252 = arith.constant 128 : i32
    %broadcast_in_dim3A_253 = vector.broadcast %jit3A_252 : i32 to vector<1024x128xi32>
    %select_n3A_254 = arith.select %eq3A_251, %iota3A, %broadcast_in_dim3A_253 : vector<1024x128xi1>, vector<1024x128xi32>
    %reduce_min3A_255 = arith.constant dense<2147483647> : vector<1024xi32>
    %reduce_min3A_256 = vector.multi_reduction <minsi>, %select_n3A_254, %reduce_min3A_255 [1] : vector<1024x128xi32> to vector<1024xi32>
    %broadcast_in_dim3A_257 = vector.shape_cast %reduce_min3A_256 : vector<1024xi32> to vector<1024x1xi32>
    %add3A_258 = arith.constant 128 : i32
    %add3A_259 = vector.broadcast %add3A_258 : i32 to vector<1024x1xi32>
    %add3A_260 = arith.addi %broadcast_in_dim3A_257, %add3A_259 : vector<1024x1xi32>
    %eq3A_261 = vector.broadcast %broadcast_in_dim3A_257 : vector<1024x1xi32> to vector<1024x128xi32>
    %eq3A_262 = arith.cmpi eq, %iota3A, %eq3A_261 : vector<1024x128xi32>
    %jit3A_263 = arith.constant -2147483648 : i32
    %broadcast_in_dim3A_264 = vector.broadcast %jit3A_263 : i32 to vector<1024x128xi32>
    %select_n3A_265 = arith.select %eq3A_262, %broadcast_in_dim3A_264, %select_n3A_246 : vector<1024x128xi1>, vector<1024x128xi32>
    %reduce_max3A_266 = arith.constant dense<-2147483648> : vector<1024xi32>
    %reduce_max3A_267 = vector.multi_reduction <maxsi>, %select_n3A_265, %reduce_max3A_266 [1] : vector<1024x128xi32> to vector<1024xi32>
    %broadcast_in_dim3A_268 = vector.shape_cast %reduce_max3A_267 : vector<1024xi32> to vector<1024x1xi32>
    %eq3A_269 = vector.broadcast %broadcast_in_dim3A_268 : vector<1024x1xi32> to vector<1024x128xi32>
    %eq3A_270 = arith.cmpi eq, %select_n3A_265, %eq3A_269 : vector<1024x128xi32>
    %jit3A_271 = arith.constant 128 : i32
    %broadcast_in_dim3A_272 = vector.broadcast %jit3A_271 : i32 to vector<1024x128xi32>
    %select_n3A_273 = arith.select %eq3A_270, %iota3A, %broadcast_in_dim3A_272 : vector<1024x128xi1>, vector<1024x128xi32>
    %reduce_min3A_274 = arith.constant dense<2147483647> : vector<1024xi32>
    %reduce_min3A_275 = vector.multi_reduction <minsi>, %select_n3A_273, %reduce_min3A_274 [1] : vector<1024x128xi32> to vector<1024xi32>
    %broadcast_in_dim3A_276 = vector.shape_cast %reduce_min3A_275 : vector<1024xi32> to vector<1024x1xi32>
    %add3A_277 = arith.constant 128 : i32
    %add3A_278 = vector.broadcast %add3A_277 : i32 to vector<1024x1xi32>
    %add3A_279 = arith.addi %broadcast_in_dim3A_276, %add3A_278 : vector<1024x1xi32>
    %eq3A_280 = vector.broadcast %broadcast_in_dim3A_276 : vector<1024x1xi32> to vector<1024x128xi32>
    %eq3A_281 = arith.cmpi eq, %iota3A, %eq3A_280 : vector<1024x128xi32>
    %jit3A_282 = arith.constant -2147483648 : i32
    %broadcast_in_dim3A_283 = vector.broadcast %jit3A_282 : i32 to vector<1024x128xi32>
    %select_n3A_284 = arith.select %eq3A_281, %broadcast_in_dim3A_283, %select_n3A_265 : vector<1024x128xi1>, vector<1024x128xi32>
    %reduce_max3A_285 = arith.constant dense<-2147483648> : vector<1024xi32>
    %reduce_max3A_286 = vector.multi_reduction <maxsi>, %select_n3A_284, %reduce_max3A_285 [1] : vector<1024x128xi32> to vector<1024xi32>
    %broadcast_in_dim3A_287 = vector.shape_cast %reduce_max3A_286 : vector<1024xi32> to vector<1024x1xi32>
    %eq3A_288 = vector.broadcast %broadcast_in_dim3A_287 : vector<1024x1xi32> to vector<1024x128xi32>
    %eq3A_289 = arith.cmpi eq, %select_n3A_284, %eq3A_288 : vector<1024x128xi32>
    %jit3A_290 = arith.constant 128 : i32
    %broadcast_in_dim3A_291 = vector.broadcast %jit3A_290 : i32 to vector<1024x128xi32>
    %select_n3A_292 = arith.select %eq3A_289, %iota3A, %broadcast_in_dim3A_291 : vector<1024x128xi1>, vector<1024x128xi32>
    %reduce_min3A_293 = arith.constant dense<2147483647> : vector<1024xi32>
    %reduce_min3A_294 = vector.multi_reduction <minsi>, %select_n3A_292, %reduce_min3A_293 [1] : vector<1024x128xi32> to vector<1024xi32>
    %broadcast_in_dim3A_295 = vector.shape_cast %reduce_min3A_294 : vector<1024xi32> to vector<1024x1xi32>
    %add3A_296 = arith.constant 128 : i32
    %add3A_297 = vector.broadcast %add3A_296 : i32 to vector<1024x1xi32>
    %add3A_298 = arith.addi %broadcast_in_dim3A_295, %add3A_297 : vector<1024x1xi32>
    %eq3A_299 = vector.broadcast %broadcast_in_dim3A_295 : vector<1024x1xi32> to vector<1024x128xi32>
    %eq3A_300 = arith.cmpi eq, %iota3A, %eq3A_299 : vector<1024x128xi32>
    %jit3A_301 = arith.constant -2147483648 : i32
    %broadcast_in_dim3A_302 = vector.broadcast %jit3A_301 : i32 to vector<1024x128xi32>
    %select_n3A_303 = arith.select %eq3A_300, %broadcast_in_dim3A_302, %select_n3A_284 : vector<1024x128xi1>, vector<1024x128xi32>
    %reduce_max3A_304 = arith.constant dense<-2147483648> : vector<1024xi32>
    %reduce_max3A_305 = vector.multi_reduction <maxsi>, %select_n3A_303, %reduce_max3A_304 [1] : vector<1024x128xi32> to vector<1024xi32>
    %broadcast_in_dim3A_306 = vector.shape_cast %reduce_max3A_305 : vector<1024xi32> to vector<1024x1xi32>
    %eq3A_307 = vector.broadcast %broadcast_in_dim3A_306 : vector<1024x1xi32> to vector<1024x128xi32>
    %eq3A_308 = arith.cmpi eq, %select_n3A_303, %eq3A_307 : vector<1024x128xi32>
    %jit3A_309 = arith.constant 128 : i32
    %broadcast_in_dim3A_310 = vector.broadcast %jit3A_309 : i32 to vector<1024x128xi32>
    %select_n3A_311 = arith.select %eq3A_308, %iota3A, %broadcast_in_dim3A_310 : vector<1024x128xi1>, vector<1024x128xi32>
    %reduce_min3A_312 = arith.constant dense<2147483647> : vector<1024xi32>
    %reduce_min3A_313 = vector.multi_reduction <minsi>, %select_n3A_311, %reduce_min3A_312 [1] : vector<1024x128xi32> to vector<1024xi32>
    %broadcast_in_dim3A_314 = vector.shape_cast %reduce_min3A_313 : vector<1024xi32> to vector<1024x1xi32>
    %add3A_315 = arith.constant 128 : i32
    %add3A_316 = vector.broadcast %add3A_315 : i32 to vector<1024x1xi32>
    %add3A_317 = arith.addi %broadcast_in_dim3A_314, %add3A_316 : vector<1024x1xi32>
    %eq3A_318 = vector.broadcast %broadcast_in_dim3A_314 : vector<1024x1xi32> to vector<1024x128xi32>
    %eq3A_319 = arith.cmpi eq, %iota3A, %eq3A_318 : vector<1024x128xi32>
    %jit3A_320 = arith.constant -2147483648 : i32
    %broadcast_in_dim3A_321 = vector.broadcast %jit3A_320 : i32 to vector<1024x128xi32>
    %select_n3A_322 = arith.select %eq3A_319, %broadcast_in_dim3A_321, %select_n3A_303 : vector<1024x128xi1>, vector<1024x128xi32>
    %reduce_max3A_323 = arith.constant dense<-2147483648> : vector<1024xi32>
    %reduce_max3A_324 = vector.multi_reduction <maxsi>, %select_n3A_322, %reduce_max3A_323 [1] : vector<1024x128xi32> to vector<1024xi32>
    %broadcast_in_dim3A_325 = vector.shape_cast %reduce_max3A_324 : vector<1024xi32> to vector<1024x1xi32>
    %eq3A_326 = vector.broadcast %broadcast_in_dim3A_325 : vector<1024x1xi32> to vector<1024x128xi32>
    %eq3A_327 = arith.cmpi eq, %select_n3A_322, %eq3A_326 : vector<1024x128xi32>
    %jit3A_328 = arith.constant 128 : i32
    %broadcast_in_dim3A_329 = vector.broadcast %jit3A_328 : i32 to vector<1024x128xi32>
    %select_n3A_330 = arith.select %eq3A_327, %iota3A, %broadcast_in_dim3A_329 : vector<1024x128xi1>, vector<1024x128xi32>
    %reduce_min3A_331 = arith.constant dense<2147483647> : vector<1024xi32>
    %reduce_min3A_332 = vector.multi_reduction <minsi>, %select_n3A_330, %reduce_min3A_331 [1] : vector<1024x128xi32> to vector<1024xi32>
    %broadcast_in_dim3A_333 = vector.shape_cast %reduce_min3A_332 : vector<1024xi32> to vector<1024x1xi32>
    %add3A_334 = arith.constant 128 : i32
    %add3A_335 = vector.broadcast %add3A_334 : i32 to vector<1024x1xi32>
    %add3A_336 = arith.addi %broadcast_in_dim3A_333, %add3A_335 : vector<1024x1xi32>
    %eq3A_337 = vector.broadcast %broadcast_in_dim3A_333 : vector<1024x1xi32> to vector<1024x128xi32>
    %eq3A_338 = arith.cmpi eq, %iota3A, %eq3A_337 : vector<1024x128xi32>
    %jit3A_339 = arith.constant -2147483648 : i32
    %broadcast_in_dim3A_340 = vector.broadcast %jit3A_339 : i32 to vector<1024x128xi32>
    %select_n3A_341 = arith.select %eq3A_338, %broadcast_in_dim3A_340, %select_n3A_322 : vector<1024x128xi1>, vector<1024x128xi32>
    %reduce_max3A_342 = arith.constant dense<-2147483648> : vector<1024xi32>
    %reduce_max3A_343 = vector.multi_reduction <maxsi>, %select_n3A_341, %reduce_max3A_342 [1] : vector<1024x128xi32> to vector<1024xi32>
    %broadcast_in_dim3A_344 = vector.shape_cast %reduce_max3A_343 : vector<1024xi32> to vector<1024x1xi32>
    %eq3A_345 = vector.broadcast %broadcast_in_dim3A_344 : vector<1024x1xi32> to vector<1024x128xi32>
    %eq3A_346 = arith.cmpi eq, %select_n3A_341, %eq3A_345 : vector<1024x128xi32>
    %jit3A_347 = arith.constant 128 : i32
    %broadcast_in_dim3A_348 = vector.broadcast %jit3A_347 : i32 to vector<1024x128xi32>
    %select_n3A_349 = arith.select %eq3A_346, %iota3A, %broadcast_in_dim3A_348 : vector<1024x128xi1>, vector<1024x128xi32>
    %reduce_min3A_350 = arith.constant dense<2147483647> : vector<1024xi32>
    %reduce_min3A_351 = vector.multi_reduction <minsi>, %select_n3A_349, %reduce_min3A_350 [1] : vector<1024x128xi32> to vector<1024xi32>
    %broadcast_in_dim3A_352 = vector.shape_cast %reduce_min3A_351 : vector<1024xi32> to vector<1024x1xi32>
    %add3A_353 = arith.constant 128 : i32
    %add3A_354 = vector.broadcast %add3A_353 : i32 to vector<1024x1xi32>
    %add3A_355 = arith.addi %broadcast_in_dim3A_352, %add3A_354 : vector<1024x1xi32>
    %eq3A_356 = vector.broadcast %broadcast_in_dim3A_352 : vector<1024x1xi32> to vector<1024x128xi32>
    %eq3A_357 = arith.cmpi eq, %iota3A, %eq3A_356 : vector<1024x128xi32>
    %jit3A_358 = arith.constant -2147483648 : i32
    %broadcast_in_dim3A_359 = vector.broadcast %jit3A_358 : i32 to vector<1024x128xi32>
    %select_n3A_360 = arith.select %eq3A_357, %broadcast_in_dim3A_359, %select_n3A_341 : vector<1024x128xi1>, vector<1024x128xi32>
    %reduce_max3A_361 = arith.constant dense<-2147483648> : vector<1024xi32>
    %reduce_max3A_362 = vector.multi_reduction <maxsi>, %select_n3A_360, %reduce_max3A_361 [1] : vector<1024x128xi32> to vector<1024xi32>
    %broadcast_in_dim3A_363 = vector.shape_cast %reduce_max3A_362 : vector<1024xi32> to vector<1024x1xi32>
    %eq3A_364 = vector.broadcast %broadcast_in_dim3A_363 : vector<1024x1xi32> to vector<1024x128xi32>
    %eq3A_365 = arith.cmpi eq, %select_n3A_360, %eq3A_364 : vector<1024x128xi32>
    %jit3A_366 = arith.constant 128 : i32
    %broadcast_in_dim3A_367 = vector.broadcast %jit3A_366 : i32 to vector<1024x128xi32>
    %select_n3A_368 = arith.select %eq3A_365, %iota3A, %broadcast_in_dim3A_367 : vector<1024x128xi1>, vector<1024x128xi32>
    %reduce_min3A_369 = arith.constant dense<2147483647> : vector<1024xi32>
    %reduce_min3A_370 = vector.multi_reduction <minsi>, %select_n3A_368, %reduce_min3A_369 [1] : vector<1024x128xi32> to vector<1024xi32>
    %broadcast_in_dim3A_371 = vector.shape_cast %reduce_min3A_370 : vector<1024xi32> to vector<1024x1xi32>
    %add3A_372 = arith.constant 128 : i32
    %add3A_373 = vector.broadcast %add3A_372 : i32 to vector<1024x1xi32>
    %add3A_374 = arith.addi %broadcast_in_dim3A_371, %add3A_373 : vector<1024x1xi32>
    %slice3A_375 = vector.extract_strided_slice %mul3A_60 {offsets = [0, 256], sizes = [96, 128], strides = [1, 1]} : vector<96x1024xf32> to vector<96x128xf32>
    %dot_general3A_376 = arith.constant dense<0.000000e+00> : vector<1024x128xf32>
    %dot_general3A_377 = tpu.matmul %transpose3A_61, %slice3A_375, %dot_general3A_376 {dimension_numbers = #tpu.dot_dimension_numbers<[1], [0], [0], [1], [0, 0, 1, 1], [], []>, transpose_lhs_hint = false} : vector<1024x96xf32>, vector<96x128xf32>, vector<1024x128xf32> -> vector<1024x128xf32>
    %mul3A_378 = arith.constant 2.000000e+00 : f32
    %mul3A_379 = vector.broadcast %mul3A_378 : f32 to vector<1024x128xf32>
    %mul3A_380 = arith.mulf %mul3A_379, %dot_general3A_377 : vector<1024x128xf32>
    %sub3A_381 = vector.broadcast %transpose3A_66 : vector<1024x1xf32> to vector<1024x128xf32>
    %sub3A_382 = arith.subf %sub3A_381, %mul3A_380 : vector<1024x128xf32>
    %slice3A_383 = vector.extract_strided_slice %broadcast_in_dim3A_65 {offsets = [0, 256], sizes = [1, 128], strides = [1, 1]} : vector<1x1024xf32> to vector<1x128xf32>
    %add3A_384 = vector.broadcast %slice3A_383 : vector<1x128xf32> to vector<1024x128xf32>
    %add3A_385 = arith.addf %sub3A_382, %add3A_384 : vector<1024x128xf32>
    %get3A_386 = arith.constant 0 : index
    %get3A_387 = arith.constant 0 : index
    %get3A_388 = arith.constant 256 : index
    %get3A_389 = vector.load %arg6[%get3A_386, %get3A_387, %get3A_388] : memref<1x1024x1024xf32, #tpu.memory_space<vmem>>, vector<1x1024x128xf32>
    %get3A_390 = vector.shape_cast %get3A_389 : vector<1x1024x128xf32> to vector<1024x128xf32>
    %add3A_391 = arith.addf %add3A_385, %get3A_390 : vector<1024x128xf32>
    %neg3A_392 = arith.constant 0.000000e+00 : f32
    %neg3A_393 = vector.broadcast %neg3A_392 : f32 to vector<1024x128xf32>
    %neg3A_394 = arith.subf %neg3A_393, %add3A_391 : vector<1024x128xf32>
    %bitcast_convert_type3A_395 = tpu.bitcast %neg3A_394 : vector<1024x128xf32> -> vector<1024x128xi32>
    %ge3A_396 = arith.constant 0 : i32
    %ge3A_397 = vector.broadcast %ge3A_396 : i32 to vector<1024x128xi32>
    %ge3A_398 = arith.cmpi sge, %bitcast_convert_type3A_395, %ge3A_397 : vector<1024x128xi32>
    %sub3A_399 = arith.constant -2147483648 : i32
    %sub3A_400 = vector.broadcast %sub3A_399 : i32 to vector<1024x128xi32>
    %sub3A_401 = arith.subi %sub3A_400, %bitcast_convert_type3A_395 : vector<1024x128xi32>
    %sub3A_402 = arith.constant 1 : i32
    %sub3A_403 = vector.broadcast %sub3A_402 : i32 to vector<1024x128xi32>
    %sub3A_404 = arith.subi %sub3A_401, %sub3A_403 : vector<1024x128xi32>
    %select_n3A_405 = arith.select %ge3A_398, %bitcast_convert_type3A_395, %sub3A_404 : vector<1024x128xi1>, vector<1024x128xi32>
    %reduce_max3A_406 = arith.constant dense<-2147483648> : vector<1024xi32>
    %reduce_max3A_407 = vector.multi_reduction <maxsi>, %select_n3A_405, %reduce_max3A_406 [1] : vector<1024x128xi32> to vector<1024xi32>
    %broadcast_in_dim3A_408 = vector.shape_cast %reduce_max3A_407 : vector<1024xi32> to vector<1024x1xi32>
    %eq3A_409 = vector.broadcast %broadcast_in_dim3A_408 : vector<1024x1xi32> to vector<1024x128xi32>
    %eq3A_410 = arith.cmpi eq, %select_n3A_405, %eq3A_409 : vector<1024x128xi32>
    %jit3A_411 = arith.constant 128 : i32
    %broadcast_in_dim3A_412 = vector.broadcast %jit3A_411 : i32 to vector<1024x128xi32>
    %select_n3A_413 = arith.select %eq3A_410, %iota3A, %broadcast_in_dim3A_412 : vector<1024x128xi1>, vector<1024x128xi32>
    %reduce_min3A_414 = arith.constant dense<2147483647> : vector<1024xi32>
    %reduce_min3A_415 = vector.multi_reduction <minsi>, %select_n3A_413, %reduce_min3A_414 [1] : vector<1024x128xi32> to vector<1024xi32>
    %broadcast_in_dim3A_416 = vector.shape_cast %reduce_min3A_415 : vector<1024xi32> to vector<1024x1xi32>
    %add3A_417 = arith.constant 256 : i32
    %add3A_418 = vector.broadcast %add3A_417 : i32 to vector<1024x1xi32>
    %add3A_419 = arith.addi %broadcast_in_dim3A_416, %add3A_418 : vector<1024x1xi32>
    %eq3A_420 = vector.broadcast %broadcast_in_dim3A_416 : vector<1024x1xi32> to vector<1024x128xi32>
    %eq3A_421 = arith.cmpi eq, %iota3A, %eq3A_420 : vector<1024x128xi32>
    %jit3A_422 = arith.constant -2147483648 : i32
    %broadcast_in_dim3A_423 = vector.broadcast %jit3A_422 : i32 to vector<1024x128xi32>
    %select_n3A_424 = arith.select %eq3A_421, %broadcast_in_dim3A_423, %select_n3A_405 : vector<1024x128xi1>, vector<1024x128xi32>
    %reduce_max3A_425 = arith.constant dense<-2147483648> : vector<1024xi32>
    %reduce_max3A_426 = vector.multi_reduction <maxsi>, %select_n3A_424, %reduce_max3A_425 [1] : vector<1024x128xi32> to vector<1024xi32>
    %broadcast_in_dim3A_427 = vector.shape_cast %reduce_max3A_426 : vector<1024xi32> to vector<1024x1xi32>
    %eq3A_428 = vector.broadcast %broadcast_in_dim3A_427 : vector<1024x1xi32> to vector<1024x128xi32>
    %eq3A_429 = arith.cmpi eq, %select_n3A_424, %eq3A_428 : vector<1024x128xi32>
    %jit3A_430 = arith.constant 128 : i32
    %broadcast_in_dim3A_431 = vector.broadcast %jit3A_430 : i32 to vector<1024x128xi32>
    %select_n3A_432 = arith.select %eq3A_429, %iota3A, %broadcast_in_dim3A_431 : vector<1024x128xi1>, vector<1024x128xi32>
    %reduce_min3A_433 = arith.constant dense<2147483647> : vector<1024xi32>
    %reduce_min3A_434 = vector.multi_reduction <minsi>, %select_n3A_432, %reduce_min3A_433 [1] : vector<1024x128xi32> to vector<1024xi32>
    %broadcast_in_dim3A_435 = vector.shape_cast %reduce_min3A_434 : vector<1024xi32> to vector<1024x1xi32>
    %add3A_436 = arith.constant 256 : i32
    %add3A_437 = vector.broadcast %add3A_436 : i32 to vector<1024x1xi32>
    %add3A_438 = arith.addi %broadcast_in_dim3A_435, %add3A_437 : vector<1024x1xi32>
    %eq3A_439 = vector.broadcast %broadcast_in_dim3A_435 : vector<1024x1xi32> to vector<1024x128xi32>
    %eq3A_440 = arith.cmpi eq, %iota3A, %eq3A_439 : vector<1024x128xi32>
    %jit3A_441 = arith.constant -2147483648 : i32
    %broadcast_in_dim3A_442 = vector.broadcast %jit3A_441 : i32 to vector<1024x128xi32>
    %select_n3A_443 = arith.select %eq3A_440, %broadcast_in_dim3A_442, %select_n3A_424 : vector<1024x128xi1>, vector<1024x128xi32>
    %reduce_max3A_444 = arith.constant dense<-2147483648> : vector<1024xi32>
    %reduce_max3A_445 = vector.multi_reduction <maxsi>, %select_n3A_443, %reduce_max3A_444 [1] : vector<1024x128xi32> to vector<1024xi32>
    %broadcast_in_dim3A_446 = vector.shape_cast %reduce_max3A_445 : vector<1024xi32> to vector<1024x1xi32>
    %eq3A_447 = vector.broadcast %broadcast_in_dim3A_446 : vector<1024x1xi32> to vector<1024x128xi32>
    %eq3A_448 = arith.cmpi eq, %select_n3A_443, %eq3A_447 : vector<1024x128xi32>
    %jit3A_449 = arith.constant 128 : i32
    %broadcast_in_dim3A_450 = vector.broadcast %jit3A_449 : i32 to vector<1024x128xi32>
    %select_n3A_451 = arith.select %eq3A_448, %iota3A, %broadcast_in_dim3A_450 : vector<1024x128xi1>, vector<1024x128xi32>
    %reduce_min3A_452 = arith.constant dense<2147483647> : vector<1024xi32>
    %reduce_min3A_453 = vector.multi_reduction <minsi>, %select_n3A_451, %reduce_min3A_452 [1] : vector<1024x128xi32> to vector<1024xi32>
    %broadcast_in_dim3A_454 = vector.shape_cast %reduce_min3A_453 : vector<1024xi32> to vector<1024x1xi32>
    %add3A_455 = arith.constant 256 : i32
    %add3A_456 = vector.broadcast %add3A_455 : i32 to vector<1024x1xi32>
    %add3A_457 = arith.addi %broadcast_in_dim3A_454, %add3A_456 : vector<1024x1xi32>
    %eq3A_458 = vector.broadcast %broadcast_in_dim3A_454 : vector<1024x1xi32> to vector<1024x128xi32>
    %eq3A_459 = arith.cmpi eq, %iota3A, %eq3A_458 : vector<1024x128xi32>
    %jit3A_460 = arith.constant -2147483648 : i32
    %broadcast_in_dim3A_461 = vector.broadcast %jit3A_460 : i32 to vector<1024x128xi32>
    %select_n3A_462 = arith.select %eq3A_459, %broadcast_in_dim3A_461, %select_n3A_443 : vector<1024x128xi1>, vector<1024x128xi32>
    %reduce_max3A_463 = arith.constant dense<-2147483648> : vector<1024xi32>
    %reduce_max3A_464 = vector.multi_reduction <maxsi>, %select_n3A_462, %reduce_max3A_463 [1] : vector<1024x128xi32> to vector<1024xi32>
    %broadcast_in_dim3A_465 = vector.shape_cast %reduce_max3A_464 : vector<1024xi32> to vector<1024x1xi32>
    %eq3A_466 = vector.broadcast %broadcast_in_dim3A_465 : vector<1024x1xi32> to vector<1024x128xi32>
    %eq3A_467 = arith.cmpi eq, %select_n3A_462, %eq3A_466 : vector<1024x128xi32>
    %jit3A_468 = arith.constant 128 : i32
    %broadcast_in_dim3A_469 = vector.broadcast %jit3A_468 : i32 to vector<1024x128xi32>
    %select_n3A_470 = arith.select %eq3A_467, %iota3A, %broadcast_in_dim3A_469 : vector<1024x128xi1>, vector<1024x128xi32>
    %reduce_min3A_471 = arith.constant dense<2147483647> : vector<1024xi32>
    %reduce_min3A_472 = vector.multi_reduction <minsi>, %select_n3A_470, %reduce_min3A_471 [1] : vector<1024x128xi32> to vector<1024xi32>
    %broadcast_in_dim3A_473 = vector.shape_cast %reduce_min3A_472 : vector<1024xi32> to vector<1024x1xi32>
    %add3A_474 = arith.constant 256 : i32
    %add3A_475 = vector.broadcast %add3A_474 : i32 to vector<1024x1xi32>
    %add3A_476 = arith.addi %broadcast_in_dim3A_473, %add3A_475 : vector<1024x1xi32>
    %eq3A_477 = vector.broadcast %broadcast_in_dim3A_473 : vector<1024x1xi32> to vector<1024x128xi32>
    %eq3A_478 = arith.cmpi eq, %iota3A, %eq3A_477 : vector<1024x128xi32>
    %jit3A_479 = arith.constant -2147483648 : i32
    %broadcast_in_dim3A_480 = vector.broadcast %jit3A_479 : i32 to vector<1024x128xi32>
    %select_n3A_481 = arith.select %eq3A_478, %broadcast_in_dim3A_480, %select_n3A_462 : vector<1024x128xi1>, vector<1024x128xi32>
    %reduce_max3A_482 = arith.constant dense<-2147483648> : vector<1024xi32>
    %reduce_max3A_483 = vector.multi_reduction <maxsi>, %select_n3A_481, %reduce_max3A_482 [1] : vector<1024x128xi32> to vector<1024xi32>
    %broadcast_in_dim3A_484 = vector.shape_cast %reduce_max3A_483 : vector<1024xi32> to vector<1024x1xi32>
    %eq3A_485 = vector.broadcast %broadcast_in_dim3A_484 : vector<1024x1xi32> to vector<1024x128xi32>
    %eq3A_486 = arith.cmpi eq, %select_n3A_481, %eq3A_485 : vector<1024x128xi32>
    %jit3A_487 = arith.constant 128 : i32
    %broadcast_in_dim3A_488 = vector.broadcast %jit3A_487 : i32 to vector<1024x128xi32>
    %select_n3A_489 = arith.select %eq3A_486, %iota3A, %broadcast_in_dim3A_488 : vector<1024x128xi1>, vector<1024x128xi32>
    %reduce_min3A_490 = arith.constant dense<2147483647> : vector<1024xi32>
    %reduce_min3A_491 = vector.multi_reduction <minsi>, %select_n3A_489, %reduce_min3A_490 [1] : vector<1024x128xi32> to vector<1024xi32>
    %broadcast_in_dim3A_492 = vector.shape_cast %reduce_min3A_491 : vector<1024xi32> to vector<1024x1xi32>
    %add3A_493 = arith.constant 256 : i32
    %add3A_494 = vector.broadcast %add3A_493 : i32 to vector<1024x1xi32>
    %add3A_495 = arith.addi %broadcast_in_dim3A_492, %add3A_494 : vector<1024x1xi32>
    %eq3A_496 = vector.broadcast %broadcast_in_dim3A_492 : vector<1024x1xi32> to vector<1024x128xi32>
    %eq3A_497 = arith.cmpi eq, %iota3A, %eq3A_496 : vector<1024x128xi32>
    %jit3A_498 = arith.constant -2147483648 : i32
    %broadcast_in_dim3A_499 = vector.broadcast %jit3A_498 : i32 to vector<1024x128xi32>
    %select_n3A_500 = arith.select %eq3A_497, %broadcast_in_dim3A_499, %select_n3A_481 : vector<1024x128xi1>, vector<1024x128xi32>
    %reduce_max3A_501 = arith.constant dense<-2147483648> : vector<1024xi32>
    %reduce_max3A_502 = vector.multi_reduction <maxsi>, %select_n3A_500, %reduce_max3A_501 [1] : vector<1024x128xi32> to vector<1024xi32>
    %broadcast_in_dim3A_503 = vector.shape_cast %reduce_max3A_502 : vector<1024xi32> to vector<1024x1xi32>
    %eq3A_504 = vector.broadcast %broadcast_in_dim3A_503 : vector<1024x1xi32> to vector<1024x128xi32>
    %eq3A_505 = arith.cmpi eq, %select_n3A_500, %eq3A_504 : vector<1024x128xi32>
    %jit3A_506 = arith.constant 128 : i32
    %broadcast_in_dim3A_507 = vector.broadcast %jit3A_506 : i32 to vector<1024x128xi32>
    %select_n3A_508 = arith.select %eq3A_505, %iota3A, %broadcast_in_dim3A_507 : vector<1024x128xi1>, vector<1024x128xi32>
    %reduce_min3A_509 = arith.constant dense<2147483647> : vector<1024xi32>
    %reduce_min3A_510 = vector.multi_reduction <minsi>, %select_n3A_508, %reduce_min3A_509 [1] : vector<1024x128xi32> to vector<1024xi32>
    %broadcast_in_dim3A_511 = vector.shape_cast %reduce_min3A_510 : vector<1024xi32> to vector<1024x1xi32>
    %add3A_512 = arith.constant 256 : i32
    %add3A_513 = vector.broadcast %add3A_512 : i32 to vector<1024x1xi32>
    %add3A_514 = arith.addi %broadcast_in_dim3A_511, %add3A_513 : vector<1024x1xi32>
    %eq3A_515 = vector.broadcast %broadcast_in_dim3A_511 : vector<1024x1xi32> to vector<1024x128xi32>
    %eq3A_516 = arith.cmpi eq, %iota3A, %eq3A_515 : vector<1024x128xi32>
    %jit3A_517 = arith.constant -2147483648 : i32
    %broadcast_in_dim3A_518 = vector.broadcast %jit3A_517 : i32 to vector<1024x128xi32>
    %select_n3A_519 = arith.select %eq3A_516, %broadcast_in_dim3A_518, %select_n3A_500 : vector<1024x128xi1>, vector<1024x128xi32>
    %reduce_max3A_520 = arith.constant dense<-2147483648> : vector<1024xi32>
    %reduce_max3A_521 = vector.multi_reduction <maxsi>, %select_n3A_519, %reduce_max3A_520 [1] : vector<1024x128xi32> to vector<1024xi32>
    %broadcast_in_dim3A_522 = vector.shape_cast %reduce_max3A_521 : vector<1024xi32> to vector<1024x1xi32>
    %eq3A_523 = vector.broadcast %broadcast_in_dim3A_522 : vector<1024x1xi32> to vector<1024x128xi32>
    %eq3A_524 = arith.cmpi eq, %select_n3A_519, %eq3A_523 : vector<1024x128xi32>
    %jit3A_525 = arith.constant 128 : i32
    %broadcast_in_dim3A_526 = vector.broadcast %jit3A_525 : i32 to vector<1024x128xi32>
    %select_n3A_527 = arith.select %eq3A_524, %iota3A, %broadcast_in_dim3A_526 : vector<1024x128xi1>, vector<1024x128xi32>
    %reduce_min3A_528 = arith.constant dense<2147483647> : vector<1024xi32>
    %reduce_min3A_529 = vector.multi_reduction <minsi>, %select_n3A_527, %reduce_min3A_528 [1] : vector<1024x128xi32> to vector<1024xi32>
    %broadcast_in_dim3A_530 = vector.shape_cast %reduce_min3A_529 : vector<1024xi32> to vector<1024x1xi32>
    %add3A_531 = arith.constant 256 : i32
    %add3A_532 = vector.broadcast %add3A_531 : i32 to vector<1024x1xi32>
    %add3A_533 = arith.addi %broadcast_in_dim3A_530, %add3A_532 : vector<1024x1xi32>
    %slice3A_534 = vector.extract_strided_slice %mul3A_60 {offsets = [0, 384], sizes = [96, 128], strides = [1, 1]} : vector<96x1024xf32> to vector<96x128xf32>
    %dot_general3A_535 = arith.constant dense<0.000000e+00> : vector<1024x128xf32>
    %dot_general3A_536 = tpu.matmul %transpose3A_61, %slice3A_534, %dot_general3A_535 {dimension_numbers = #tpu.dot_dimension_numbers<[1], [0], [0], [1], [0, 0, 1, 1], [], []>, transpose_lhs_hint = false} : vector<1024x96xf32>, vector<96x128xf32>, vector<1024x128xf32> -> vector<1024x128xf32>
    %mul3A_537 = arith.constant 2.000000e+00 : f32
    %mul3A_538 = vector.broadcast %mul3A_537 : f32 to vector<1024x128xf32>
    %mul3A_539 = arith.mulf %mul3A_538, %dot_general3A_536 : vector<1024x128xf32>
    %sub3A_540 = vector.broadcast %transpose3A_66 : vector<1024x1xf32> to vector<1024x128xf32>
    %sub3A_541 = arith.subf %sub3A_540, %mul3A_539 : vector<1024x128xf32>
    %slice3A_542 = vector.extract_strided_slice %broadcast_in_dim3A_65 {offsets = [0, 384], sizes = [1, 128], strides = [1, 1]} : vector<1x1024xf32> to vector<1x128xf32>
    %add3A_543 = vector.broadcast %slice3A_542 : vector<1x128xf32> to vector<1024x128xf32>
    %add3A_544 = arith.addf %sub3A_541, %add3A_543 : vector<1024x128xf32>
    %get3A_545 = arith.constant 0 : index
    %get3A_546 = arith.constant 0 : index
    %get3A_547 = arith.constant 384 : index
    %get3A_548 = vector.load %arg6[%get3A_545, %get3A_546, %get3A_547] : memref<1x1024x1024xf32, #tpu.memory_space<vmem>>, vector<1x1024x128xf32>
    %get3A_549 = vector.shape_cast %get3A_548 : vector<1x1024x128xf32> to vector<1024x128xf32>
    %add3A_550 = arith.addf %add3A_544, %get3A_549 : vector<1024x128xf32>
    %neg3A_551 = arith.constant 0.000000e+00 : f32
    %neg3A_552 = vector.broadcast %neg3A_551 : f32 to vector<1024x128xf32>
    %neg3A_553 = arith.subf %neg3A_552, %add3A_550 : vector<1024x128xf32>
    %bitcast_convert_type3A_554 = tpu.bitcast %neg3A_553 : vector<1024x128xf32> -> vector<1024x128xi32>
    %ge3A_555 = arith.constant 0 : i32
    %ge3A_556 = vector.broadcast %ge3A_555 : i32 to vector<1024x128xi32>
    %ge3A_557 = arith.cmpi sge, %bitcast_convert_type3A_554, %ge3A_556 : vector<1024x128xi32>
    %sub3A_558 = arith.constant -2147483648 : i32
    %sub3A_559 = vector.broadcast %sub3A_558 : i32 to vector<1024x128xi32>
    %sub3A_560 = arith.subi %sub3A_559, %bitcast_convert_type3A_554 : vector<1024x128xi32>
    %sub3A_561 = arith.constant 1 : i32
    %sub3A_562 = vector.broadcast %sub3A_561 : i32 to vector<1024x128xi32>
    %sub3A_563 = arith.subi %sub3A_560, %sub3A_562 : vector<1024x128xi32>
    %select_n3A_564 = arith.select %ge3A_557, %bitcast_convert_type3A_554, %sub3A_563 : vector<1024x128xi1>, vector<1024x128xi32>
    %reduce_max3A_565 = arith.constant dense<-2147483648> : vector<1024xi32>
    %reduce_max3A_566 = vector.multi_reduction <maxsi>, %select_n3A_564, %reduce_max3A_565 [1] : vector<1024x128xi32> to vector<1024xi32>
    %broadcast_in_dim3A_567 = vector.shape_cast %reduce_max3A_566 : vector<1024xi32> to vector<1024x1xi32>
    %eq3A_568 = vector.broadcast %broadcast_in_dim3A_567 : vector<1024x1xi32> to vector<1024x128xi32>
    %eq3A_569 = arith.cmpi eq, %select_n3A_564, %eq3A_568 : vector<1024x128xi32>
    %jit3A_570 = arith.constant 128 : i32
    %broadcast_in_dim3A_571 = vector.broadcast %jit3A_570 : i32 to vector<1024x128xi32>
    %select_n3A_572 = arith.select %eq3A_569, %iota3A, %broadcast_in_dim3A_571 : vector<1024x128xi1>, vector<1024x128xi32>
    %reduce_min3A_573 = arith.constant dense<2147483647> : vector<1024xi32>
    %reduce_min3A_574 = vector.multi_reduction <minsi>, %select_n3A_572, %reduce_min3A_573 [1] : vector<1024x128xi32> to vector<1024xi32>
    %broadcast_in_dim3A_575 = vector.shape_cast %reduce_min3A_574 : vector<1024xi32> to vector<1024x1xi32>
    %add3A_576 = arith.constant 384 : i32
    %add3A_577 = vector.broadcast %add3A_576 : i32 to vector<1024x1xi32>
    %add3A_578 = arith.addi %broadcast_in_dim3A_575, %add3A_577 : vector<1024x1xi32>
    %eq3A_579 = vector.broadcast %broadcast_in_dim3A_575 : vector<1024x1xi32> to vector<1024x128xi32>
    %eq3A_580 = arith.cmpi eq, %iota3A, %eq3A_579 : vector<1024x128xi32>
    %jit3A_581 = arith.constant -2147483648 : i32
    %broadcast_in_dim3A_582 = vector.broadcast %jit3A_581 : i32 to vector<1024x128xi32>
    %select_n3A_583 = arith.select %eq3A_580, %broadcast_in_dim3A_582, %select_n3A_564 : vector<1024x128xi1>, vector<1024x128xi32>
    %reduce_max3A_584 = arith.constant dense<-2147483648> : vector<1024xi32>
    %reduce_max3A_585 = vector.multi_reduction <maxsi>, %select_n3A_583, %reduce_max3A_584 [1] : vector<1024x128xi32> to vector<1024xi32>
    %broadcast_in_dim3A_586 = vector.shape_cast %reduce_max3A_585 : vector<1024xi32> to vector<1024x1xi32>
    %eq3A_587 = vector.broadcast %broadcast_in_dim3A_586 : vector<1024x1xi32> to vector<1024x128xi32>
    %eq3A_588 = arith.cmpi eq, %select_n3A_583, %eq3A_587 : vector<1024x128xi32>
    %jit3A_589 = arith.constant 128 : i32
    %broadcast_in_dim3A_590 = vector.broadcast %jit3A_589 : i32 to vector<1024x128xi32>
    %select_n3A_591 = arith.select %eq3A_588, %iota3A, %broadcast_in_dim3A_590 : vector<1024x128xi1>, vector<1024x128xi32>
    %reduce_min3A_592 = arith.constant dense<2147483647> : vector<1024xi32>
    %reduce_min3A_593 = vector.multi_reduction <minsi>, %select_n3A_591, %reduce_min3A_592 [1] : vector<1024x128xi32> to vector<1024xi32>
    %broadcast_in_dim3A_594 = vector.shape_cast %reduce_min3A_593 : vector<1024xi32> to vector<1024x1xi32>
    %add3A_595 = arith.constant 384 : i32
    %add3A_596 = vector.broadcast %add3A_595 : i32 to vector<1024x1xi32>
    %add3A_597 = arith.addi %broadcast_in_dim3A_594, %add3A_596 : vector<1024x1xi32>
    %eq3A_598 = vector.broadcast %broadcast_in_dim3A_594 : vector<1024x1xi32> to vector<1024x128xi32>
    %eq3A_599 = arith.cmpi eq, %iota3A, %eq3A_598 : vector<1024x128xi32>
    %jit3A_600 = arith.constant -2147483648 : i32
    %broadcast_in_dim3A_601 = vector.broadcast %jit3A_600 : i32 to vector<1024x128xi32>
    %select_n3A_602 = arith.select %eq3A_599, %broadcast_in_dim3A_601, %select_n3A_583 : vector<1024x128xi1>, vector<1024x128xi32>
    %reduce_max3A_603 = arith.constant dense<-2147483648> : vector<1024xi32>
    %reduce_max3A_604 = vector.multi_reduction <maxsi>, %select_n3A_602, %reduce_max3A_603 [1] : vector<1024x128xi32> to vector<1024xi32>
    %broadcast_in_dim3A_605 = vector.shape_cast %reduce_max3A_604 : vector<1024xi32> to vector<1024x1xi32>
    %eq3A_606 = vector.broadcast %broadcast_in_dim3A_605 : vector<1024x1xi32> to vector<1024x128xi32>
    %eq3A_607 = arith.cmpi eq, %select_n3A_602, %eq3A_606 : vector<1024x128xi32>
    %jit3A_608 = arith.constant 128 : i32
    %broadcast_in_dim3A_609 = vector.broadcast %jit3A_608 : i32 to vector<1024x128xi32>
    %select_n3A_610 = arith.select %eq3A_607, %iota3A, %broadcast_in_dim3A_609 : vector<1024x128xi1>, vector<1024x128xi32>
    %reduce_min3A_611 = arith.constant dense<2147483647> : vector<1024xi32>
    %reduce_min3A_612 = vector.multi_reduction <minsi>, %select_n3A_610, %reduce_min3A_611 [1] : vector<1024x128xi32> to vector<1024xi32>
    %broadcast_in_dim3A_613 = vector.shape_cast %reduce_min3A_612 : vector<1024xi32> to vector<1024x1xi32>
    %add3A_614 = arith.constant 384 : i32
    %add3A_615 = vector.broadcast %add3A_614 : i32 to vector<1024x1xi32>
    %add3A_616 = arith.addi %broadcast_in_dim3A_613, %add3A_615 : vector<1024x1xi32>
    %eq3A_617 = vector.broadcast %broadcast_in_dim3A_613 : vector<1024x1xi32> to vector<1024x128xi32>
    %eq3A_618 = arith.cmpi eq, %iota3A, %eq3A_617 : vector<1024x128xi32>
    %jit3A_619 = arith.constant -2147483648 : i32
    %broadcast_in_dim3A_620 = vector.broadcast %jit3A_619 : i32 to vector<1024x128xi32>
    %select_n3A_621 = arith.select %eq3A_618, %broadcast_in_dim3A_620, %select_n3A_602 : vector<1024x128xi1>, vector<1024x128xi32>
    %reduce_max3A_622 = arith.constant dense<-2147483648> : vector<1024xi32>
    %reduce_max3A_623 = vector.multi_reduction <maxsi>, %select_n3A_621, %reduce_max3A_622 [1] : vector<1024x128xi32> to vector<1024xi32>
    %broadcast_in_dim3A_624 = vector.shape_cast %reduce_max3A_623 : vector<1024xi32> to vector<1024x1xi32>
    %eq3A_625 = vector.broadcast %broadcast_in_dim3A_624 : vector<1024x1xi32> to vector<1024x128xi32>
    %eq3A_626 = arith.cmpi eq, %select_n3A_621, %eq3A_625 : vector<1024x128xi32>
    %jit3A_627 = arith.constant 128 : i32
    %broadcast_in_dim3A_628 = vector.broadcast %jit3A_627 : i32 to vector<1024x128xi32>
    %select_n3A_629 = arith.select %eq3A_626, %iota3A, %broadcast_in_dim3A_628 : vector<1024x128xi1>, vector<1024x128xi32>
    %reduce_min3A_630 = arith.constant dense<2147483647> : vector<1024xi32>
    %reduce_min3A_631 = vector.multi_reduction <minsi>, %select_n3A_629, %reduce_min3A_630 [1] : vector<1024x128xi32> to vector<1024xi32>
    %broadcast_in_dim3A_632 = vector.shape_cast %reduce_min3A_631 : vector<1024xi32> to vector<1024x1xi32>
    %add3A_633 = arith.constant 384 : i32
    %add3A_634 = vector.broadcast %add3A_633 : i32 to vector<1024x1xi32>
    %add3A_635 = arith.addi %broadcast_in_dim3A_632, %add3A_634 : vector<1024x1xi32>
    %eq3A_636 = vector.broadcast %broadcast_in_dim3A_632 : vector<1024x1xi32> to vector<1024x128xi32>
    %eq3A_637 = arith.cmpi eq, %iota3A, %eq3A_636 : vector<1024x128xi32>
    %jit3A_638 = arith.constant -2147483648 : i32
    %broadcast_in_dim3A_639 = vector.broadcast %jit3A_638 : i32 to vector<1024x128xi32>
    %select_n3A_640 = arith.select %eq3A_637, %broadcast_in_dim3A_639, %select_n3A_621 : vector<1024x128xi1>, vector<1024x128xi32>
    %reduce_max3A_641 = arith.constant dense<-2147483648> : vector<1024xi32>
    %reduce_max3A_642 = vector.multi_reduction <maxsi>, %select_n3A_640, %reduce_max3A_641 [1] : vector<1024x128xi32> to vector<1024xi32>
    %broadcast_in_dim3A_643 = vector.shape_cast %reduce_max3A_642 : vector<1024xi32> to vector<1024x1xi32>
    %eq3A_644 = vector.broadcast %broadcast_in_dim3A_643 : vector<1024x1xi32> to vector<1024x128xi32>
    %eq3A_645 = arith.cmpi eq, %select_n3A_640, %eq3A_644 : vector<1024x128xi32>
    %jit3A_646 = arith.constant 128 : i32
    %broadcast_in_dim3A_647 = vector.broadcast %jit3A_646 : i32 to vector<1024x128xi32>
    %select_n3A_648 = arith.select %eq3A_645, %iota3A, %broadcast_in_dim3A_647 : vector<1024x128xi1>, vector<1024x128xi32>
    %reduce_min3A_649 = arith.constant dense<2147483647> : vector<1024xi32>
    %reduce_min3A_650 = vector.multi_reduction <minsi>, %select_n3A_648, %reduce_min3A_649 [1] : vector<1024x128xi32> to vector<1024xi32>
    %broadcast_in_dim3A_651 = vector.shape_cast %reduce_min3A_650 : vector<1024xi32> to vector<1024x1xi32>
    %add3A_652 = arith.constant 384 : i32
    %add3A_653 = vector.broadcast %add3A_652 : i32 to vector<1024x1xi32>
    %add3A_654 = arith.addi %broadcast_in_dim3A_651, %add3A_653 : vector<1024x1xi32>
    %eq3A_655 = vector.broadcast %broadcast_in_dim3A_651 : vector<1024x1xi32> to vector<1024x128xi32>
    %eq3A_656 = arith.cmpi eq, %iota3A, %eq3A_655 : vector<1024x128xi32>
    %jit3A_657 = arith.constant -2147483648 : i32
    %broadcast_in_dim3A_658 = vector.broadcast %jit3A_657 : i32 to vector<1024x128xi32>
    %select_n3A_659 = arith.select %eq3A_656, %broadcast_in_dim3A_658, %select_n3A_640 : vector<1024x128xi1>, vector<1024x128xi32>
    %reduce_max3A_660 = arith.constant dense<-2147483648> : vector<1024xi32>
    %reduce_max3A_661 = vector.multi_reduction <maxsi>, %select_n3A_659, %reduce_max3A_660 [1] : vector<1024x128xi32> to vector<1024xi32>
    %broadcast_in_dim3A_662 = vector.shape_cast %reduce_max3A_661 : vector<1024xi32> to vector<1024x1xi32>
    %eq3A_663 = vector.broadcast %broadcast_in_dim3A_662 : vector<1024x1xi32> to vector<1024x128xi32>
    %eq3A_664 = arith.cmpi eq, %select_n3A_659, %eq3A_663 : vector<1024x128xi32>
    %jit3A_665 = arith.constant 128 : i32
    %broadcast_in_dim3A_666 = vector.broadcast %jit3A_665 : i32 to vector<1024x128xi32>
    %select_n3A_667 = arith.select %eq3A_664, %iota3A, %broadcast_in_dim3A_666 : vector<1024x128xi1>, vector<1024x128xi32>
    %reduce_min3A_668 = arith.constant dense<2147483647> : vector<1024xi32>
    %reduce_min3A_669 = vector.multi_reduction <minsi>, %select_n3A_667, %reduce_min3A_668 [1] : vector<1024x128xi32> to vector<1024xi32>
    %broadcast_in_dim3A_670 = vector.shape_cast %reduce_min3A_669 : vector<1024xi32> to vector<1024x1xi32>
    %add3A_671 = arith.constant 384 : i32
    %add3A_672 = vector.broadcast %add3A_671 : i32 to vector<1024x1xi32>
    %add3A_673 = arith.addi %broadcast_in_dim3A_670, %add3A_672 : vector<1024x1xi32>
    %eq3A_674 = vector.broadcast %broadcast_in_dim3A_670 : vector<1024x1xi32> to vector<1024x128xi32>
    %eq3A_675 = arith.cmpi eq, %iota3A, %eq3A_674 : vector<1024x128xi32>
    %jit3A_676 = arith.constant -2147483648 : i32
    %broadcast_in_dim3A_677 = vector.broadcast %jit3A_676 : i32 to vector<1024x128xi32>
    %select_n3A_678 = arith.select %eq3A_675, %broadcast_in_dim3A_677, %select_n3A_659 : vector<1024x128xi1>, vector<1024x128xi32>
    %reduce_max3A_679 = arith.constant dense<-2147483648> : vector<1024xi32>
    %reduce_max3A_680 = vector.multi_reduction <maxsi>, %select_n3A_678, %reduce_max3A_679 [1] : vector<1024x128xi32> to vector<1024xi32>
    %broadcast_in_dim3A_681 = vector.shape_cast %reduce_max3A_680 : vector<1024xi32> to vector<1024x1xi32>
    %eq3A_682 = vector.broadcast %broadcast_in_dim3A_681 : vector<1024x1xi32> to vector<1024x128xi32>
    %eq3A_683 = arith.cmpi eq, %select_n3A_678, %eq3A_682 : vector<1024x128xi32>
    %jit3A_684 = arith.constant 128 : i32
    %broadcast_in_dim3A_685 = vector.broadcast %jit3A_684 : i32 to vector<1024x128xi32>
    %select_n3A_686 = arith.select %eq3A_683, %iota3A, %broadcast_in_dim3A_685 : vector<1024x128xi1>, vector<1024x128xi32>
    %reduce_min3A_687 = arith.constant dense<2147483647> : vector<1024xi32>
    %reduce_min3A_688 = vector.multi_reduction <minsi>, %select_n3A_686, %reduce_min3A_687 [1] : vector<1024x128xi32> to vector<1024xi32>
    %broadcast_in_dim3A_689 = vector.shape_cast %reduce_min3A_688 : vector<1024xi32> to vector<1024x1xi32>
    %add3A_690 = arith.constant 384 : i32
    %add3A_691 = vector.broadcast %add3A_690 : i32 to vector<1024x1xi32>
    %add3A_692 = arith.addi %broadcast_in_dim3A_689, %add3A_691 : vector<1024x1xi32>
    %slice3A_693 = vector.extract_strided_slice %mul3A_60 {offsets = [0, 512], sizes = [96, 128], strides = [1, 1]} : vector<96x1024xf32> to vector<96x128xf32>
    %dot_general3A_694 = arith.constant dense<0.000000e+00> : vector<1024x128xf32>
    %dot_general3A_695 = tpu.matmul %transpose3A_61, %slice3A_693, %dot_general3A_694 {dimension_numbers = #tpu.dot_dimension_numbers<[1], [0], [0], [1], [0, 0, 1, 1], [], []>, transpose_lhs_hint = false} : vector<1024x96xf32>, vector<96x128xf32>, vector<1024x128xf32> -> vector<1024x128xf32>
    %mul3A_696 = arith.constant 2.000000e+00 : f32
    %mul3A_697 = vector.broadcast %mul3A_696 : f32 to vector<1024x128xf32>
    %mul3A_698 = arith.mulf %mul3A_697, %dot_general3A_695 : vector<1024x128xf32>
    %sub3A_699 = vector.broadcast %transpose3A_66 : vector<1024x1xf32> to vector<1024x128xf32>
    %sub3A_700 = arith.subf %sub3A_699, %mul3A_698 : vector<1024x128xf32>
    %slice3A_701 = vector.extract_strided_slice %broadcast_in_dim3A_65 {offsets = [0, 512], sizes = [1, 128], strides = [1, 1]} : vector<1x1024xf32> to vector<1x128xf32>
    %add3A_702 = vector.broadcast %slice3A_701 : vector<1x128xf32> to vector<1024x128xf32>
    %add3A_703 = arith.addf %sub3A_700, %add3A_702 : vector<1024x128xf32>
    %get3A_704 = arith.constant 0 : index
    %get3A_705 = arith.constant 0 : index
    %get3A_706 = arith.constant 512 : index
    %get3A_707 = vector.load %arg6[%get3A_704, %get3A_705, %get3A_706] : memref<1x1024x1024xf32, #tpu.memory_space<vmem>>, vector<1x1024x128xf32>
    %get3A_708 = vector.shape_cast %get3A_707 : vector<1x1024x128xf32> to vector<1024x128xf32>
    %add3A_709 = arith.addf %add3A_703, %get3A_708 : vector<1024x128xf32>
    %neg3A_710 = arith.constant 0.000000e+00 : f32
    %neg3A_711 = vector.broadcast %neg3A_710 : f32 to vector<1024x128xf32>
    %neg3A_712 = arith.subf %neg3A_711, %add3A_709 : vector<1024x128xf32>
    %bitcast_convert_type3A_713 = tpu.bitcast %neg3A_712 : vector<1024x128xf32> -> vector<1024x128xi32>
    %ge3A_714 = arith.constant 0 : i32
    %ge3A_715 = vector.broadcast %ge3A_714 : i32 to vector<1024x128xi32>
    %ge3A_716 = arith.cmpi sge, %bitcast_convert_type3A_713, %ge3A_715 : vector<1024x128xi32>
    %sub3A_717 = arith.constant -2147483648 : i32
    %sub3A_718 = vector.broadcast %sub3A_717 : i32 to vector<1024x128xi32>
    %sub3A_719 = arith.subi %sub3A_718, %bitcast_convert_type3A_713 : vector<1024x128xi32>
    %sub3A_720 = arith.constant 1 : i32
    %sub3A_721 = vector.broadcast %sub3A_720 : i32 to vector<1024x128xi32>
    %sub3A_722 = arith.subi %sub3A_719, %sub3A_721 : vector<1024x128xi32>
    %select_n3A_723 = arith.select %ge3A_716, %bitcast_convert_type3A_713, %sub3A_722 : vector<1024x128xi1>, vector<1024x128xi32>
    %reduce_max3A_724 = arith.constant dense<-2147483648> : vector<1024xi32>
    %reduce_max3A_725 = vector.multi_reduction <maxsi>, %select_n3A_723, %reduce_max3A_724 [1] : vector<1024x128xi32> to vector<1024xi32>
    %broadcast_in_dim3A_726 = vector.shape_cast %reduce_max3A_725 : vector<1024xi32> to vector<1024x1xi32>
    %eq3A_727 = vector.broadcast %broadcast_in_dim3A_726 : vector<1024x1xi32> to vector<1024x128xi32>
    %eq3A_728 = arith.cmpi eq, %select_n3A_723, %eq3A_727 : vector<1024x128xi32>
    %jit3A_729 = arith.constant 128 : i32
    %broadcast_in_dim3A_730 = vector.broadcast %jit3A_729 : i32 to vector<1024x128xi32>
    %select_n3A_731 = arith.select %eq3A_728, %iota3A, %broadcast_in_dim3A_730 : vector<1024x128xi1>, vector<1024x128xi32>
    %reduce_min3A_732 = arith.constant dense<2147483647> : vector<1024xi32>
    %reduce_min3A_733 = vector.multi_reduction <minsi>, %select_n3A_731, %reduce_min3A_732 [1] : vector<1024x128xi32> to vector<1024xi32>
    %broadcast_in_dim3A_734 = vector.shape_cast %reduce_min3A_733 : vector<1024xi32> to vector<1024x1xi32>
    %add3A_735 = arith.constant 512 : i32
    %add3A_736 = vector.broadcast %add3A_735 : i32 to vector<1024x1xi32>
    %add3A_737 = arith.addi %broadcast_in_dim3A_734, %add3A_736 : vector<1024x1xi32>
    %eq3A_738 = vector.broadcast %broadcast_in_dim3A_734 : vector<1024x1xi32> to vector<1024x128xi32>
    %eq3A_739 = arith.cmpi eq, %iota3A, %eq3A_738 : vector<1024x128xi32>
    %jit3A_740 = arith.constant -2147483648 : i32
    %broadcast_in_dim3A_741 = vector.broadcast %jit3A_740 : i32 to vector<1024x128xi32>
    %select_n3A_742 = arith.select %eq3A_739, %broadcast_in_dim3A_741, %select_n3A_723 : vector<1024x128xi1>, vector<1024x128xi32>
    %reduce_max3A_743 = arith.constant dense<-2147483648> : vector<1024xi32>
    %reduce_max3A_744 = vector.multi_reduction <maxsi>, %select_n3A_742, %reduce_max3A_743 [1] : vector<1024x128xi32> to vector<1024xi32>
    %broadcast_in_dim3A_745 = vector.shape_cast %reduce_max3A_744 : vector<1024xi32> to vector<1024x1xi32>
    %eq3A_746 = vector.broadcast %broadcast_in_dim3A_745 : vector<1024x1xi32> to vector<1024x128xi32>
    %eq3A_747 = arith.cmpi eq, %select_n3A_742, %eq3A_746 : vector<1024x128xi32>
    %jit3A_748 = arith.constant 128 : i32
    %broadcast_in_dim3A_749 = vector.broadcast %jit3A_748 : i32 to vector<1024x128xi32>
    %select_n3A_750 = arith.select %eq3A_747, %iota3A, %broadcast_in_dim3A_749 : vector<1024x128xi1>, vector<1024x128xi32>
    %reduce_min3A_751 = arith.constant dense<2147483647> : vector<1024xi32>
    %reduce_min3A_752 = vector.multi_reduction <minsi>, %select_n3A_750, %reduce_min3A_751 [1] : vector<1024x128xi32> to vector<1024xi32>
    %broadcast_in_dim3A_753 = vector.shape_cast %reduce_min3A_752 : vector<1024xi32> to vector<1024x1xi32>
    %add3A_754 = arith.constant 512 : i32
    %add3A_755 = vector.broadcast %add3A_754 : i32 to vector<1024x1xi32>
    %add3A_756 = arith.addi %broadcast_in_dim3A_753, %add3A_755 : vector<1024x1xi32>
    %eq3A_757 = vector.broadcast %broadcast_in_dim3A_753 : vector<1024x1xi32> to vector<1024x128xi32>
    %eq3A_758 = arith.cmpi eq, %iota3A, %eq3A_757 : vector<1024x128xi32>
    %jit3A_759 = arith.constant -2147483648 : i32
    %broadcast_in_dim3A_760 = vector.broadcast %jit3A_759 : i32 to vector<1024x128xi32>
    %select_n3A_761 = arith.select %eq3A_758, %broadcast_in_dim3A_760, %select_n3A_742 : vector<1024x128xi1>, vector<1024x128xi32>
    %reduce_max3A_762 = arith.constant dense<-2147483648> : vector<1024xi32>
    %reduce_max3A_763 = vector.multi_reduction <maxsi>, %select_n3A_761, %reduce_max3A_762 [1] : vector<1024x128xi32> to vector<1024xi32>
    %broadcast_in_dim3A_764 = vector.shape_cast %reduce_max3A_763 : vector<1024xi32> to vector<1024x1xi32>
    %eq3A_765 = vector.broadcast %broadcast_in_dim3A_764 : vector<1024x1xi32> to vector<1024x128xi32>
    %eq3A_766 = arith.cmpi eq, %select_n3A_761, %eq3A_765 : vector<1024x128xi32>
    %jit3A_767 = arith.constant 128 : i32
    %broadcast_in_dim3A_768 = vector.broadcast %jit3A_767 : i32 to vector<1024x128xi32>
    %select_n3A_769 = arith.select %eq3A_766, %iota3A, %broadcast_in_dim3A_768 : vector<1024x128xi1>, vector<1024x128xi32>
    %reduce_min3A_770 = arith.constant dense<2147483647> : vector<1024xi32>
    %reduce_min3A_771 = vector.multi_reduction <minsi>, %select_n3A_769, %reduce_min3A_770 [1] : vector<1024x128xi32> to vector<1024xi32>
    %broadcast_in_dim3A_772 = vector.shape_cast %reduce_min3A_771 : vector<1024xi32> to vector<1024x1xi32>
    %add3A_773 = arith.constant 512 : i32
    %add3A_774 = vector.broadcast %add3A_773 : i32 to vector<1024x1xi32>
    %add3A_775 = arith.addi %broadcast_in_dim3A_772, %add3A_774 : vector<1024x1xi32>
    %eq3A_776 = vector.broadcast %broadcast_in_dim3A_772 : vector<1024x1xi32> to vector<1024x128xi32>
    %eq3A_777 = arith.cmpi eq, %iota3A, %eq3A_776 : vector<1024x128xi32>
    %jit3A_778 = arith.constant -2147483648 : i32
    %broadcast_in_dim3A_779 = vector.broadcast %jit3A_778 : i32 to vector<1024x128xi32>
    %select_n3A_780 = arith.select %eq3A_777, %broadcast_in_dim3A_779, %select_n3A_761 : vector<1024x128xi1>, vector<1024x128xi32>
    %reduce_max3A_781 = arith.constant dense<-2147483648> : vector<1024xi32>
    %reduce_max3A_782 = vector.multi_reduction <maxsi>, %select_n3A_780, %reduce_max3A_781 [1] : vector<1024x128xi32> to vector<1024xi32>
    %broadcast_in_dim3A_783 = vector.shape_cast %reduce_max3A_782 : vector<1024xi32> to vector<1024x1xi32>
    %eq3A_784 = vector.broadcast %broadcast_in_dim3A_783 : vector<1024x1xi32> to vector<1024x128xi32>
    %eq3A_785 = arith.cmpi eq, %select_n3A_780, %eq3A_784 : vector<1024x128xi32>
    %jit3A_786 = arith.constant 128 : i32
    %broadcast_in_dim3A_787 = vector.broadcast %jit3A_786 : i32 to vector<1024x128xi32>
    %select_n3A_788 = arith.select %eq3A_785, %iota3A, %broadcast_in_dim3A_787 : vector<1024x128xi1>, vector<1024x128xi32>
    %reduce_min3A_789 = arith.constant dense<2147483647> : vector<1024xi32>
    %reduce_min3A_790 = vector.multi_reduction <minsi>, %select_n3A_788, %reduce_min3A_789 [1] : vector<1024x128xi32> to vector<1024xi32>
    %broadcast_in_dim3A_791 = vector.shape_cast %reduce_min3A_790 : vector<1024xi32> to vector<1024x1xi32>
    %add3A_792 = arith.constant 512 : i32
    %add3A_793 = vector.broadcast %add3A_792 : i32 to vector<1024x1xi32>
    %add3A_794 = arith.addi %broadcast_in_dim3A_791, %add3A_793 : vector<1024x1xi32>
    %eq3A_795 = vector.broadcast %broadcast_in_dim3A_791 : vector<1024x1xi32> to vector<1024x128xi32>
    %eq3A_796 = arith.cmpi eq, %iota3A, %eq3A_795 : vector<1024x128xi32>
    %jit3A_797 = arith.constant -2147483648 : i32
    %broadcast_in_dim3A_798 = vector.broadcast %jit3A_797 : i32 to vector<1024x128xi32>
    %select_n3A_799 = arith.select %eq3A_796, %broadcast_in_dim3A_798, %select_n3A_780 : vector<1024x128xi1>, vector<1024x128xi32>
    %reduce_max3A_800 = arith.constant dense<-2147483648> : vector<1024xi32>
    %reduce_max3A_801 = vector.multi_reduction <maxsi>, %select_n3A_799, %reduce_max3A_800 [1] : vector<1024x128xi32> to vector<1024xi32>
    %broadcast_in_dim3A_802 = vector.shape_cast %reduce_max3A_801 : vector<1024xi32> to vector<1024x1xi32>
    %eq3A_803 = vector.broadcast %broadcast_in_dim3A_802 : vector<1024x1xi32> to vector<1024x128xi32>
    %eq3A_804 = arith.cmpi eq, %select_n3A_799, %eq3A_803 : vector<1024x128xi32>
    %jit3A_805 = arith.constant 128 : i32
    %broadcast_in_dim3A_806 = vector.broadcast %jit3A_805 : i32 to vector<1024x128xi32>
    %select_n3A_807 = arith.select %eq3A_804, %iota3A, %broadcast_in_dim3A_806 : vector<1024x128xi1>, vector<1024x128xi32>
    %reduce_min3A_808 = arith.constant dense<2147483647> : vector<1024xi32>
    %reduce_min3A_809 = vector.multi_reduction <minsi>, %select_n3A_807, %reduce_min3A_808 [1] : vector<1024x128xi32> to vector<1024xi32>
    %broadcast_in_dim3A_810 = vector.shape_cast %reduce_min3A_809 : vector<1024xi32> to vector<1024x1xi32>
    %add3A_811 = arith.constant 512 : i32
    %add3A_812 = vector.broadcast %add3A_811 : i32 to vector<1024x1xi32>
    %add3A_813 = arith.addi %broadcast_in_dim3A_810, %add3A_812 : vector<1024x1xi32>
    %eq3A_814 = vector.broadcast %broadcast_in_dim3A_810 : vector<1024x1xi32> to vector<1024x128xi32>
    %eq3A_815 = arith.cmpi eq, %iota3A, %eq3A_814 : vector<1024x128xi32>
    %jit3A_816 = arith.constant -2147483648 : i32
    %broadcast_in_dim3A_817 = vector.broadcast %jit3A_816 : i32 to vector<1024x128xi32>
    %select_n3A_818 = arith.select %eq3A_815, %broadcast_in_dim3A_817, %select_n3A_799 : vector<1024x128xi1>, vector<1024x128xi32>
    %reduce_max3A_819 = arith.constant dense<-2147483648> : vector<1024xi32>
    %reduce_max3A_820 = vector.multi_reduction <maxsi>, %select_n3A_818, %reduce_max3A_819 [1] : vector<1024x128xi32> to vector<1024xi32>
    %broadcast_in_dim3A_821 = vector.shape_cast %reduce_max3A_820 : vector<1024xi32> to vector<1024x1xi32>
    %eq3A_822 = vector.broadcast %broadcast_in_dim3A_821 : vector<1024x1xi32> to vector<1024x128xi32>
    %eq3A_823 = arith.cmpi eq, %select_n3A_818, %eq3A_822 : vector<1024x128xi32>
    %jit3A_824 = arith.constant 128 : i32
    %broadcast_in_dim3A_825 = vector.broadcast %jit3A_824 : i32 to vector<1024x128xi32>
    %select_n3A_826 = arith.select %eq3A_823, %iota3A, %broadcast_in_dim3A_825 : vector<1024x128xi1>, vector<1024x128xi32>
    %reduce_min3A_827 = arith.constant dense<2147483647> : vector<1024xi32>
    %reduce_min3A_828 = vector.multi_reduction <minsi>, %select_n3A_826, %reduce_min3A_827 [1] : vector<1024x128xi32> to vector<1024xi32>
    %broadcast_in_dim3A_829 = vector.shape_cast %reduce_min3A_828 : vector<1024xi32> to vector<1024x1xi32>
    %add3A_830 = arith.constant 512 : i32
    %add3A_831 = vector.broadcast %add3A_830 : i32 to vector<1024x1xi32>
    %add3A_832 = arith.addi %broadcast_in_dim3A_829, %add3A_831 : vector<1024x1xi32>
    %eq3A_833 = vector.broadcast %broadcast_in_dim3A_829 : vector<1024x1xi32> to vector<1024x128xi32>
    %eq3A_834 = arith.cmpi eq, %iota3A, %eq3A_833 : vector<1024x128xi32>
    %jit3A_835 = arith.constant -2147483648 : i32
    %broadcast_in_dim3A_836 = vector.broadcast %jit3A_835 : i32 to vector<1024x128xi32>
    %select_n3A_837 = arith.select %eq3A_834, %broadcast_in_dim3A_836, %select_n3A_818 : vector<1024x128xi1>, vector<1024x128xi32>
    %reduce_max3A_838 = arith.constant dense<-2147483648> : vector<1024xi32>
    %reduce_max3A_839 = vector.multi_reduction <maxsi>, %select_n3A_837, %reduce_max3A_838 [1] : vector<1024x128xi32> to vector<1024xi32>
    %broadcast_in_dim3A_840 = vector.shape_cast %reduce_max3A_839 : vector<1024xi32> to vector<1024x1xi32>
    %eq3A_841 = vector.broadcast %broadcast_in_dim3A_840 : vector<1024x1xi32> to vector<1024x128xi32>
    %eq3A_842 = arith.cmpi eq, %select_n3A_837, %eq3A_841 : vector<1024x128xi32>
    %jit3A_843 = arith.constant 128 : i32
    %broadcast_in_dim3A_844 = vector.broadcast %jit3A_843 : i32 to vector<1024x128xi32>
    %select_n3A_845 = arith.select %eq3A_842, %iota3A, %broadcast_in_dim3A_844 : vector<1024x128xi1>, vector<1024x128xi32>
    %reduce_min3A_846 = arith.constant dense<2147483647> : vector<1024xi32>
    %reduce_min3A_847 = vector.multi_reduction <minsi>, %select_n3A_845, %reduce_min3A_846 [1] : vector<1024x128xi32> to vector<1024xi32>
    %broadcast_in_dim3A_848 = vector.shape_cast %reduce_min3A_847 : vector<1024xi32> to vector<1024x1xi32>
    %add3A_849 = arith.constant 512 : i32
    %add3A_850 = vector.broadcast %add3A_849 : i32 to vector<1024x1xi32>
    %add3A_851 = arith.addi %broadcast_in_dim3A_848, %add3A_850 : vector<1024x1xi32>
    %slice3A_852 = vector.extract_strided_slice %mul3A_60 {offsets = [0, 640], sizes = [96, 128], strides = [1, 1]} : vector<96x1024xf32> to vector<96x128xf32>
    %dot_general3A_853 = arith.constant dense<0.000000e+00> : vector<1024x128xf32>
    %dot_general3A_854 = tpu.matmul %transpose3A_61, %slice3A_852, %dot_general3A_853 {dimension_numbers = #tpu.dot_dimension_numbers<[1], [0], [0], [1], [0, 0, 1, 1], [], []>, transpose_lhs_hint = false} : vector<1024x96xf32>, vector<96x128xf32>, vector<1024x128xf32> -> vector<1024x128xf32>
    %mul3A_855 = arith.constant 2.000000e+00 : f32
    %mul3A_856 = vector.broadcast %mul3A_855 : f32 to vector<1024x128xf32>
    %mul3A_857 = arith.mulf %mul3A_856, %dot_general3A_854 : vector<1024x128xf32>
    %sub3A_858 = vector.broadcast %transpose3A_66 : vector<1024x1xf32> to vector<1024x128xf32>
    %sub3A_859 = arith.subf %sub3A_858, %mul3A_857 : vector<1024x128xf32>
    %slice3A_860 = vector.extract_strided_slice %broadcast_in_dim3A_65 {offsets = [0, 640], sizes = [1, 128], strides = [1, 1]} : vector<1x1024xf32> to vector<1x128xf32>
    %add3A_861 = vector.broadcast %slice3A_860 : vector<1x128xf32> to vector<1024x128xf32>
    %add3A_862 = arith.addf %sub3A_859, %add3A_861 : vector<1024x128xf32>
    %get3A_863 = arith.constant 0 : index
    %get3A_864 = arith.constant 0 : index
    %get3A_865 = arith.constant 640 : index
    %get3A_866 = vector.load %arg6[%get3A_863, %get3A_864, %get3A_865] : memref<1x1024x1024xf32, #tpu.memory_space<vmem>>, vector<1x1024x128xf32>
    %get3A_867 = vector.shape_cast %get3A_866 : vector<1x1024x128xf32> to vector<1024x128xf32>
    %add3A_868 = arith.addf %add3A_862, %get3A_867 : vector<1024x128xf32>
    %neg3A_869 = arith.constant 0.000000e+00 : f32
    %neg3A_870 = vector.broadcast %neg3A_869 : f32 to vector<1024x128xf32>
    %neg3A_871 = arith.subf %neg3A_870, %add3A_868 : vector<1024x128xf32>
    %bitcast_convert_type3A_872 = tpu.bitcast %neg3A_871 : vector<1024x128xf32> -> vector<1024x128xi32>
    %ge3A_873 = arith.constant 0 : i32
    %ge3A_874 = vector.broadcast %ge3A_873 : i32 to vector<1024x128xi32>
    %ge3A_875 = arith.cmpi sge, %bitcast_convert_type3A_872, %ge3A_874 : vector<1024x128xi32>
    %sub3A_876 = arith.constant -2147483648 : i32
    %sub3A_877 = vector.broadcast %sub3A_876 : i32 to vector<1024x128xi32>
    %sub3A_878 = arith.subi %sub3A_877, %bitcast_convert_type3A_872 : vector<1024x128xi32>
    %sub3A_879 = arith.constant 1 : i32
    %sub3A_880 = vector.broadcast %sub3A_879 : i32 to vector<1024x128xi32>
    %sub3A_881 = arith.subi %sub3A_878, %sub3A_880 : vector<1024x128xi32>
    %select_n3A_882 = arith.select %ge3A_875, %bitcast_convert_type3A_872, %sub3A_881 : vector<1024x128xi1>, vector<1024x128xi32>
    %reduce_max3A_883 = arith.constant dense<-2147483648> : vector<1024xi32>
    %reduce_max3A_884 = vector.multi_reduction <maxsi>, %select_n3A_882, %reduce_max3A_883 [1] : vector<1024x128xi32> to vector<1024xi32>
    %broadcast_in_dim3A_885 = vector.shape_cast %reduce_max3A_884 : vector<1024xi32> to vector<1024x1xi32>
    %eq3A_886 = vector.broadcast %broadcast_in_dim3A_885 : vector<1024x1xi32> to vector<1024x128xi32>
    %eq3A_887 = arith.cmpi eq, %select_n3A_882, %eq3A_886 : vector<1024x128xi32>
    %jit3A_888 = arith.constant 128 : i32
    %broadcast_in_dim3A_889 = vector.broadcast %jit3A_888 : i32 to vector<1024x128xi32>
    %select_n3A_890 = arith.select %eq3A_887, %iota3A, %broadcast_in_dim3A_889 : vector<1024x128xi1>, vector<1024x128xi32>
    %reduce_min3A_891 = arith.constant dense<2147483647> : vector<1024xi32>
    %reduce_min3A_892 = vector.multi_reduction <minsi>, %select_n3A_890, %reduce_min3A_891 [1] : vector<1024x128xi32> to vector<1024xi32>
    %broadcast_in_dim3A_893 = vector.shape_cast %reduce_min3A_892 : vector<1024xi32> to vector<1024x1xi32>
    %add3A_894 = arith.constant 640 : i32
    %add3A_895 = vector.broadcast %add3A_894 : i32 to vector<1024x1xi32>
    %add3A_896 = arith.addi %broadcast_in_dim3A_893, %add3A_895 : vector<1024x1xi32>
    %eq3A_897 = vector.broadcast %broadcast_in_dim3A_893 : vector<1024x1xi32> to vector<1024x128xi32>
    %eq3A_898 = arith.cmpi eq, %iota3A, %eq3A_897 : vector<1024x128xi32>
    %jit3A_899 = arith.constant -2147483648 : i32
    %broadcast_in_dim3A_900 = vector.broadcast %jit3A_899 : i32 to vector<1024x128xi32>
    %select_n3A_901 = arith.select %eq3A_898, %broadcast_in_dim3A_900, %select_n3A_882 : vector<1024x128xi1>, vector<1024x128xi32>
    %reduce_max3A_902 = arith.constant dense<-2147483648> : vector<1024xi32>
    %reduce_max3A_903 = vector.multi_reduction <maxsi>, %select_n3A_901, %reduce_max3A_902 [1] : vector<1024x128xi32> to vector<1024xi32>
    %broadcast_in_dim3A_904 = vector.shape_cast %reduce_max3A_903 : vector<1024xi32> to vector<1024x1xi32>
    %eq3A_905 = vector.broadcast %broadcast_in_dim3A_904 : vector<1024x1xi32> to vector<1024x128xi32>
    %eq3A_906 = arith.cmpi eq, %select_n3A_901, %eq3A_905 : vector<1024x128xi32>
    %jit3A_907 = arith.constant 128 : i32
    %broadcast_in_dim3A_908 = vector.broadcast %jit3A_907 : i32 to vector<1024x128xi32>
    %select_n3A_909 = arith.select %eq3A_906, %iota3A, %broadcast_in_dim3A_908 : vector<1024x128xi1>, vector<1024x128xi32>
    %reduce_min3A_910 = arith.constant dense<2147483647> : vector<1024xi32>
    %reduce_min3A_911 = vector.multi_reduction <minsi>, %select_n3A_909, %reduce_min3A_910 [1] : vector<1024x128xi32> to vector<1024xi32>
    %broadcast_in_dim3A_912 = vector.shape_cast %reduce_min3A_911 : vector<1024xi32> to vector<1024x1xi32>
    %add3A_913 = arith.constant 640 : i32
    %add3A_914 = vector.broadcast %add3A_913 : i32 to vector<1024x1xi32>
    %add3A_915 = arith.addi %broadcast_in_dim3A_912, %add3A_914 : vector<1024x1xi32>
    %eq3A_916 = vector.broadcast %broadcast_in_dim3A_912 : vector<1024x1xi32> to vector<1024x128xi32>
    %eq3A_917 = arith.cmpi eq, %iota3A, %eq3A_916 : vector<1024x128xi32>
    %jit3A_918 = arith.constant -2147483648 : i32
    %broadcast_in_dim3A_919 = vector.broadcast %jit3A_918 : i32 to vector<1024x128xi32>
    %select_n3A_920 = arith.select %eq3A_917, %broadcast_in_dim3A_919, %select_n3A_901 : vector<1024x128xi1>, vector<1024x128xi32>
    %reduce_max3A_921 = arith.constant dense<-2147483648> : vector<1024xi32>
    %reduce_max3A_922 = vector.multi_reduction <maxsi>, %select_n3A_920, %reduce_max3A_921 [1] : vector<1024x128xi32> to vector<1024xi32>
    %broadcast_in_dim3A_923 = vector.shape_cast %reduce_max3A_922 : vector<1024xi32> to vector<1024x1xi32>
    %eq3A_924 = vector.broadcast %broadcast_in_dim3A_923 : vector<1024x1xi32> to vector<1024x128xi32>
    %eq3A_925 = arith.cmpi eq, %select_n3A_920, %eq3A_924 : vector<1024x128xi32>
    %jit3A_926 = arith.constant 128 : i32
    %broadcast_in_dim3A_927 = vector.broadcast %jit3A_926 : i32 to vector<1024x128xi32>
    %select_n3A_928 = arith.select %eq3A_925, %iota3A, %broadcast_in_dim3A_927 : vector<1024x128xi1>, vector<1024x128xi32>
    %reduce_min3A_929 = arith.constant dense<2147483647> : vector<1024xi32>
    %reduce_min3A_930 = vector.multi_reduction <minsi>, %select_n3A_928, %reduce_min3A_929 [1] : vector<1024x128xi32> to vector<1024xi32>
    %broadcast_in_dim3A_931 = vector.shape_cast %reduce_min3A_930 : vector<1024xi32> to vector<1024x1xi32>
    %add3A_932 = arith.constant 640 : i32
    %add3A_933 = vector.broadcast %add3A_932 : i32 to vector<1024x1xi32>
    %add3A_934 = arith.addi %broadcast_in_dim3A_931, %add3A_933 : vector<1024x1xi32>
    %eq3A_935 = vector.broadcast %broadcast_in_dim3A_931 : vector<1024x1xi32> to vector<1024x128xi32>
    %eq3A_936 = arith.cmpi eq, %iota3A, %eq3A_935 : vector<1024x128xi32>
    %jit3A_937 = arith.constant -2147483648 : i32
    %broadcast_in_dim3A_938 = vector.broadcast %jit3A_937 : i32 to vector<1024x128xi32>
    %select_n3A_939 = arith.select %eq3A_936, %broadcast_in_dim3A_938, %select_n3A_920 : vector<1024x128xi1>, vector<1024x128xi32>
    %reduce_max3A_940 = arith.constant dense<-2147483648> : vector<1024xi32>
    %reduce_max3A_941 = vector.multi_reduction <maxsi>, %select_n3A_939, %reduce_max3A_940 [1] : vector<1024x128xi32> to vector<1024xi32>
    %broadcast_in_dim3A_942 = vector.shape_cast %reduce_max3A_941 : vector<1024xi32> to vector<1024x1xi32>
    %eq3A_943 = vector.broadcast %broadcast_in_dim3A_942 : vector<1024x1xi32> to vector<1024x128xi32>
    %eq3A_944 = arith.cmpi eq, %select_n3A_939, %eq3A_943 : vector<1024x128xi32>
    %jit3A_945 = arith.constant 128 : i32
    %broadcast_in_dim3A_946 = vector.broadcast %jit3A_945 : i32 to vector<1024x128xi32>
    %select_n3A_947 = arith.select %eq3A_944, %iota3A, %broadcast_in_dim3A_946 : vector<1024x128xi1>, vector<1024x128xi32>
    %reduce_min3A_948 = arith.constant dense<2147483647> : vector<1024xi32>
    %reduce_min3A_949 = vector.multi_reduction <minsi>, %select_n3A_947, %reduce_min3A_948 [1] : vector<1024x128xi32> to vector<1024xi32>
    %broadcast_in_dim3A_950 = vector.shape_cast %reduce_min3A_949 : vector<1024xi32> to vector<1024x1xi32>
    %add3A_951 = arith.constant 640 : i32
    %add3A_952 = vector.broadcast %add3A_951 : i32 to vector<1024x1xi32>
    %add3A_953 = arith.addi %broadcast_in_dim3A_950, %add3A_952 : vector<1024x1xi32>
    %eq3A_954 = vector.broadcast %broadcast_in_dim3A_950 : vector<1024x1xi32> to vector<1024x128xi32>
    %eq3A_955 = arith.cmpi eq, %iota3A, %eq3A_954 : vector<1024x128xi32>
    %jit3A_956 = arith.constant -2147483648 : i32
    %broadcast_in_dim3A_957 = vector.broadcast %jit3A_956 : i32 to vector<1024x128xi32>
    %select_n3A_958 = arith.select %eq3A_955, %broadcast_in_dim3A_957, %select_n3A_939 : vector<1024x128xi1>, vector<1024x128xi32>
    %reduce_max3A_959 = arith.constant dense<-2147483648> : vector<1024xi32>
    %reduce_max3A_960 = vector.multi_reduction <maxsi>, %select_n3A_958, %reduce_max3A_959 [1] : vector<1024x128xi32> to vector<1024xi32>
    %broadcast_in_dim3A_961 = vector.shape_cast %reduce_max3A_960 : vector<1024xi32> to vector<1024x1xi32>
    %eq3A_962 = vector.broadcast %broadcast_in_dim3A_961 : vector<1024x1xi32> to vector<1024x128xi32>
    %eq3A_963 = arith.cmpi eq, %select_n3A_958, %eq3A_962 : vector<1024x128xi32>
    %jit3A_964 = arith.constant 128 : i32
    %broadcast_in_dim3A_965 = vector.broadcast %jit3A_964 : i32 to vector<1024x128xi32>
    %select_n3A_966 = arith.select %eq3A_963, %iota3A, %broadcast_in_dim3A_965 : vector<1024x128xi1>, vector<1024x128xi32>
    %reduce_min3A_967 = arith.constant dense<2147483647> : vector<1024xi32>
    %reduce_min3A_968 = vector.multi_reduction <minsi>, %select_n3A_966, %reduce_min3A_967 [1] : vector<1024x128xi32> to vector<1024xi32>
    %broadcast_in_dim3A_969 = vector.shape_cast %reduce_min3A_968 : vector<1024xi32> to vector<1024x1xi32>
    %add3A_970 = arith.constant 640 : i32
    %add3A_971 = vector.broadcast %add3A_970 : i32 to vector<1024x1xi32>
    %add3A_972 = arith.addi %broadcast_in_dim3A_969, %add3A_971 : vector<1024x1xi32>
    %eq3A_973 = vector.broadcast %broadcast_in_dim3A_969 : vector<1024x1xi32> to vector<1024x128xi32>
    %eq3A_974 = arith.cmpi eq, %iota3A, %eq3A_973 : vector<1024x128xi32>
    %jit3A_975 = arith.constant -2147483648 : i32
    %broadcast_in_dim3A_976 = vector.broadcast %jit3A_975 : i32 to vector<1024x128xi32>
    %select_n3A_977 = arith.select %eq3A_974, %broadcast_in_dim3A_976, %select_n3A_958 : vector<1024x128xi1>, vector<1024x128xi32>
    %reduce_max3A_978 = arith.constant dense<-2147483648> : vector<1024xi32>
    %reduce_max3A_979 = vector.multi_reduction <maxsi>, %select_n3A_977, %reduce_max3A_978 [1] : vector<1024x128xi32> to vector<1024xi32>
    %broadcast_in_dim3A_980 = vector.shape_cast %reduce_max3A_979 : vector<1024xi32> to vector<1024x1xi32>
    %eq3A_981 = vector.broadcast %broadcast_in_dim3A_980 : vector<1024x1xi32> to vector<1024x128xi32>
    %eq3A_982 = arith.cmpi eq, %select_n3A_977, %eq3A_981 : vector<1024x128xi32>
    %jit3A_983 = arith.constant 128 : i32
    %broadcast_in_dim3A_984 = vector.broadcast %jit3A_983 : i32 to vector<1024x128xi32>
    %select_n3A_985 = arith.select %eq3A_982, %iota3A, %broadcast_in_dim3A_984 : vector<1024x128xi1>, vector<1024x128xi32>
    %reduce_min3A_986 = arith.constant dense<2147483647> : vector<1024xi32>
    %reduce_min3A_987 = vector.multi_reduction <minsi>, %select_n3A_985, %reduce_min3A_986 [1] : vector<1024x128xi32> to vector<1024xi32>
    %broadcast_in_dim3A_988 = vector.shape_cast %reduce_min3A_987 : vector<1024xi32> to vector<1024x1xi32>
    %add3A_989 = arith.constant 640 : i32
    %add3A_990 = vector.broadcast %add3A_989 : i32 to vector<1024x1xi32>
    %add3A_991 = arith.addi %broadcast_in_dim3A_988, %add3A_990 : vector<1024x1xi32>
    %eq3A_992 = vector.broadcast %broadcast_in_dim3A_988 : vector<1024x1xi32> to vector<1024x128xi32>
    %eq3A_993 = arith.cmpi eq, %iota3A, %eq3A_992 : vector<1024x128xi32>
    %jit3A_994 = arith.constant -2147483648 : i32
    %broadcast_in_dim3A_995 = vector.broadcast %jit3A_994 : i32 to vector<1024x128xi32>
    %select_n3A_996 = arith.select %eq3A_993, %broadcast_in_dim3A_995, %select_n3A_977 : vector<1024x128xi1>, vector<1024x128xi32>
    %reduce_max3A_997 = arith.constant dense<-2147483648> : vector<1024xi32>
    %reduce_max3A_998 = vector.multi_reduction <maxsi>, %select_n3A_996, %reduce_max3A_997 [1] : vector<1024x128xi32> to vector<1024xi32>
    %broadcast_in_dim3A_999 = vector.shape_cast %reduce_max3A_998 : vector<1024xi32> to vector<1024x1xi32>
    %eq3A_1000 = vector.broadcast %broadcast_in_dim3A_999 : vector<1024x1xi32> to vector<1024x128xi32>
    %eq3A_1001 = arith.cmpi eq, %select_n3A_996, %eq3A_1000 : vector<1024x128xi32>
    %jit3A_1002 = arith.constant 128 : i32
    %broadcast_in_dim3A_1003 = vector.broadcast %jit3A_1002 : i32 to vector<1024x128xi32>
    %select_n3A_1004 = arith.select %eq3A_1001, %iota3A, %broadcast_in_dim3A_1003 : vector<1024x128xi1>, vector<1024x128xi32>
    %reduce_min3A_1005 = arith.constant dense<2147483647> : vector<1024xi32>
    %reduce_min3A_1006 = vector.multi_reduction <minsi>, %select_n3A_1004, %reduce_min3A_1005 [1] : vector<1024x128xi32> to vector<1024xi32>
    %broadcast_in_dim3A_1007 = vector.shape_cast %reduce_min3A_1006 : vector<1024xi32> to vector<1024x1xi32>
    %add3A_1008 = arith.constant 640 : i32
    %add3A_1009 = vector.broadcast %add3A_1008 : i32 to vector<1024x1xi32>
    %add3A_1010 = arith.addi %broadcast_in_dim3A_1007, %add3A_1009 : vector<1024x1xi32>
    %slice3A_1011 = vector.extract_strided_slice %mul3A_60 {offsets = [0, 768], sizes = [96, 128], strides = [1, 1]} : vector<96x1024xf32> to vector<96x128xf32>
    %dot_general3A_1012 = arith.constant dense<0.000000e+00> : vector<1024x128xf32>
    %dot_general3A_1013 = tpu.matmul %transpose3A_61, %slice3A_1011, %dot_general3A_1012 {dimension_numbers = #tpu.dot_dimension_numbers<[1], [0], [0], [1], [0, 0, 1, 1], [], []>, transpose_lhs_hint = false} : vector<1024x96xf32>, vector<96x128xf32>, vector<1024x128xf32> -> vector<1024x128xf32>
    %mul3A_1014 = arith.constant 2.000000e+00 : f32
    %mul3A_1015 = vector.broadcast %mul3A_1014 : f32 to vector<1024x128xf32>
    %mul3A_1016 = arith.mulf %mul3A_1015, %dot_general3A_1013 : vector<1024x128xf32>
    %sub3A_1017 = vector.broadcast %transpose3A_66 : vector<1024x1xf32> to vector<1024x128xf32>
    %sub3A_1018 = arith.subf %sub3A_1017, %mul3A_1016 : vector<1024x128xf32>
    %slice3A_1019 = vector.extract_strided_slice %broadcast_in_dim3A_65 {offsets = [0, 768], sizes = [1, 128], strides = [1, 1]} : vector<1x1024xf32> to vector<1x128xf32>
    %add3A_1020 = vector.broadcast %slice3A_1019 : vector<1x128xf32> to vector<1024x128xf32>
    %add3A_1021 = arith.addf %sub3A_1018, %add3A_1020 : vector<1024x128xf32>
    %get3A_1022 = arith.constant 0 : index
    %get3A_1023 = arith.constant 0 : index
    %get3A_1024 = arith.constant 768 : index
    %get3A_1025 = vector.load %arg6[%get3A_1022, %get3A_1023, %get3A_1024] : memref<1x1024x1024xf32, #tpu.memory_space<vmem>>, vector<1x1024x128xf32>
    %get3A_1026 = vector.shape_cast %get3A_1025 : vector<1x1024x128xf32> to vector<1024x128xf32>
    %add3A_1027 = arith.addf %add3A_1021, %get3A_1026 : vector<1024x128xf32>
    %neg3A_1028 = arith.constant 0.000000e+00 : f32
    %neg3A_1029 = vector.broadcast %neg3A_1028 : f32 to vector<1024x128xf32>
    %neg3A_1030 = arith.subf %neg3A_1029, %add3A_1027 : vector<1024x128xf32>
    %bitcast_convert_type3A_1031 = tpu.bitcast %neg3A_1030 : vector<1024x128xf32> -> vector<1024x128xi32>
    %ge3A_1032 = arith.constant 0 : i32
    %ge3A_1033 = vector.broadcast %ge3A_1032 : i32 to vector<1024x128xi32>
    %ge3A_1034 = arith.cmpi sge, %bitcast_convert_type3A_1031, %ge3A_1033 : vector<1024x128xi32>
    %sub3A_1035 = arith.constant -2147483648 : i32
    %sub3A_1036 = vector.broadcast %sub3A_1035 : i32 to vector<1024x128xi32>
    %sub3A_1037 = arith.subi %sub3A_1036, %bitcast_convert_type3A_1031 : vector<1024x128xi32>
    %sub3A_1038 = arith.constant 1 : i32
    %sub3A_1039 = vector.broadcast %sub3A_1038 : i32 to vector<1024x128xi32>
    %sub3A_1040 = arith.subi %sub3A_1037, %sub3A_1039 : vector<1024x128xi32>
    %select_n3A_1041 = arith.select %ge3A_1034, %bitcast_convert_type3A_1031, %sub3A_1040 : vector<1024x128xi1>, vector<1024x128xi32>
    %reduce_max3A_1042 = arith.constant dense<-2147483648> : vector<1024xi32>
    %reduce_max3A_1043 = vector.multi_reduction <maxsi>, %select_n3A_1041, %reduce_max3A_1042 [1] : vector<1024x128xi32> to vector<1024xi32>
    %broadcast_in_dim3A_1044 = vector.shape_cast %reduce_max3A_1043 : vector<1024xi32> to vector<1024x1xi32>
    %eq3A_1045 = vector.broadcast %broadcast_in_dim3A_1044 : vector<1024x1xi32> to vector<1024x128xi32>
    %eq3A_1046 = arith.cmpi eq, %select_n3A_1041, %eq3A_1045 : vector<1024x128xi32>
    %jit3A_1047 = arith.constant 128 : i32
    %broadcast_in_dim3A_1048 = vector.broadcast %jit3A_1047 : i32 to vector<1024x128xi32>
    %select_n3A_1049 = arith.select %eq3A_1046, %iota3A, %broadcast_in_dim3A_1048 : vector<1024x128xi1>, vector<1024x128xi32>
    %reduce_min3A_1050 = arith.constant dense<2147483647> : vector<1024xi32>
    %reduce_min3A_1051 = vector.multi_reduction <minsi>, %select_n3A_1049, %reduce_min3A_1050 [1] : vector<1024x128xi32> to vector<1024xi32>
    %broadcast_in_dim3A_1052 = vector.shape_cast %reduce_min3A_1051 : vector<1024xi32> to vector<1024x1xi32>
    %add3A_1053 = arith.constant 768 : i32
    %add3A_1054 = vector.broadcast %add3A_1053 : i32 to vector<1024x1xi32>
    %add3A_1055 = arith.addi %broadcast_in_dim3A_1052, %add3A_1054 : vector<1024x1xi32>
    %eq3A_1056 = vector.broadcast %broadcast_in_dim3A_1052 : vector<1024x1xi32> to vector<1024x128xi32>
    %eq3A_1057 = arith.cmpi eq, %iota3A, %eq3A_1056 : vector<1024x128xi32>
    %jit3A_1058 = arith.constant -2147483648 : i32
    %broadcast_in_dim3A_1059 = vector.broadcast %jit3A_1058 : i32 to vector<1024x128xi32>
    %select_n3A_1060 = arith.select %eq3A_1057, %broadcast_in_dim3A_1059, %select_n3A_1041 : vector<1024x128xi1>, vector<1024x128xi32>
    %reduce_max3A_1061 = arith.constant dense<-2147483648> : vector<1024xi32>
    %reduce_max3A_1062 = vector.multi_reduction <maxsi>, %select_n3A_1060, %reduce_max3A_1061 [1] : vector<1024x128xi32> to vector<1024xi32>
    %broadcast_in_dim3A_1063 = vector.shape_cast %reduce_max3A_1062 : vector<1024xi32> to vector<1024x1xi32>
    %eq3A_1064 = vector.broadcast %broadcast_in_dim3A_1063 : vector<1024x1xi32> to vector<1024x128xi32>
    %eq3A_1065 = arith.cmpi eq, %select_n3A_1060, %eq3A_1064 : vector<1024x128xi32>
    %jit3A_1066 = arith.constant 128 : i32
    %broadcast_in_dim3A_1067 = vector.broadcast %jit3A_1066 : i32 to vector<1024x128xi32>
    %select_n3A_1068 = arith.select %eq3A_1065, %iota3A, %broadcast_in_dim3A_1067 : vector<1024x128xi1>, vector<1024x128xi32>
    %reduce_min3A_1069 = arith.constant dense<2147483647> : vector<1024xi32>
    %reduce_min3A_1070 = vector.multi_reduction <minsi>, %select_n3A_1068, %reduce_min3A_1069 [1] : vector<1024x128xi32> to vector<1024xi32>
    %broadcast_in_dim3A_1071 = vector.shape_cast %reduce_min3A_1070 : vector<1024xi32> to vector<1024x1xi32>
    %add3A_1072 = arith.constant 768 : i32
    %add3A_1073 = vector.broadcast %add3A_1072 : i32 to vector<1024x1xi32>
    %add3A_1074 = arith.addi %broadcast_in_dim3A_1071, %add3A_1073 : vector<1024x1xi32>
    %eq3A_1075 = vector.broadcast %broadcast_in_dim3A_1071 : vector<1024x1xi32> to vector<1024x128xi32>
    %eq3A_1076 = arith.cmpi eq, %iota3A, %eq3A_1075 : vector<1024x128xi32>
    %jit3A_1077 = arith.constant -2147483648 : i32
    %broadcast_in_dim3A_1078 = vector.broadcast %jit3A_1077 : i32 to vector<1024x128xi32>
    %select_n3A_1079 = arith.select %eq3A_1076, %broadcast_in_dim3A_1078, %select_n3A_1060 : vector<1024x128xi1>, vector<1024x128xi32>
    %reduce_max3A_1080 = arith.constant dense<-2147483648> : vector<1024xi32>
    %reduce_max3A_1081 = vector.multi_reduction <maxsi>, %select_n3A_1079, %reduce_max3A_1080 [1] : vector<1024x128xi32> to vector<1024xi32>
    %broadcast_in_dim3A_1082 = vector.shape_cast %reduce_max3A_1081 : vector<1024xi32> to vector<1024x1xi32>
    %eq3A_1083 = vector.broadcast %broadcast_in_dim3A_1082 : vector<1024x1xi32> to vector<1024x128xi32>
    %eq3A_1084 = arith.cmpi eq, %select_n3A_1079, %eq3A_1083 : vector<1024x128xi32>
    %jit3A_1085 = arith.constant 128 : i32
    %broadcast_in_dim3A_1086 = vector.broadcast %jit3A_1085 : i32 to vector<1024x128xi32>
    %select_n3A_1087 = arith.select %eq3A_1084, %iota3A, %broadcast_in_dim3A_1086 : vector<1024x128xi1>, vector<1024x128xi32>
    %reduce_min3A_1088 = arith.constant dense<2147483647> : vector<1024xi32>
    %reduce_min3A_1089 = vector.multi_reduction <minsi>, %select_n3A_1087, %reduce_min3A_1088 [1] : vector<1024x128xi32> to vector<1024xi32>
    %broadcast_in_dim3A_1090 = vector.shape_cast %reduce_min3A_1089 : vector<1024xi32> to vector<1024x1xi32>
    %add3A_1091 = arith.constant 768 : i32
    %add3A_1092 = vector.broadcast %add3A_1091 : i32 to vector<1024x1xi32>
    %add3A_1093 = arith.addi %broadcast_in_dim3A_1090, %add3A_1092 : vector<1024x1xi32>
    %eq3A_1094 = vector.broadcast %broadcast_in_dim3A_1090 : vector<1024x1xi32> to vector<1024x128xi32>
    %eq3A_1095 = arith.cmpi eq, %iota3A, %eq3A_1094 : vector<1024x128xi32>
    %jit3A_1096 = arith.constant -2147483648 : i32
    %broadcast_in_dim3A_1097 = vector.broadcast %jit3A_1096 : i32 to vector<1024x128xi32>
    %select_n3A_1098 = arith.select %eq3A_1095, %broadcast_in_dim3A_1097, %select_n3A_1079 : vector<1024x128xi1>, vector<1024x128xi32>
    %reduce_max3A_1099 = arith.constant dense<-2147483648> : vector<1024xi32>
    %reduce_max3A_1100 = vector.multi_reduction <maxsi>, %select_n3A_1098, %reduce_max3A_1099 [1] : vector<1024x128xi32> to vector<1024xi32>
    %broadcast_in_dim3A_1101 = vector.shape_cast %reduce_max3A_1100 : vector<1024xi32> to vector<1024x1xi32>
    %eq3A_1102 = vector.broadcast %broadcast_in_dim3A_1101 : vector<1024x1xi32> to vector<1024x128xi32>
    %eq3A_1103 = arith.cmpi eq, %select_n3A_1098, %eq3A_1102 : vector<1024x128xi32>
    %jit3A_1104 = arith.constant 128 : i32
    %broadcast_in_dim3A_1105 = vector.broadcast %jit3A_1104 : i32 to vector<1024x128xi32>
    %select_n3A_1106 = arith.select %eq3A_1103, %iota3A, %broadcast_in_dim3A_1105 : vector<1024x128xi1>, vector<1024x128xi32>
    %reduce_min3A_1107 = arith.constant dense<2147483647> : vector<1024xi32>
    %reduce_min3A_1108 = vector.multi_reduction <minsi>, %select_n3A_1106, %reduce_min3A_1107 [1] : vector<1024x128xi32> to vector<1024xi32>
    %broadcast_in_dim3A_1109 = vector.shape_cast %reduce_min3A_1108 : vector<1024xi32> to vector<1024x1xi32>
    %add3A_1110 = arith.constant 768 : i32
    %add3A_1111 = vector.broadcast %add3A_1110 : i32 to vector<1024x1xi32>
    %add3A_1112 = arith.addi %broadcast_in_dim3A_1109, %add3A_1111 : vector<1024x1xi32>
    %eq3A_1113 = vector.broadcast %broadcast_in_dim3A_1109 : vector<1024x1xi32> to vector<1024x128xi32>
    %eq3A_1114 = arith.cmpi eq, %iota3A, %eq3A_1113 : vector<1024x128xi32>
    %jit3A_1115 = arith.constant -2147483648 : i32
    %broadcast_in_dim3A_1116 = vector.broadcast %jit3A_1115 : i32 to vector<1024x128xi32>
    %select_n3A_1117 = arith.select %eq3A_1114, %broadcast_in_dim3A_1116, %select_n3A_1098 : vector<1024x128xi1>, vector<1024x128xi32>
    %reduce_max3A_1118 = arith.constant dense<-2147483648> : vector<1024xi32>
    %reduce_max3A_1119 = vector.multi_reduction <maxsi>, %select_n3A_1117, %reduce_max3A_1118 [1] : vector<1024x128xi32> to vector<1024xi32>
    %broadcast_in_dim3A_1120 = vector.shape_cast %reduce_max3A_1119 : vector<1024xi32> to vector<1024x1xi32>
    %eq3A_1121 = vector.broadcast %broadcast_in_dim3A_1120 : vector<1024x1xi32> to vector<1024x128xi32>
    %eq3A_1122 = arith.cmpi eq, %select_n3A_1117, %eq3A_1121 : vector<1024x128xi32>
    %jit3A_1123 = arith.constant 128 : i32
    %broadcast_in_dim3A_1124 = vector.broadcast %jit3A_1123 : i32 to vector<1024x128xi32>
    %select_n3A_1125 = arith.select %eq3A_1122, %iota3A, %broadcast_in_dim3A_1124 : vector<1024x128xi1>, vector<1024x128xi32>
    %reduce_min3A_1126 = arith.constant dense<2147483647> : vector<1024xi32>
    %reduce_min3A_1127 = vector.multi_reduction <minsi>, %select_n3A_1125, %reduce_min3A_1126 [1] : vector<1024x128xi32> to vector<1024xi32>
    %broadcast_in_dim3A_1128 = vector.shape_cast %reduce_min3A_1127 : vector<1024xi32> to vector<1024x1xi32>
    %add3A_1129 = arith.constant 768 : i32
    %add3A_1130 = vector.broadcast %add3A_1129 : i32 to vector<1024x1xi32>
    %add3A_1131 = arith.addi %broadcast_in_dim3A_1128, %add3A_1130 : vector<1024x1xi32>
    %eq3A_1132 = vector.broadcast %broadcast_in_dim3A_1128 : vector<1024x1xi32> to vector<1024x128xi32>
    %eq3A_1133 = arith.cmpi eq, %iota3A, %eq3A_1132 : vector<1024x128xi32>
    %jit3A_1134 = arith.constant -2147483648 : i32
    %broadcast_in_dim3A_1135 = vector.broadcast %jit3A_1134 : i32 to vector<1024x128xi32>
    %select_n3A_1136 = arith.select %eq3A_1133, %broadcast_in_dim3A_1135, %select_n3A_1117 : vector<1024x128xi1>, vector<1024x128xi32>
    %reduce_max3A_1137 = arith.constant dense<-2147483648> : vector<1024xi32>
    %reduce_max3A_1138 = vector.multi_reduction <maxsi>, %select_n3A_1136, %reduce_max3A_1137 [1] : vector<1024x128xi32> to vector<1024xi32>
    %broadcast_in_dim3A_1139 = vector.shape_cast %reduce_max3A_1138 : vector<1024xi32> to vector<1024x1xi32>
    %eq3A_1140 = vector.broadcast %broadcast_in_dim3A_1139 : vector<1024x1xi32> to vector<1024x128xi32>
    %eq3A_1141 = arith.cmpi eq, %select_n3A_1136, %eq3A_1140 : vector<1024x128xi32>
    %jit3A_1142 = arith.constant 128 : i32
    %broadcast_in_dim3A_1143 = vector.broadcast %jit3A_1142 : i32 to vector<1024x128xi32>
    %select_n3A_1144 = arith.select %eq3A_1141, %iota3A, %broadcast_in_dim3A_1143 : vector<1024x128xi1>, vector<1024x128xi32>
    %reduce_min3A_1145 = arith.constant dense<2147483647> : vector<1024xi32>
    %reduce_min3A_1146 = vector.multi_reduction <minsi>, %select_n3A_1144, %reduce_min3A_1145 [1] : vector<1024x128xi32> to vector<1024xi32>
    %broadcast_in_dim3A_1147 = vector.shape_cast %reduce_min3A_1146 : vector<1024xi32> to vector<1024x1xi32>
    %add3A_1148 = arith.constant 768 : i32
    %add3A_1149 = vector.broadcast %add3A_1148 : i32 to vector<1024x1xi32>
    %add3A_1150 = arith.addi %broadcast_in_dim3A_1147, %add3A_1149 : vector<1024x1xi32>
    %eq3A_1151 = vector.broadcast %broadcast_in_dim3A_1147 : vector<1024x1xi32> to vector<1024x128xi32>
    %eq3A_1152 = arith.cmpi eq, %iota3A, %eq3A_1151 : vector<1024x128xi32>
    %jit3A_1153 = arith.constant -2147483648 : i32
    %broadcast_in_dim3A_1154 = vector.broadcast %jit3A_1153 : i32 to vector<1024x128xi32>
    %select_n3A_1155 = arith.select %eq3A_1152, %broadcast_in_dim3A_1154, %select_n3A_1136 : vector<1024x128xi1>, vector<1024x128xi32>
    %reduce_max3A_1156 = arith.constant dense<-2147483648> : vector<1024xi32>
    %reduce_max3A_1157 = vector.multi_reduction <maxsi>, %select_n3A_1155, %reduce_max3A_1156 [1] : vector<1024x128xi32> to vector<1024xi32>
    %broadcast_in_dim3A_1158 = vector.shape_cast %reduce_max3A_1157 : vector<1024xi32> to vector<1024x1xi32>
    %eq3A_1159 = vector.broadcast %broadcast_in_dim3A_1158 : vector<1024x1xi32> to vector<1024x128xi32>
    %eq3A_1160 = arith.cmpi eq, %select_n3A_1155, %eq3A_1159 : vector<1024x128xi32>
    %jit3A_1161 = arith.constant 128 : i32
    %broadcast_in_dim3A_1162 = vector.broadcast %jit3A_1161 : i32 to vector<1024x128xi32>
    %select_n3A_1163 = arith.select %eq3A_1160, %iota3A, %broadcast_in_dim3A_1162 : vector<1024x128xi1>, vector<1024x128xi32>
    %reduce_min3A_1164 = arith.constant dense<2147483647> : vector<1024xi32>
    %reduce_min3A_1165 = vector.multi_reduction <minsi>, %select_n3A_1163, %reduce_min3A_1164 [1] : vector<1024x128xi32> to vector<1024xi32>
    %broadcast_in_dim3A_1166 = vector.shape_cast %reduce_min3A_1165 : vector<1024xi32> to vector<1024x1xi32>
    %add3A_1167 = arith.constant 768 : i32
    %add3A_1168 = vector.broadcast %add3A_1167 : i32 to vector<1024x1xi32>
    %add3A_1169 = arith.addi %broadcast_in_dim3A_1166, %add3A_1168 : vector<1024x1xi32>
    %slice3A_1170 = vector.extract_strided_slice %mul3A_60 {offsets = [0, 896], sizes = [96, 128], strides = [1, 1]} : vector<96x1024xf32> to vector<96x128xf32>
    %dot_general3A_1171 = arith.constant dense<0.000000e+00> : vector<1024x128xf32>
    %dot_general3A_1172 = tpu.matmul %transpose3A_61, %slice3A_1170, %dot_general3A_1171 {dimension_numbers = #tpu.dot_dimension_numbers<[1], [0], [0], [1], [0, 0, 1, 1], [], []>, transpose_lhs_hint = false} : vector<1024x96xf32>, vector<96x128xf32>, vector<1024x128xf32> -> vector<1024x128xf32>
    %mul3A_1173 = arith.constant 2.000000e+00 : f32
    %mul3A_1174 = vector.broadcast %mul3A_1173 : f32 to vector<1024x128xf32>
    %mul3A_1175 = arith.mulf %mul3A_1174, %dot_general3A_1172 : vector<1024x128xf32>
    %sub3A_1176 = vector.broadcast %transpose3A_66 : vector<1024x1xf32> to vector<1024x128xf32>
    %sub3A_1177 = arith.subf %sub3A_1176, %mul3A_1175 : vector<1024x128xf32>
    %slice3A_1178 = vector.extract_strided_slice %broadcast_in_dim3A_65 {offsets = [0, 896], sizes = [1, 128], strides = [1, 1]} : vector<1x1024xf32> to vector<1x128xf32>
    %add3A_1179 = vector.broadcast %slice3A_1178 : vector<1x128xf32> to vector<1024x128xf32>
    %add3A_1180 = arith.addf %sub3A_1177, %add3A_1179 : vector<1024x128xf32>
    %get3A_1181 = arith.constant 0 : index
    %get3A_1182 = arith.constant 0 : index
    %get3A_1183 = arith.constant 896 : index
    %get3A_1184 = vector.load %arg6[%get3A_1181, %get3A_1182, %get3A_1183] : memref<1x1024x1024xf32, #tpu.memory_space<vmem>>, vector<1x1024x128xf32>
    %get3A_1185 = vector.shape_cast %get3A_1184 : vector<1x1024x128xf32> to vector<1024x128xf32>
    %add3A_1186 = arith.addf %add3A_1180, %get3A_1185 : vector<1024x128xf32>
    %neg3A_1187 = arith.constant 0.000000e+00 : f32
    %neg3A_1188 = vector.broadcast %neg3A_1187 : f32 to vector<1024x128xf32>
    %neg3A_1189 = arith.subf %neg3A_1188, %add3A_1186 : vector<1024x128xf32>
    %bitcast_convert_type3A_1190 = tpu.bitcast %neg3A_1189 : vector<1024x128xf32> -> vector<1024x128xi32>
    %ge3A_1191 = arith.constant 0 : i32
    %ge3A_1192 = vector.broadcast %ge3A_1191 : i32 to vector<1024x128xi32>
    %ge3A_1193 = arith.cmpi sge, %bitcast_convert_type3A_1190, %ge3A_1192 : vector<1024x128xi32>
    %sub3A_1194 = arith.constant -2147483648 : i32
    %sub3A_1195 = vector.broadcast %sub3A_1194 : i32 to vector<1024x128xi32>
    %sub3A_1196 = arith.subi %sub3A_1195, %bitcast_convert_type3A_1190 : vector<1024x128xi32>
    %sub3A_1197 = arith.constant 1 : i32
    %sub3A_1198 = vector.broadcast %sub3A_1197 : i32 to vector<1024x128xi32>
    %sub3A_1199 = arith.subi %sub3A_1196, %sub3A_1198 : vector<1024x128xi32>
    %select_n3A_1200 = arith.select %ge3A_1193, %bitcast_convert_type3A_1190, %sub3A_1199 : vector<1024x128xi1>, vector<1024x128xi32>
    %reduce_max3A_1201 = arith.constant dense<-2147483648> : vector<1024xi32>
    %reduce_max3A_1202 = vector.multi_reduction <maxsi>, %select_n3A_1200, %reduce_max3A_1201 [1] : vector<1024x128xi32> to vector<1024xi32>
    %broadcast_in_dim3A_1203 = vector.shape_cast %reduce_max3A_1202 : vector<1024xi32> to vector<1024x1xi32>
    %eq3A_1204 = vector.broadcast %broadcast_in_dim3A_1203 : vector<1024x1xi32> to vector<1024x128xi32>
    %eq3A_1205 = arith.cmpi eq, %select_n3A_1200, %eq3A_1204 : vector<1024x128xi32>
    %jit3A_1206 = arith.constant 128 : i32
    %broadcast_in_dim3A_1207 = vector.broadcast %jit3A_1206 : i32 to vector<1024x128xi32>
    %select_n3A_1208 = arith.select %eq3A_1205, %iota3A, %broadcast_in_dim3A_1207 : vector<1024x128xi1>, vector<1024x128xi32>
    %reduce_min3A_1209 = arith.constant dense<2147483647> : vector<1024xi32>
    %reduce_min3A_1210 = vector.multi_reduction <minsi>, %select_n3A_1208, %reduce_min3A_1209 [1] : vector<1024x128xi32> to vector<1024xi32>
    %broadcast_in_dim3A_1211 = vector.shape_cast %reduce_min3A_1210 : vector<1024xi32> to vector<1024x1xi32>
    %add3A_1212 = arith.constant 896 : i32
    %add3A_1213 = vector.broadcast %add3A_1212 : i32 to vector<1024x1xi32>
    %add3A_1214 = arith.addi %broadcast_in_dim3A_1211, %add3A_1213 : vector<1024x1xi32>
    %eq3A_1215 = vector.broadcast %broadcast_in_dim3A_1211 : vector<1024x1xi32> to vector<1024x128xi32>
    %eq3A_1216 = arith.cmpi eq, %iota3A, %eq3A_1215 : vector<1024x128xi32>
    %jit3A_1217 = arith.constant -2147483648 : i32
    %broadcast_in_dim3A_1218 = vector.broadcast %jit3A_1217 : i32 to vector<1024x128xi32>
    %select_n3A_1219 = arith.select %eq3A_1216, %broadcast_in_dim3A_1218, %select_n3A_1200 : vector<1024x128xi1>, vector<1024x128xi32>
    %reduce_max3A_1220 = arith.constant dense<-2147483648> : vector<1024xi32>
    %reduce_max3A_1221 = vector.multi_reduction <maxsi>, %select_n3A_1219, %reduce_max3A_1220 [1] : vector<1024x128xi32> to vector<1024xi32>
    %broadcast_in_dim3A_1222 = vector.shape_cast %reduce_max3A_1221 : vector<1024xi32> to vector<1024x1xi32>
    %eq3A_1223 = vector.broadcast %broadcast_in_dim3A_1222 : vector<1024x1xi32> to vector<1024x128xi32>
    %eq3A_1224 = arith.cmpi eq, %select_n3A_1219, %eq3A_1223 : vector<1024x128xi32>
    %jit3A_1225 = arith.constant 128 : i32
    %broadcast_in_dim3A_1226 = vector.broadcast %jit3A_1225 : i32 to vector<1024x128xi32>
    %select_n3A_1227 = arith.select %eq3A_1224, %iota3A, %broadcast_in_dim3A_1226 : vector<1024x128xi1>, vector<1024x128xi32>
    %reduce_min3A_1228 = arith.constant dense<2147483647> : vector<1024xi32>
    %reduce_min3A_1229 = vector.multi_reduction <minsi>, %select_n3A_1227, %reduce_min3A_1228 [1] : vector<1024x128xi32> to vector<1024xi32>
    %broadcast_in_dim3A_1230 = vector.shape_cast %reduce_min3A_1229 : vector<1024xi32> to vector<1024x1xi32>
    %add3A_1231 = arith.constant 896 : i32
    %add3A_1232 = vector.broadcast %add3A_1231 : i32 to vector<1024x1xi32>
    %add3A_1233 = arith.addi %broadcast_in_dim3A_1230, %add3A_1232 : vector<1024x1xi32>
    %eq3A_1234 = vector.broadcast %broadcast_in_dim3A_1230 : vector<1024x1xi32> to vector<1024x128xi32>
    %eq3A_1235 = arith.cmpi eq, %iota3A, %eq3A_1234 : vector<1024x128xi32>
    %jit3A_1236 = arith.constant -2147483648 : i32
    %broadcast_in_dim3A_1237 = vector.broadcast %jit3A_1236 : i32 to vector<1024x128xi32>
    %select_n3A_1238 = arith.select %eq3A_1235, %broadcast_in_dim3A_1237, %select_n3A_1219 : vector<1024x128xi1>, vector<1024x128xi32>
    %reduce_max3A_1239 = arith.constant dense<-2147483648> : vector<1024xi32>
    %reduce_max3A_1240 = vector.multi_reduction <maxsi>, %select_n3A_1238, %reduce_max3A_1239 [1] : vector<1024x128xi32> to vector<1024xi32>
    %broadcast_in_dim3A_1241 = vector.shape_cast %reduce_max3A_1240 : vector<1024xi32> to vector<1024x1xi32>
    %eq3A_1242 = vector.broadcast %broadcast_in_dim3A_1241 : vector<1024x1xi32> to vector<1024x128xi32>
    %eq3A_1243 = arith.cmpi eq, %select_n3A_1238, %eq3A_1242 : vector<1024x128xi32>
    %jit3A_1244 = arith.constant 128 : i32
    %broadcast_in_dim3A_1245 = vector.broadcast %jit3A_1244 : i32 to vector<1024x128xi32>
    %select_n3A_1246 = arith.select %eq3A_1243, %iota3A, %broadcast_in_dim3A_1245 : vector<1024x128xi1>, vector<1024x128xi32>
    %reduce_min3A_1247 = arith.constant dense<2147483647> : vector<1024xi32>
    %reduce_min3A_1248 = vector.multi_reduction <minsi>, %select_n3A_1246, %reduce_min3A_1247 [1] : vector<1024x128xi32> to vector<1024xi32>
    %broadcast_in_dim3A_1249 = vector.shape_cast %reduce_min3A_1248 : vector<1024xi32> to vector<1024x1xi32>
    %add3A_1250 = arith.constant 896 : i32
    %add3A_1251 = vector.broadcast %add3A_1250 : i32 to vector<1024x1xi32>
    %add3A_1252 = arith.addi %broadcast_in_dim3A_1249, %add3A_1251 : vector<1024x1xi32>
    %eq3A_1253 = vector.broadcast %broadcast_in_dim3A_1249 : vector<1024x1xi32> to vector<1024x128xi32>
    %eq3A_1254 = arith.cmpi eq, %iota3A, %eq3A_1253 : vector<1024x128xi32>
    %jit3A_1255 = arith.constant -2147483648 : i32
    %broadcast_in_dim3A_1256 = vector.broadcast %jit3A_1255 : i32 to vector<1024x128xi32>
    %select_n3A_1257 = arith.select %eq3A_1254, %broadcast_in_dim3A_1256, %select_n3A_1238 : vector<1024x128xi1>, vector<1024x128xi32>
    %reduce_max3A_1258 = arith.constant dense<-2147483648> : vector<1024xi32>
    %reduce_max3A_1259 = vector.multi_reduction <maxsi>, %select_n3A_1257, %reduce_max3A_1258 [1] : vector<1024x128xi32> to vector<1024xi32>
    %broadcast_in_dim3A_1260 = vector.shape_cast %reduce_max3A_1259 : vector<1024xi32> to vector<1024x1xi32>
    %eq3A_1261 = vector.broadcast %broadcast_in_dim3A_1260 : vector<1024x1xi32> to vector<1024x128xi32>
    %eq3A_1262 = arith.cmpi eq, %select_n3A_1257, %eq3A_1261 : vector<1024x128xi32>
    %jit3A_1263 = arith.constant 128 : i32
    %broadcast_in_dim3A_1264 = vector.broadcast %jit3A_1263 : i32 to vector<1024x128xi32>
    %select_n3A_1265 = arith.select %eq3A_1262, %iota3A, %broadcast_in_dim3A_1264 : vector<1024x128xi1>, vector<1024x128xi32>
    %reduce_min3A_1266 = arith.constant dense<2147483647> : vector<1024xi32>
    %reduce_min3A_1267 = vector.multi_reduction <minsi>, %select_n3A_1265, %reduce_min3A_1266 [1] : vector<1024x128xi32> to vector<1024xi32>
    %broadcast_in_dim3A_1268 = vector.shape_cast %reduce_min3A_1267 : vector<1024xi32> to vector<1024x1xi32>
    %add3A_1269 = arith.constant 896 : i32
    %add3A_1270 = vector.broadcast %add3A_1269 : i32 to vector<1024x1xi32>
    %add3A_1271 = arith.addi %broadcast_in_dim3A_1268, %add3A_1270 : vector<1024x1xi32>
    %eq3A_1272 = vector.broadcast %broadcast_in_dim3A_1268 : vector<1024x1xi32> to vector<1024x128xi32>
    %eq3A_1273 = arith.cmpi eq, %iota3A, %eq3A_1272 : vector<1024x128xi32>
    %jit3A_1274 = arith.constant -2147483648 : i32
    %broadcast_in_dim3A_1275 = vector.broadcast %jit3A_1274 : i32 to vector<1024x128xi32>
    %select_n3A_1276 = arith.select %eq3A_1273, %broadcast_in_dim3A_1275, %select_n3A_1257 : vector<1024x128xi1>, vector<1024x128xi32>
    %reduce_max3A_1277 = arith.constant dense<-2147483648> : vector<1024xi32>
    %reduce_max3A_1278 = vector.multi_reduction <maxsi>, %select_n3A_1276, %reduce_max3A_1277 [1] : vector<1024x128xi32> to vector<1024xi32>
    %broadcast_in_dim3A_1279 = vector.shape_cast %reduce_max3A_1278 : vector<1024xi32> to vector<1024x1xi32>
    %eq3A_1280 = vector.broadcast %broadcast_in_dim3A_1279 : vector<1024x1xi32> to vector<1024x128xi32>
    %eq3A_1281 = arith.cmpi eq, %select_n3A_1276, %eq3A_1280 : vector<1024x128xi32>
    %jit3A_1282 = arith.constant 128 : i32
    %broadcast_in_dim3A_1283 = vector.broadcast %jit3A_1282 : i32 to vector<1024x128xi32>
    %select_n3A_1284 = arith.select %eq3A_1281, %iota3A, %broadcast_in_dim3A_1283 : vector<1024x128xi1>, vector<1024x128xi32>
    %reduce_min3A_1285 = arith.constant dense<2147483647> : vector<1024xi32>
    %reduce_min3A_1286 = vector.multi_reduction <minsi>, %select_n3A_1284, %reduce_min3A_1285 [1] : vector<1024x128xi32> to vector<1024xi32>
    %broadcast_in_dim3A_1287 = vector.shape_cast %reduce_min3A_1286 : vector<1024xi32> to vector<1024x1xi32>
    %add3A_1288 = arith.constant 896 : i32
    %add3A_1289 = vector.broadcast %add3A_1288 : i32 to vector<1024x1xi32>
    %add3A_1290 = arith.addi %broadcast_in_dim3A_1287, %add3A_1289 : vector<1024x1xi32>
    %eq3A_1291 = vector.broadcast %broadcast_in_dim3A_1287 : vector<1024x1xi32> to vector<1024x128xi32>
    %eq3A_1292 = arith.cmpi eq, %iota3A, %eq3A_1291 : vector<1024x128xi32>
    %jit3A_1293 = arith.constant -2147483648 : i32
    %broadcast_in_dim3A_1294 = vector.broadcast %jit3A_1293 : i32 to vector<1024x128xi32>
    %select_n3A_1295 = arith.select %eq3A_1292, %broadcast_in_dim3A_1294, %select_n3A_1276 : vector<1024x128xi1>, vector<1024x128xi32>
    %reduce_max3A_1296 = arith.constant dense<-2147483648> : vector<1024xi32>
    %reduce_max3A_1297 = vector.multi_reduction <maxsi>, %select_n3A_1295, %reduce_max3A_1296 [1] : vector<1024x128xi32> to vector<1024xi32>
    %broadcast_in_dim3A_1298 = vector.shape_cast %reduce_max3A_1297 : vector<1024xi32> to vector<1024x1xi32>
    %eq3A_1299 = vector.broadcast %broadcast_in_dim3A_1298 : vector<1024x1xi32> to vector<1024x128xi32>
    %eq3A_1300 = arith.cmpi eq, %select_n3A_1295, %eq3A_1299 : vector<1024x128xi32>
    %jit3A_1301 = arith.constant 128 : i32
    %broadcast_in_dim3A_1302 = vector.broadcast %jit3A_1301 : i32 to vector<1024x128xi32>
    %select_n3A_1303 = arith.select %eq3A_1300, %iota3A, %broadcast_in_dim3A_1302 : vector<1024x128xi1>, vector<1024x128xi32>
    %reduce_min3A_1304 = arith.constant dense<2147483647> : vector<1024xi32>
    %reduce_min3A_1305 = vector.multi_reduction <minsi>, %select_n3A_1303, %reduce_min3A_1304 [1] : vector<1024x128xi32> to vector<1024xi32>
    %broadcast_in_dim3A_1306 = vector.shape_cast %reduce_min3A_1305 : vector<1024xi32> to vector<1024x1xi32>
    %add3A_1307 = arith.constant 896 : i32
    %add3A_1308 = vector.broadcast %add3A_1307 : i32 to vector<1024x1xi32>
    %add3A_1309 = arith.addi %broadcast_in_dim3A_1306, %add3A_1308 : vector<1024x1xi32>
    %eq3A_1310 = vector.broadcast %broadcast_in_dim3A_1306 : vector<1024x1xi32> to vector<1024x128xi32>
    %eq3A_1311 = arith.cmpi eq, %iota3A, %eq3A_1310 : vector<1024x128xi32>
    %jit3A_1312 = arith.constant -2147483648 : i32
    %broadcast_in_dim3A_1313 = vector.broadcast %jit3A_1312 : i32 to vector<1024x128xi32>
    %select_n3A_1314 = arith.select %eq3A_1311, %broadcast_in_dim3A_1313, %select_n3A_1295 : vector<1024x128xi1>, vector<1024x128xi32>
    %reduce_max3A_1315 = arith.constant dense<-2147483648> : vector<1024xi32>
    %reduce_max3A_1316 = vector.multi_reduction <maxsi>, %select_n3A_1314, %reduce_max3A_1315 [1] : vector<1024x128xi32> to vector<1024xi32>
    %broadcast_in_dim3A_1317 = vector.shape_cast %reduce_max3A_1316 : vector<1024xi32> to vector<1024x1xi32>
    %eq3A_1318 = vector.broadcast %broadcast_in_dim3A_1317 : vector<1024x1xi32> to vector<1024x128xi32>
    %eq3A_1319 = arith.cmpi eq, %select_n3A_1314, %eq3A_1318 : vector<1024x128xi32>
    %jit3A_1320 = arith.constant 128 : i32
    %broadcast_in_dim3A_1321 = vector.broadcast %jit3A_1320 : i32 to vector<1024x128xi32>
    %select_n3A_1322 = arith.select %eq3A_1319, %iota3A, %broadcast_in_dim3A_1321 : vector<1024x128xi1>, vector<1024x128xi32>
    %reduce_min3A_1323 = arith.constant dense<2147483647> : vector<1024xi32>
    %reduce_min3A_1324 = vector.multi_reduction <minsi>, %select_n3A_1322, %reduce_min3A_1323 [1] : vector<1024x128xi32> to vector<1024xi32>
    %broadcast_in_dim3A_1325 = vector.shape_cast %reduce_min3A_1324 : vector<1024xi32> to vector<1024x1xi32>
    %add3A_1326 = arith.constant 896 : i32
    %add3A_1327 = vector.broadcast %add3A_1326 : i32 to vector<1024x1xi32>
    %add3A_1328 = arith.addi %broadcast_in_dim3A_1325, %add3A_1327 : vector<1024x1xi32>
    %concatenate3A_1329 = tpu.concatenate %broadcast_in_dim3A_93, %broadcast_in_dim3A_109, %broadcast_in_dim3A_128, %broadcast_in_dim3A_147, %broadcast_in_dim3A_166, %broadcast_in_dim3A_185, %broadcast_in_dim3A_204, %broadcast_in_dim3A_249, %broadcast_in_dim3A_268, %broadcast_in_dim3A_287, %broadcast_in_dim3A_306, %broadcast_in_dim3A_325, %broadcast_in_dim3A_344, %broadcast_in_dim3A_363, %broadcast_in_dim3A_408, %broadcast_in_dim3A_427, %broadcast_in_dim3A_446, %broadcast_in_dim3A_465, %broadcast_in_dim3A_484, %broadcast_in_dim3A_503, %broadcast_in_dim3A_522, %broadcast_in_dim3A_567, %broadcast_in_dim3A_586, %broadcast_in_dim3A_605, %broadcast_in_dim3A_624, %broadcast_in_dim3A_643, %broadcast_in_dim3A_662, %broadcast_in_dim3A_681, %broadcast_in_dim3A_726, %broadcast_in_dim3A_745, %broadcast_in_dim3A_764, %broadcast_in_dim3A_783, %broadcast_in_dim3A_802, %broadcast_in_dim3A_821, %broadcast_in_dim3A_840, %broadcast_in_dim3A_885, %broadcast_in_dim3A_904, %broadcast_in_dim3A_923, %broadcast_in_dim3A_942, %broadcast_in_dim3A_961, %broadcast_in_dim3A_980, %broadcast_in_dim3A_999, %broadcast_in_dim3A_1044, %broadcast_in_dim3A_1063, %broadcast_in_dim3A_1082, %broadcast_in_dim3A_1101, %broadcast_in_dim3A_1120, %broadcast_in_dim3A_1139, %broadcast_in_dim3A_1158, %broadcast_in_dim3A_1203, %broadcast_in_dim3A_1222, %broadcast_in_dim3A_1241, %broadcast_in_dim3A_1260, %broadcast_in_dim3A_1279, %broadcast_in_dim3A_1298, %broadcast_in_dim3A_1317 in 1 : vector<1024x1xi32>, vector<1024x1xi32>, vector<1024x1xi32>, vector<1024x1xi32>, vector<1024x1xi32>, vector<1024x1xi32>, vector<1024x1xi32>, vector<1024x1xi32>, vector<1024x1xi32>, vector<1024x1xi32>, vector<1024x1xi32>, vector<1024x1xi32>, vector<1024x1xi32>, vector<1024x1xi32>, vector<1024x1xi32>, vector<1024x1xi32>, vector<1024x1xi32>, vector<1024x1xi32>, vector<1024x1xi32>, vector<1024x1xi32>, vector<1024x1xi32>, vector<1024x1xi32>, vector<1024x1xi32>, vector<1024x1xi32>, vector<1024x1xi32>, vector<1024x1xi32>, vector<1024x1xi32>, vector<1024x1xi32>, vector<1024x1xi32>, vector<1024x1xi32>, vector<1024x1xi32>, vector<1024x1xi32>, vector<1024x1xi32>, vector<1024x1xi32>, vector<1024x1xi32>, vector<1024x1xi32>, vector<1024x1xi32>, vector<1024x1xi32>, vector<1024x1xi32>, vector<1024x1xi32>, vector<1024x1xi32>, vector<1024x1xi32>, vector<1024x1xi32>, vector<1024x1xi32>, vector<1024x1xi32>, vector<1024x1xi32>, vector<1024x1xi32>, vector<1024x1xi32>, vector<1024x1xi32>, vector<1024x1xi32>, vector<1024x1xi32>, vector<1024x1xi32>, vector<1024x1xi32>, vector<1024x1xi32>, vector<1024x1xi32>, vector<1024x1xi32> -> vector<1024x56xi32>
    %concatenate3A_1330 = tpu.concatenate %add3A_101, %add3A_120, %add3A_139, %add3A_158, %add3A_177, %add3A_196, %add3A_215, %add3A_260, %add3A_279, %add3A_298, %add3A_317, %add3A_336, %add3A_355, %add3A_374, %add3A_419, %add3A_438, %add3A_457, %add3A_476, %add3A_495, %add3A_514, %add3A_533, %add3A_578, %add3A_597, %add3A_616, %add3A_635, %add3A_654, %add3A_673, %add3A_692, %add3A_737, %add3A_756, %add3A_775, %add3A_794, %add3A_813, %add3A_832, %add3A_851, %add3A_896, %add3A_915, %add3A_934, %add3A_953, %add3A_972, %add3A_991, %add3A_1010, %add3A_1055, %add3A_1074, %add3A_1093, %add3A_1112, %add3A_1131, %add3A_1150, %add3A_1169, %add3A_1214, %add3A_1233, %add3A_1252, %add3A_1271, %add3A_1290, %add3A_1309, %add3A_1328 in 1 : vector<1024x1xi32>, vector<1024x1xi32>, vector<1024x1xi32>, vector<1024x1xi32>, vector<1024x1xi32>, vector<1024x1xi32>, vector<1024x1xi32>, vector<1024x1xi32>, vector<1024x1xi32>, vector<1024x1xi32>, vector<1024x1xi32>, vector<1024x1xi32>, vector<1024x1xi32>, vector<1024x1xi32>, vector<1024x1xi32>, vector<1024x1xi32>, vector<1024x1xi32>, vector<1024x1xi32>, vector<1024x1xi32>, vector<1024x1xi32>, vector<1024x1xi32>, vector<1024x1xi32>, vector<1024x1xi32>, vector<1024x1xi32>, vector<1024x1xi32>, vector<1024x1xi32>, vector<1024x1xi32>, vector<1024x1xi32>, vector<1024x1xi32>, vector<1024x1xi32>, vector<1024x1xi32>, vector<1024x1xi32>, vector<1024x1xi32>, vector<1024x1xi32>, vector<1024x1xi32>, vector<1024x1xi32>, vector<1024x1xi32>, vector<1024x1xi32>, vector<1024x1xi32>, vector<1024x1xi32>, vector<1024x1xi32>, vector<1024x1xi32>, vector<1024x1xi32>, vector<1024x1xi32>, vector<1024x1xi32>, vector<1024x1xi32>, vector<1024x1xi32>, vector<1024x1xi32>, vector<1024x1xi32>, vector<1024x1xi32>, vector<1024x1xi32>, vector<1024x1xi32>, vector<1024x1xi32>, vector<1024x1xi32>, vector<1024x1xi32>, vector<1024x1xi32> -> vector<1024x56xi32>
    %reduce_max3A_1331 = arith.constant dense<-2147483648> : vector<1024xi32>
    %reduce_max3A_1332 = vector.multi_reduction <maxsi>, %concatenate3A_1329, %reduce_max3A_1331 [1] : vector<1024x56xi32> to vector<1024xi32>
    %broadcast_in_dim3A_1333 = vector.shape_cast %reduce_max3A_1332 : vector<1024xi32> to vector<1024x1xi32>
    %eq3A_1334 = vector.broadcast %broadcast_in_dim3A_1333 : vector<1024x1xi32> to vector<1024x56xi32>
    %eq3A_1335 = arith.cmpi eq, %concatenate3A_1329, %eq3A_1334 : vector<1024x56xi32>
    %jit3A_1336 = arith.constant 1024 : i32
    %broadcast_in_dim3A_1337 = vector.broadcast %jit3A_1336 : i32 to vector<1024x56xi32>
    %select_n3A_1338 = arith.select %eq3A_1335, %concatenate3A_1330, %broadcast_in_dim3A_1337 : vector<1024x56xi1>, vector<1024x56xi32>
    %reduce_min3A_1339 = arith.constant dense<2147483647> : vector<1024xi32>
    %reduce_min3A_1340 = vector.multi_reduction <minsi>, %select_n3A_1338, %reduce_min3A_1339 [1] : vector<1024x56xi32> to vector<1024xi32>
    %broadcast_in_dim3A_1341 = vector.shape_cast %reduce_min3A_1340 : vector<1024xi32> to vector<1024x1xi32>
    %eq3A_1342 = vector.broadcast %broadcast_in_dim3A_1341 : vector<1024x1xi32> to vector<1024x56xi32>
    %eq3A_1343 = arith.cmpi eq, %concatenate3A_1330, %eq3A_1342 : vector<1024x56xi32>
    %jit3A_1344 = arith.constant -2147483648 : i32
    %broadcast_in_dim3A_1345 = vector.broadcast %jit3A_1344 : i32 to vector<1024x56xi32>
    %select_n3A_1346 = arith.select %eq3A_1343, %broadcast_in_dim3A_1345, %concatenate3A_1329 : vector<1024x56xi1>, vector<1024x56xi32>
    %reduce_max3A_1347 = arith.constant dense<-2147483648> : vector<1024xi32>
    %reduce_max3A_1348 = vector.multi_reduction <maxsi>, %select_n3A_1346, %reduce_max3A_1347 [1] : vector<1024x56xi32> to vector<1024xi32>
    %broadcast_in_dim3A_1349 = vector.shape_cast %reduce_max3A_1348 : vector<1024xi32> to vector<1024x1xi32>
    %eq3A_1350 = vector.broadcast %broadcast_in_dim3A_1349 : vector<1024x1xi32> to vector<1024x56xi32>
    %eq3A_1351 = arith.cmpi eq, %select_n3A_1346, %eq3A_1350 : vector<1024x56xi32>
    %jit3A_1352 = arith.constant 1024 : i32
    %broadcast_in_dim3A_1353 = vector.broadcast %jit3A_1352 : i32 to vector<1024x56xi32>
    %select_n3A_1354 = arith.select %eq3A_1351, %concatenate3A_1330, %broadcast_in_dim3A_1353 : vector<1024x56xi1>, vector<1024x56xi32>
    %reduce_min3A_1355 = arith.constant dense<2147483647> : vector<1024xi32>
    %reduce_min3A_1356 = vector.multi_reduction <minsi>, %select_n3A_1354, %reduce_min3A_1355 [1] : vector<1024x56xi32> to vector<1024xi32>
    %broadcast_in_dim3A_1357 = vector.shape_cast %reduce_min3A_1356 : vector<1024xi32> to vector<1024x1xi32>
    %eq3A_1358 = vector.broadcast %broadcast_in_dim3A_1357 : vector<1024x1xi32> to vector<1024x56xi32>
    %eq3A_1359 = arith.cmpi eq, %concatenate3A_1330, %eq3A_1358 : vector<1024x56xi32>
    %jit3A_1360 = arith.constant -2147483648 : i32
    %broadcast_in_dim3A_1361 = vector.broadcast %jit3A_1360 : i32 to vector<1024x56xi32>
    %select_n3A_1362 = arith.select %eq3A_1359, %broadcast_in_dim3A_1361, %select_n3A_1346 : vector<1024x56xi1>, vector<1024x56xi32>
    %reduce_max3A_1363 = arith.constant dense<-2147483648> : vector<1024xi32>
    %reduce_max3A_1364 = vector.multi_reduction <maxsi>, %select_n3A_1362, %reduce_max3A_1363 [1] : vector<1024x56xi32> to vector<1024xi32>
    %broadcast_in_dim3A_1365 = vector.shape_cast %reduce_max3A_1364 : vector<1024xi32> to vector<1024x1xi32>
    %eq3A_1366 = vector.broadcast %broadcast_in_dim3A_1365 : vector<1024x1xi32> to vector<1024x56xi32>
    %eq3A_1367 = arith.cmpi eq, %select_n3A_1362, %eq3A_1366 : vector<1024x56xi32>
    %jit3A_1368 = arith.constant 1024 : i32
    %broadcast_in_dim3A_1369 = vector.broadcast %jit3A_1368 : i32 to vector<1024x56xi32>
    %select_n3A_1370 = arith.select %eq3A_1367, %concatenate3A_1330, %broadcast_in_dim3A_1369 : vector<1024x56xi1>, vector<1024x56xi32>
    %reduce_min3A_1371 = arith.constant dense<2147483647> : vector<1024xi32>
    %reduce_min3A_1372 = vector.multi_reduction <minsi>, %select_n3A_1370, %reduce_min3A_1371 [1] : vector<1024x56xi32> to vector<1024xi32>
    %broadcast_in_dim3A_1373 = vector.shape_cast %reduce_min3A_1372 : vector<1024xi32> to vector<1024x1xi32>
    %eq3A_1374 = vector.broadcast %broadcast_in_dim3A_1373 : vector<1024x1xi32> to vector<1024x56xi32>
    %eq3A_1375 = arith.cmpi eq, %concatenate3A_1330, %eq3A_1374 : vector<1024x56xi32>
    %jit3A_1376 = arith.constant -2147483648 : i32
    %broadcast_in_dim3A_1377 = vector.broadcast %jit3A_1376 : i32 to vector<1024x56xi32>
    %select_n3A_1378 = arith.select %eq3A_1375, %broadcast_in_dim3A_1377, %select_n3A_1362 : vector<1024x56xi1>, vector<1024x56xi32>
    %reduce_max3A_1379 = arith.constant dense<-2147483648> : vector<1024xi32>
    %reduce_max3A_1380 = vector.multi_reduction <maxsi>, %select_n3A_1378, %reduce_max3A_1379 [1] : vector<1024x56xi32> to vector<1024xi32>
    %broadcast_in_dim3A_1381 = vector.shape_cast %reduce_max3A_1380 : vector<1024xi32> to vector<1024x1xi32>
    %eq3A_1382 = vector.broadcast %broadcast_in_dim3A_1381 : vector<1024x1xi32> to vector<1024x56xi32>
    %eq3A_1383 = arith.cmpi eq, %select_n3A_1378, %eq3A_1382 : vector<1024x56xi32>
    %jit3A_1384 = arith.constant 1024 : i32
    %broadcast_in_dim3A_1385 = vector.broadcast %jit3A_1384 : i32 to vector<1024x56xi32>
    %select_n3A_1386 = arith.select %eq3A_1383, %concatenate3A_1330, %broadcast_in_dim3A_1385 : vector<1024x56xi1>, vector<1024x56xi32>
    %reduce_min3A_1387 = arith.constant dense<2147483647> : vector<1024xi32>
    %reduce_min3A_1388 = vector.multi_reduction <minsi>, %select_n3A_1386, %reduce_min3A_1387 [1] : vector<1024x56xi32> to vector<1024xi32>
    %broadcast_in_dim3A_1389 = vector.shape_cast %reduce_min3A_1388 : vector<1024xi32> to vector<1024x1xi32>
    %eq3A_1390 = vector.broadcast %broadcast_in_dim3A_1389 : vector<1024x1xi32> to vector<1024x56xi32>
    %eq3A_1391 = arith.cmpi eq, %concatenate3A_1330, %eq3A_1390 : vector<1024x56xi32>
    %jit3A_1392 = arith.constant -2147483648 : i32
    %broadcast_in_dim3A_1393 = vector.broadcast %jit3A_1392 : i32 to vector<1024x56xi32>
    %select_n3A_1394 = arith.select %eq3A_1391, %broadcast_in_dim3A_1393, %select_n3A_1378 : vector<1024x56xi1>, vector<1024x56xi32>
    %reduce_max3A_1395 = arith.constant dense<-2147483648> : vector<1024xi32>
    %reduce_max3A_1396 = vector.multi_reduction <maxsi>, %select_n3A_1394, %reduce_max3A_1395 [1] : vector<1024x56xi32> to vector<1024xi32>
    %broadcast_in_dim3A_1397 = vector.shape_cast %reduce_max3A_1396 : vector<1024xi32> to vector<1024x1xi32>
    %eq3A_1398 = vector.broadcast %broadcast_in_dim3A_1397 : vector<1024x1xi32> to vector<1024x56xi32>
    %eq3A_1399 = arith.cmpi eq, %select_n3A_1394, %eq3A_1398 : vector<1024x56xi32>
    %jit3A_1400 = arith.constant 1024 : i32
    %broadcast_in_dim3A_1401 = vector.broadcast %jit3A_1400 : i32 to vector<1024x56xi32>
    %select_n3A_1402 = arith.select %eq3A_1399, %concatenate3A_1330, %broadcast_in_dim3A_1401 : vector<1024x56xi1>, vector<1024x56xi32>
    %reduce_min3A_1403 = arith.constant dense<2147483647> : vector<1024xi32>
    %reduce_min3A_1404 = vector.multi_reduction <minsi>, %select_n3A_1402, %reduce_min3A_1403 [1] : vector<1024x56xi32> to vector<1024xi32>
    %broadcast_in_dim3A_1405 = vector.shape_cast %reduce_min3A_1404 : vector<1024xi32> to vector<1024x1xi32>
    %eq3A_1406 = vector.broadcast %broadcast_in_dim3A_1405 : vector<1024x1xi32> to vector<1024x56xi32>
    %eq3A_1407 = arith.cmpi eq, %concatenate3A_1330, %eq3A_1406 : vector<1024x56xi32>
    %jit3A_1408 = arith.constant -2147483648 : i32
    %broadcast_in_dim3A_1409 = vector.broadcast %jit3A_1408 : i32 to vector<1024x56xi32>
    %select_n3A_1410 = arith.select %eq3A_1407, %broadcast_in_dim3A_1409, %select_n3A_1394 : vector<1024x56xi1>, vector<1024x56xi32>
    %reduce_max3A_1411 = arith.constant dense<-2147483648> : vector<1024xi32>
    %reduce_max3A_1412 = vector.multi_reduction <maxsi>, %select_n3A_1410, %reduce_max3A_1411 [1] : vector<1024x56xi32> to vector<1024xi32>
    %broadcast_in_dim3A_1413 = vector.shape_cast %reduce_max3A_1412 : vector<1024xi32> to vector<1024x1xi32>
    %eq3A_1414 = vector.broadcast %broadcast_in_dim3A_1413 : vector<1024x1xi32> to vector<1024x56xi32>
    %eq3A_1415 = arith.cmpi eq, %select_n3A_1410, %eq3A_1414 : vector<1024x56xi32>
    %jit3A_1416 = arith.constant 1024 : i32
    %broadcast_in_dim3A_1417 = vector.broadcast %jit3A_1416 : i32 to vector<1024x56xi32>
    %select_n3A_1418 = arith.select %eq3A_1415, %concatenate3A_1330, %broadcast_in_dim3A_1417 : vector<1024x56xi1>, vector<1024x56xi32>
    %reduce_min3A_1419 = arith.constant dense<2147483647> : vector<1024xi32>
    %reduce_min3A_1420 = vector.multi_reduction <minsi>, %select_n3A_1418, %reduce_min3A_1419 [1] : vector<1024x56xi32> to vector<1024xi32>
    %broadcast_in_dim3A_1421 = vector.shape_cast %reduce_min3A_1420 : vector<1024xi32> to vector<1024x1xi32>
    %eq3A_1422 = vector.broadcast %broadcast_in_dim3A_1421 : vector<1024x1xi32> to vector<1024x56xi32>
    %eq3A_1423 = arith.cmpi eq, %concatenate3A_1330, %eq3A_1422 : vector<1024x56xi32>
    %jit3A_1424 = arith.constant -2147483648 : i32
    %broadcast_in_dim3A_1425 = vector.broadcast %jit3A_1424 : i32 to vector<1024x56xi32>
    %select_n3A_1426 = arith.select %eq3A_1423, %broadcast_in_dim3A_1425, %select_n3A_1410 : vector<1024x56xi1>, vector<1024x56xi32>
    %reduce_max3A_1427 = arith.constant dense<-2147483648> : vector<1024xi32>
    %reduce_max3A_1428 = vector.multi_reduction <maxsi>, %select_n3A_1426, %reduce_max3A_1427 [1] : vector<1024x56xi32> to vector<1024xi32>
    %broadcast_in_dim3A_1429 = vector.shape_cast %reduce_max3A_1428 : vector<1024xi32> to vector<1024x1xi32>
    %eq3A_1430 = vector.broadcast %broadcast_in_dim3A_1429 : vector<1024x1xi32> to vector<1024x56xi32>
    %eq3A_1431 = arith.cmpi eq, %select_n3A_1426, %eq3A_1430 : vector<1024x56xi32>
    %jit3A_1432 = arith.constant 1024 : i32
    %broadcast_in_dim3A_1433 = vector.broadcast %jit3A_1432 : i32 to vector<1024x56xi32>
    %select_n3A_1434 = arith.select %eq3A_1431, %concatenate3A_1330, %broadcast_in_dim3A_1433 : vector<1024x56xi1>, vector<1024x56xi32>
    %reduce_min3A_1435 = arith.constant dense<2147483647> : vector<1024xi32>
    %reduce_min3A_1436 = vector.multi_reduction <minsi>, %select_n3A_1434, %reduce_min3A_1435 [1] : vector<1024x56xi32> to vector<1024xi32>
    %broadcast_in_dim3A_1437 = vector.shape_cast %reduce_min3A_1436 : vector<1024xi32> to vector<1024x1xi32>
    %broadcast_in_dim3A_1438 = arith.constant 0 : i32
    %broadcast_in_dim3A_1439 = vector.broadcast %broadcast_in_dim3A_1438 : i32 to vector<1024x1xi32>
    %concatenate3A_1440 = tpu.concatenate %broadcast_in_dim3A_1341, %broadcast_in_dim3A_1357, %broadcast_in_dim3A_1373, %broadcast_in_dim3A_1389, %broadcast_in_dim3A_1405, %broadcast_in_dim3A_1421, %broadcast_in_dim3A_1437, %broadcast_in_dim3A_1439 in 1 : vector<1024x1xi32>, vector<1024x1xi32>, vector<1024x1xi32>, vector<1024x1xi32>, vector<1024x1xi32>, vector<1024x1xi32>, vector<1024x1xi32>, vector<1024x1xi32> -> vector<1024x8xi32>
    %mul3A_1441 = arith.constant 1024 : i32
    %mul3A_1442 = arith.muli %arg0, %mul3A_1441 : i32
    %add3A_1443 = vector.broadcast %mul3A_1442 : i32 to vector<1024x8xi32>
    %add3A_1444 = arith.addi %concatenate3A_1440, %add3A_1443 : vector<1024x8xi32>
    %swap3A_1445 = arith.constant 0 : index
    %swap3A_1446 = arith.constant 0 : index
    %swap3A_1447 = arith.constant 0 : index
    %swap3A_1448 = vector.load %arg9[%swap3A_1445, %swap3A_1446, %swap3A_1447] : memref<1x1024x8xi32, #tpu.memory_space<vmem>>, vector<1x1024x8xi32>
    %swap3A_1449 = vector.shape_cast %swap3A_1448 : vector<1x1024x8xi32> to vector<1024x8xi32>
    %swap3A_1450 = vector.shape_cast %add3A_1444 : vector<1024x8xi32> to vector<1x1024x8xi32>
    tpu.vector_store %arg9[%swap3A_1445, %swap3A_1446, %swap3A_1447], %swap3A_1450 {strides = array<i32>} : memref<1x1024x8xi32, #tpu.memory_space<vmem>>, vector<1x1024x8xi32>,
    return
  }
  func.func @transform_0(%arg0: i32) -> (i32, i32, i32) {
    %c0_i32 = arith.constant 0 : i32
    %c0_i32_0 = arith.constant 0 : i32
    %c0_i32_1 = arith.constant 0 : i32
    return %arg0, %c0_i32, %c0_i32_0 : i32, i32, i32
  }
  func.func @transform_1(%arg0: i32) -> (i32, i32) {
    %c0_i32 = arith.constant 0 : i32
    %c0_i32_0 = arith.constant 0 : i32
    %c0_i32_1 = arith.constant 0 : i32
    return %c0_i32, %c0_i32_0 : i32, i32
  }
  func.func @transform_2(%arg0: i32) -> (i32, i32) {
    %c0_i32 = arith.constant 0 : i32
    %c0_i32_0 = arith.constant 0 : i32
    %c0_i32_1 = arith.constant 0 : i32
    return %c0_i32, %c0_i32_0 : i32, i32
  }
  func.func @transform_3(%arg0: i32) -> (i32, i32) {
    %c0_i32 = arith.constant 0 : i32
    %c0_i32_0 = arith.constant 0 : i32
    %c0_i32_1 = arith.constant 0 : i32
    return %c0_i32, %c0_i32_0 : i32, i32
  }
  func.func @transform_4(%arg0: i32) -> (i32, i32) {
    %c0_i32 = arith.constant 0 : i32
    %c0_i32_0 = arith.constant 0 : i32
    %c0_i32_1 = arith.constant 0 : i32
    return %c0_i32, %c0_i32_0 : i32, i32
  }
  func.func @transform_5(%arg0: i32) -> (i32, i32, i32) {
    %c0_i32 = arith.constant 0 : i32
    %c0_i32_0 = arith.constant 0 : i32
    %c0_i32_1 = arith.constant 0 : i32
    %c0_i32_2 = arith.constant 0 : i32
    return %c0_i32, %c0_i32_0, %c0_i32_1 : i32, i32, i32
  }
  func.func @transform_6(%arg0: i32) -> (i32, i32, i32) {
    %c0_i32 = arith.constant 0 : i32
    %c0_i32_0 = arith.constant 0 : i32
    %c0_i32_1 = arith.constant 0 : i32
    return %arg0, %c0_i32, %c0_i32_0 : i32, i32, i32
  }
  func.func @transform_7(%arg0: i32) -> (i32, i32, i32) {
    %c0_i32 = arith.constant 0 : i32
    %c0_i32_0 = arith.constant 0 : i32
    %c0_i32_1 = arith.constant 0 : i32
    return %arg0, %c0_i32, %c0_i32_0 : i32, i32, i32
  }
  func.func @transform_8(%arg0: i32) -> (i32, i32, i32) {
    %c0_i32 = arith.constant 0 : i32
    %c0_i32_0 = arith.constant 0 : i32
    %c0_i32_1 = arith.constant 0 : i32
    return %arg0, %c0_i32, %c0_i32_0 : i32, i32, i32
  }
}

module attributes {stable_mosaic.version = 14 : i64} {
  func.func @_mr_fc2_body(%arg0: i32, %arg1: memref<1x96x1024xf32, #tpu.memory_space<vmem>>, %arg2: memref<1x1024x96xf32, #tpu.memory_space<vmem>>, %arg3: memref<192x24xf32, #tpu.memory_space<vmem>>, %arg4: memref<192x24xf32, #tpu.memory_space<vmem>>, %arg5: memref<192x1xf32, #tpu.memory_space<vmem>>, %arg6: memref<96x192xf32, #tpu.memory_space<vmem>>, %arg7: memref<96x1xf32, #tpu.memory_space<vmem>>, %arg8: memref<1x96x1024xf32, #tpu.memory_space<vmem>>, %arg9: memref<96x2xf32, #tpu.memory_space<vmem>>) attributes {dimension_semantics = [#tpu.dimension_semantics<arbitrary>], iteration_bounds = array<i64: 16>, scalar_prefetch = 0 : i64, scratch_operands = 0 : i64, tpu.core_type = #tpu.core_type<tc>, window_params = [{transform_indices = @transform_0, window_bounds = array<i64: 1, 96, 1024>}, {transform_indices = @transform_1, window_bounds = array<i64: 1, 1024, 96>}, {pipeline_mode = #tpu.pipeline_mode<synchronous>, transform_indices = @transform_2, window_bounds = array<i64: 192, 24>}, {pipeline_mode = #tpu.pipeline_mode<synchronous>, transform_indices = @transform_3, window_bounds = array<i64: 192, 24>}, {pipeline_mode = #tpu.pipeline_mode<synchronous>, transform_indices = @transform_4, window_bounds = array<i64: 192, 1>}, {pipeline_mode = #tpu.pipeline_mode<synchronous>, transform_indices = @transform_5, window_bounds = array<i64: 96, 192>}, {pipeline_mode = #tpu.pipeline_mode<synchronous>, transform_indices = @transform_6, window_bounds = array<i64: 96, 1>}, {transform_indices = @transform_7, window_bounds = array<i64: 1, 96, 1024>}, {pipeline_mode = #tpu.pipeline_mode<synchronous>, transform_indices = @transform_8, window_bounds = array<i64: 96, 2>}]} {
    %get3A = arith.constant 0 : index
    %get3A_0 = arith.constant 0 : index
    %get3A_1 = arith.constant 0 : index
    %get3A_2 = vector.load %arg1[%get3A, %get3A_0, %get3A_1] : memref<1x96x1024xf32, #tpu.memory_space<vmem>>, vector<1x96x1024xf32>
    %get3A_3 = vector.shape_cast %get3A_2 : vector<1x96x1024xf32> to vector<96x1024xf32>
    %get3A_4 = arith.constant 0 : index
    %get3A_5 = arith.constant 0 : index
    %get3A_6 = arith.constant 0 : index
    %get3A_7 = vector.load %arg2[%get3A_4, %get3A_5, %get3A_6] : memref<1x1024x96xf32, #tpu.memory_space<vmem>>, vector<1x1024x96xf32>
    %get3A_8 = vector.shape_cast %get3A_7 : vector<1x1024x96xf32> to vector<1024x96xf32>
    %transpose3A = tpu.transpose %get3A_8, [1, 0] : vector<1024x96xf32> -> vector<96x1024xf32>
    %sub3A = arith.subf %transpose3A, %get3A_3 : vector<96x1024xf32>
    %get3A_9 = arith.constant 0 : index
    %get3A_10 = arith.constant 0 : index
    %get3A_11 = vector.load %arg3[%get3A_9, %get3A_10] : memref<192x24xf32, #tpu.memory_space<vmem>>, vector<192x24xf32>
    %slice3A = vector.extract_strided_slice %get3A_11 {offsets = [0, 0], sizes = [48, 24], strides = [1, 1]} : vector<192x24xf32> to vector<48x24xf32>
    %slice3A_12 = vector.extract_strided_slice %get3A_3 {offsets = [0, 0], sizes = [24, 1024], strides = [1, 1]} : vector<96x1024xf32> to vector<24x1024xf32>
    %dot_general3A = arith.constant dense<0.000000e+00> : vector<48x1024xf32>
    %dot_general3A_13 = tpu.matmul %slice3A, %slice3A_12, %dot_general3A {dimension_numbers = #tpu.dot_dimension_numbers<[1], [0], [0], [1], [0, 0, 1, 1], [], []>, transpose_lhs_hint = false} : vector<48x24xf32>, vector<24x1024xf32>, vector<48x1024xf32> -> vector<48x1024xf32>
    %get3A_14 = arith.constant 0 : index
    %get3A_15 = arith.constant 0 : index
    %get3A_16 = vector.load %arg4[%get3A_14, %get3A_15] : memref<192x24xf32, #tpu.memory_space<vmem>>, vector<192x24xf32>
    %slice3A_17 = vector.extract_strided_slice %get3A_16 {offsets = [0, 0], sizes = [48, 24], strides = [1, 1]} : vector<192x24xf32> to vector<48x24xf32>
    %slice3A_18 = vector.extract_strided_slice %sub3A {offsets = [0, 0], sizes = [24, 1024], strides = [1, 1]} : vector<96x1024xf32> to vector<24x1024xf32>
    %dot_general3A_19 = arith.constant dense<0.000000e+00> : vector<48x1024xf32>
    %dot_general3A_20 = tpu.matmul %slice3A_17, %slice3A_18, %dot_general3A_19 {dimension_numbers = #tpu.dot_dimension_numbers<[1], [0], [0], [1], [0, 0, 1, 1], [], []>, transpose_lhs_hint = false} : vector<48x24xf32>, vector<24x1024xf32>, vector<48x1024xf32> -> vector<48x1024xf32>
    %add3A = arith.addf %dot_general3A_13, %dot_general3A_20 : vector<48x1024xf32>
    %get3A_21 = arith.constant 0 : index
    %get3A_22 = arith.constant 0 : index
    %get3A_23 = vector.load %arg3[%get3A_21, %get3A_22] : memref<192x24xf32, #tpu.memory_space<vmem>>, vector<192x24xf32>
    %slice3A_24 = vector.extract_strided_slice %get3A_23 {offsets = [48, 0], sizes = [48, 24], strides = [1, 1]} : vector<192x24xf32> to vector<48x24xf32>
    %slice3A_25 = vector.extract_strided_slice %get3A_3 {offsets = [24, 0], sizes = [24, 1024], strides = [1, 1]} : vector<96x1024xf32> to vector<24x1024xf32>
    %dot_general3A_26 = arith.constant dense<0.000000e+00> : vector<48x1024xf32>
    %dot_general3A_27 = tpu.matmul %slice3A_24, %slice3A_25, %dot_general3A_26 {dimension_numbers = #tpu.dot_dimension_numbers<[1], [0], [0], [1], [0, 0, 1, 1], [], []>, transpose_lhs_hint = false} : vector<48x24xf32>, vector<24x1024xf32>, vector<48x1024xf32> -> vector<48x1024xf32>
    %get3A_28 = arith.constant 0 : index
    %get3A_29 = arith.constant 0 : index
    %get3A_30 = vector.load %arg4[%get3A_28, %get3A_29] : memref<192x24xf32, #tpu.memory_space<vmem>>, vector<192x24xf32>
    %slice3A_31 = vector.extract_strided_slice %get3A_30 {offsets = [48, 0], sizes = [48, 24], strides = [1, 1]} : vector<192x24xf32> to vector<48x24xf32>
    %slice3A_32 = vector.extract_strided_slice %sub3A {offsets = [24, 0], sizes = [24, 1024], strides = [1, 1]} : vector<96x1024xf32> to vector<24x1024xf32>
    %dot_general3A_33 = arith.constant dense<0.000000e+00> : vector<48x1024xf32>
    %dot_general3A_34 = tpu.matmul %slice3A_31, %slice3A_32, %dot_general3A_33 {dimension_numbers = #tpu.dot_dimension_numbers<[1], [0], [0], [1], [0, 0, 1, 1], [], []>, transpose_lhs_hint = false} : vector<48x24xf32>, vector<24x1024xf32>, vector<48x1024xf32> -> vector<48x1024xf32>
    %add3A_35 = arith.addf %dot_general3A_27, %dot_general3A_34 : vector<48x1024xf32>
    %get3A_36 = arith.constant 0 : index
    %get3A_37 = arith.constant 0 : index
    %get3A_38 = vector.load %arg3[%get3A_36, %get3A_37] : memref<192x24xf32, #tpu.memory_space<vmem>>, vector<192x24xf32>
    %slice3A_39 = vector.extract_strided_slice %get3A_38 {offsets = [96, 0], sizes = [48, 24], strides = [1, 1]} : vector<192x24xf32> to vector<48x24xf32>
    %slice3A_40 = vector.extract_strided_slice %get3A_3 {offsets = [48, 0], sizes = [24, 1024], strides = [1, 1]} : vector<96x1024xf32> to vector<24x1024xf32>
    %dot_general3A_41 = arith.constant dense<0.000000e+00> : vector<48x1024xf32>
    %dot_general3A_42 = tpu.matmul %slice3A_39, %slice3A_40, %dot_general3A_41 {dimension_numbers = #tpu.dot_dimension_numbers<[1], [0], [0], [1], [0, 0, 1, 1], [], []>, transpose_lhs_hint = false} : vector<48x24xf32>, vector<24x1024xf32>, vector<48x1024xf32> -> vector<48x1024xf32>
    %get3A_43 = arith.constant 0 : index
    %get3A_44 = arith.constant 0 : index
    %get3A_45 = vector.load %arg4[%get3A_43, %get3A_44] : memref<192x24xf32, #tpu.memory_space<vmem>>, vector<192x24xf32>
    %slice3A_46 = vector.extract_strided_slice %get3A_45 {offsets = [96, 0], sizes = [48, 24], strides = [1, 1]} : vector<192x24xf32> to vector<48x24xf32>
    %slice3A_47 = vector.extract_strided_slice %sub3A {offsets = [48, 0], sizes = [24, 1024], strides = [1, 1]} : vector<96x1024xf32> to vector<24x1024xf32>
    %dot_general3A_48 = arith.constant dense<0.000000e+00> : vector<48x1024xf32>
    %dot_general3A_49 = tpu.matmul %slice3A_46, %slice3A_47, %dot_general3A_48 {dimension_numbers = #tpu.dot_dimension_numbers<[1], [0], [0], [1], [0, 0, 1, 1], [], []>, transpose_lhs_hint = false} : vector<48x24xf32>, vector<24x1024xf32>, vector<48x1024xf32> -> vector<48x1024xf32>
    %add3A_50 = arith.addf %dot_general3A_42, %dot_general3A_49 : vector<48x1024xf32>
    %get3A_51 = arith.constant 0 : index
    %get3A_52 = arith.constant 0 : index
    %get3A_53 = vector.load %arg3[%get3A_51, %get3A_52] : memref<192x24xf32, #tpu.memory_space<vmem>>, vector<192x24xf32>
    %slice3A_54 = vector.extract_strided_slice %get3A_53 {offsets = [144, 0], sizes = [48, 24], strides = [1, 1]} : vector<192x24xf32> to vector<48x24xf32>
    %slice3A_55 = vector.extract_strided_slice %get3A_3 {offsets = [72, 0], sizes = [24, 1024], strides = [1, 1]} : vector<96x1024xf32> to vector<24x1024xf32>
    %dot_general3A_56 = arith.constant dense<0.000000e+00> : vector<48x1024xf32>
    %dot_general3A_57 = tpu.matmul %slice3A_54, %slice3A_55, %dot_general3A_56 {dimension_numbers = #tpu.dot_dimension_numbers<[1], [0], [0], [1], [0, 0, 1, 1], [], []>, transpose_lhs_hint = false} : vector<48x24xf32>, vector<24x1024xf32>, vector<48x1024xf32> -> vector<48x1024xf32>
    %get3A_58 = arith.constant 0 : index
    %get3A_59 = arith.constant 0 : index
    %get3A_60 = vector.load %arg4[%get3A_58, %get3A_59] : memref<192x24xf32, #tpu.memory_space<vmem>>, vector<192x24xf32>
    %slice3A_61 = vector.extract_strided_slice %get3A_60 {offsets = [144, 0], sizes = [48, 24], strides = [1, 1]} : vector<192x24xf32> to vector<48x24xf32>
    %slice3A_62 = vector.extract_strided_slice %sub3A {offsets = [72, 0], sizes = [24, 1024], strides = [1, 1]} : vector<96x1024xf32> to vector<24x1024xf32>
    %dot_general3A_63 = arith.constant dense<0.000000e+00> : vector<48x1024xf32>
    %dot_general3A_64 = tpu.matmul %slice3A_61, %slice3A_62, %dot_general3A_63 {dimension_numbers = #tpu.dot_dimension_numbers<[1], [0], [0], [1], [0, 0, 1, 1], [], []>, transpose_lhs_hint = false} : vector<48x24xf32>, vector<24x1024xf32>, vector<48x1024xf32> -> vector<48x1024xf32>
    %add3A_65 = arith.addf %dot_general3A_57, %dot_general3A_64 : vector<48x1024xf32>
    %concatenate3A = tpu.concatenate %add3A, %add3A_35, %add3A_50, %add3A_65 in 0 : vector<48x1024xf32>, vector<48x1024xf32>, vector<48x1024xf32>, vector<48x1024xf32> -> vector<192x1024xf32>
    %get3A_66 = arith.constant 0 : index
    %get3A_67 = arith.constant 0 : index
    %get3A_68 = vector.load %arg5[%get3A_66, %get3A_67] : memref<192x1xf32, #tpu.memory_space<vmem>>, vector<192x1xf32>
    %add3A_69 = vector.broadcast %get3A_68 : vector<192x1xf32> to vector<192x1024xf32>
    %add3A_70 = arith.addf %concatenate3A, %add3A_69 : vector<192x1024xf32>
    %reduce_sum3A = arith.constant dense<0.000000e+00> : vector<192xf32>
    %reduce_sum3A_71 = vector.multi_reduction <add>, %add3A_70, %reduce_sum3A [1] : vector<192x1024xf32> to vector<192xf32>
    %broadcast_in_dim3A = vector.shape_cast %reduce_sum3A_71 : vector<192xf32> to vector<192x1xf32>
    %div3A = arith.constant 1.024000e+03 : f32
    %div3A_72 = vector.broadcast %div3A : f32 to vector<192x1xf32>
    %div3A_73 = arith.divf %broadcast_in_dim3A, %div3A_72 : vector<192x1xf32>
    %sub3A_74 = vector.broadcast %div3A_73 : vector<192x1xf32> to vector<192x1024xf32>
    %sub3A_75 = arith.subf %add3A_70, %sub3A_74 : vector<192x1024xf32>
    %mul3A = arith.mulf %sub3A_75, %sub3A_75 : vector<192x1024xf32>
    %reduce_sum3A_76 = arith.constant dense<0.000000e+00> : vector<192xf32>
    %reduce_sum3A_77 = vector.multi_reduction <add>, %mul3A, %reduce_sum3A_76 [1] : vector<192x1024xf32> to vector<192xf32>
    %broadcast_in_dim3A_78 = vector.shape_cast %reduce_sum3A_77 : vector<192xf32> to vector<192x1xf32>
    %div3A_79 = arith.constant 1.024000e+03 : f32
    %div3A_80 = vector.broadcast %div3A_79 : f32 to vector<192x1xf32>
    %div3A_81 = arith.divf %broadcast_in_dim3A_78, %div3A_80 : vector<192x1xf32>
    %add3A_82 = arith.constant 9.99999974E-6 : f32
    %add3A_83 = vector.broadcast %add3A_82 : f32 to vector<192x1xf32>
    %add3A_84 = arith.addf %div3A_81, %add3A_83 : vector<192x1xf32>
    %sqrt3A = math.sqrt %add3A_84 : vector<192x1xf32>
    %div3A_85 = vector.broadcast %sqrt3A : vector<192x1xf32> to vector<192x1024xf32>
    %div3A_86 = arith.divf %sub3A_75, %div3A_85 : vector<192x1024xf32>
    %integer_pow3A = arith.mulf %div3A_86, %div3A_86 : vector<192x1024xf32>
    %integer_pow3A_87 = arith.mulf %div3A_86, %integer_pow3A : vector<192x1024xf32>
    %mul3A_88 = arith.constant 4.471500e-02 : f32
    %mul3A_89 = vector.broadcast %mul3A_88 : f32 to vector<192x1024xf32>
    %mul3A_90 = arith.mulf %mul3A_89, %integer_pow3A_87 : vector<192x1024xf32>
    %add3A_91 = arith.addf %div3A_86, %mul3A_90 : vector<192x1024xf32>
    %mul3A_92 = arith.constant 0.797884583 : f32
    %mul3A_93 = vector.broadcast %mul3A_92 : f32 to vector<192x1024xf32>
    %mul3A_94 = arith.mulf %mul3A_93, %add3A_91 : vector<192x1024xf32>
    %tanh3A = math.tanh %mul3A_94 : vector<192x1024xf32>
    %add3A_95 = arith.constant 1.000000e+00 : f32
    %add3A_96 = vector.broadcast %add3A_95 : f32 to vector<192x1024xf32>
    %add3A_97 = arith.addf %add3A_96, %tanh3A : vector<192x1024xf32>
    %mul3A_98 = arith.constant 5.000000e-01 : f32
    %mul3A_99 = vector.broadcast %mul3A_98 : f32 to vector<192x1024xf32>
    %mul3A_100 = arith.mulf %mul3A_99, %add3A_97 : vector<192x1024xf32>
    %mul3A_101 = arith.mulf %div3A_86, %mul3A_100 : vector<192x1024xf32>
    %get3A_102 = arith.constant 0 : index
    %get3A_103 = arith.constant 0 : index
    %get3A_104 = vector.load %arg6[%get3A_102, %get3A_103] : memref<96x192xf32, #tpu.memory_space<vmem>>, vector<96x192xf32>
    %dot_general3A_105 = arith.constant dense<0.000000e+00> : vector<96x1024xf32>
    %dot_general3A_106 = tpu.matmul %get3A_104, %mul3A_101, %dot_general3A_105 {dimension_numbers = #tpu.dot_dimension_numbers<[1], [0], [0], [1], [0, 0, 1, 1], [], []>, transpose_lhs_hint = false} : vector<96x192xf32>, vector<192x1024xf32>, vector<96x1024xf32> -> vector<96x1024xf32>
    %get3A_107 = arith.constant 0 : index
    %get3A_108 = arith.constant 0 : index
    %get3A_109 = vector.load %arg7[%get3A_107, %get3A_108] : memref<96x1xf32, #tpu.memory_space<vmem>>, vector<96x1xf32>
    %add3A_110 = vector.broadcast %get3A_109 : vector<96x1xf32> to vector<96x1024xf32>
    %add3A_111 = arith.addf %dot_general3A_106, %add3A_110 : vector<96x1024xf32>
    %swap3A = arith.constant 0 : index
    %swap3A_112 = arith.constant 0 : index
    %swap3A_113 = arith.constant 0 : index
    %swap3A_114 = vector.load %arg8[%swap3A, %swap3A_112, %swap3A_113] : memref<1x96x1024xf32, #tpu.memory_space<vmem>>, vector<1x96x1024xf32>
    %swap3A_115 = vector.shape_cast %swap3A_114 : vector<1x96x1024xf32> to vector<96x1024xf32>
    %swap3A_116 = vector.shape_cast %add3A_111 : vector<96x1024xf32> to vector<1x96x1024xf32>
    tpu.vector_store %arg8[%swap3A, %swap3A_112, %swap3A_113], %swap3A_116 {strides = array<i32>} : memref<1x96x1024xf32, #tpu.memory_space<vmem>>, vector<1x96x1024xf32>,
    %reduce_sum3A_117 = arith.constant dense<0.000000e+00> : vector<96xf32>
    %reduce_sum3A_118 = vector.multi_reduction <add>, %add3A_111, %reduce_sum3A_117 [1] : vector<96x1024xf32> to vector<96xf32>
    %broadcast_in_dim3A_119 = vector.shape_cast %reduce_sum3A_118 : vector<96xf32> to vector<96x1xf32>
    %mul3A_120 = arith.mulf %add3A_111, %add3A_111 : vector<96x1024xf32>
    %reduce_sum3A_121 = arith.constant dense<0.000000e+00> : vector<96xf32>
    %reduce_sum3A_122 = vector.multi_reduction <add>, %mul3A_120, %reduce_sum3A_121 [1] : vector<96x1024xf32> to vector<96xf32>
    %broadcast_in_dim3A_123 = vector.shape_cast %reduce_sum3A_122 : vector<96xf32> to vector<96x1xf32>
    %eq3A = arith.constant 0 : i32
    %eq3A_124 = arith.cmpi eq, %arg0, %eq3A : i32
    %convert_element_type3A = arith.extui %eq3A_124 : i1 to i32
    %cond3A = arith.constant 0 : i32
    %cond3A_125 = arith.cmpi ne, %convert_element_type3A, %cond3A : i32
    scf.if %cond3A_125 {
      %broadcast_in_dim3A_134 = arith.constant 0.000000e+00 : f32
      %broadcast_in_dim3A_135 = vector.broadcast %broadcast_in_dim3A_134 : f32 to vector<96x2xf32>
      %swap3A_136 = arith.constant 0 : index
      %swap3A_137 = arith.constant 0 : index
      %swap3A_138 = vector.load %arg9[%swap3A_136, %swap3A_137] : memref<96x2xf32, #tpu.memory_space<vmem>>, vector<96x2xf32>
      tpu.vector_store %arg9[%swap3A_136, %swap3A_137], %broadcast_in_dim3A_135 {strides = array<i32>} : memref<96x2xf32, #tpu.memory_space<vmem>>, vector<96x2xf32>,
    } else {
    }
    %get3A_126 = arith.constant 0 : index
    %get3A_127 = arith.constant 0 : index
    %get3A_128 = vector.load %arg9[%get3A_126, %get3A_127] : memref<96x2xf32, #tpu.memory_space<vmem>>, vector<96x2xf32>
    %concatenate3A_129 = tpu.concatenate %broadcast_in_dim3A_119, %broadcast_in_dim3A_123 in 1 : vector<96x1xf32>, vector<96x1xf32> -> vector<96x2xf32>
    %add3A_130 = arith.addf %get3A_128, %concatenate3A_129 : vector<96x2xf32>
    %swap3A_131 = arith.constant 0 : index
    %swap3A_132 = arith.constant 0 : index
    %swap3A_133 = vector.load %arg9[%swap3A_131, %swap3A_132] : memref<96x2xf32, #tpu.memory_space<vmem>>, vector<96x2xf32>
    tpu.vector_store %arg9[%swap3A_131, %swap3A_132], %add3A_130 {strides = array<i32>} : memref<96x2xf32, #tpu.memory_space<vmem>>, vector<96x2xf32>,
    return
  }
  func.func @transform_0(%arg0: i32) -> (i32, i32, i32) {
    %c0_i32 = arith.constant 0 : i32
    %c0_i32_0 = arith.constant 0 : i32
    %c0_i32_1 = arith.constant 0 : i32
    return %arg0, %c0_i32, %c0_i32_0 : i32, i32, i32
  }
  func.func @transform_1(%arg0: i32) -> (i32, i32, i32) {
    %c0_i32 = arith.constant 0 : i32
    %c0_i32_0 = arith.constant 0 : i32
    %c0_i32_1 = arith.constant 0 : i32
    return %arg0, %c0_i32, %c0_i32_0 : i32, i32, i32
  }
  func.func @transform_2(%arg0: i32) -> (i32, i32) {
    %c0_i32 = arith.constant 0 : i32
    %c0_i32_0 = arith.constant 0 : i32
    %c0_i32_1 = arith.constant 0 : i32
    return %c0_i32, %c0_i32_0 : i32, i32
  }
  func.func @transform_3(%arg0: i32) -> (i32, i32) {
    %c0_i32 = arith.constant 0 : i32
    %c0_i32_0 = arith.constant 0 : i32
    %c0_i32_1 = arith.constant 0 : i32
    return %c0_i32, %c0_i32_0 : i32, i32
  }
  func.func @transform_4(%arg0: i32) -> (i32, i32) {
    %c0_i32 = arith.constant 0 : i32
    %c0_i32_0 = arith.constant 0 : i32
    %c0_i32_1 = arith.constant 0 : i32
    return %c0_i32, %c0_i32_0 : i32, i32
  }
  func.func @transform_5(%arg0: i32) -> (i32, i32) {
    %c0_i32 = arith.constant 0 : i32
    %c0_i32_0 = arith.constant 0 : i32
    %c0_i32_1 = arith.constant 0 : i32
    return %c0_i32, %c0_i32_0 : i32, i32
  }
  func.func @transform_6(%arg0: i32) -> (i32, i32) {
    %c0_i32 = arith.constant 0 : i32
    %c0_i32_0 = arith.constant 0 : i32
    %c0_i32_1 = arith.constant 0 : i32
    return %c0_i32, %c0_i32_0 : i32, i32
  }
  func.func @transform_7(%arg0: i32) -> (i32, i32, i32) {
    %c0_i32 = arith.constant 0 : i32
    %c0_i32_0 = arith.constant 0 : i32
    %c0_i32_1 = arith.constant 0 : i32
    return %arg0, %c0_i32, %c0_i32_0 : i32, i32, i32
  }
  func.func @transform_8(%arg0: i32) -> (i32, i32) {
    %c0_i32 = arith.constant 0 : i32
    %c0_i32_0 = arith.constant 0 : i32
    %c0_i32_1 = arith.constant 0 : i32
    return %c0_i32, %c0_i32_0 : i32, i32
  }
}

module attributes {stable_mosaic.version = 14 : i64} {
  func.func @_scconv_mid_body(%arg0: i32, %arg1: memref<1x96x1024xf32, #tpu.memory_space<vmem>>, %arg2: memref<96x2xf32, #tpu.memory_space<vmem>>, %arg3: memref<96x1xf32, #tpu.memory_space<vmem>>, %arg4: memref<96x1xf32, #tpu.memory_space<vmem>>, %arg5: memref<1x96x1024xf32, #tpu.memory_space<vmem>>, %arg6: memref<96x1xf32, #tpu.memory_space<vmem>>, %arg7: memref<96x1xf32, #tpu.memory_space<vmem>>, %arg8: memref<24x48xf32, #tpu.memory_space<vmem>>, %arg9: memref<24x48xf32, #tpu.memory_space<vmem>>, %arg10: memref<9x96x12xf32, #tpu.memory_space<vmem>>, %arg11: memref<96x1xf32, #tpu.memory_space<vmem>>, %arg12: memref<96x24xf32, #tpu.memory_space<vmem>>, %arg13: memref<72x24xf32, #tpu.memory_space<vmem>>, %arg14: memref<96x96xf32, #tpu.memory_space<vmem>>, %arg15: memref<96x1xf32, #tpu.memory_space<vmem>>, %arg16: memref<1x96x1024xf32, #tpu.memory_space<vmem>>, %arg17: memref<1x96x1024xf32, #tpu.memory_space<vmem>>, %arg18: memref<96x128xf32, #tpu.memory_space<vmem>>) attributes {dimension_semantics = [#tpu.dimension_semantics<arbitrary>], iteration_bounds = array<i64: 16>, scalar_prefetch = 0 : i64, scratch_operands = 0 : i64, tpu.core_type = #tpu.core_type<tc>, window_params = [{transform_indices = @transform_0, window_bounds = array<i64: 1, 96, 1024>}, {pipeline_mode = #tpu.pipeline_mode<synchronous>, transform_indices = @transform_1, window_bounds = array<i64: 96, 2>}, {pipeline_mode = #tpu.pipeline_mode<synchronous>, transform_indices = @transform_2, window_bounds = array<i64: 96, 1>}, {pipeline_mode = #tpu.pipeline_mode<synchronous>, transform_indices = @transform_3, window_bounds = array<i64: 96, 1>}, {transform_indices = @transform_4, window_bounds = array<i64: 1, 96, 1024>}, {pipeline_mode = #tpu.pipeline_mode<synchronous>, transform_indices = @transform_5, window_bounds = array<i64: 96, 1>}, {pipeline_mode = #tpu.pipeline_mode<synchronous>, transform_indices = @transform_6, window_bounds = array<i64: 96, 1>}, {pipeline_mode = #tpu.pipeline_mode<synchronous>, transform_indices = @transform_7, window_bounds = array<i64: 24, 48>}, {pipeline_mode = #tpu.pipeline_mode<synchronous>, transform_indices = @transform_8, window_bounds = array<i64: 24, 48>}, {pipeline_mode = #tpu.pipeline_mode<synchronous>, transform_indices = @transform_9, window_bounds = array<i64: 9, 96, 12>}, {pipeline_mode = #tpu.pipeline_mode<synchronous>, transform_indices = @transform_10, window_bounds = array<i64: 96, 1>}, {pipeline_mode = #tpu.pipeline_mode<synchronous>, transform_indices = @transform_11, window_bounds = array<i64: 96, 24>}, {pipeline_mode = #tpu.pipeline_mode<synchronous>, transform_indices = @transform_12, window_bounds = array<i64: 72, 24>}, {pipeline_mode = #tpu.pipeline_mode<synchronous>, transform_indices = @transform_13, window_bounds = array<i64: 96, 96>}, {pipeline_mode = #tpu.pipeline_mode<synchronous>, transform_indices = @transform_14, window_bounds = array<i64: 96, 1>}, {transform_indices = @transform_15, window_bounds = array<i64: 1, 96, 1024>}, {transform_indices = @transform_16, window_bounds = array<i64: 1, 96, 1024>}, {pipeline_mode = #tpu.pipeline_mode<synchronous>, transform_indices = @transform_17, window_bounds = array<i64: 96, 128>}]} {
    %get3A = arith.constant 0 : index
    %get3A_0 = arith.constant 0 : index
    %get3A_1 = vector.load %arg2[%get3A, %get3A_0] : memref<96x2xf32, #tpu.memory_space<vmem>>, vector<96x1xf32>
    %div3A = arith.constant 1.638400e+04 : f32
    %div3A_2 = vector.broadcast %div3A : f32 to vector<96x1xf32>
    %div3A_3 = arith.divf %get3A_1, %div3A_2 : vector<96x1xf32>
    %get3A_4 = arith.constant 0 : index
    %get3A_5 = arith.constant 1 : index
    %get3A_6 = vector.load %arg2[%get3A_4, %get3A_5] : memref<96x2xf32, #tpu.memory_space<vmem>>, vector<96x1xf32>
    %div3A_7 = arith.constant 1.638400e+04 : f32
    %div3A_8 = vector.broadcast %div3A_7 : f32 to vector<96x1xf32>
    %div3A_9 = arith.divf %get3A_6, %div3A_8 : vector<96x1xf32>
    %mul3A = arith.mulf %div3A_3, %div3A_3 : vector<96x1xf32>
    %sub3A = arith.subf %div3A_9, %mul3A : vector<96x1xf32>
    %get3A_10 = arith.constant 0 : index
    %get3A_11 = arith.constant 0 : index
    %get3A_12 = vector.load %arg3[%get3A_10, %get3A_11] : memref<96x1xf32, #tpu.memory_space<vmem>>, vector<96x1xf32>
    %add3A = arith.constant 9.99999974E-6 : f32
    %add3A_13 = vector.broadcast %add3A : f32 to vector<96x1xf32>
    %add3A_14 = arith.addf %sub3A, %add3A_13 : vector<96x1xf32>
    %sqrt3A = math.sqrt %add3A_14 : vector<96x1xf32>
    %div3A_15 = arith.divf %get3A_12, %sqrt3A : vector<96x1xf32>
    %get3A_16 = arith.constant 0 : index
    %get3A_17 = arith.constant 0 : index
    %get3A_18 = vector.load %arg4[%get3A_16, %get3A_17] : memref<96x1xf32, #tpu.memory_space<vmem>>, vector<96x1xf32>
    %mul3A_19 = arith.mulf %div3A_3, %div3A_15 : vector<96x1xf32>
    %sub3A_20 = arith.subf %get3A_18, %mul3A_19 : vector<96x1xf32>
    %get3A_21 = arith.constant 0 : index
    %get3A_22 = arith.constant 0 : index
    %get3A_23 = arith.constant 0 : index
    %get3A_24 = vector.load %arg1[%get3A_21, %get3A_22, %get3A_23] : memref<1x96x1024xf32, #tpu.memory_space<vmem>>, vector<1x96x1024xf32>
    %get3A_25 = vector.shape_cast %get3A_24 : vector<1x96x1024xf32> to vector<96x1024xf32>
    %mul3A_26 = vector.broadcast %div3A_15 : vector<96x1xf32> to vector<96x1024xf32>
    %mul3A_27 = arith.mulf %get3A_25, %mul3A_26 : vector<96x1024xf32>
    %add3A_28 = vector.broadcast %sub3A_20 : vector<96x1xf32> to vector<96x1024xf32>
    %add3A_29 = arith.addf %mul3A_27, %add3A_28 : vector<96x1024xf32>
    %get3A_30 = arith.constant 0 : index
    %get3A_31 = arith.constant 0 : index
    %get3A_32 = arith.constant 0 : index
    %get3A_33 = vector.load %arg5[%get3A_30, %get3A_31, %get3A_32] : memref<1x96x1024xf32, #tpu.memory_space<vmem>>, vector<1x96x1024xf32>
    %get3A_34 = vector.shape_cast %get3A_33 : vector<1x96x1024xf32> to vector<96x1024xf32>
    %add3A_35 = arith.addf %add3A_29, %get3A_34 : vector<96x1024xf32>
    %slice3A = vector.extract_strided_slice %add3A_35 {offsets = [0, 0], sizes = [24, 1024], strides = [1, 1]} : vector<96x1024xf32> to vector<24x1024xf32>
    %reduce_sum3A = vector.shape_cast %slice3A : vector<24x1024xf32> to vector<1x24x1024xf32>
    %reduce_sum3A_36 = arith.constant dense<0.000000e+00> : vector<1xf32>
    %reduce_sum3A_37 = vector.multi_reduction <add>, %reduce_sum3A, %reduce_sum3A_36 [1, 2] : vector<1x24x1024xf32> to vector<1xf32>
    %reduce_sum3A_38 = vector.shape_cast %reduce_sum3A_37 : vector<1xf32> to vector<1x1x1xf32>
    %reduce_sum3A_39 = vector.extract %reduce_sum3A_38[0, 0, 0] : f32 from vector<1x1x1xf32>
    %div3A_40 = arith.constant 2.457600e+04 : f32
    %div3A_41 = arith.divf %reduce_sum3A_39, %div3A_40 : f32
    %sub3A_42 = vector.broadcast %div3A_41 : f32 to vector<24x1024xf32>
    %sub3A_43 = arith.subf %slice3A, %sub3A_42 : vector<24x1024xf32>
    %mul3A_44 = arith.mulf %sub3A_43, %sub3A_43 : vector<24x1024xf32>
    %reduce_sum3A_45 = vector.shape_cast %mul3A_44 : vector<24x1024xf32> to vector<1x24x1024xf32>
    %reduce_sum3A_46 = arith.constant dense<0.000000e+00> : vector<1xf32>
    %reduce_sum3A_47 = vector.multi_reduction <add>, %reduce_sum3A_45, %reduce_sum3A_46 [1, 2] : vector<1x24x1024xf32> to vector<1xf32>
    %reduce_sum3A_48 = vector.shape_cast %reduce_sum3A_47 : vector<1xf32> to vector<1x1x1xf32>
    %reduce_sum3A_49 = vector.extract %reduce_sum3A_48[0, 0, 0] : f32 from vector<1x1x1xf32>
    %div3A_50 = arith.constant 2.457600e+04 : f32
    %div3A_51 = arith.divf %reduce_sum3A_49, %div3A_50 : f32
    %sqrt3A_52 = math.sqrt %div3A_51 : f32
    %add3A_53 = arith.constant 1.000000e-10 : f32
    %add3A_54 = arith.addf %sqrt3A_52, %add3A_53 : f32
    %div3A_55 = vector.broadcast %add3A_54 : f32 to vector<24x1024xf32>
    %div3A_56 = arith.divf %sub3A_43, %div3A_55 : vector<24x1024xf32>
    %slice3A_57 = vector.extract_strided_slice %add3A_35 {offsets = [24, 0], sizes = [24, 1024], strides = [1, 1]} : vector<96x1024xf32> to vector<24x1024xf32>
    %reduce_sum3A_58 = vector.shape_cast %slice3A_57 : vector<24x1024xf32> to vector<1x24x1024xf32>
    %reduce_sum3A_59 = arith.constant dense<0.000000e+00> : vector<1xf32>
    %reduce_sum3A_60 = vector.multi_reduction <add>, %reduce_sum3A_58, %reduce_sum3A_59 [1, 2] : vector<1x24x1024xf32> to vector<1xf32>
    %reduce_sum3A_61 = vector.shape_cast %reduce_sum3A_60 : vector<1xf32> to vector<1x1x1xf32>
    %reduce_sum3A_62 = vector.extract %reduce_sum3A_61[0, 0, 0] : f32 from vector<1x1x1xf32>
    %div3A_63 = arith.constant 2.457600e+04 : f32
    %div3A_64 = arith.divf %reduce_sum3A_62, %div3A_63 : f32
    %sub3A_65 = vector.broadcast %div3A_64 : f32 to vector<24x1024xf32>
    %sub3A_66 = arith.subf %slice3A_57, %sub3A_65 : vector<24x1024xf32>
    %mul3A_67 = arith.mulf %sub3A_66, %sub3A_66 : vector<24x1024xf32>
    %reduce_sum3A_68 = vector.shape_cast %mul3A_67 : vector<24x1024xf32> to vector<1x24x1024xf32>
    %reduce_sum3A_69 = arith.constant dense<0.000000e+00> : vector<1xf32>
    %reduce_sum3A_70 = vector.multi_reduction <add>, %reduce_sum3A_68, %reduce_sum3A_69 [1, 2] : vector<1x24x1024xf32> to vector<1xf32>
    %reduce_sum3A_71 = vector.shape_cast %reduce_sum3A_70 : vector<1xf32> to vector<1x1x1xf32>
    %reduce_sum3A_72 = vector.extract %reduce_sum3A_71[0, 0, 0] : f32 from vector<1x1x1xf32>
    %div3A_73 = arith.constant 2.457600e+04 : f32
    %div3A_74 = arith.divf %reduce_sum3A_72, %div3A_73 : f32
    %sqrt3A_75 = math.sqrt %div3A_74 : f32
    %add3A_76 = arith.constant 1.000000e-10 : f32
    %add3A_77 = arith.addf %sqrt3A_75, %add3A_76 : f32
    %div3A_78 = vector.broadcast %add3A_77 : f32 to vector<24x1024xf32>
    %div3A_79 = arith.divf %sub3A_66, %div3A_78 : vector<24x1024xf32>
    %slice3A_80 = vector.extract_strided_slice %add3A_35 {offsets = [48, 0], sizes = [24, 1024], strides = [1, 1]} : vector<96x1024xf32> to vector<24x1024xf32>
    %reduce_sum3A_81 = vector.shape_cast %slice3A_80 : vector<24x1024xf32> to vector<1x24x1024xf32>
    %reduce_sum3A_82 = arith.constant dense<0.000000e+00> : vector<1xf32>
    %reduce_sum3A_83 = vector.multi_reduction <add>, %reduce_sum3A_81, %reduce_sum3A_82 [1, 2] : vector<1x24x1024xf32> to vector<1xf32>
    %reduce_sum3A_84 = vector.shape_cast %reduce_sum3A_83 : vector<1xf32> to vector<1x1x1xf32>
    %reduce_sum3A_85 = vector.extract %reduce_sum3A_84[0, 0, 0] : f32 from vector<1x1x1xf32>
    %div3A_86 = arith.constant 2.457600e+04 : f32
    %div3A_87 = arith.divf %reduce_sum3A_85, %div3A_86 : f32
    %sub3A_88 = vector.broadcast %div3A_87 : f32 to vector<24x1024xf32>
    %sub3A_89 = arith.subf %slice3A_80, %sub3A_88 : vector<24x1024xf32>
    %mul3A_90 = arith.mulf %sub3A_89, %sub3A_89 : vector<24x1024xf32>
    %reduce_sum3A_91 = vector.shape_cast %mul3A_90 : vector<24x1024xf32> to vector<1x24x1024xf32>
    %reduce_sum3A_92 = arith.constant dense<0.000000e+00> : vector<1xf32>
    %reduce_sum3A_93 = vector.multi_reduction <add>, %reduce_sum3A_91, %reduce_sum3A_92 [1, 2] : vector<1x24x1024xf32> to vector<1xf32>
    %reduce_sum3A_94 = vector.shape_cast %reduce_sum3A_93 : vector<1xf32> to vector<1x1x1xf32>
    %reduce_sum3A_95 = vector.extract %reduce_sum3A_94[0, 0, 0] : f32 from vector<1x1x1xf32>
    %div3A_96 = arith.constant 2.457600e+04 : f32
    %div3A_97 = arith.divf %reduce_sum3A_95, %div3A_96 : f32
    %sqrt3A_98 = math.sqrt %div3A_97 : f32
    %add3A_99 = arith.constant 1.000000e-10 : f32
    %add3A_100 = arith.addf %sqrt3A_98, %add3A_99 : f32
    %div3A_101 = vector.broadcast %add3A_100 : f32 to vector<24x1024xf32>
    %div3A_102 = arith.divf %sub3A_89, %div3A_101 : vector<24x1024xf32>
    %slice3A_103 = vector.extract_strided_slice %add3A_35 {offsets = [72, 0], sizes = [24, 1024], strides = [1, 1]} : vector<96x1024xf32> to vector<24x1024xf32>
    %reduce_sum3A_104 = vector.shape_cast %slice3A_103 : vector<24x1024xf32> to vector<1x24x1024xf32>
    %reduce_sum3A_105 = arith.constant dense<0.000000e+00> : vector<1xf32>
    %reduce_sum3A_106 = vector.multi_reduction <add>, %reduce_sum3A_104, %reduce_sum3A_105 [1, 2] : vector<1x24x1024xf32> to vector<1xf32>
    %reduce_sum3A_107 = vector.shape_cast %reduce_sum3A_106 : vector<1xf32> to vector<1x1x1xf32>
    %reduce_sum3A_108 = vector.extract %reduce_sum3A_107[0, 0, 0] : f32 from vector<1x1x1xf32>
    %div3A_109 = arith.constant 2.457600e+04 : f32
    %div3A_110 = arith.divf %reduce_sum3A_108, %div3A_109 : f32
    %sub3A_111 = vector.broadcast %div3A_110 : f32 to vector<24x1024xf32>
    %sub3A_112 = arith.subf %slice3A_103, %sub3A_111 : vector<24x1024xf32>
    %mul3A_113 = arith.mulf %sub3A_112, %sub3A_112 : vector<24x1024xf32>
    %reduce_sum3A_114 = vector.shape_cast %mul3A_113 : vector<24x1024xf32> to vector<1x24x1024xf32>
    %reduce_sum3A_115 = arith.constant dense<0.000000e+00> : vector<1xf32>
    %reduce_sum3A_116 = vector.multi_reduction <add>, %reduce_sum3A_114, %reduce_sum3A_115 [1, 2] : vector<1x24x1024xf32> to vector<1xf32>
    %reduce_sum3A_117 = vector.shape_cast %reduce_sum3A_116 : vector<1xf32> to vector<1x1x1xf32>
    %reduce_sum3A_118 = vector.extract %reduce_sum3A_117[0, 0, 0] : f32 from vector<1x1x1xf32>
    %div3A_119 = arith.constant 2.457600e+04 : f32
    %div3A_120 = arith.divf %reduce_sum3A_118, %div3A_119 : f32
    %sqrt3A_121 = math.sqrt %div3A_120 : f32
    %add3A_122 = arith.constant 1.000000e-10 : f32
    %add3A_123 = arith.addf %sqrt3A_121, %add3A_122 : f32
    %div3A_124 = vector.broadcast %add3A_123 : f32 to vector<24x1024xf32>
    %div3A_125 = arith.divf %sub3A_112, %div3A_124 : vector<24x1024xf32>
    %concatenate3A = tpu.concatenate %div3A_56, %div3A_79, %div3A_102, %div3A_125 in 0 : vector<24x1024xf32>, vector<24x1024xf32>, vector<24x1024xf32>, vector<24x1024xf32> -> vector<96x1024xf32>
    %get3A_126 = arith.constant 0 : index
    %get3A_127 = arith.constant 0 : index
    %get3A_128 = vector.load %arg6[%get3A_126, %get3A_127] : memref<96x1xf32, #tpu.memory_space<vmem>>, vector<96x1xf32>
    %mul3A_129 = vector.broadcast %get3A_128 : vector<96x1xf32> to vector<96x1024xf32>
    %mul3A_130 = arith.mulf %concatenate3A, %mul3A_129 : vector<96x1024xf32>
    %get3A_131 = arith.constant 0 : index
    %get3A_132 = arith.constant 0 : index
    %get3A_133 = vector.load %arg7[%get3A_131, %get3A_132] : memref<96x1xf32, #tpu.memory_space<vmem>>, vector<96x1xf32>
    %add3A_134 = vector.broadcast %get3A_133 : vector<96x1xf32> to vector<96x1024xf32>
    %add3A_135 = arith.addf %mul3A_130, %add3A_134 : vector<96x1024xf32>
    %get3A_136 = arith.constant 0 : index
    %get3A_137 = arith.constant 0 : index
    %get3A_138 = vector.load %arg6[%get3A_136, %get3A_137] : memref<96x1xf32, #tpu.memory_space<vmem>>, vector<96x1xf32>
    %get3A_139 = arith.constant 0 : index
    %get3A_140 = arith.constant 0 : index
    %get3A_141 = vector.load %arg6[%get3A_139, %get3A_140] : memref<96x1xf32, #tpu.memory_space<vmem>>, vector<96x1xf32>
    %reduce_sum3A_142 = vector.shape_cast %get3A_141 : vector<96x1xf32> to vector<1x96x1xf32>
    %reduce_sum3A_143 = arith.constant dense<0.000000e+00> : vector<1xf32>
    %reduce_sum3A_144 = vector.multi_reduction <add>, %reduce_sum3A_142, %reduce_sum3A_143 [1, 2] : vector<1x96x1xf32> to vector<1xf32>
    %reduce_sum3A_145 = vector.shape_cast %reduce_sum3A_144 : vector<1xf32> to vector<1x1x1xf32>
    %reduce_sum3A_146 = vector.extract %reduce_sum3A_145[0, 0, 0] : f32 from vector<1x1x1xf32>
    %div3A_147 = vector.broadcast %reduce_sum3A_146 : f32 to vector<96x1xf32>
    %div3A_148 = arith.divf %get3A_138, %div3A_147 : vector<96x1xf32>
    %mul3A_149 = vector.broadcast %div3A_148 : vector<96x1xf32> to vector<96x1024xf32>
    %mul3A_150 = arith.mulf %add3A_135, %mul3A_149 : vector<96x1024xf32>
    %logistic3A = arith.negf %mul3A_150 : vector<96x1024xf32>
    %logistic3A_151 = math.exp %logistic3A : vector<96x1024xf32>
    %logistic3A_152 = arith.constant 1.000000e+00 : f32
    %logistic3A_153 = vector.broadcast %logistic3A_152 : f32 to vector<96x1024xf32>
    %logistic3A_154 = arith.addf %logistic3A_153, %logistic3A_151 : vector<96x1024xf32>
    %logistic3A_155 = arith.divf %logistic3A_153, %logistic3A_154 : vector<96x1024xf32>
    %ge3A = arith.constant 5.000000e-01 : f32
    %ge3A_156 = vector.broadcast %ge3A : f32 to vector<96x1024xf32>
    %ge3A_157 = arith.cmpf oge, %logistic3A_155, %ge3A_156 : vector<96x1024xf32>
    %convert_element_type3A = arith.extui %ge3A_157 : vector<96x1024xi1> to vector<96x1024xi32>
    %convert_element_type3A_158 = arith.sitofp %convert_element_type3A : vector<96x1024xi32> to vector<96x1024xf32>
    %mul3A_159 = arith.mulf %convert_element_type3A_158, %add3A_135 : vector<96x1024xf32>
    %sub3A_160 = arith.subf %add3A_135, %mul3A_159 : vector<96x1024xf32>
    %slice3A_161 = vector.extract_strided_slice %mul3A_159 {offsets = [0, 0], sizes = [48, 1024], strides = [1, 1]} : vector<96x1024xf32> to vector<48x1024xf32>
    %slice3A_162 = vector.extract_strided_slice %sub3A_160 {offsets = [48, 0], sizes = [48, 1024], strides = [1, 1]} : vector<96x1024xf32> to vector<48x1024xf32>
    %add3A_163 = arith.addf %slice3A_161, %slice3A_162 : vector<48x1024xf32>
    %slice3A_164 = vector.extract_strided_slice %mul3A_159 {offsets = [48, 0], sizes = [48, 1024], strides = [1, 1]} : vector<96x1024xf32> to vector<48x1024xf32>
    %slice3A_165 = vector.extract_strided_slice %sub3A_160 {offsets = [0, 0], sizes = [48, 1024], strides = [1, 1]} : vector<96x1024xf32> to vector<48x1024xf32>
    %add3A_166 = arith.addf %slice3A_164, %slice3A_165 : vector<48x1024xf32>
    %concatenate3A_167 = tpu.concatenate %add3A_163, %add3A_166 in 0 : vector<48x1024xf32>, vector<48x1024xf32> -> vector<96x1024xf32>
    %get3A_168 = arith.constant 0 : index
    %get3A_169 = arith.constant 0 : index
    %get3A_170 = vector.load %arg8[%get3A_168, %get3A_169] : memref<24x48xf32, #tpu.memory_space<vmem>>, vector<24x48xf32>
    %slice3A_171 = vector.extract_strided_slice %concatenate3A_167 {offsets = [0, 0], sizes = [48, 1024], strides = [1, 1]} : vector<96x1024xf32> to vector<48x1024xf32>
    %dot_general3A = arith.constant dense<0.000000e+00> : vector<24x1024xf32>
    %dot_general3A_172 = tpu.matmul %get3A_170, %slice3A_171, %dot_general3A {dimension_numbers = #tpu.dot_dimension_numbers<[1], [0], [0], [1], [0, 0, 1, 1], [], []>, transpose_lhs_hint = false} : vector<24x48xf32>, vector<48x1024xf32>, vector<24x1024xf32> -> vector<24x1024xf32>
    %get3A_173 = arith.constant 0 : index
    %get3A_174 = arith.constant 0 : index
    %get3A_175 = vector.load %arg9[%get3A_173, %get3A_174] : memref<24x48xf32, #tpu.memory_space<vmem>>, vector<24x48xf32>
    %slice3A_176 = vector.extract_strided_slice %concatenate3A_167 {offsets = [48, 0], sizes = [48, 1024], strides = [1, 1]} : vector<96x1024xf32> to vector<48x1024xf32>
    %dot_general3A_177 = arith.constant dense<0.000000e+00> : vector<24x1024xf32>
    %dot_general3A_178 = tpu.matmul %get3A_175, %slice3A_176, %dot_general3A_177 {dimension_numbers = #tpu.dot_dimension_numbers<[1], [0], [0], [1], [0, 0, 1, 1], [], []>, transpose_lhs_hint = false} : vector<24x48xf32>, vector<48x1024xf32>, vector<24x1024xf32> -> vector<24x1024xf32>
    %iota3A = tpu.iota {dimensions = array<i32: 1>} : vector<1x1024xi32>
    %jit3A = arith.constant 32 : i32
    %div3A_179 = vector.broadcast %jit3A : i32 to vector<1x1024xi32>
    %div3A_180 = arith.divsi %iota3A, %div3A_179 : vector<1x1024xi32>
    %sign3A = arith.constant 0 : i32
    %sign3A_181 = vector.broadcast %sign3A : i32 to vector<1x1024xi32>
    %sign3A_182 = arith.cmpi sgt, %iota3A, %sign3A_181 : vector<1x1024xi32>
    %sign3A_183 = arith.extui %sign3A_182 : vector<1x1024xi1> to vector<1x1024xi32>
    %sign3A_184 = arith.constant 0 : i32
    %sign3A_185 = vector.broadcast %sign3A_184 : i32 to vector<1x1024xi32>
    %sign3A_186 = arith.cmpi slt, %iota3A, %sign3A_185 : vector<1x1024xi32>
    %sign3A_187 = arith.extui %sign3A_186 : vector<1x1024xi1> to vector<1x1024xi32>
    %sign3A_188 = arith.subi %sign3A_183, %sign3A_187 : vector<1x1024xi32>
    %sign3A_189 = arith.constant 0 : i32
    %sign3A_190 = arith.cmpi sgt, %jit3A, %sign3A_189 : i32
    %sign3A_191 = arith.extui %sign3A_190 : i1 to i32
    %sign3A_192 = arith.constant 0 : i32
    %sign3A_193 = arith.cmpi slt, %jit3A, %sign3A_192 : i32
    %sign3A_194 = arith.extui %sign3A_193 : i1 to i32
    %sign3A_195 = arith.subi %sign3A_191, %sign3A_194 : i32
    %ne3A = vector.broadcast %sign3A_195 : i32 to vector<1x1024xi32>
    %ne3A_196 = arith.cmpi ne, %sign3A_188, %ne3A : vector<1x1024xi32>
    %rem3A = vector.broadcast %jit3A : i32 to vector<1x1024xi32>
    %rem3A_197 = arith.remsi %iota3A, %rem3A : vector<1x1024xi32>
    %ne3A_198 = arith.constant 0 : i32
    %ne3A_199 = vector.broadcast %ne3A_198 : i32 to vector<1x1024xi32>
    %ne3A_200 = arith.cmpi ne, %rem3A_197, %ne3A_199 : vector<1x1024xi32>
    %and3A = arith.andi %ne3A_196, %ne3A_200 : vector<1x1024xi1>
    %sub3A_201 = arith.constant 1 : i32
    %sub3A_202 = vector.broadcast %sub3A_201 : i32 to vector<1x1024xi32>
    %sub3A_203 = arith.subi %div3A_180, %sub3A_202 : vector<1x1024xi32>
    %select_n3A = arith.select %and3A, %sub3A_203, %div3A_180 : vector<1x1024xi1>, vector<1x1024xi32>
    %jit3A_204 = arith.constant 32 : i32
    %eq3A = arith.constant 0 : i32
    %eq3A_205 = arith.cmpi eq, %jit3A_204, %eq3A : i32
    %jit3A_206 = arith.constant 1 : i32
    %select_n3A_207 = arith.select %eq3A_205, %jit3A_206, %jit3A_204 : i32
    %rem3A_208 = vector.broadcast %select_n3A_207 : i32 to vector<1x1024xi32>
    %rem3A_209 = arith.remsi %iota3A, %rem3A_208 : vector<1x1024xi32>
    %ne3A_210 = arith.constant 0 : i32
    %ne3A_211 = vector.broadcast %ne3A_210 : i32 to vector<1x1024xi32>
    %ne3A_212 = arith.cmpi ne, %rem3A_209, %ne3A_211 : vector<1x1024xi32>
    %lt3A = arith.constant 0 : i32
    %lt3A_213 = vector.broadcast %lt3A : i32 to vector<1x1024xi32>
    %lt3A_214 = arith.cmpi slt, %rem3A_209, %lt3A_213 : vector<1x1024xi32>
    %lt3A_215 = arith.constant 0 : i32
    %lt3A_216 = arith.cmpi slt, %select_n3A_207, %lt3A_215 : i32
    %ne3A_217 = vector.broadcast %lt3A_216 : i1 to vector<1x1024xi1>
    %ne3A_218 = vector.broadcast %ne3A_217 : vector<1x1024xi1> to vector<1x1024xi1>
    %ne3A_219 = arith.xori %lt3A_214, %ne3A_218 : vector<1x1024xi1>
    %and3A_220 = arith.andi %ne3A_219, %ne3A_212 : vector<1x1024xi1>
    %add3A_221 = vector.broadcast %select_n3A_207 : i32 to vector<1x1024xi32>
    %add3A_222 = arith.addi %rem3A_209, %add3A_221 : vector<1x1024xi32>
    %select_n3A_223 = arith.select %and3A_220, %add3A_222, %rem3A_209 : vector<1x1024xi1>, vector<1x1024xi32>
    %broadcast_in_dim3A = arith.constant 0.000000e+00 : f32
    %broadcast_in_dim3A_224 = vector.broadcast %broadcast_in_dim3A : f32 to vector<48x1024xf32>
    %broadcast_in_dim3A_225 = arith.constant 0.000000e+00 : f32
    %broadcast_in_dim3A_226 = vector.broadcast %broadcast_in_dim3A_225 : f32 to vector<48x1024xf32>
    %slice3A_227 = vector.extract_strided_slice %dot_general3A_172 {offsets = [0, 991], sizes = [24, 33], strides = [1, 1]} : vector<24x1024xf32> to vector<24x33xf32>
    %slice3A_228 = vector.extract_strided_slice %dot_general3A_172 {offsets = [0, 0], sizes = [24, 991], strides = [1, 1]} : vector<24x1024xf32> to vector<24x991xf32>
    %concatenate3A_229 = tpu.concatenate %slice3A_227, %slice3A_228 in 1 : vector<24x33xf32>, vector<24x991xf32> -> vector<24x1024xf32>
    %add3A_230 = arith.constant -1 : i32
    %add3A_231 = vector.broadcast %add3A_230 : i32 to vector<1x1024xi32>
    %add3A_232 = arith.addi %select_n3A, %add3A_231 : vector<1x1024xi32>
    %ge3A_233 = arith.constant 0 : i32
    %ge3A_234 = vector.broadcast %ge3A_233 : i32 to vector<1x1024xi32>
    %ge3A_235 = arith.cmpi sge, %add3A_232, %ge3A_234 : vector<1x1024xi32>
    %add3A_236 = arith.constant -1 : i32
    %add3A_237 = vector.broadcast %add3A_236 : i32 to vector<1x1024xi32>
    %add3A_238 = arith.addi %select_n3A, %add3A_237 : vector<1x1024xi32>
    %lt3A_239 = arith.constant 32 : i32
    %lt3A_240 = vector.broadcast %lt3A_239 : i32 to vector<1x1024xi32>
    %lt3A_241 = arith.cmpi slt, %add3A_238, %lt3A_240 : vector<1x1024xi32>
    %and3A_242 = arith.andi %ge3A_235, %lt3A_241 : vector<1x1024xi1>
    %add3A_243 = arith.constant -1 : i32
    %add3A_244 = vector.broadcast %add3A_243 : i32 to vector<1x1024xi32>
    %add3A_245 = arith.addi %select_n3A_223, %add3A_244 : vector<1x1024xi32>
    %ge3A_246 = arith.constant 0 : i32
    %ge3A_247 = vector.broadcast %ge3A_246 : i32 to vector<1x1024xi32>
    %ge3A_248 = arith.cmpi sge, %add3A_245, %ge3A_247 : vector<1x1024xi32>
    %and3A_249 = arith.andi %and3A_242, %ge3A_248 : vector<1x1024xi1>
    %add3A_250 = arith.constant -1 : i32
    %add3A_251 = vector.broadcast %add3A_250 : i32 to vector<1x1024xi32>
    %add3A_252 = arith.addi %select_n3A_223, %add3A_251 : vector<1x1024xi32>
    %lt3A_253 = arith.constant 32 : i32
    %lt3A_254 = vector.broadcast %lt3A_253 : i32 to vector<1x1024xi32>
    %lt3A_255 = arith.cmpi slt, %add3A_252, %lt3A_254 : vector<1x1024xi32>
    %and3A_256 = arith.andi %and3A_249, %lt3A_255 : vector<1x1024xi1>
    %convert_element_type3A_257 = arith.extui %and3A_256 : vector<1x1024xi1> to vector<1x1024xi32>
    %convert_element_type3A_258 = arith.sitofp %convert_element_type3A_257 : vector<1x1024xi32> to vector<1x1024xf32>
    %mul3A_259 = vector.broadcast %convert_element_type3A_258 : vector<1x1024xf32> to vector<24x1024xf32>
    %mul3A_260 = arith.mulf %concatenate3A_229, %mul3A_259 : vector<24x1024xf32>
    %get3A_261 = arith.constant 0 : index
    %get3A_262 = arith.constant 0 : index
    %get3A_263 = arith.constant 0 : index
    %get3A_264 = vector.load %arg10[%get3A_261, %get3A_262, %get3A_263] : memref<9x96x12xf32, #tpu.memory_space<vmem>>, vector<1x96x12xf32>
    %get3A_265 = vector.shape_cast %get3A_264 : vector<1x96x12xf32> to vector<96x12xf32>
    %slice3A_266 = vector.extract_strided_slice %get3A_265 {offsets = [0, 0], sizes = [48, 12], strides = [1, 1]} : vector<96x12xf32> to vector<48x12xf32>
    %slice3A_267 = vector.extract_strided_slice %mul3A_260 {offsets = [0, 0], sizes = [12, 1024], strides = [1, 1]} : vector<24x1024xf32> to vector<12x1024xf32>
    %dot_general3A_268 = arith.constant dense<0.000000e+00> : vector<48x1024xf32>
    %dot_general3A_269 = tpu.matmul %slice3A_266, %slice3A_267, %dot_general3A_268 {dimension_numbers = #tpu.dot_dimension_numbers<[1], [0], [0], [1], [0, 0, 1, 1], [], []>, transpose_lhs_hint = false} : vector<48x12xf32>, vector<12x1024xf32>, vector<48x1024xf32> -> vector<48x1024xf32>
    %add3A_270 = arith.addf %broadcast_in_dim3A_224, %dot_general3A_269 : vector<48x1024xf32>
    %slice3A_271 = vector.extract_strided_slice %get3A_265 {offsets = [48, 0], sizes = [48, 12], strides = [1, 1]} : vector<96x12xf32> to vector<48x12xf32>
    %slice3A_272 = vector.extract_strided_slice %mul3A_260 {offsets = [12, 0], sizes = [12, 1024], strides = [1, 1]} : vector<24x1024xf32> to vector<12x1024xf32>
    %dot_general3A_273 = arith.constant dense<0.000000e+00> : vector<48x1024xf32>
    %dot_general3A_274 = tpu.matmul %slice3A_271, %slice3A_272, %dot_general3A_273 {dimension_numbers = #tpu.dot_dimension_numbers<[1], [0], [0], [1], [0, 0, 1, 1], [], []>, transpose_lhs_hint = false} : vector<48x12xf32>, vector<12x1024xf32>, vector<48x1024xf32> -> vector<48x1024xf32>
    %add3A_275 = arith.addf %broadcast_in_dim3A_226, %dot_general3A_274 : vector<48x1024xf32>
    %slice3A_276 = vector.extract_strided_slice %dot_general3A_172 {offsets = [0, 992], sizes = [24, 32], strides = [1, 1]} : vector<24x1024xf32> to vector<24x32xf32>
    %slice3A_277 = vector.extract_strided_slice %dot_general3A_172 {offsets = [0, 0], sizes = [24, 992], strides = [1, 1]} : vector<24x1024xf32> to vector<24x992xf32>
    %concatenate3A_278 = tpu.concatenate %slice3A_276, %slice3A_277 in 1 : vector<24x32xf32>, vector<24x992xf32> -> vector<24x1024xf32>
    %add3A_279 = arith.constant -1 : i32
    %add3A_280 = vector.broadcast %add3A_279 : i32 to vector<1x1024xi32>
    %add3A_281 = arith.addi %select_n3A, %add3A_280 : vector<1x1024xi32>
    %ge3A_282 = arith.constant 0 : i32
    %ge3A_283 = vector.broadcast %ge3A_282 : i32 to vector<1x1024xi32>
    %ge3A_284 = arith.cmpi sge, %add3A_281, %ge3A_283 : vector<1x1024xi32>
    %add3A_285 = arith.constant -1 : i32
    %add3A_286 = vector.broadcast %add3A_285 : i32 to vector<1x1024xi32>
    %add3A_287 = arith.addi %select_n3A, %add3A_286 : vector<1x1024xi32>
    %lt3A_288 = arith.constant 32 : i32
    %lt3A_289 = vector.broadcast %lt3A_288 : i32 to vector<1x1024xi32>
    %lt3A_290 = arith.cmpi slt, %add3A_287, %lt3A_289 : vector<1x1024xi32>
    %and3A_291 = arith.andi %ge3A_284, %lt3A_290 : vector<1x1024xi1>
    %add3A_292 = arith.constant 0 : i32
    %add3A_293 = vector.broadcast %add3A_292 : i32 to vector<1x1024xi32>
    %add3A_294 = arith.addi %select_n3A_223, %add3A_293 : vector<1x1024xi32>
    %ge3A_295 = arith.constant 0 : i32
    %ge3A_296 = vector.broadcast %ge3A_295 : i32 to vector<1x1024xi32>
    %ge3A_297 = arith.cmpi sge, %add3A_294, %ge3A_296 : vector<1x1024xi32>
    %and3A_298 = arith.andi %and3A_291, %ge3A_297 : vector<1x1024xi1>
    %add3A_299 = arith.constant 0 : i32
    %add3A_300 = vector.broadcast %add3A_299 : i32 to vector<1x1024xi32>
    %add3A_301 = arith.addi %select_n3A_223, %add3A_300 : vector<1x1024xi32>
    %lt3A_302 = arith.constant 32 : i32
    %lt3A_303 = vector.broadcast %lt3A_302 : i32 to vector<1x1024xi32>
    %lt3A_304 = arith.cmpi slt, %add3A_301, %lt3A_303 : vector<1x1024xi32>
    %and3A_305 = arith.andi %and3A_298, %lt3A_304 : vector<1x1024xi1>
    %convert_element_type3A_306 = arith.extui %and3A_305 : vector<1x1024xi1> to vector<1x1024xi32>
    %convert_element_type3A_307 = arith.sitofp %convert_element_type3A_306 : vector<1x1024xi32> to vector<1x1024xf32>
    %mul3A_308 = vector.broadcast %convert_element_type3A_307 : vector<1x1024xf32> to vector<24x1024xf32>
    %mul3A_309 = arith.mulf %concatenate3A_278, %mul3A_308 : vector<24x1024xf32>
    %get3A_310 = arith.constant 1 : index
    %get3A_311 = arith.constant 0 : index
    %get3A_312 = arith.constant 0 : index
    %get3A_313 = vector.load %arg10[%get3A_310, %get3A_311, %get3A_312] : memref<9x96x12xf32, #tpu.memory_space<vmem>>, vector<1x96x12xf32>
    %get3A_314 = vector.shape_cast %get3A_313 : vector<1x96x12xf32> to vector<96x12xf32>
    %slice3A_315 = vector.extract_strided_slice %get3A_314 {offsets = [0, 0], sizes = [48, 12], strides = [1, 1]} : vector<96x12xf32> to vector<48x12xf32>
    %slice3A_316 = vector.extract_strided_slice %mul3A_309 {offsets = [0, 0], sizes = [12, 1024], strides = [1, 1]} : vector<24x1024xf32> to vector<12x1024xf32>
    %dot_general3A_317 = arith.constant dense<0.000000e+00> : vector<48x1024xf32>
    %dot_general3A_318 = tpu.matmul %slice3A_315, %slice3A_316, %dot_general3A_317 {dimension_numbers = #tpu.dot_dimension_numbers<[1], [0], [0], [1], [0, 0, 1, 1], [], []>, transpose_lhs_hint = false} : vector<48x12xf32>, vector<12x1024xf32>, vector<48x1024xf32> -> vector<48x1024xf32>
    %add3A_319 = arith.addf %add3A_270, %dot_general3A_318 : vector<48x1024xf32>
    %slice3A_320 = vector.extract_strided_slice %get3A_314 {offsets = [48, 0], sizes = [48, 12], strides = [1, 1]} : vector<96x12xf32> to vector<48x12xf32>
    %slice3A_321 = vector.extract_strided_slice %mul3A_309 {offsets = [12, 0], sizes = [12, 1024], strides = [1, 1]} : vector<24x1024xf32> to vector<12x1024xf32>
    %dot_general3A_322 = arith.constant dense<0.000000e+00> : vector<48x1024xf32>
    %dot_general3A_323 = tpu.matmul %slice3A_320, %slice3A_321, %dot_general3A_322 {dimension_numbers = #tpu.dot_dimension_numbers<[1], [0], [0], [1], [0, 0, 1, 1], [], []>, transpose_lhs_hint = false} : vector<48x12xf32>, vector<12x1024xf32>, vector<48x1024xf32> -> vector<48x1024xf32>
    %add3A_324 = arith.addf %add3A_275, %dot_general3A_323 : vector<48x1024xf32>
    %slice3A_325 = vector.extract_strided_slice %dot_general3A_172 {offsets = [0, 993], sizes = [24, 31], strides = [1, 1]} : vector<24x1024xf32> to vector<24x31xf32>
    %slice3A_326 = vector.extract_strided_slice %dot_general3A_172 {offsets = [0, 0], sizes = [24, 993], strides = [1, 1]} : vector<24x1024xf32> to vector<24x993xf32>
    %concatenate3A_327 = tpu.concatenate %slice3A_325, %slice3A_326 in 1 : vector<24x31xf32>, vector<24x993xf32> -> vector<24x1024xf32>
    %add3A_328 = arith.constant -1 : i32
    %add3A_329 = vector.broadcast %add3A_328 : i32 to vector<1x1024xi32>
    %add3A_330 = arith.addi %select_n3A, %add3A_329 : vector<1x1024xi32>
    %ge3A_331 = arith.constant 0 : i32
    %ge3A_332 = vector.broadcast %ge3A_331 : i32 to vector<1x1024xi32>
    %ge3A_333 = arith.cmpi sge, %add3A_330, %ge3A_332 : vector<1x1024xi32>
    %add3A_334 = arith.constant -1 : i32
    %add3A_335 = vector.broadcast %add3A_334 : i32 to vector<1x1024xi32>
    %add3A_336 = arith.addi %select_n3A, %add3A_335 : vector<1x1024xi32>
    %lt3A_337 = arith.constant 32 : i32
    %lt3A_338 = vector.broadcast %lt3A_337 : i32 to vector<1x1024xi32>
    %lt3A_339 = arith.cmpi slt, %add3A_336, %lt3A_338 : vector<1x1024xi32>
    %and3A_340 = arith.andi %ge3A_333, %lt3A_339 : vector<1x1024xi1>
    %add3A_341 = arith.constant 1 : i32
    %add3A_342 = vector.broadcast %add3A_341 : i32 to vector<1x1024xi32>
    %add3A_343 = arith.addi %select_n3A_223, %add3A_342 : vector<1x1024xi32>
    %ge3A_344 = arith.constant 0 : i32
    %ge3A_345 = vector.broadcast %ge3A_344 : i32 to vector<1x1024xi32>
    %ge3A_346 = arith.cmpi sge, %add3A_343, %ge3A_345 : vector<1x1024xi32>
    %and3A_347 = arith.andi %and3A_340, %ge3A_346 : vector<1x1024xi1>
    %add3A_348 = arith.constant 1 : i32
    %add3A_349 = vector.broadcast %add3A_348 : i32 to vector<1x1024xi32>
    %add3A_350 = arith.addi %select_n3A_223, %add3A_349 : vector<1x1024xi32>
    %lt3A_351 = arith.constant 32 : i32
    %lt3A_352 = vector.broadcast %lt3A_351 : i32 to vector<1x1024xi32>
    %lt3A_353 = arith.cmpi slt, %add3A_350, %lt3A_352 : vector<1x1024xi32>
    %and3A_354 = arith.andi %and3A_347, %lt3A_353 : vector<1x1024xi1>
    %convert_element_type3A_355 = arith.extui %and3A_354 : vector<1x1024xi1> to vector<1x1024xi32>
    %convert_element_type3A_356 = arith.sitofp %convert_element_type3A_355 : vector<1x1024xi32> to vector<1x1024xf32>
    %mul3A_357 = vector.broadcast %convert_element_type3A_356 : vector<1x1024xf32> to vector<24x1024xf32>
    %mul3A_358 = arith.mulf %concatenate3A_327, %mul3A_357 : vector<24x1024xf32>
    %get3A_359 = arith.constant 2 : index
    %get3A_360 = arith.constant 0 : index
    %get3A_361 = arith.constant 0 : index
    %get3A_362 = vector.load %arg10[%get3A_359, %get3A_360, %get3A_361] : memref<9x96x12xf32, #tpu.memory_space<vmem>>, vector<1x96x12xf32>
    %get3A_363 = vector.shape_cast %get3A_362 : vector<1x96x12xf32> to vector<96x12xf32>
    %slice3A_364 = vector.extract_strided_slice %get3A_363 {offsets = [0, 0], sizes = [48, 12], strides = [1, 1]} : vector<96x12xf32> to vector<48x12xf32>
    %slice3A_365 = vector.extract_strided_slice %mul3A_358 {offsets = [0, 0], sizes = [12, 1024], strides = [1, 1]} : vector<24x1024xf32> to vector<12x1024xf32>
    %dot_general3A_366 = arith.constant dense<0.000000e+00> : vector<48x1024xf32>
    %dot_general3A_367 = tpu.matmul %slice3A_364, %slice3A_365, %dot_general3A_366 {dimension_numbers = #tpu.dot_dimension_numbers<[1], [0], [0], [1], [0, 0, 1, 1], [], []>, transpose_lhs_hint = false} : vector<48x12xf32>, vector<12x1024xf32>, vector<48x1024xf32> -> vector<48x1024xf32>
    %add3A_368 = arith.addf %add3A_319, %dot_general3A_367 : vector<48x1024xf32>
    %slice3A_369 = vector.extract_strided_slice %get3A_363 {offsets = [48, 0], sizes = [48, 12], strides = [1, 1]} : vector<96x12xf32> to vector<48x12xf32>
    %slice3A_370 = vector.extract_strided_slice %mul3A_358 {offsets = [12, 0], sizes = [12, 1024], strides = [1, 1]} : vector<24x1024xf32> to vector<12x1024xf32>
    %dot_general3A_371 = arith.constant dense<0.000000e+00> : vector<48x1024xf32>
    %dot_general3A_372 = tpu.matmul %slice3A_369, %slice3A_370, %dot_general3A_371 {dimension_numbers = #tpu.dot_dimension_numbers<[1], [0], [0], [1], [0, 0, 1, 1], [], []>, transpose_lhs_hint = false} : vector<48x12xf32>, vector<12x1024xf32>, vector<48x1024xf32> -> vector<48x1024xf32>
    %add3A_373 = arith.addf %add3A_324, %dot_general3A_372 : vector<48x1024xf32>
    %slice3A_374 = vector.extract_strided_slice %dot_general3A_172 {offsets = [0, 1023], sizes = [24, 1], strides = [1, 1]} : vector<24x1024xf32> to vector<24x1xf32>
    %slice3A_375 = vector.extract_strided_slice %dot_general3A_172 {offsets = [0, 0], sizes = [24, 1023], strides = [1, 1]} : vector<24x1024xf32> to vector<24x1023xf32>
    %concatenate3A_376 = tpu.concatenate %slice3A_374, %slice3A_375 in 1 : vector<24x1xf32>, vector<24x1023xf32> -> vector<24x1024xf32>
    %add3A_377 = arith.constant 0 : i32
    %add3A_378 = vector.broadcast %add3A_377 : i32 to vector<1x1024xi32>
    %add3A_379 = arith.addi %select_n3A, %add3A_378 : vector<1x1024xi32>
    %ge3A_380 = arith.constant 0 : i32
    %ge3A_381 = vector.broadcast %ge3A_380 : i32 to vector<1x1024xi32>
    %ge3A_382 = arith.cmpi sge, %add3A_379, %ge3A_381 : vector<1x1024xi32>
    %add3A_383 = arith.constant 0 : i32
    %add3A_384 = vector.broadcast %add3A_383 : i32 to vector<1x1024xi32>
    %add3A_385 = arith.addi %select_n3A, %add3A_384 : vector<1x1024xi32>
    %lt3A_386 = arith.constant 32 : i32
    %lt3A_387 = vector.broadcast %lt3A_386 : i32 to vector<1x1024xi32>
    %lt3A_388 = arith.cmpi slt, %add3A_385, %lt3A_387 : vector<1x1024xi32>
    %and3A_389 = arith.andi %ge3A_382, %lt3A_388 : vector<1x1024xi1>
    %add3A_390 = arith.constant -1 : i32
    %add3A_391 = vector.broadcast %add3A_390 : i32 to vector<1x1024xi32>
    %add3A_392 = arith.addi %select_n3A_223, %add3A_391 : vector<1x1024xi32>
    %ge3A_393 = arith.constant 0 : i32
    %ge3A_394 = vector.broadcast %ge3A_393 : i32 to vector<1x1024xi32>
    %ge3A_395 = arith.cmpi sge, %add3A_392, %ge3A_394 : vector<1x1024xi32>
    %and3A_396 = arith.andi %and3A_389, %ge3A_395 : vector<1x1024xi1>
    %add3A_397 = arith.constant -1 : i32
    %add3A_398 = vector.broadcast %add3A_397 : i32 to vector<1x1024xi32>
    %add3A_399 = arith.addi %select_n3A_223, %add3A_398 : vector<1x1024xi32>
    %lt3A_400 = arith.constant 32 : i32
    %lt3A_401 = vector.broadcast %lt3A_400 : i32 to vector<1x1024xi32>
    %lt3A_402 = arith.cmpi slt, %add3A_399, %lt3A_401 : vector<1x1024xi32>
    %and3A_403 = arith.andi %and3A_396, %lt3A_402 : vector<1x1024xi1>
    %convert_element_type3A_404 = arith.extui %and3A_403 : vector<1x1024xi1> to vector<1x1024xi32>
    %convert_element_type3A_405 = arith.sitofp %convert_element_type3A_404 : vector<1x1024xi32> to vector<1x1024xf32>
    %mul3A_406 = vector.broadcast %convert_element_type3A_405 : vector<1x1024xf32> to vector<24x1024xf32>
    %mul3A_407 = arith.mulf %concatenate3A_376, %mul3A_406 : vector<24x1024xf32>
    %get3A_408 = arith.constant 3 : index
    %get3A_409 = arith.constant 0 : index
    %get3A_410 = arith.constant 0 : index
    %get3A_411 = vector.load %arg10[%get3A_408, %get3A_409, %get3A_410] : memref<9x96x12xf32, #tpu.memory_space<vmem>>, vector<1x96x12xf32>
    %get3A_412 = vector.shape_cast %get3A_411 : vector<1x96x12xf32> to vector<96x12xf32>
    %slice3A_413 = vector.extract_strided_slice %get3A_412 {offsets = [0, 0], sizes = [48, 12], strides = [1, 1]} : vector<96x12xf32> to vector<48x12xf32>
    %slice3A_414 = vector.extract_strided_slice %mul3A_407 {offsets = [0, 0], sizes = [12, 1024], strides = [1, 1]} : vector<24x1024xf32> to vector<12x1024xf32>
    %dot_general3A_415 = arith.constant dense<0.000000e+00> : vector<48x1024xf32>
    %dot_general3A_416 = tpu.matmul %slice3A_413, %slice3A_414, %dot_general3A_415 {dimension_numbers = #tpu.dot_dimension_numbers<[1], [0], [0], [1], [0, 0, 1, 1], [], []>, transpose_lhs_hint = false} : vector<48x12xf32>, vector<12x1024xf32>, vector<48x1024xf32> -> vector<48x1024xf32>
    %add3A_417 = arith.addf %add3A_368, %dot_general3A_416 : vector<48x1024xf32>
    %slice3A_418 = vector.extract_strided_slice %get3A_412 {offsets = [48, 0], sizes = [48, 12], strides = [1, 1]} : vector<96x12xf32> to vector<48x12xf32>
    %slice3A_419 = vector.extract_strided_slice %mul3A_407 {offsets = [12, 0], sizes = [12, 1024], strides = [1, 1]} : vector<24x1024xf32> to vector<12x1024xf32>
    %dot_general3A_420 = arith.constant dense<0.000000e+00> : vector<48x1024xf32>
    %dot_general3A_421 = tpu.matmul %slice3A_418, %slice3A_419, %dot_general3A_420 {dimension_numbers = #tpu.dot_dimension_numbers<[1], [0], [0], [1], [0, 0, 1, 1], [], []>, transpose_lhs_hint = false} : vector<48x12xf32>, vector<12x1024xf32>, vector<48x1024xf32> -> vector<48x1024xf32>
    %add3A_422 = arith.addf %add3A_373, %dot_general3A_421 : vector<48x1024xf32>
    %add3A_423 = arith.constant 0 : i32
    %add3A_424 = vector.broadcast %add3A_423 : i32 to vector<1x1024xi32>
    %add3A_425 = arith.addi %select_n3A, %add3A_424 : vector<1x1024xi32>
    %ge3A_426 = arith.constant 0 : i32
    %ge3A_427 = vector.broadcast %ge3A_426 : i32 to vector<1x1024xi32>
    %ge3A_428 = arith.cmpi sge, %add3A_425, %ge3A_427 : vector<1x1024xi32>
    %add3A_429 = arith.constant 0 : i32
    %add3A_430 = vector.broadcast %add3A_429 : i32 to vector<1x1024xi32>
    %add3A_431 = arith.addi %select_n3A, %add3A_430 : vector<1x1024xi32>
    %lt3A_432 = arith.constant 32 : i32
    %lt3A_433 = vector.broadcast %lt3A_432 : i32 to vector<1x1024xi32>
    %lt3A_434 = arith.cmpi slt, %add3A_431, %lt3A_433 : vector<1x1024xi32>
    %and3A_435 = arith.andi %ge3A_428, %lt3A_434 : vector<1x1024xi1>
    %add3A_436 = arith.constant 0 : i32
    %add3A_437 = vector.broadcast %add3A_436 : i32 to vector<1x1024xi32>
    %add3A_438 = arith.addi %select_n3A_223, %add3A_437 : vector<1x1024xi32>
    %ge3A_439 = arith.constant 0 : i32
    %ge3A_440 = vector.broadcast %ge3A_439 : i32 to vector<1x1024xi32>
    %ge3A_441 = arith.cmpi sge, %add3A_438, %ge3A_440 : vector<1x1024xi32>
    %and3A_442 = arith.andi %and3A_435, %ge3A_441 : vector<1x1024xi1>
    %add3A_443 = arith.constant 0 : i32
    %add3A_444 = vector.broadcast %add3A_443 : i32 to vector<1x1024xi32>
    %add3A_445 = arith.addi %select_n3A_223, %add3A_444 : vector<1x1024xi32>
    %lt3A_446 = arith.constant 32 : i32
    %lt3A_447 = vector.broadcast %lt3A_446 : i32 to vector<1x1024xi32>
    %lt3A_448 = arith.cmpi slt, %add3A_445, %lt3A_447 : vector<1x1024xi32>
    %and3A_449 = arith.andi %and3A_442, %lt3A_448 : vector<1x1024xi1>
    %convert_element_type3A_450 = arith.extui %and3A_449 : vector<1x1024xi1> to vector<1x1024xi32>
    %convert_element_type3A_451 = arith.sitofp %convert_element_type3A_450 : vector<1x1024xi32> to vector<1x1024xf32>
    %mul3A_452 = vector.broadcast %convert_element_type3A_451 : vector<1x1024xf32> to vector<24x1024xf32>
    %mul3A_453 = arith.mulf %dot_general3A_172, %mul3A_452 : vector<24x1024xf32>
    %get3A_454 = arith.constant 4 : index
    %get3A_455 = arith.constant 0 : index
    %get3A_456 = arith.constant 0 : index
    %get3A_457 = vector.load %arg10[%get3A_454, %get3A_455, %get3A_456] : memref<9x96x12xf32, #tpu.memory_space<vmem>>, vector<1x96x12xf32>
    %get3A_458 = vector.shape_cast %get3A_457 : vector<1x96x12xf32> to vector<96x12xf32>
    %slice3A_459 = vector.extract_strided_slice %get3A_458 {offsets = [0, 0], sizes = [48, 12], strides = [1, 1]} : vector<96x12xf32> to vector<48x12xf32>
    %slice3A_460 = vector.extract_strided_slice %mul3A_453 {offsets = [0, 0], sizes = [12, 1024], strides = [1, 1]} : vector<24x1024xf32> to vector<12x1024xf32>
    %dot_general3A_461 = arith.constant dense<0.000000e+00> : vector<48x1024xf32>
    %dot_general3A_462 = tpu.matmul %slice3A_459, %slice3A_460, %dot_general3A_461 {dimension_numbers = #tpu.dot_dimension_numbers<[1], [0], [0], [1], [0, 0, 1, 1], [], []>, transpose_lhs_hint = false} : vector<48x12xf32>, vector<12x1024xf32>, vector<48x1024xf32> -> vector<48x1024xf32>
    %add3A_463 = arith.addf %add3A_417, %dot_general3A_462 : vector<48x1024xf32>
    %slice3A_464 = vector.extract_strided_slice %get3A_458 {offsets = [48, 0], sizes = [48, 12], strides = [1, 1]} : vector<96x12xf32> to vector<48x12xf32>
    %slice3A_465 = vector.extract_strided_slice %mul3A_453 {offsets = [12, 0], sizes = [12, 1024], strides = [1, 1]} : vector<24x1024xf32> to vector<12x1024xf32>
    %dot_general3A_466 = arith.constant dense<0.000000e+00> : vector<48x1024xf32>
    %dot_general3A_467 = tpu.matmul %slice3A_464, %slice3A_465, %dot_general3A_466 {dimension_numbers = #tpu.dot_dimension_numbers<[1], [0], [0], [1], [0, 0, 1, 1], [], []>, transpose_lhs_hint = false} : vector<48x12xf32>, vector<12x1024xf32>, vector<48x1024xf32> -> vector<48x1024xf32>
    %add3A_468 = arith.addf %add3A_422, %dot_general3A_467 : vector<48x1024xf32>
    %slice3A_469 = vector.extract_strided_slice %dot_general3A_172 {offsets = [0, 1], sizes = [24, 1023], strides = [1, 1]} : vector<24x1024xf32> to vector<24x1023xf32>
    %slice3A_470 = vector.extract_strided_slice %dot_general3A_172 {offsets = [0, 0], sizes = [24, 1], strides = [1, 1]} : vector<24x1024xf32> to vector<24x1xf32>
    %concatenate3A_471 = tpu.concatenate %slice3A_469, %slice3A_470 in 1 : vector<24x1023xf32>, vector<24x1xf32> -> vector<24x1024xf32>
    %add3A_472 = arith.constant 0 : i32
    %add3A_473 = vector.broadcast %add3A_472 : i32 to vector<1x1024xi32>
    %add3A_474 = arith.addi %select_n3A, %add3A_473 : vector<1x1024xi32>
    %ge3A_475 = arith.constant 0 : i32
    %ge3A_476 = vector.broadcast %ge3A_475 : i32 to vector<1x1024xi32>
    %ge3A_477 = arith.cmpi sge, %add3A_474, %ge3A_476 : vector<1x1024xi32>
    %add3A_478 = arith.constant 0 : i32
    %add3A_479 = vector.broadcast %add3A_478 : i32 to vector<1x1024xi32>
    %add3A_480 = arith.addi %select_n3A, %add3A_479 : vector<1x1024xi32>
    %lt3A_481 = arith.constant 32 : i32
    %lt3A_482 = vector.broadcast %lt3A_481 : i32 to vector<1x1024xi32>
    %lt3A_483 = arith.cmpi slt, %add3A_480, %lt3A_482 : vector<1x1024xi32>
    %and3A_484 = arith.andi %ge3A_477, %lt3A_483 : vector<1x1024xi1>
    %add3A_485 = arith.constant 1 : i32
    %add3A_486 = vector.broadcast %add3A_485 : i32 to vector<1x1024xi32>
    %add3A_487 = arith.addi %select_n3A_223, %add3A_486 : vector<1x1024xi32>
    %ge3A_488 = arith.constant 0 : i32
    %ge3A_489 = vector.broadcast %ge3A_488 : i32 to vector<1x1024xi32>
    %ge3A_490 = arith.cmpi sge, %add3A_487, %ge3A_489 : vector<1x1024xi32>
    %and3A_491 = arith.andi %and3A_484, %ge3A_490 : vector<1x1024xi1>
    %add3A_492 = arith.constant 1 : i32
    %add3A_493 = vector.broadcast %add3A_492 : i32 to vector<1x1024xi32>
    %add3A_494 = arith.addi %select_n3A_223, %add3A_493 : vector<1x1024xi32>
    %lt3A_495 = arith.constant 32 : i32
    %lt3A_496 = vector.broadcast %lt3A_495 : i32 to vector<1x1024xi32>
    %lt3A_497 = arith.cmpi slt, %add3A_494, %lt3A_496 : vector<1x1024xi32>
    %and3A_498 = arith.andi %and3A_491, %lt3A_497 : vector<1x1024xi1>
    %convert_element_type3A_499 = arith.extui %and3A_498 : vector<1x1024xi1> to vector<1x1024xi32>
    %convert_element_type3A_500 = arith.sitofp %convert_element_type3A_499 : vector<1x1024xi32> to vector<1x1024xf32>
    %mul3A_501 = vector.broadcast %convert_element_type3A_500 : vector<1x1024xf32> to vector<24x1024xf32>
    %mul3A_502 = arith.mulf %concatenate3A_471, %mul3A_501 : vector<24x1024xf32>
    %get3A_503 = arith.constant 5 : index
    %get3A_504 = arith.constant 0 : index
    %get3A_505 = arith.constant 0 : index
    %get3A_506 = vector.load %arg10[%get3A_503, %get3A_504, %get3A_505] : memref<9x96x12xf32, #tpu.memory_space<vmem>>, vector<1x96x12xf32>
    %get3A_507 = vector.shape_cast %get3A_506 : vector<1x96x12xf32> to vector<96x12xf32>
    %slice3A_508 = vector.extract_strided_slice %get3A_507 {offsets = [0, 0], sizes = [48, 12], strides = [1, 1]} : vector<96x12xf32> to vector<48x12xf32>
    %slice3A_509 = vector.extract_strided_slice %mul3A_502 {offsets = [0, 0], sizes = [12, 1024], strides = [1, 1]} : vector<24x1024xf32> to vector<12x1024xf32>
    %dot_general3A_510 = arith.constant dense<0.000000e+00> : vector<48x1024xf32>
    %dot_general3A_511 = tpu.matmul %slice3A_508, %slice3A_509, %dot_general3A_510 {dimension_numbers = #tpu.dot_dimension_numbers<[1], [0], [0], [1], [0, 0, 1, 1], [], []>, transpose_lhs_hint = false} : vector<48x12xf32>, vector<12x1024xf32>, vector<48x1024xf32> -> vector<48x1024xf32>
    %add3A_512 = arith.addf %add3A_463, %dot_general3A_511 : vector<48x1024xf32>
    %slice3A_513 = vector.extract_strided_slice %get3A_507 {offsets = [48, 0], sizes = [48, 12], strides = [1, 1]} : vector<96x12xf32> to vector<48x12xf32>
    %slice3A_514 = vector.extract_strided_slice %mul3A_502 {offsets = [12, 0], sizes = [12, 1024], strides = [1, 1]} : vector<24x1024xf32> to vector<12x1024xf32>
    %dot_general3A_515 = arith.constant dense<0.000000e+00> : vector<48x1024xf32>
    %dot_general3A_516 = tpu.matmul %slice3A_513, %slice3A_514, %dot_general3A_515 {dimension_numbers = #tpu.dot_dimension_numbers<[1], [0], [0], [1], [0, 0, 1, 1], [], []>, transpose_lhs_hint = false} : vector<48x12xf32>, vector<12x1024xf32>, vector<48x1024xf32> -> vector<48x1024xf32>
    %add3A_517 = arith.addf %add3A_468, %dot_general3A_516 : vector<48x1024xf32>
    %slice3A_518 = vector.extract_strided_slice %dot_general3A_172 {offsets = [0, 31], sizes = [24, 993], strides = [1, 1]} : vector<24x1024xf32> to vector<24x993xf32>
    %slice3A_519 = vector.extract_strided_slice %dot_general3A_172 {offsets = [0, 0], sizes = [24, 31], strides = [1, 1]} : vector<24x1024xf32> to vector<24x31xf32>
    %concatenate3A_520 = tpu.concatenate %slice3A_518, %slice3A_519 in 1 : vector<24x993xf32>, vector<24x31xf32> -> vector<24x1024xf32>
    %add3A_521 = arith.constant 1 : i32
    %add3A_522 = vector.broadcast %add3A_521 : i32 to vector<1x1024xi32>
    %add3A_523 = arith.addi %select_n3A, %add3A_522 : vector<1x1024xi32>
    %ge3A_524 = arith.constant 0 : i32
    %ge3A_525 = vector.broadcast %ge3A_524 : i32 to vector<1x1024xi32>
    %ge3A_526 = arith.cmpi sge, %add3A_523, %ge3A_525 : vector<1x1024xi32>
    %add3A_527 = arith.constant 1 : i32
    %add3A_528 = vector.broadcast %add3A_527 : i32 to vector<1x1024xi32>
    %add3A_529 = arith.addi %select_n3A, %add3A_528 : vector<1x1024xi32>
    %lt3A_530 = arith.constant 32 : i32
    %lt3A_531 = vector.broadcast %lt3A_530 : i32 to vector<1x1024xi32>
    %lt3A_532 = arith.cmpi slt, %add3A_529, %lt3A_531 : vector<1x1024xi32>
    %and3A_533 = arith.andi %ge3A_526, %lt3A_532 : vector<1x1024xi1>
    %add3A_534 = arith.constant -1 : i32
    %add3A_535 = vector.broadcast %add3A_534 : i32 to vector<1x1024xi32>
    %add3A_536 = arith.addi %select_n3A_223, %add3A_535 : vector<1x1024xi32>
    %ge3A_537 = arith.constant 0 : i32
    %ge3A_538 = vector.broadcast %ge3A_537 : i32 to vector<1x1024xi32>
    %ge3A_539 = arith.cmpi sge, %add3A_536, %ge3A_538 : vector<1x1024xi32>
    %and3A_540 = arith.andi %and3A_533, %ge3A_539 : vector<1x1024xi1>
    %add3A_541 = arith.constant -1 : i32
    %add3A_542 = vector.broadcast %add3A_541 : i32 to vector<1x1024xi32>
    %add3A_543 = arith.addi %select_n3A_223, %add3A_542 : vector<1x1024xi32>
    %lt3A_544 = arith.constant 32 : i32
    %lt3A_545 = vector.broadcast %lt3A_544 : i32 to vector<1x1024xi32>
    %lt3A_546 = arith.cmpi slt, %add3A_543, %lt3A_545 : vector<1x1024xi32>
    %and3A_547 = arith.andi %and3A_540, %lt3A_546 : vector<1x1024xi1>
    %convert_element_type3A_548 = arith.extui %and3A_547 : vector<1x1024xi1> to vector<1x1024xi32>
    %convert_element_type3A_549 = arith.sitofp %convert_element_type3A_548 : vector<1x1024xi32> to vector<1x1024xf32>
    %mul3A_550 = vector.broadcast %convert_element_type3A_549 : vector<1x1024xf32> to vector<24x1024xf32>
    %mul3A_551 = arith.mulf %concatenate3A_520, %mul3A_550 : vector<24x1024xf32>
    %get3A_552 = arith.constant 6 : index
    %get3A_553 = arith.constant 0 : index
    %get3A_554 = arith.constant 0 : index
    %get3A_555 = vector.load %arg10[%get3A_552, %get3A_553, %get3A_554] : memref<9x96x12xf32, #tpu.memory_space<vmem>>, vector<1x96x12xf32>
    %get3A_556 = vector.shape_cast %get3A_555 : vector<1x96x12xf32> to vector<96x12xf32>
    %slice3A_557 = vector.extract_strided_slice %get3A_556 {offsets = [0, 0], sizes = [48, 12], strides = [1, 1]} : vector<96x12xf32> to vector<48x12xf32>
    %slice3A_558 = vector.extract_strided_slice %mul3A_551 {offsets = [0, 0], sizes = [12, 1024], strides = [1, 1]} : vector<24x1024xf32> to vector<12x1024xf32>
    %dot_general3A_559 = arith.constant dense<0.000000e+00> : vector<48x1024xf32>
    %dot_general3A_560 = tpu.matmul %slice3A_557, %slice3A_558, %dot_general3A_559 {dimension_numbers = #tpu.dot_dimension_numbers<[1], [0], [0], [1], [0, 0, 1, 1], [], []>, transpose_lhs_hint = false} : vector<48x12xf32>, vector<12x1024xf32>, vector<48x1024xf32> -> vector<48x1024xf32>
    %add3A_561 = arith.addf %add3A_512, %dot_general3A_560 : vector<48x1024xf32>
    %slice3A_562 = vector.extract_strided_slice %get3A_556 {offsets = [48, 0], sizes = [48, 12], strides = [1, 1]} : vector<96x12xf32> to vector<48x12xf32>
    %slice3A_563 = vector.extract_strided_slice %mul3A_551 {offsets = [12, 0], sizes = [12, 1024], strides = [1, 1]} : vector<24x1024xf32> to vector<12x1024xf32>
    %dot_general3A_564 = arith.constant dense<0.000000e+00> : vector<48x1024xf32>
    %dot_general3A_565 = tpu.matmul %slice3A_562, %slice3A_563, %dot_general3A_564 {dimension_numbers = #tpu.dot_dimension_numbers<[1], [0], [0], [1], [0, 0, 1, 1], [], []>, transpose_lhs_hint = false} : vector<48x12xf32>, vector<12x1024xf32>, vector<48x1024xf32> -> vector<48x1024xf32>
    %add3A_566 = arith.addf %add3A_517, %dot_general3A_565 : vector<48x1024xf32>
    %slice3A_567 = vector.extract_strided_slice %dot_general3A_172 {offsets = [0, 32], sizes = [24, 992], strides = [1, 1]} : vector<24x1024xf32> to vector<24x992xf32>
    %slice3A_568 = vector.extract_strided_slice %dot_general3A_172 {offsets = [0, 0], sizes = [24, 32], strides = [1, 1]} : vector<24x1024xf32> to vector<24x32xf32>
    %concatenate3A_569 = tpu.concatenate %slice3A_567, %slice3A_568 in 1 : vector<24x992xf32>, vector<24x32xf32> -> vector<24x1024xf32>
    %add3A_570 = arith.constant 1 : i32
    %add3A_571 = vector.broadcast %add3A_570 : i32 to vector<1x1024xi32>
    %add3A_572 = arith.addi %select_n3A, %add3A_571 : vector<1x1024xi32>
    %ge3A_573 = arith.constant 0 : i32
    %ge3A_574 = vector.broadcast %ge3A_573 : i32 to vector<1x1024xi32>
    %ge3A_575 = arith.cmpi sge, %add3A_572, %ge3A_574 : vector<1x1024xi32>
    %add3A_576 = arith.constant 1 : i32
    %add3A_577 = vector.broadcast %add3A_576 : i32 to vector<1x1024xi32>
    %add3A_578 = arith.addi %select_n3A, %add3A_577 : vector<1x1024xi32>
    %lt3A_579 = arith.constant 32 : i32
    %lt3A_580 = vector.broadcast %lt3A_579 : i32 to vector<1x1024xi32>
    %lt3A_581 = arith.cmpi slt, %add3A_578, %lt3A_580 : vector<1x1024xi32>
    %and3A_582 = arith.andi %ge3A_575, %lt3A_581 : vector<1x1024xi1>
    %add3A_583 = arith.constant 0 : i32
    %add3A_584 = vector.broadcast %add3A_583 : i32 to vector<1x1024xi32>
    %add3A_585 = arith.addi %select_n3A_223, %add3A_584 : vector<1x1024xi32>
    %ge3A_586 = arith.constant 0 : i32
    %ge3A_587 = vector.broadcast %ge3A_586 : i32 to vector<1x1024xi32>
    %ge3A_588 = arith.cmpi sge, %add3A_585, %ge3A_587 : vector<1x1024xi32>
    %and3A_589 = arith.andi %and3A_582, %ge3A_588 : vector<1x1024xi1>
    %add3A_590 = arith.constant 0 : i32
    %add3A_591 = vector.broadcast %add3A_590 : i32 to vector<1x1024xi32>
    %add3A_592 = arith.addi %select_n3A_223, %add3A_591 : vector<1x1024xi32>
    %lt3A_593 = arith.constant 32 : i32
    %lt3A_594 = vector.broadcast %lt3A_593 : i32 to vector<1x1024xi32>
    %lt3A_595 = arith.cmpi slt, %add3A_592, %lt3A_594 : vector<1x1024xi32>
    %and3A_596 = arith.andi %and3A_589, %lt3A_595 : vector<1x1024xi1>
    %convert_element_type3A_597 = arith.extui %and3A_596 : vector<1x1024xi1> to vector<1x1024xi32>
    %convert_element_type3A_598 = arith.sitofp %convert_element_type3A_597 : vector<1x1024xi32> to vector<1x1024xf32>
    %mul3A_599 = vector.broadcast %convert_element_type3A_598 : vector<1x1024xf32> to vector<24x1024xf32>
    %mul3A_600 = arith.mulf %concatenate3A_569, %mul3A_599 : vector<24x1024xf32>
    %get3A_601 = arith.constant 7 : index
    %get3A_602 = arith.constant 0 : index
    %get3A_603 = arith.constant 0 : index
    %get3A_604 = vector.load %arg10[%get3A_601, %get3A_602, %get3A_603] : memref<9x96x12xf32, #tpu.memory_space<vmem>>, vector<1x96x12xf32>
    %get3A_605 = vector.shape_cast %get3A_604 : vector<1x96x12xf32> to vector<96x12xf32>
    %slice3A_606 = vector.extract_strided_slice %get3A_605 {offsets = [0, 0], sizes = [48, 12], strides = [1, 1]} : vector<96x12xf32> to vector<48x12xf32>
    %slice3A_607 = vector.extract_strided_slice %mul3A_600 {offsets = [0, 0], sizes = [12, 1024], strides = [1, 1]} : vector<24x1024xf32> to vector<12x1024xf32>
    %dot_general3A_608 = arith.constant dense<0.000000e+00> : vector<48x1024xf32>
    %dot_general3A_609 = tpu.matmul %slice3A_606, %slice3A_607, %dot_general3A_608 {dimension_numbers = #tpu.dot_dimension_numbers<[1], [0], [0], [1], [0, 0, 1, 1], [], []>, transpose_lhs_hint = false} : vector<48x12xf32>, vector<12x1024xf32>, vector<48x1024xf32> -> vector<48x1024xf32>
    %add3A_610 = arith.addf %add3A_561, %dot_general3A_609 : vector<48x1024xf32>
    %slice3A_611 = vector.extract_strided_slice %get3A_605 {offsets = [48, 0], sizes = [48, 12], strides = [1, 1]} : vector<96x12xf32> to vector<48x12xf32>
    %slice3A_612 = vector.extract_strided_slice %mul3A_600 {offsets = [12, 0], sizes = [12, 1024], strides = [1, 1]} : vector<24x1024xf32> to vector<12x1024xf32>
    %dot_general3A_613 = arith.constant dense<0.000000e+00> : vector<48x1024xf32>
    %dot_general3A_614 = tpu.matmul %slice3A_611, %slice3A_612, %dot_general3A_613 {dimension_numbers = #tpu.dot_dimension_numbers<[1], [0], [0], [1], [0, 0, 1, 1], [], []>, transpose_lhs_hint = false} : vector<48x12xf32>, vector<12x1024xf32>, vector<48x1024xf32> -> vector<48x1024xf32>
    %add3A_615 = arith.addf %add3A_566, %dot_general3A_614 : vector<48x1024xf32>
    %slice3A_616 = vector.extract_strided_slice %dot_general3A_172 {offsets = [0, 33], sizes = [24, 991], strides = [1, 1]} : vector<24x1024xf32> to vector<24x991xf32>
    %slice3A_617 = vector.extract_strided_slice %dot_general3A_172 {offsets = [0, 0], sizes = [24, 33], strides = [1, 1]} : vector<24x1024xf32> to vector<24x33xf32>
    %concatenate3A_618 = tpu.concatenate %slice3A_616, %slice3A_617 in 1 : vector<24x991xf32>, vector<24x33xf32> -> vector<24x1024xf32>
    %add3A_619 = arith.constant 1 : i32
    %add3A_620 = vector.broadcast %add3A_619 : i32 to vector<1x1024xi32>
    %add3A_621 = arith.addi %select_n3A, %add3A_620 : vector<1x1024xi32>
    %ge3A_622 = arith.constant 0 : i32
    %ge3A_623 = vector.broadcast %ge3A_622 : i32 to vector<1x1024xi32>
    %ge3A_624 = arith.cmpi sge, %add3A_621, %ge3A_623 : vector<1x1024xi32>
    %add3A_625 = arith.constant 1 : i32
    %add3A_626 = vector.broadcast %add3A_625 : i32 to vector<1x1024xi32>
    %add3A_627 = arith.addi %select_n3A, %add3A_626 : vector<1x1024xi32>
    %lt3A_628 = arith.constant 32 : i32
    %lt3A_629 = vector.broadcast %lt3A_628 : i32 to vector<1x1024xi32>
    %lt3A_630 = arith.cmpi slt, %add3A_627, %lt3A_629 : vector<1x1024xi32>
    %and3A_631 = arith.andi %ge3A_624, %lt3A_630 : vector<1x1024xi1>
    %add3A_632 = arith.constant 1 : i32
    %add3A_633 = vector.broadcast %add3A_632 : i32 to vector<1x1024xi32>
    %add3A_634 = arith.addi %select_n3A_223, %add3A_633 : vector<1x1024xi32>
    %ge3A_635 = arith.constant 0 : i32
    %ge3A_636 = vector.broadcast %ge3A_635 : i32 to vector<1x1024xi32>
    %ge3A_637 = arith.cmpi sge, %add3A_634, %ge3A_636 : vector<1x1024xi32>
    %and3A_638 = arith.andi %and3A_631, %ge3A_637 : vector<1x1024xi1>
    %add3A_639 = arith.constant 1 : i32
    %add3A_640 = vector.broadcast %add3A_639 : i32 to vector<1x1024xi32>
    %add3A_641 = arith.addi %select_n3A_223, %add3A_640 : vector<1x1024xi32>
    %lt3A_642 = arith.constant 32 : i32
    %lt3A_643 = vector.broadcast %lt3A_642 : i32 to vector<1x1024xi32>
    %lt3A_644 = arith.cmpi slt, %add3A_641, %lt3A_643 : vector<1x1024xi32>
    %and3A_645 = arith.andi %and3A_638, %lt3A_644 : vector<1x1024xi1>
    %convert_element_type3A_646 = arith.extui %and3A_645 : vector<1x1024xi1> to vector<1x1024xi32>
    %convert_element_type3A_647 = arith.sitofp %convert_element_type3A_646 : vector<1x1024xi32> to vector<1x1024xf32>
    %mul3A_648 = vector.broadcast %convert_element_type3A_647 : vector<1x1024xf32> to vector<24x1024xf32>
    %mul3A_649 = arith.mulf %concatenate3A_618, %mul3A_648 : vector<24x1024xf32>
    %get3A_650 = arith.constant 8 : index
    %get3A_651 = arith.constant 0 : index
    %get3A_652 = arith.constant 0 : index
    %get3A_653 = vector.load %arg10[%get3A_650, %get3A_651, %get3A_652] : memref<9x96x12xf32, #tpu.memory_space<vmem>>, vector<1x96x12xf32>
    %get3A_654 = vector.shape_cast %get3A_653 : vector<1x96x12xf32> to vector<96x12xf32>
    %slice3A_655 = vector.extract_strided_slice %get3A_654 {offsets = [0, 0], sizes = [48, 12], strides = [1, 1]} : vector<96x12xf32> to vector<48x12xf32>
    %slice3A_656 = vector.extract_strided_slice %mul3A_649 {offsets = [0, 0], sizes = [12, 1024], strides = [1, 1]} : vector<24x1024xf32> to vector<12x1024xf32>
    %dot_general3A_657 = arith.constant dense<0.000000e+00> : vector<48x1024xf32>
    %dot_general3A_658 = tpu.matmul %slice3A_655, %slice3A_656, %dot_general3A_657 {dimension_numbers = #tpu.dot_dimension_numbers<[1], [0], [0], [1], [0, 0, 1, 1], [], []>, transpose_lhs_hint = false} : vector<48x12xf32>, vector<12x1024xf32>, vector<48x1024xf32> -> vector<48x1024xf32>
    %add3A_659 = arith.addf %add3A_610, %dot_general3A_658 : vector<48x1024xf32>
    %slice3A_660 = vector.extract_strided_slice %get3A_654 {offsets = [48, 0], sizes = [48, 12], strides = [1, 1]} : vector<96x12xf32> to vector<48x12xf32>
    %slice3A_661 = vector.extract_strided_slice %mul3A_649 {offsets = [12, 0], sizes = [12, 1024], strides = [1, 1]} : vector<24x1024xf32> to vector<12x1024xf32>
    %dot_general3A_662 = arith.constant dense<0.000000e+00> : vector<48x1024xf32>
    %dot_general3A_663 = tpu.matmul %slice3A_660, %slice3A_661, %dot_general3A_662 {dimension_numbers = #tpu.dot_dimension_numbers<[1], [0], [0], [1], [0, 0, 1, 1], [], []>, transpose_lhs_hint = false} : vector<48x12xf32>, vector<12x1024xf32>, vector<48x1024xf32> -> vector<48x1024xf32>
    %add3A_664 = arith.addf %add3A_615, %dot_general3A_663 : vector<48x1024xf32>
    %concatenate3A_665 = tpu.concatenate %add3A_659, %add3A_664 in 0 : vector<48x1024xf32>, vector<48x1024xf32> -> vector<96x1024xf32>
    %get3A_666 = arith.constant 0 : index
    %get3A_667 = arith.constant 0 : index
    %get3A_668 = vector.load %arg12[%get3A_666, %get3A_667] : memref<96x24xf32, #tpu.memory_space<vmem>>, vector<96x24xf32>
    %dot_general3A_669 = arith.constant dense<0.000000e+00> : vector<96x1024xf32>
    %dot_general3A_670 = tpu.matmul %get3A_668, %dot_general3A_172, %dot_general3A_669 {dimension_numbers = #tpu.dot_dimension_numbers<[1], [0], [0], [1], [0, 0, 1, 1], [], []>, transpose_lhs_hint = false} : vector<96x24xf32>, vector<24x1024xf32>, vector<96x1024xf32> -> vector<96x1024xf32>
    %add3A_671 = arith.addf %concatenate3A_665, %dot_general3A_670 : vector<96x1024xf32>
    %get3A_672 = arith.constant 0 : index
    %get3A_673 = arith.constant 0 : index
    %get3A_674 = vector.load %arg11[%get3A_672, %get3A_673] : memref<96x1xf32, #tpu.memory_space<vmem>>, vector<96x1xf32>
    %add3A_675 = vector.broadcast %get3A_674 : vector<96x1xf32> to vector<96x1024xf32>
    %add3A_676 = arith.addf %add3A_671, %add3A_675 : vector<96x1024xf32>
    %get3A_677 = arith.constant 0 : index
    %get3A_678 = arith.constant 0 : index
    %get3A_679 = vector.load %arg13[%get3A_677, %get3A_678] : memref<72x24xf32, #tpu.memory_space<vmem>>, vector<72x24xf32>
    %dot_general3A_680 = arith.constant dense<0.000000e+00> : vector<72x1024xf32>
    %dot_general3A_681 = tpu.matmul %get3A_679, %dot_general3A_178, %dot_general3A_680 {dimension_numbers = #tpu.dot_dimension_numbers<[1], [0], [0], [1], [0, 0, 1, 1], [], []>, transpose_lhs_hint = false} : vector<72x24xf32>, vector<24x1024xf32>, vector<72x1024xf32> -> vector<72x1024xf32>
    %concatenate3A_682 = tpu.concatenate %dot_general3A_681, %dot_general3A_178 in 0 : vector<72x1024xf32>, vector<24x1024xf32> -> vector<96x1024xf32>
    %concatenate3A_683 = tpu.concatenate %add3A_676, %concatenate3A_682 in 0 : vector<96x1024xf32>, vector<96x1024xf32> -> vector<192x1024xf32>
    %reduce_sum3A_684 = arith.constant dense<0.000000e+00> : vector<192xf32>
    %reduce_sum3A_685 = vector.multi_reduction <add>, %concatenate3A_683, %reduce_sum3A_684 [1] : vector<192x1024xf32> to vector<192xf32>
    %broadcast_in_dim3A_686 = vector.shape_cast %reduce_sum3A_685 : vector<192xf32> to vector<192x1xf32>
    %div3A_687 = arith.constant 1.024000e+03 : f32
    %div3A_688 = vector.broadcast %div3A_687 : f32 to vector<192x1xf32>
    %div3A_689 = arith.divf %broadcast_in_dim3A_686, %div3A_688 : vector<192x1xf32>
    %reduce_max3A = vector.shape_cast %div3A_689 : vector<192x1xf32> to vector<1x192x1xf32>
    %reduce_max3A_690 = arith.constant dense<0xFF800000> : vector<1xf32>
    %reduce_max3A_691 = vector.multi_reduction <maximumf>, %reduce_max3A, %reduce_max3A_690 [1, 2] : vector<1x192x1xf32> to vector<1xf32>
    %reduce_max3A_692 = vector.shape_cast %reduce_max3A_691 : vector<1xf32> to vector<1x1x1xf32>
    %reduce_max3A_693 = vector.extract %reduce_max3A_692[0, 0, 0] : f32 from vector<1x1x1xf32>
    %sub3A_694 = vector.broadcast %reduce_max3A_693 : f32 to vector<192x1xf32>
    %sub3A_695 = arith.subf %div3A_689, %sub3A_694 : vector<192x1xf32>
    %exp3A = math.exp %sub3A_695 : vector<192x1xf32>
    %reduce_sum3A_696 = vector.shape_cast %exp3A : vector<192x1xf32> to vector<1x192x1xf32>
    %reduce_sum3A_697 = arith.constant dense<0.000000e+00> : vector<1xf32>
    %reduce_sum3A_698 = vector.multi_reduction <add>, %reduce_sum3A_696, %reduce_sum3A_697 [1, 2] : vector<1x192x1xf32> to vector<1xf32>
    %reduce_sum3A_699 = vector.shape_cast %reduce_sum3A_698 : vector<1xf32> to vector<1x1x1xf32>
    %reduce_sum3A_700 = vector.extract %reduce_sum3A_699[0, 0, 0] : f32 from vector<1x1x1xf32>
    %div3A_701 = vector.broadcast %reduce_sum3A_700 : f32 to vector<192x1xf32>
    %div3A_702 = arith.divf %exp3A, %div3A_701 : vector<192x1xf32>
    %mul3A_703 = vector.broadcast %div3A_702 : vector<192x1xf32> to vector<192x1024xf32>
    %mul3A_704 = arith.mulf %concatenate3A_683, %mul3A_703 : vector<192x1024xf32>
    %slice3A_705 = vector.extract_strided_slice %mul3A_704 {offsets = [0, 0], sizes = [96, 1024], strides = [1, 1]} : vector<192x1024xf32> to vector<96x1024xf32>
    %slice3A_706 = vector.extract_strided_slice %mul3A_704 {offsets = [96, 0], sizes = [96, 1024], strides = [1, 1]} : vector<192x1024xf32> to vector<96x1024xf32>
    %add3A_707 = arith.addf %slice3A_705, %slice3A_706 : vector<96x1024xf32>
    %reduce_sum3A_708 = arith.constant dense<0.000000e+00> : vector<96xf32>
    %reduce_sum3A_709 = vector.multi_reduction <add>, %add3A_707, %reduce_sum3A_708 [1] : vector<96x1024xf32> to vector<96xf32>
    %broadcast_in_dim3A_710 = vector.shape_cast %reduce_sum3A_709 : vector<96xf32> to vector<96x1xf32>
    %div3A_711 = arith.constant 1.024000e+03 : f32
    %div3A_712 = vector.broadcast %div3A_711 : f32 to vector<96x1xf32>
    %div3A_713 = arith.divf %broadcast_in_dim3A_710, %div3A_712 : vector<96x1xf32>
    %sub3A_714 = vector.broadcast %div3A_713 : vector<96x1xf32> to vector<96x1024xf32>
    %sub3A_715 = arith.subf %add3A_707, %sub3A_714 : vector<96x1024xf32>
    %mul3A_716 = arith.mulf %sub3A_715, %sub3A_715 : vector<96x1024xf32>
    %reduce_sum3A_717 = arith.constant dense<0.000000e+00> : vector<96xf32>
    %reduce_sum3A_718 = vector.multi_reduction <add>, %mul3A_716, %reduce_sum3A_717 [1] : vector<96x1024xf32> to vector<96xf32>
    %broadcast_in_dim3A_719 = vector.shape_cast %reduce_sum3A_718 : vector<96xf32> to vector<96x1xf32>
    %div3A_720 = arith.constant 1.024000e+03 : f32
    %div3A_721 = vector.broadcast %div3A_720 : f32 to vector<96x1xf32>
    %div3A_722 = arith.divf %broadcast_in_dim3A_719, %div3A_721 : vector<96x1xf32>
    %add3A_723 = arith.constant 9.99999974E-6 : f32
    %add3A_724 = vector.broadcast %add3A_723 : f32 to vector<96x1xf32>
    %add3A_725 = arith.addf %div3A_722, %add3A_724 : vector<96x1xf32>
    %sqrt3A_726 = math.sqrt %add3A_725 : vector<96x1xf32>
    %div3A_727 = vector.broadcast %sqrt3A_726 : vector<96x1xf32> to vector<96x1024xf32>
    %div3A_728 = arith.divf %sub3A_715, %div3A_727 : vector<96x1024xf32>
    %max3A = arith.constant 0.000000e+00 : f32
    %max3A_729 = vector.broadcast %max3A : f32 to vector<96x1024xf32>
    %max3A_730 = arith.maximumf %div3A_728, %max3A_729 : vector<96x1024xf32>
    %swap3A = arith.constant 0 : index
    %swap3A_731 = arith.constant 0 : index
    %swap3A_732 = arith.constant 0 : index
    %swap3A_733 = vector.load %arg16[%swap3A, %swap3A_731, %swap3A_732] : memref<1x96x1024xf32, #tpu.memory_space<vmem>>, vector<1x96x1024xf32>
    %swap3A_734 = vector.shape_cast %swap3A_733 : vector<1x96x1024xf32> to vector<96x1024xf32>
    %swap3A_735 = vector.shape_cast %max3A_730 : vector<96x1024xf32> to vector<1x96x1024xf32>
    tpu.vector_store %arg16[%swap3A, %swap3A_731, %swap3A_732], %swap3A_735 {strides = array<i32>} : memref<1x96x1024xf32, #tpu.memory_space<vmem>>, vector<1x96x1024xf32>,
    %get3A_736 = arith.constant 0 : index
    %get3A_737 = arith.constant 0 : index
    %get3A_738 = vector.load %arg14[%get3A_736, %get3A_737] : memref<96x96xf32, #tpu.memory_space<vmem>>, vector<96x96xf32>
    %dot_general3A_739 = arith.constant dense<0.000000e+00> : vector<96x1024xf32>
    %dot_general3A_740 = tpu.matmul %get3A_738, %max3A_730, %dot_general3A_739 {dimension_numbers = #tpu.dot_dimension_numbers<[1], [0], [0], [1], [0, 0, 1, 1], [], []>, transpose_lhs_hint = false} : vector<96x96xf32>, vector<96x1024xf32>, vector<96x1024xf32> -> vector<96x1024xf32>
    %get3A_741 = arith.constant 0 : index
    %get3A_742 = arith.constant 0 : index
    %get3A_743 = vector.load %arg15[%get3A_741, %get3A_742] : memref<96x1xf32, #tpu.memory_space<vmem>>, vector<96x1xf32>
    %add3A_744 = vector.broadcast %get3A_743 : vector<96x1xf32> to vector<96x1024xf32>
    %add3A_745 = arith.addf %dot_general3A_740, %add3A_744 : vector<96x1024xf32>
    %swap3A_746 = arith.constant 0 : index
    %swap3A_747 = arith.constant 0 : index
    %swap3A_748 = arith.constant 0 : index
    %swap3A_749 = vector.load %arg17[%swap3A_746, %swap3A_747, %swap3A_748] : memref<1x96x1024xf32, #tpu.memory_space<vmem>>, vector<1x96x1024xf32>
    %swap3A_750 = vector.shape_cast %swap3A_749 : vector<1x96x1024xf32> to vector<96x1024xf32>
    %swap3A_751 = vector.shape_cast %add3A_745 : vector<96x1024xf32> to vector<1x96x1024xf32>
    tpu.vector_store %arg17[%swap3A_746, %swap3A_747, %swap3A_748], %swap3A_751 {strides = array<i32>} : memref<1x96x1024xf32, #tpu.memory_space<vmem>>, vector<1x96x1024xf32>,
    %eq3A_752 = arith.constant 0 : i32
    %eq3A_753 = arith.cmpi eq, %arg0, %eq3A_752 : i32
    %convert_element_type3A_754 = arith.extui %eq3A_753 : i1 to i32
    %cond3A = arith.constant 0 : i32
    %cond3A_755 = arith.cmpi ne, %convert_element_type3A_754, %cond3A : i32
    scf.if %cond3A_755 {
      %broadcast_in_dim3A_778 = arith.constant 0.000000e+00 : f32
      %broadcast_in_dim3A_779 = vector.broadcast %broadcast_in_dim3A_778 : f32 to vector<96x128xf32>
      %swap3A_780 = arith.constant 0 : index
      %swap3A_781 = arith.constant 0 : index
      %swap3A_782 = vector.load %arg18[%swap3A_780, %swap3A_781] : memref<96x128xf32, #tpu.memory_space<vmem>>, vector<96x128xf32>
      tpu.vector_store %arg18[%swap3A_780, %swap3A_781], %broadcast_in_dim3A_779 {strides = array<i32>} : memref<96x128xf32, #tpu.memory_space<vmem>>, vector<96x128xf32>,
    } else {
    }
    %get3A_756 = arith.constant 0 : index
    %get3A_757 = arith.constant 0 : index
    %get3A_758 = vector.load %arg18[%get3A_756, %get3A_757] : memref<96x128xf32, #tpu.memory_space<vmem>>, vector<96x128xf32>
    %slice3A_759 = vector.extract_strided_slice %add3A_745 {offsets = [0, 0], sizes = [96, 128], strides = [1, 1]} : vector<96x1024xf32> to vector<96x128xf32>
    %add3A_760 = arith.addf %get3A_758, %slice3A_759 : vector<96x128xf32>
    %slice3A_761 = vector.extract_strided_slice %add3A_745 {offsets = [0, 128], sizes = [96, 128], strides = [1, 1]} : vector<96x1024xf32> to vector<96x128xf32>
    %add3A_762 = arith.addf %add3A_760, %slice3A_761 : vector<96x128xf32>
    %slice3A_763 = vector.extract_strided_slice %add3A_745 {offsets = [0, 256], sizes = [96, 128], strides = [1, 1]} : vector<96x1024xf32> to vector<96x128xf32>
    %add3A_764 = arith.addf %add3A_762, %slice3A_763 : vector<96x128xf32>
    %slice3A_765 = vector.extract_strided_slice %add3A_745 {offsets = [0, 384], sizes = [96, 128], strides = [1, 1]} : vector<96x1024xf32> to vector<96x128xf32>
    %add3A_766 = arith.addf %add3A_764, %slice3A_765 : vector<96x128xf32>
    %slice3A_767 = vector.extract_strided_slice %add3A_745 {offsets = [0, 512], sizes = [96, 128], strides = [1, 1]} : vector<96x1024xf32> to vector<96x128xf32>
    %add3A_768 = arith.addf %add3A_766, %slice3A_767 : vector<96x128xf32>
    %slice3A_769 = vector.extract_strided_slice %add3A_745 {offsets = [0, 640], sizes = [96, 128], strides = [1, 1]} : vector<96x1024xf32> to vector<96x128xf32>
    %add3A_770 = arith.addf %add3A_768, %slice3A_769 : vector<96x128xf32>
    %slice3A_771 = vector.extract_strided_slice %add3A_745 {offsets = [0, 768], sizes = [96, 128], strides = [1, 1]} : vector<96x1024xf32> to vector<96x128xf32>
    %add3A_772 = arith.addf %add3A_770, %slice3A_771 : vector<96x128xf32>
    %slice3A_773 = vector.extract_strided_slice %add3A_745 {offsets = [0, 896], sizes = [96, 128], strides = [1, 1]} : vector<96x1024xf32> to vector<96x128xf32>
    %add3A_774 = arith.addf %add3A_772, %slice3A_773 : vector<96x128xf32>
    %swap3A_775 = arith.constant 0 : index
    %swap3A_776 = arith.constant 0 : index
    %swap3A_777 = vector.load %arg18[%swap3A_775, %swap3A_776] : memref<96x128xf32, #tpu.memory_space<vmem>>, vector<96x128xf32>
    tpu.vector_store %arg18[%swap3A_775, %swap3A_776], %add3A_774 {strides = array<i32>} : memref<96x128xf32, #tpu.memory_space<vmem>>, vector<96x128xf32>,
    return
  }
  func.func @transform_0(%arg0: i32) -> (i32, i32, i32) {
    %c0_i32 = arith.constant 0 : i32
    %c0_i32_0 = arith.constant 0 : i32
    %c0_i32_1 = arith.constant 0 : i32
    return %arg0, %c0_i32, %c0_i32_0 : i32, i32, i32
  }
  func.func @transform_1(%arg0: i32) -> (i32, i32) {
    %c0_i32 = arith.constant 0 : i32
    %c0_i32_0 = arith.constant 0 : i32
    %c0_i32_1 = arith.constant 0 : i32
    return %c0_i32, %c0_i32_0 : i32, i32
  }
  func.func @transform_2(%arg0: i32) -> (i32, i32) {
    %c0_i32 = arith.constant 0 : i32
    %c0_i32_0 = arith.constant 0 : i32
    %c0_i32_1 = arith.constant 0 : i32
    return %c0_i32, %c0_i32_0 : i32, i32
  }
  func.func @transform_3(%arg0: i32) -> (i32, i32) {
    %c0_i32 = arith.constant 0 : i32
    %c0_i32_0 = arith.constant 0 : i32
    %c0_i32_1 = arith.constant 0 : i32
    return %c0_i32, %c0_i32_0 : i32, i32
  }
  func.func @transform_4(%arg0: i32) -> (i32, i32, i32) {
    %c0_i32 = arith.constant 0 : i32
    %c0_i32_0 = arith.constant 0 : i32
    %c0_i32_1 = arith.constant 0 : i32
    return %arg0, %c0_i32, %c0_i32_0 : i32, i32, i32
  }
  func.func @transform_5(%arg0: i32) -> (i32, i32) {
    %c0_i32 = arith.constant 0 : i32
    %c0_i32_0 = arith.constant 0 : i32
    %c0_i32_1 = arith.constant 0 : i32
    return %c0_i32, %c0_i32_0 : i32, i32
  }
  func.func @transform_6(%arg0: i32) -> (i32, i32) {
    %c0_i32 = arith.constant 0 : i32
    %c0_i32_0 = arith.constant 0 : i32
    %c0_i32_1 = arith.constant 0 : i32
    return %c0_i32, %c0_i32_0 : i32, i32
  }
  func.func @transform_7(%arg0: i32) -> (i32, i32) {
    %c0_i32 = arith.constant 0 : i32
    %c0_i32_0 = arith.constant 0 : i32
    %c0_i32_1 = arith.constant 0 : i32
    return %c0_i32, %c0_i32_0 : i32, i32
  }
  func.func @transform_8(%arg0: i32) -> (i32, i32) {
    %c0_i32 = arith.constant 0 : i32
    %c0_i32_0 = arith.constant 0 : i32
    %c0_i32_1 = arith.constant 0 : i32
    return %c0_i32, %c0_i32_0 : i32, i32
  }
  func.func @transform_9(%arg0: i32) -> (i32, i32, i32) {
    %c0_i32 = arith.constant 0 : i32
    %c0_i32_0 = arith.constant 0 : i32
    %c0_i32_1 = arith.constant 0 : i32
    %c0_i32_2 = arith.constant 0 : i32
    return %c0_i32, %c0_i32_0, %c0_i32_1 : i32, i32, i32
  }
  func.func @transform_10(%arg0: i32) -> (i32, i32) {
    %c0_i32 = arith.constant 0 : i32
    %c0_i32_0 = arith.constant 0 : i32
    %c0_i32_1 = arith.constant 0 : i32
    return %c0_i32, %c0_i32_0 : i32, i32
  }
  func.func @transform_11(%arg0: i32) -> (i32, i32) {
    %c0_i32 = arith.constant 0 : i32
    %c0_i32_0 = arith.constant 0 : i32
    %c0_i32_1 = arith.constant 0 : i32
    return %c0_i32, %c0_i32_0 : i32, i32
  }
  func.func @transform_12(%arg0: i32) -> (i32, i32) {
    %c0_i32 = arith.constant 0 : i32
    %c0_i32_0 = arith.constant 0 : i32
    %c0_i32_1 = arith.constant 0 : i32
    return %c0_i32, %c0_i32_0 : i32, i32
  }
  func.func @transform_13(%arg0: i32) -> (i32, i32) {
    %c0_i32 = arith.constant 0 : i32
    %c0_i32_0 = arith.constant 0 : i32
    %c0_i32_1 = arith.constant 0 : i32
    return %c0_i32, %c0_i32_0 : i32, i32
  }
  func.func @transform_14(%arg0: i32) -> (i32, i32) {
    %c0_i32 = arith.constant 0 : i32
    %c0_i32_0 = arith.constant 0 : i32
    %c0_i32_1 = arith.constant 0 : i32
    return %c0_i32, %c0_i32_0 : i32, i32
  }
  func.func @transform_15(%arg0: i32) -> (i32, i32, i32) {
    %c0_i32 = arith.constant 0 : i32
    %c0_i32_0 = arith.constant 0 : i32
    %c0_i32_1 = arith.constant 0 : i32
    return %arg0, %c0_i32, %c0_i32_0 : i32, i32, i32
  }
  func.func @transform_16(%arg0: i32) -> (i32, i32, i32) {
    %c0_i32 = arith.constant 0 : i32
    %c0_i32_0 = arith.constant 0 : i32
    %c0_i32_1 = arith.constant 0 : i32
    return %arg0, %c0_i32, %c0_i32_0 : i32, i32, i32
  }
  func.func @transform_17(%arg0: i32) -> (i32, i32) {
    %c0_i32 = arith.constant 0 : i32
    %c0_i32_0 = arith.constant 0 : i32
    %c0_i32_1 = arith.constant 0 : i32
    return %c0_i32, %c0_i32_0 : i32, i32
  }
}

module attributes {stable_mosaic.version = 14 : i64} {
  func.func @_scconv_final_body(%arg0: i32, %arg1: memref<1x96x1024xf32, #tpu.memory_space<vmem>>, %arg2: memref<96x2xf32, #tpu.memory_space<vmem>>, %arg3: memref<96x1xf32, #tpu.memory_space<vmem>>, %arg4: memref<96x1xf32, #tpu.memory_space<vmem>>, %arg5: memref<1x96x1024xf32, #tpu.memory_space<vmem>>, %arg6: memref<96x1xf32, #tpu.memory_space<vmem>>, %arg7: memref<96x1xf32, #tpu.memory_space<vmem>>, %arg8: memref<24x48xf32, #tpu.memory_space<vmem>>, %arg9: memref<24x48xf32, #tpu.memory_space<vmem>>, %arg10: memref<9x96x12xf32, #tpu.memory_space<vmem>>, %arg11: memref<96x1xf32, #tpu.memory_space<vmem>>, %arg12: memref<96x24xf32, #tpu.memory_space<vmem>>, %arg13: memref<72x24xf32, #tpu.memory_space<vmem>>, %arg14: memref<1x96x1024xf32, #tpu.memory_space<vmem>>, %arg15: memref<1x96x1024xf32, #tpu.memory_space<vmem>>) attributes {dimension_semantics = [#tpu.dimension_semantics<arbitrary>], iteration_bounds = array<i64: 16>, scalar_prefetch = 0 : i64, scratch_operands = 0 : i64, tpu.core_type = #tpu.core_type<tc>, window_params = [{transform_indices = @transform_0, window_bounds = array<i64: 1, 96, 1024>}, {pipeline_mode = #tpu.pipeline_mode<synchronous>, transform_indices = @transform_1, window_bounds = array<i64: 96, 2>}, {pipeline_mode = #tpu.pipeline_mode<synchronous>, transform_indices = @transform_2, window_bounds = array<i64: 96, 1>}, {pipeline_mode = #tpu.pipeline_mode<synchronous>, transform_indices = @transform_3, window_bounds = array<i64: 96, 1>}, {transform_indices = @transform_4, window_bounds = array<i64: 1, 96, 1024>}, {pipeline_mode = #tpu.pipeline_mode<synchronous>, transform_indices = @transform_5, window_bounds = array<i64: 96, 1>}, {pipeline_mode = #tpu.pipeline_mode<synchronous>, transform_indices = @transform_6, window_bounds = array<i64: 96, 1>}, {pipeline_mode = #tpu.pipeline_mode<synchronous>, transform_indices = @transform_7, window_bounds = array<i64: 24, 48>}, {pipeline_mode = #tpu.pipeline_mode<synchronous>, transform_indices = @transform_8, window_bounds = array<i64: 24, 48>}, {pipeline_mode = #tpu.pipeline_mode<synchronous>, transform_indices = @transform_9, window_bounds = array<i64: 9, 96, 12>}, {pipeline_mode = #tpu.pipeline_mode<synchronous>, transform_indices = @transform_10, window_bounds = array<i64: 96, 1>}, {pipeline_mode = #tpu.pipeline_mode<synchronous>, transform_indices = @transform_11, window_bounds = array<i64: 96, 24>}, {pipeline_mode = #tpu.pipeline_mode<synchronous>, transform_indices = @transform_12, window_bounds = array<i64: 72, 24>}, {transform_indices = @transform_13, window_bounds = array<i64: 1, 96, 1024>}, {transform_indices = @transform_14, window_bounds = array<i64: 1, 96, 1024>}]} {
    %get3A = arith.constant 0 : index
    %get3A_0 = arith.constant 0 : index
    %get3A_1 = vector.load %arg2[%get3A, %get3A_0] : memref<96x2xf32, #tpu.memory_space<vmem>>, vector<96x1xf32>
    %div3A = arith.constant 1.638400e+04 : f32
    %div3A_2 = vector.broadcast %div3A : f32 to vector<96x1xf32>
    %div3A_3 = arith.divf %get3A_1, %div3A_2 : vector<96x1xf32>
    %get3A_4 = arith.constant 0 : index
    %get3A_5 = arith.constant 1 : index
    %get3A_6 = vector.load %arg2[%get3A_4, %get3A_5] : memref<96x2xf32, #tpu.memory_space<vmem>>, vector<96x1xf32>
    %div3A_7 = arith.constant 1.638400e+04 : f32
    %div3A_8 = vector.broadcast %div3A_7 : f32 to vector<96x1xf32>
    %div3A_9 = arith.divf %get3A_6, %div3A_8 : vector<96x1xf32>
    %mul3A = arith.mulf %div3A_3, %div3A_3 : vector<96x1xf32>
    %sub3A = arith.subf %div3A_9, %mul3A : vector<96x1xf32>
    %get3A_10 = arith.constant 0 : index
    %get3A_11 = arith.constant 0 : index
    %get3A_12 = vector.load %arg3[%get3A_10, %get3A_11] : memref<96x1xf32, #tpu.memory_space<vmem>>, vector<96x1xf32>
    %add3A = arith.constant 9.99999974E-6 : f32
    %add3A_13 = vector.broadcast %add3A : f32 to vector<96x1xf32>
    %add3A_14 = arith.addf %sub3A, %add3A_13 : vector<96x1xf32>
    %sqrt3A = math.sqrt %add3A_14 : vector<96x1xf32>
    %div3A_15 = arith.divf %get3A_12, %sqrt3A : vector<96x1xf32>
    %get3A_16 = arith.constant 0 : index
    %get3A_17 = arith.constant 0 : index
    %get3A_18 = vector.load %arg4[%get3A_16, %get3A_17] : memref<96x1xf32, #tpu.memory_space<vmem>>, vector<96x1xf32>
    %mul3A_19 = arith.mulf %div3A_3, %div3A_15 : vector<96x1xf32>
    %sub3A_20 = arith.subf %get3A_18, %mul3A_19 : vector<96x1xf32>
    %get3A_21 = arith.constant 0 : index
    %get3A_22 = arith.constant 0 : index
    %get3A_23 = arith.constant 0 : index
    %get3A_24 = vector.load %arg1[%get3A_21, %get3A_22, %get3A_23] : memref<1x96x1024xf32, #tpu.memory_space<vmem>>, vector<1x96x1024xf32>
    %get3A_25 = vector.shape_cast %get3A_24 : vector<1x96x1024xf32> to vector<96x1024xf32>
    %mul3A_26 = vector.broadcast %div3A_15 : vector<96x1xf32> to vector<96x1024xf32>
    %mul3A_27 = arith.mulf %get3A_25, %mul3A_26 : vector<96x1024xf32>
    %add3A_28 = vector.broadcast %sub3A_20 : vector<96x1xf32> to vector<96x1024xf32>
    %add3A_29 = arith.addf %mul3A_27, %add3A_28 : vector<96x1024xf32>
    %get3A_30 = arith.constant 0 : index
    %get3A_31 = arith.constant 0 : index
    %get3A_32 = arith.constant 0 : index
    %get3A_33 = vector.load %arg5[%get3A_30, %get3A_31, %get3A_32] : memref<1x96x1024xf32, #tpu.memory_space<vmem>>, vector<1x96x1024xf32>
    %get3A_34 = vector.shape_cast %get3A_33 : vector<1x96x1024xf32> to vector<96x1024xf32>
    %add3A_35 = arith.addf %add3A_29, %get3A_34 : vector<96x1024xf32>
    %slice3A = vector.extract_strided_slice %add3A_35 {offsets = [0, 0], sizes = [24, 1024], strides = [1, 1]} : vector<96x1024xf32> to vector<24x1024xf32>
    %reduce_sum3A = vector.shape_cast %slice3A : vector<24x1024xf32> to vector<1x24x1024xf32>
    %reduce_sum3A_36 = arith.constant dense<0.000000e+00> : vector<1xf32>
    %reduce_sum3A_37 = vector.multi_reduction <add>, %reduce_sum3A, %reduce_sum3A_36 [1, 2] : vector<1x24x1024xf32> to vector<1xf32>
    %reduce_sum3A_38 = vector.shape_cast %reduce_sum3A_37 : vector<1xf32> to vector<1x1x1xf32>
    %reduce_sum3A_39 = vector.extract %reduce_sum3A_38[0, 0, 0] : f32 from vector<1x1x1xf32>
    %div3A_40 = arith.constant 2.457600e+04 : f32
    %div3A_41 = arith.divf %reduce_sum3A_39, %div3A_40 : f32
    %sub3A_42 = vector.broadcast %div3A_41 : f32 to vector<24x1024xf32>
    %sub3A_43 = arith.subf %slice3A, %sub3A_42 : vector<24x1024xf32>
    %mul3A_44 = arith.mulf %sub3A_43, %sub3A_43 : vector<24x1024xf32>
    %reduce_sum3A_45 = vector.shape_cast %mul3A_44 : vector<24x1024xf32> to vector<1x24x1024xf32>
    %reduce_sum3A_46 = arith.constant dense<0.000000e+00> : vector<1xf32>
    %reduce_sum3A_47 = vector.multi_reduction <add>, %reduce_sum3A_45, %reduce_sum3A_46 [1, 2] : vector<1x24x1024xf32> to vector<1xf32>
    %reduce_sum3A_48 = vector.shape_cast %reduce_sum3A_47 : vector<1xf32> to vector<1x1x1xf32>
    %reduce_sum3A_49 = vector.extract %reduce_sum3A_48[0, 0, 0] : f32 from vector<1x1x1xf32>
    %div3A_50 = arith.constant 2.457600e+04 : f32
    %div3A_51 = arith.divf %reduce_sum3A_49, %div3A_50 : f32
    %sqrt3A_52 = math.sqrt %div3A_51 : f32
    %add3A_53 = arith.constant 1.000000e-10 : f32
    %add3A_54 = arith.addf %sqrt3A_52, %add3A_53 : f32
    %div3A_55 = vector.broadcast %add3A_54 : f32 to vector<24x1024xf32>
    %div3A_56 = arith.divf %sub3A_43, %div3A_55 : vector<24x1024xf32>
    %slice3A_57 = vector.extract_strided_slice %add3A_35 {offsets = [24, 0], sizes = [24, 1024], strides = [1, 1]} : vector<96x1024xf32> to vector<24x1024xf32>
    %reduce_sum3A_58 = vector.shape_cast %slice3A_57 : vector<24x1024xf32> to vector<1x24x1024xf32>
    %reduce_sum3A_59 = arith.constant dense<0.000000e+00> : vector<1xf32>
    %reduce_sum3A_60 = vector.multi_reduction <add>, %reduce_sum3A_58, %reduce_sum3A_59 [1, 2] : vector<1x24x1024xf32> to vector<1xf32>
    %reduce_sum3A_61 = vector.shape_cast %reduce_sum3A_60 : vector<1xf32> to vector<1x1x1xf32>
    %reduce_sum3A_62 = vector.extract %reduce_sum3A_61[0, 0, 0] : f32 from vector<1x1x1xf32>
    %div3A_63 = arith.constant 2.457600e+04 : f32
    %div3A_64 = arith.divf %reduce_sum3A_62, %div3A_63 : f32
    %sub3A_65 = vector.broadcast %div3A_64 : f32 to vector<24x1024xf32>
    %sub3A_66 = arith.subf %slice3A_57, %sub3A_65 : vector<24x1024xf32>
    %mul3A_67 = arith.mulf %sub3A_66, %sub3A_66 : vector<24x1024xf32>
    %reduce_sum3A_68 = vector.shape_cast %mul3A_67 : vector<24x1024xf32> to vector<1x24x1024xf32>
    %reduce_sum3A_69 = arith.constant dense<0.000000e+00> : vector<1xf32>
    %reduce_sum3A_70 = vector.multi_reduction <add>, %reduce_sum3A_68, %reduce_sum3A_69 [1, 2] : vector<1x24x1024xf32> to vector<1xf32>
    %reduce_sum3A_71 = vector.shape_cast %reduce_sum3A_70 : vector<1xf32> to vector<1x1x1xf32>
    %reduce_sum3A_72 = vector.extract %reduce_sum3A_71[0, 0, 0] : f32 from vector<1x1x1xf32>
    %div3A_73 = arith.constant 2.457600e+04 : f32
    %div3A_74 = arith.divf %reduce_sum3A_72, %div3A_73 : f32
    %sqrt3A_75 = math.sqrt %div3A_74 : f32
    %add3A_76 = arith.constant 1.000000e-10 : f32
    %add3A_77 = arith.addf %sqrt3A_75, %add3A_76 : f32
    %div3A_78 = vector.broadcast %add3A_77 : f32 to vector<24x1024xf32>
    %div3A_79 = arith.divf %sub3A_66, %div3A_78 : vector<24x1024xf32>
    %slice3A_80 = vector.extract_strided_slice %add3A_35 {offsets = [48, 0], sizes = [24, 1024], strides = [1, 1]} : vector<96x1024xf32> to vector<24x1024xf32>
    %reduce_sum3A_81 = vector.shape_cast %slice3A_80 : vector<24x1024xf32> to vector<1x24x1024xf32>
    %reduce_sum3A_82 = arith.constant dense<0.000000e+00> : vector<1xf32>
    %reduce_sum3A_83 = vector.multi_reduction <add>, %reduce_sum3A_81, %reduce_sum3A_82 [1, 2] : vector<1x24x1024xf32> to vector<1xf32>
    %reduce_sum3A_84 = vector.shape_cast %reduce_sum3A_83 : vector<1xf32> to vector<1x1x1xf32>
    %reduce_sum3A_85 = vector.extract %reduce_sum3A_84[0, 0, 0] : f32 from vector<1x1x1xf32>
    %div3A_86 = arith.constant 2.457600e+04 : f32
    %div3A_87 = arith.divf %reduce_sum3A_85, %div3A_86 : f32
    %sub3A_88 = vector.broadcast %div3A_87 : f32 to vector<24x1024xf32>
    %sub3A_89 = arith.subf %slice3A_80, %sub3A_88 : vector<24x1024xf32>
    %mul3A_90 = arith.mulf %sub3A_89, %sub3A_89 : vector<24x1024xf32>
    %reduce_sum3A_91 = vector.shape_cast %mul3A_90 : vector<24x1024xf32> to vector<1x24x1024xf32>
    %reduce_sum3A_92 = arith.constant dense<0.000000e+00> : vector<1xf32>
    %reduce_sum3A_93 = vector.multi_reduction <add>, %reduce_sum3A_91, %reduce_sum3A_92 [1, 2] : vector<1x24x1024xf32> to vector<1xf32>
    %reduce_sum3A_94 = vector.shape_cast %reduce_sum3A_93 : vector<1xf32> to vector<1x1x1xf32>
    %reduce_sum3A_95 = vector.extract %reduce_sum3A_94[0, 0, 0] : f32 from vector<1x1x1xf32>
    %div3A_96 = arith.constant 2.457600e+04 : f32
    %div3A_97 = arith.divf %reduce_sum3A_95, %div3A_96 : f32
    %sqrt3A_98 = math.sqrt %div3A_97 : f32
    %add3A_99 = arith.constant 1.000000e-10 : f32
    %add3A_100 = arith.addf %sqrt3A_98, %add3A_99 : f32
    %div3A_101 = vector.broadcast %add3A_100 : f32 to vector<24x1024xf32>
    %div3A_102 = arith.divf %sub3A_89, %div3A_101 : vector<24x1024xf32>
    %slice3A_103 = vector.extract_strided_slice %add3A_35 {offsets = [72, 0], sizes = [24, 1024], strides = [1, 1]} : vector<96x1024xf32> to vector<24x1024xf32>
    %reduce_sum3A_104 = vector.shape_cast %slice3A_103 : vector<24x1024xf32> to vector<1x24x1024xf32>
    %reduce_sum3A_105 = arith.constant dense<0.000000e+00> : vector<1xf32>
    %reduce_sum3A_106 = vector.multi_reduction <add>, %reduce_sum3A_104, %reduce_sum3A_105 [1, 2] : vector<1x24x1024xf32> to vector<1xf32>
    %reduce_sum3A_107 = vector.shape_cast %reduce_sum3A_106 : vector<1xf32> to vector<1x1x1xf32>
    %reduce_sum3A_108 = vector.extract %reduce_sum3A_107[0, 0, 0] : f32 from vector<1x1x1xf32>
    %div3A_109 = arith.constant 2.457600e+04 : f32
    %div3A_110 = arith.divf %reduce_sum3A_108, %div3A_109 : f32
    %sub3A_111 = vector.broadcast %div3A_110 : f32 to vector<24x1024xf32>
    %sub3A_112 = arith.subf %slice3A_103, %sub3A_111 : vector<24x1024xf32>
    %mul3A_113 = arith.mulf %sub3A_112, %sub3A_112 : vector<24x1024xf32>
    %reduce_sum3A_114 = vector.shape_cast %mul3A_113 : vector<24x1024xf32> to vector<1x24x1024xf32>
    %reduce_sum3A_115 = arith.constant dense<0.000000e+00> : vector<1xf32>
    %reduce_sum3A_116 = vector.multi_reduction <add>, %reduce_sum3A_114, %reduce_sum3A_115 [1, 2] : vector<1x24x1024xf32> to vector<1xf32>
    %reduce_sum3A_117 = vector.shape_cast %reduce_sum3A_116 : vector<1xf32> to vector<1x1x1xf32>
    %reduce_sum3A_118 = vector.extract %reduce_sum3A_117[0, 0, 0] : f32 from vector<1x1x1xf32>
    %div3A_119 = arith.constant 2.457600e+04 : f32
    %div3A_120 = arith.divf %reduce_sum3A_118, %div3A_119 : f32
    %sqrt3A_121 = math.sqrt %div3A_120 : f32
    %add3A_122 = arith.constant 1.000000e-10 : f32
    %add3A_123 = arith.addf %sqrt3A_121, %add3A_122 : f32
    %div3A_124 = vector.broadcast %add3A_123 : f32 to vector<24x1024xf32>
    %div3A_125 = arith.divf %sub3A_112, %div3A_124 : vector<24x1024xf32>
    %concatenate3A = tpu.concatenate %div3A_56, %div3A_79, %div3A_102, %div3A_125 in 0 : vector<24x1024xf32>, vector<24x1024xf32>, vector<24x1024xf32>, vector<24x1024xf32> -> vector<96x1024xf32>
    %get3A_126 = arith.constant 0 : index
    %get3A_127 = arith.constant 0 : index
    %get3A_128 = vector.load %arg6[%get3A_126, %get3A_127] : memref<96x1xf32, #tpu.memory_space<vmem>>, vector<96x1xf32>
    %mul3A_129 = vector.broadcast %get3A_128 : vector<96x1xf32> to vector<96x1024xf32>
    %mul3A_130 = arith.mulf %concatenate3A, %mul3A_129 : vector<96x1024xf32>
    %get3A_131 = arith.constant 0 : index
    %get3A_132 = arith.constant 0 : index
    %get3A_133 = vector.load %arg7[%get3A_131, %get3A_132] : memref<96x1xf32, #tpu.memory_space<vmem>>, vector<96x1xf32>
    %add3A_134 = vector.broadcast %get3A_133 : vector<96x1xf32> to vector<96x1024xf32>
    %add3A_135 = arith.addf %mul3A_130, %add3A_134 : vector<96x1024xf32>
    %get3A_136 = arith.constant 0 : index
    %get3A_137 = arith.constant 0 : index
    %get3A_138 = vector.load %arg6[%get3A_136, %get3A_137] : memref<96x1xf32, #tpu.memory_space<vmem>>, vector<96x1xf32>
    %get3A_139 = arith.constant 0 : index
    %get3A_140 = arith.constant 0 : index
    %get3A_141 = vector.load %arg6[%get3A_139, %get3A_140] : memref<96x1xf32, #tpu.memory_space<vmem>>, vector<96x1xf32>
    %reduce_sum3A_142 = vector.shape_cast %get3A_141 : vector<96x1xf32> to vector<1x96x1xf32>
    %reduce_sum3A_143 = arith.constant dense<0.000000e+00> : vector<1xf32>
    %reduce_sum3A_144 = vector.multi_reduction <add>, %reduce_sum3A_142, %reduce_sum3A_143 [1, 2] : vector<1x96x1xf32> to vector<1xf32>
    %reduce_sum3A_145 = vector.shape_cast %reduce_sum3A_144 : vector<1xf32> to vector<1x1x1xf32>
    %reduce_sum3A_146 = vector.extract %reduce_sum3A_145[0, 0, 0] : f32 from vector<1x1x1xf32>
    %div3A_147 = vector.broadcast %reduce_sum3A_146 : f32 to vector<96x1xf32>
    %div3A_148 = arith.divf %get3A_138, %div3A_147 : vector<96x1xf32>
    %mul3A_149 = vector.broadcast %div3A_148 : vector<96x1xf32> to vector<96x1024xf32>
    %mul3A_150 = arith.mulf %add3A_135, %mul3A_149 : vector<96x1024xf32>
    %logistic3A = arith.negf %mul3A_150 : vector<96x1024xf32>
    %logistic3A_151 = math.exp %logistic3A : vector<96x1024xf32>
    %logistic3A_152 = arith.constant 1.000000e+00 : f32
    %logistic3A_153 = vector.broadcast %logistic3A_152 : f32 to vector<96x1024xf32>
    %logistic3A_154 = arith.addf %logistic3A_153, %logistic3A_151 : vector<96x1024xf32>
    %logistic3A_155 = arith.divf %logistic3A_153, %logistic3A_154 : vector<96x1024xf32>
    %ge3A = arith.constant 5.000000e-01 : f32
    %ge3A_156 = vector.broadcast %ge3A : f32 to vector<96x1024xf32>
    %ge3A_157 = arith.cmpf oge, %logistic3A_155, %ge3A_156 : vector<96x1024xf32>
    %convert_element_type3A = arith.extui %ge3A_157 : vector<96x1024xi1> to vector<96x1024xi32>
    %convert_element_type3A_158 = arith.sitofp %convert_element_type3A : vector<96x1024xi32> to vector<96x1024xf32>
    %mul3A_159 = arith.mulf %convert_element_type3A_158, %add3A_135 : vector<96x1024xf32>
    %sub3A_160 = arith.subf %add3A_135, %mul3A_159 : vector<96x1024xf32>
    %slice3A_161 = vector.extract_strided_slice %mul3A_159 {offsets = [0, 0], sizes = [48, 1024], strides = [1, 1]} : vector<96x1024xf32> to vector<48x1024xf32>
    %slice3A_162 = vector.extract_strided_slice %sub3A_160 {offsets = [48, 0], sizes = [48, 1024], strides = [1, 1]} : vector<96x1024xf32> to vector<48x1024xf32>
    %add3A_163 = arith.addf %slice3A_161, %slice3A_162 : vector<48x1024xf32>
    %slice3A_164 = vector.extract_strided_slice %mul3A_159 {offsets = [48, 0], sizes = [48, 1024], strides = [1, 1]} : vector<96x1024xf32> to vector<48x1024xf32>
    %slice3A_165 = vector.extract_strided_slice %sub3A_160 {offsets = [0, 0], sizes = [48, 1024], strides = [1, 1]} : vector<96x1024xf32> to vector<48x1024xf32>
    %add3A_166 = arith.addf %slice3A_164, %slice3A_165 : vector<48x1024xf32>
    %concatenate3A_167 = tpu.concatenate %add3A_163, %add3A_166 in 0 : vector<48x1024xf32>, vector<48x1024xf32> -> vector<96x1024xf32>
    %get3A_168 = arith.constant 0 : index
    %get3A_169 = arith.constant 0 : index
    %get3A_170 = vector.load %arg8[%get3A_168, %get3A_169] : memref<24x48xf32, #tpu.memory_space<vmem>>, vector<24x48xf32>
    %slice3A_171 = vector.extract_strided_slice %concatenate3A_167 {offsets = [0, 0], sizes = [48, 1024], strides = [1, 1]} : vector<96x1024xf32> to vector<48x1024xf32>
    %dot_general3A = arith.constant dense<0.000000e+00> : vector<24x1024xf32>
    %dot_general3A_172 = tpu.matmul %get3A_170, %slice3A_171, %dot_general3A {dimension_numbers = #tpu.dot_dimension_numbers<[1], [0], [0], [1], [0, 0, 1, 1], [], []>, transpose_lhs_hint = false} : vector<24x48xf32>, vector<48x1024xf32>, vector<24x1024xf32> -> vector<24x1024xf32>
    %get3A_173 = arith.constant 0 : index
    %get3A_174 = arith.constant 0 : index
    %get3A_175 = vector.load %arg9[%get3A_173, %get3A_174] : memref<24x48xf32, #tpu.memory_space<vmem>>, vector<24x48xf32>
    %slice3A_176 = vector.extract_strided_slice %concatenate3A_167 {offsets = [48, 0], sizes = [48, 1024], strides = [1, 1]} : vector<96x1024xf32> to vector<48x1024xf32>
    %dot_general3A_177 = arith.constant dense<0.000000e+00> : vector<24x1024xf32>
    %dot_general3A_178 = tpu.matmul %get3A_175, %slice3A_176, %dot_general3A_177 {dimension_numbers = #tpu.dot_dimension_numbers<[1], [0], [0], [1], [0, 0, 1, 1], [], []>, transpose_lhs_hint = false} : vector<24x48xf32>, vector<48x1024xf32>, vector<24x1024xf32> -> vector<24x1024xf32>
    %iota3A = tpu.iota {dimensions = array<i32: 1>} : vector<1x1024xi32>
    %jit3A = arith.constant 32 : i32
    %div3A_179 = vector.broadcast %jit3A : i32 to vector<1x1024xi32>
    %div3A_180 = arith.divsi %iota3A, %div3A_179 : vector<1x1024xi32>
    %sign3A = arith.constant 0 : i32
    %sign3A_181 = vector.broadcast %sign3A : i32 to vector<1x1024xi32>
    %sign3A_182 = arith.cmpi sgt, %iota3A, %sign3A_181 : vector<1x1024xi32>
    %sign3A_183 = arith.extui %sign3A_182 : vector<1x1024xi1> to vector<1x1024xi32>
    %sign3A_184 = arith.constant 0 : i32
    %sign3A_185 = vector.broadcast %sign3A_184 : i32 to vector<1x1024xi32>
    %sign3A_186 = arith.cmpi slt, %iota3A, %sign3A_185 : vector<1x1024xi32>
    %sign3A_187 = arith.extui %sign3A_186 : vector<1x1024xi1> to vector<1x1024xi32>
    %sign3A_188 = arith.subi %sign3A_183, %sign3A_187 : vector<1x1024xi32>
    %sign3A_189 = arith.constant 0 : i32
    %sign3A_190 = arith.cmpi sgt, %jit3A, %sign3A_189 : i32
    %sign3A_191 = arith.extui %sign3A_190 : i1 to i32
    %sign3A_192 = arith.constant 0 : i32
    %sign3A_193 = arith.cmpi slt, %jit3A, %sign3A_192 : i32
    %sign3A_194 = arith.extui %sign3A_193 : i1 to i32
    %sign3A_195 = arith.subi %sign3A_191, %sign3A_194 : i32
    %ne3A = vector.broadcast %sign3A_195 : i32 to vector<1x1024xi32>
    %ne3A_196 = arith.cmpi ne, %sign3A_188, %ne3A : vector<1x1024xi32>
    %rem3A = vector.broadcast %jit3A : i32 to vector<1x1024xi32>
    %rem3A_197 = arith.remsi %iota3A, %rem3A : vector<1x1024xi32>
    %ne3A_198 = arith.constant 0 : i32
    %ne3A_199 = vector.broadcast %ne3A_198 : i32 to vector<1x1024xi32>
    %ne3A_200 = arith.cmpi ne, %rem3A_197, %ne3A_199 : vector<1x1024xi32>
    %and3A = arith.andi %ne3A_196, %ne3A_200 : vector<1x1024xi1>
    %sub3A_201 = arith.constant 1 : i32
    %sub3A_202 = vector.broadcast %sub3A_201 : i32 to vector<1x1024xi32>
    %sub3A_203 = arith.subi %div3A_180, %sub3A_202 : vector<1x1024xi32>
    %select_n3A = arith.select %and3A, %sub3A_203, %div3A_180 : vector<1x1024xi1>, vector<1x1024xi32>
    %jit3A_204 = arith.constant 32 : i32
    %eq3A = arith.constant 0 : i32
    %eq3A_205 = arith.cmpi eq, %jit3A_204, %eq3A : i32
    %jit3A_206 = arith.constant 1 : i32
    %select_n3A_207 = arith.select %eq3A_205, %jit3A_206, %jit3A_204 : i32
    %rem3A_208 = vector.broadcast %select_n3A_207 : i32 to vector<1x1024xi32>
    %rem3A_209 = arith.remsi %iota3A, %rem3A_208 : vector<1x1024xi32>
    %ne3A_210 = arith.constant 0 : i32
    %ne3A_211 = vector.broadcast %ne3A_210 : i32 to vector<1x1024xi32>
    %ne3A_212 = arith.cmpi ne, %rem3A_209, %ne3A_211 : vector<1x1024xi32>
    %lt3A = arith.constant 0 : i32
    %lt3A_213 = vector.broadcast %lt3A : i32 to vector<1x1024xi32>
    %lt3A_214 = arith.cmpi slt, %rem3A_209, %lt3A_213 : vector<1x1024xi32>
    %lt3A_215 = arith.constant 0 : i32
    %lt3A_216 = arith.cmpi slt, %select_n3A_207, %lt3A_215 : i32
    %ne3A_217 = vector.broadcast %lt3A_216 : i1 to vector<1x1024xi1>
    %ne3A_218 = vector.broadcast %ne3A_217 : vector<1x1024xi1> to vector<1x1024xi1>
    %ne3A_219 = arith.xori %lt3A_214, %ne3A_218 : vector<1x1024xi1>
    %and3A_220 = arith.andi %ne3A_219, %ne3A_212 : vector<1x1024xi1>
    %add3A_221 = vector.broadcast %select_n3A_207 : i32 to vector<1x1024xi32>
    %add3A_222 = arith.addi %rem3A_209, %add3A_221 : vector<1x1024xi32>
    %select_n3A_223 = arith.select %and3A_220, %add3A_222, %rem3A_209 : vector<1x1024xi1>, vector<1x1024xi32>
    %broadcast_in_dim3A = arith.constant 0.000000e+00 : f32
    %broadcast_in_dim3A_224 = vector.broadcast %broadcast_in_dim3A : f32 to vector<48x1024xf32>
    %broadcast_in_dim3A_225 = arith.constant 0.000000e+00 : f32
    %broadcast_in_dim3A_226 = vector.broadcast %broadcast_in_dim3A_225 : f32 to vector<48x1024xf32>
    %slice3A_227 = vector.extract_strided_slice %dot_general3A_172 {offsets = [0, 991], sizes = [24, 33], strides = [1, 1]} : vector<24x1024xf32> to vector<24x33xf32>
    %slice3A_228 = vector.extract_strided_slice %dot_general3A_172 {offsets = [0, 0], sizes = [24, 991], strides = [1, 1]} : vector<24x1024xf32> to vector<24x991xf32>
    %concatenate3A_229 = tpu.concatenate %slice3A_227, %slice3A_228 in 1 : vector<24x33xf32>, vector<24x991xf32> -> vector<24x1024xf32>
    %add3A_230 = arith.constant -1 : i32
    %add3A_231 = vector.broadcast %add3A_230 : i32 to vector<1x1024xi32>
    %add3A_232 = arith.addi %select_n3A, %add3A_231 : vector<1x1024xi32>
    %ge3A_233 = arith.constant 0 : i32
    %ge3A_234 = vector.broadcast %ge3A_233 : i32 to vector<1x1024xi32>
    %ge3A_235 = arith.cmpi sge, %add3A_232, %ge3A_234 : vector<1x1024xi32>
    %add3A_236 = arith.constant -1 : i32
    %add3A_237 = vector.broadcast %add3A_236 : i32 to vector<1x1024xi32>
    %add3A_238 = arith.addi %select_n3A, %add3A_237 : vector<1x1024xi32>
    %lt3A_239 = arith.constant 32 : i32
    %lt3A_240 = vector.broadcast %lt3A_239 : i32 to vector<1x1024xi32>
    %lt3A_241 = arith.cmpi slt, %add3A_238, %lt3A_240 : vector<1x1024xi32>
    %and3A_242 = arith.andi %ge3A_235, %lt3A_241 : vector<1x1024xi1>
    %add3A_243 = arith.constant -1 : i32
    %add3A_244 = vector.broadcast %add3A_243 : i32 to vector<1x1024xi32>
    %add3A_245 = arith.addi %select_n3A_223, %add3A_244 : vector<1x1024xi32>
    %ge3A_246 = arith.constant 0 : i32
    %ge3A_247 = vector.broadcast %ge3A_246 : i32 to vector<1x1024xi32>
    %ge3A_248 = arith.cmpi sge, %add3A_245, %ge3A_247 : vector<1x1024xi32>
    %and3A_249 = arith.andi %and3A_242, %ge3A_248 : vector<1x1024xi1>
    %add3A_250 = arith.constant -1 : i32
    %add3A_251 = vector.broadcast %add3A_250 : i32 to vector<1x1024xi32>
    %add3A_252 = arith.addi %select_n3A_223, %add3A_251 : vector<1x1024xi32>
    %lt3A_253 = arith.constant 32 : i32
    %lt3A_254 = vector.broadcast %lt3A_253 : i32 to vector<1x1024xi32>
    %lt3A_255 = arith.cmpi slt, %add3A_252, %lt3A_254 : vector<1x1024xi32>
    %and3A_256 = arith.andi %and3A_249, %lt3A_255 : vector<1x1024xi1>
    %convert_element_type3A_257 = arith.extui %and3A_256 : vector<1x1024xi1> to vector<1x1024xi32>
    %convert_element_type3A_258 = arith.sitofp %convert_element_type3A_257 : vector<1x1024xi32> to vector<1x1024xf32>
    %mul3A_259 = vector.broadcast %convert_element_type3A_258 : vector<1x1024xf32> to vector<24x1024xf32>
    %mul3A_260 = arith.mulf %concatenate3A_229, %mul3A_259 : vector<24x1024xf32>
    %get3A_261 = arith.constant 0 : index
    %get3A_262 = arith.constant 0 : index
    %get3A_263 = arith.constant 0 : index
    %get3A_264 = vector.load %arg10[%get3A_261, %get3A_262, %get3A_263] : memref<9x96x12xf32, #tpu.memory_space<vmem>>, vector<1x96x12xf32>
    %get3A_265 = vector.shape_cast %get3A_264 : vector<1x96x12xf32> to vector<96x12xf32>
    %slice3A_266 = vector.extract_strided_slice %get3A_265 {offsets = [0, 0], sizes = [48, 12], strides = [1, 1]} : vector<96x12xf32> to vector<48x12xf32>
    %slice3A_267 = vector.extract_strided_slice %mul3A_260 {offsets = [0, 0], sizes = [12, 1024], strides = [1, 1]} : vector<24x1024xf32> to vector<12x1024xf32>
    %dot_general3A_268 = arith.constant dense<0.000000e+00> : vector<48x1024xf32>
    %dot_general3A_269 = tpu.matmul %slice3A_266, %slice3A_267, %dot_general3A_268 {dimension_numbers = #tpu.dot_dimension_numbers<[1], [0], [0], [1], [0, 0, 1, 1], [], []>, transpose_lhs_hint = false} : vector<48x12xf32>, vector<12x1024xf32>, vector<48x1024xf32> -> vector<48x1024xf32>
    %add3A_270 = arith.addf %broadcast_in_dim3A_224, %dot_general3A_269 : vector<48x1024xf32>
    %slice3A_271 = vector.extract_strided_slice %get3A_265 {offsets = [48, 0], sizes = [48, 12], strides = [1, 1]} : vector<96x12xf32> to vector<48x12xf32>
    %slice3A_272 = vector.extract_strided_slice %mul3A_260 {offsets = [12, 0], sizes = [12, 1024], strides = [1, 1]} : vector<24x1024xf32> to vector<12x1024xf32>
    %dot_general3A_273 = arith.constant dense<0.000000e+00> : vector<48x1024xf32>
    %dot_general3A_274 = tpu.matmul %slice3A_271, %slice3A_272, %dot_general3A_273 {dimension_numbers = #tpu.dot_dimension_numbers<[1], [0], [0], [1], [0, 0, 1, 1], [], []>, transpose_lhs_hint = false} : vector<48x12xf32>, vector<12x1024xf32>, vector<48x1024xf32> -> vector<48x1024xf32>
    %add3A_275 = arith.addf %broadcast_in_dim3A_226, %dot_general3A_274 : vector<48x1024xf32>
    %slice3A_276 = vector.extract_strided_slice %dot_general3A_172 {offsets = [0, 992], sizes = [24, 32], strides = [1, 1]} : vector<24x1024xf32> to vector<24x32xf32>
    %slice3A_277 = vector.extract_strided_slice %dot_general3A_172 {offsets = [0, 0], sizes = [24, 992], strides = [1, 1]} : vector<24x1024xf32> to vector<24x992xf32>
    %concatenate3A_278 = tpu.concatenate %slice3A_276, %slice3A_277 in 1 : vector<24x32xf32>, vector<24x992xf32> -> vector<24x1024xf32>
    %add3A_279 = arith.constant -1 : i32
    %add3A_280 = vector.broadcast %add3A_279 : i32 to vector<1x1024xi32>
    %add3A_281 = arith.addi %select_n3A, %add3A_280 : vector<1x1024xi32>
    %ge3A_282 = arith.constant 0 : i32
    %ge3A_283 = vector.broadcast %ge3A_282 : i32 to vector<1x1024xi32>
    %ge3A_284 = arith.cmpi sge, %add3A_281, %ge3A_283 : vector<1x1024xi32>
    %add3A_285 = arith.constant -1 : i32
    %add3A_286 = vector.broadcast %add3A_285 : i32 to vector<1x1024xi32>
    %add3A_287 = arith.addi %select_n3A, %add3A_286 : vector<1x1024xi32>
    %lt3A_288 = arith.constant 32 : i32
    %lt3A_289 = vector.broadcast %lt3A_288 : i32 to vector<1x1024xi32>
    %lt3A_290 = arith.cmpi slt, %add3A_287, %lt3A_289 : vector<1x1024xi32>
    %and3A_291 = arith.andi %ge3A_284, %lt3A_290 : vector<1x1024xi1>
    %add3A_292 = arith.constant 0 : i32
    %add3A_293 = vector.broadcast %add3A_292 : i32 to vector<1x1024xi32>
    %add3A_294 = arith.addi %select_n3A_223, %add3A_293 : vector<1x1024xi32>
    %ge3A_295 = arith.constant 0 : i32
    %ge3A_296 = vector.broadcast %ge3A_295 : i32 to vector<1x1024xi32>
    %ge3A_297 = arith.cmpi sge, %add3A_294, %ge3A_296 : vector<1x1024xi32>
    %and3A_298 = arith.andi %and3A_291, %ge3A_297 : vector<1x1024xi1>
    %add3A_299 = arith.constant 0 : i32
    %add3A_300 = vector.broadcast %add3A_299 : i32 to vector<1x1024xi32>
    %add3A_301 = arith.addi %select_n3A_223, %add3A_300 : vector<1x1024xi32>
    %lt3A_302 = arith.constant 32 : i32
    %lt3A_303 = vector.broadcast %lt3A_302 : i32 to vector<1x1024xi32>
    %lt3A_304 = arith.cmpi slt, %add3A_301, %lt3A_303 : vector<1x1024xi32>
    %and3A_305 = arith.andi %and3A_298, %lt3A_304 : vector<1x1024xi1>
    %convert_element_type3A_306 = arith.extui %and3A_305 : vector<1x1024xi1> to vector<1x1024xi32>
    %convert_element_type3A_307 = arith.sitofp %convert_element_type3A_306 : vector<1x1024xi32> to vector<1x1024xf32>
    %mul3A_308 = vector.broadcast %convert_element_type3A_307 : vector<1x1024xf32> to vector<24x1024xf32>
    %mul3A_309 = arith.mulf %concatenate3A_278, %mul3A_308 : vector<24x1024xf32>
    %get3A_310 = arith.constant 1 : index
    %get3A_311 = arith.constant 0 : index
    %get3A_312 = arith.constant 0 : index
    %get3A_313 = vector.load %arg10[%get3A_310, %get3A_311, %get3A_312] : memref<9x96x12xf32, #tpu.memory_space<vmem>>, vector<1x96x12xf32>
    %get3A_314 = vector.shape_cast %get3A_313 : vector<1x96x12xf32> to vector<96x12xf32>
    %slice3A_315 = vector.extract_strided_slice %get3A_314 {offsets = [0, 0], sizes = [48, 12], strides = [1, 1]} : vector<96x12xf32> to vector<48x12xf32>
    %slice3A_316 = vector.extract_strided_slice %mul3A_309 {offsets = [0, 0], sizes = [12, 1024], strides = [1, 1]} : vector<24x1024xf32> to vector<12x1024xf32>
    %dot_general3A_317 = arith.constant dense<0.000000e+00> : vector<48x1024xf32>
    %dot_general3A_318 = tpu.matmul %slice3A_315, %slice3A_316, %dot_general3A_317 {dimension_numbers = #tpu.dot_dimension_numbers<[1], [0], [0], [1], [0, 0, 1, 1], [], []>, transpose_lhs_hint = false} : vector<48x12xf32>, vector<12x1024xf32>, vector<48x1024xf32> -> vector<48x1024xf32>
    %add3A_319 = arith.addf %add3A_270, %dot_general3A_318 : vector<48x1024xf32>
    %slice3A_320 = vector.extract_strided_slice %get3A_314 {offsets = [48, 0], sizes = [48, 12], strides = [1, 1]} : vector<96x12xf32> to vector<48x12xf32>
    %slice3A_321 = vector.extract_strided_slice %mul3A_309 {offsets = [12, 0], sizes = [12, 1024], strides = [1, 1]} : vector<24x1024xf32> to vector<12x1024xf32>
    %dot_general3A_322 = arith.constant dense<0.000000e+00> : vector<48x1024xf32>
    %dot_general3A_323 = tpu.matmul %slice3A_320, %slice3A_321, %dot_general3A_322 {dimension_numbers = #tpu.dot_dimension_numbers<[1], [0], [0], [1], [0, 0, 1, 1], [], []>, transpose_lhs_hint = false} : vector<48x12xf32>, vector<12x1024xf32>, vector<48x1024xf32> -> vector<48x1024xf32>
    %add3A_324 = arith.addf %add3A_275, %dot_general3A_323 : vector<48x1024xf32>
    %slice3A_325 = vector.extract_strided_slice %dot_general3A_172 {offsets = [0, 993], sizes = [24, 31], strides = [1, 1]} : vector<24x1024xf32> to vector<24x31xf32>
    %slice3A_326 = vector.extract_strided_slice %dot_general3A_172 {offsets = [0, 0], sizes = [24, 993], strides = [1, 1]} : vector<24x1024xf32> to vector<24x993xf32>
    %concatenate3A_327 = tpu.concatenate %slice3A_325, %slice3A_326 in 1 : vector<24x31xf32>, vector<24x993xf32> -> vector<24x1024xf32>
    %add3A_328 = arith.constant -1 : i32
    %add3A_329 = vector.broadcast %add3A_328 : i32 to vector<1x1024xi32>
    %add3A_330 = arith.addi %select_n3A, %add3A_329 : vector<1x1024xi32>
    %ge3A_331 = arith.constant 0 : i32
    %ge3A_332 = vector.broadcast %ge3A_331 : i32 to vector<1x1024xi32>
    %ge3A_333 = arith.cmpi sge, %add3A_330, %ge3A_332 : vector<1x1024xi32>
    %add3A_334 = arith.constant -1 : i32
    %add3A_335 = vector.broadcast %add3A_334 : i32 to vector<1x1024xi32>
    %add3A_336 = arith.addi %select_n3A, %add3A_335 : vector<1x1024xi32>
    %lt3A_337 = arith.constant 32 : i32
    %lt3A_338 = vector.broadcast %lt3A_337 : i32 to vector<1x1024xi32>
    %lt3A_339 = arith.cmpi slt, %add3A_336, %lt3A_338 : vector<1x1024xi32>
    %and3A_340 = arith.andi %ge3A_333, %lt3A_339 : vector<1x1024xi1>
    %add3A_341 = arith.constant 1 : i32
    %add3A_342 = vector.broadcast %add3A_341 : i32 to vector<1x1024xi32>
    %add3A_343 = arith.addi %select_n3A_223, %add3A_342 : vector<1x1024xi32>
    %ge3A_344 = arith.constant 0 : i32
    %ge3A_345 = vector.broadcast %ge3A_344 : i32 to vector<1x1024xi32>
    %ge3A_346 = arith.cmpi sge, %add3A_343, %ge3A_345 : vector<1x1024xi32>
    %and3A_347 = arith.andi %and3A_340, %ge3A_346 : vector<1x1024xi1>
    %add3A_348 = arith.constant 1 : i32
    %add3A_349 = vector.broadcast %add3A_348 : i32 to vector<1x1024xi32>
    %add3A_350 = arith.addi %select_n3A_223, %add3A_349 : vector<1x1024xi32>
    %lt3A_351 = arith.constant 32 : i32
    %lt3A_352 = vector.broadcast %lt3A_351 : i32 to vector<1x1024xi32>
    %lt3A_353 = arith.cmpi slt, %add3A_350, %lt3A_352 : vector<1x1024xi32>
    %and3A_354 = arith.andi %and3A_347, %lt3A_353 : vector<1x1024xi1>
    %convert_element_type3A_355 = arith.extui %and3A_354 : vector<1x1024xi1> to vector<1x1024xi32>
    %convert_element_type3A_356 = arith.sitofp %convert_element_type3A_355 : vector<1x1024xi32> to vector<1x1024xf32>
    %mul3A_357 = vector.broadcast %convert_element_type3A_356 : vector<1x1024xf32> to vector<24x1024xf32>
    %mul3A_358 = arith.mulf %concatenate3A_327, %mul3A_357 : vector<24x1024xf32>
    %get3A_359 = arith.constant 2 : index
    %get3A_360 = arith.constant 0 : index
    %get3A_361 = arith.constant 0 : index
    %get3A_362 = vector.load %arg10[%get3A_359, %get3A_360, %get3A_361] : memref<9x96x12xf32, #tpu.memory_space<vmem>>, vector<1x96x12xf32>
    %get3A_363 = vector.shape_cast %get3A_362 : vector<1x96x12xf32> to vector<96x12xf32>
    %slice3A_364 = vector.extract_strided_slice %get3A_363 {offsets = [0, 0], sizes = [48, 12], strides = [1, 1]} : vector<96x12xf32> to vector<48x12xf32>
    %slice3A_365 = vector.extract_strided_slice %mul3A_358 {offsets = [0, 0], sizes = [12, 1024], strides = [1, 1]} : vector<24x1024xf32> to vector<12x1024xf32>
    %dot_general3A_366 = arith.constant dense<0.000000e+00> : vector<48x1024xf32>
    %dot_general3A_367 = tpu.matmul %slice3A_364, %slice3A_365, %dot_general3A_366 {dimension_numbers = #tpu.dot_dimension_numbers<[1], [0], [0], [1], [0, 0, 1, 1], [], []>, transpose_lhs_hint = false} : vector<48x12xf32>, vector<12x1024xf32>, vector<48x1024xf32> -> vector<48x1024xf32>
    %add3A_368 = arith.addf %add3A_319, %dot_general3A_367 : vector<48x1024xf32>
    %slice3A_369 = vector.extract_strided_slice %get3A_363 {offsets = [48, 0], sizes = [48, 12], strides = [1, 1]} : vector<96x12xf32> to vector<48x12xf32>
    %slice3A_370 = vector.extract_strided_slice %mul3A_358 {offsets = [12, 0], sizes = [12, 1024], strides = [1, 1]} : vector<24x1024xf32> to vector<12x1024xf32>
    %dot_general3A_371 = arith.constant dense<0.000000e+00> : vector<48x1024xf32>
    %dot_general3A_372 = tpu.matmul %slice3A_369, %slice3A_370, %dot_general3A_371 {dimension_numbers = #tpu.dot_dimension_numbers<[1], [0], [0], [1], [0, 0, 1, 1], [], []>, transpose_lhs_hint = false} : vector<48x12xf32>, vector<12x1024xf32>, vector<48x1024xf32> -> vector<48x1024xf32>
    %add3A_373 = arith.addf %add3A_324, %dot_general3A_372 : vector<48x1024xf32>
    %slice3A_374 = vector.extract_strided_slice %dot_general3A_172 {offsets = [0, 1023], sizes = [24, 1], strides = [1, 1]} : vector<24x1024xf32> to vector<24x1xf32>
    %slice3A_375 = vector.extract_strided_slice %dot_general3A_172 {offsets = [0, 0], sizes = [24, 1023], strides = [1, 1]} : vector<24x1024xf32> to vector<24x1023xf32>
    %concatenate3A_376 = tpu.concatenate %slice3A_374, %slice3A_375 in 1 : vector<24x1xf32>, vector<24x1023xf32> -> vector<24x1024xf32>
    %add3A_377 = arith.constant 0 : i32
    %add3A_378 = vector.broadcast %add3A_377 : i32 to vector<1x1024xi32>
    %add3A_379 = arith.addi %select_n3A, %add3A_378 : vector<1x1024xi32>
    %ge3A_380 = arith.constant 0 : i32
    %ge3A_381 = vector.broadcast %ge3A_380 : i32 to vector<1x1024xi32>
    %ge3A_382 = arith.cmpi sge, %add3A_379, %ge3A_381 : vector<1x1024xi32>
    %add3A_383 = arith.constant 0 : i32
    %add3A_384 = vector.broadcast %add3A_383 : i32 to vector<1x1024xi32>
    %add3A_385 = arith.addi %select_n3A, %add3A_384 : vector<1x1024xi32>
    %lt3A_386 = arith.constant 32 : i32
    %lt3A_387 = vector.broadcast %lt3A_386 : i32 to vector<1x1024xi32>
    %lt3A_388 = arith.cmpi slt, %add3A_385, %lt3A_387 : vector<1x1024xi32>
    %and3A_389 = arith.andi %ge3A_382, %lt3A_388 : vector<1x1024xi1>
    %add3A_390 = arith.constant -1 : i32
    %add3A_391 = vector.broadcast %add3A_390 : i32 to vector<1x1024xi32>
    %add3A_392 = arith.addi %select_n3A_223, %add3A_391 : vector<1x1024xi32>
    %ge3A_393 = arith.constant 0 : i32
    %ge3A_394 = vector.broadcast %ge3A_393 : i32 to vector<1x1024xi32>
    %ge3A_395 = arith.cmpi sge, %add3A_392, %ge3A_394 : vector<1x1024xi32>
    %and3A_396 = arith.andi %and3A_389, %ge3A_395 : vector<1x1024xi1>
    %add3A_397 = arith.constant -1 : i32
    %add3A_398 = vector.broadcast %add3A_397 : i32 to vector<1x1024xi32>
    %add3A_399 = arith.addi %select_n3A_223, %add3A_398 : vector<1x1024xi32>
    %lt3A_400 = arith.constant 32 : i32
    %lt3A_401 = vector.broadcast %lt3A_400 : i32 to vector<1x1024xi32>
    %lt3A_402 = arith.cmpi slt, %add3A_399, %lt3A_401 : vector<1x1024xi32>
    %and3A_403 = arith.andi %and3A_396, %lt3A_402 : vector<1x1024xi1>
    %convert_element_type3A_404 = arith.extui %and3A_403 : vector<1x1024xi1> to vector<1x1024xi32>
    %convert_element_type3A_405 = arith.sitofp %convert_element_type3A_404 : vector<1x1024xi32> to vector<1x1024xf32>
    %mul3A_406 = vector.broadcast %convert_element_type3A_405 : vector<1x1024xf32> to vector<24x1024xf32>
    %mul3A_407 = arith.mulf %concatenate3A_376, %mul3A_406 : vector<24x1024xf32>
    %get3A_408 = arith.constant 3 : index
    %get3A_409 = arith.constant 0 : index
    %get3A_410 = arith.constant 0 : index
    %get3A_411 = vector.load %arg10[%get3A_408, %get3A_409, %get3A_410] : memref<9x96x12xf32, #tpu.memory_space<vmem>>, vector<1x96x12xf32>
    %get3A_412 = vector.shape_cast %get3A_411 : vector<1x96x12xf32> to vector<96x12xf32>
    %slice3A_413 = vector.extract_strided_slice %get3A_412 {offsets = [0, 0], sizes = [48, 12], strides = [1, 1]} : vector<96x12xf32> to vector<48x12xf32>
    %slice3A_414 = vector.extract_strided_slice %mul3A_407 {offsets = [0, 0], sizes = [12, 1024], strides = [1, 1]} : vector<24x1024xf32> to vector<12x1024xf32>
    %dot_general3A_415 = arith.constant dense<0.000000e+00> : vector<48x1024xf32>
    %dot_general3A_416 = tpu.matmul %slice3A_413, %slice3A_414, %dot_general3A_415 {dimension_numbers = #tpu.dot_dimension_numbers<[1], [0], [0], [1], [0, 0, 1, 1], [], []>, transpose_lhs_hint = false} : vector<48x12xf32>, vector<12x1024xf32>, vector<48x1024xf32> -> vector<48x1024xf32>
    %add3A_417 = arith.addf %add3A_368, %dot_general3A_416 : vector<48x1024xf32>
    %slice3A_418 = vector.extract_strided_slice %get3A_412 {offsets = [48, 0], sizes = [48, 12], strides = [1, 1]} : vector<96x12xf32> to vector<48x12xf32>
    %slice3A_419 = vector.extract_strided_slice %mul3A_407 {offsets = [12, 0], sizes = [12, 1024], strides = [1, 1]} : vector<24x1024xf32> to vector<12x1024xf32>
    %dot_general3A_420 = arith.constant dense<0.000000e+00> : vector<48x1024xf32>
    %dot_general3A_421 = tpu.matmul %slice3A_418, %slice3A_419, %dot_general3A_420 {dimension_numbers = #tpu.dot_dimension_numbers<[1], [0], [0], [1], [0, 0, 1, 1], [], []>, transpose_lhs_hint = false} : vector<48x12xf32>, vector<12x1024xf32>, vector<48x1024xf32> -> vector<48x1024xf32>
    %add3A_422 = arith.addf %add3A_373, %dot_general3A_421 : vector<48x1024xf32>
    %add3A_423 = arith.constant 0 : i32
    %add3A_424 = vector.broadcast %add3A_423 : i32 to vector<1x1024xi32>
    %add3A_425 = arith.addi %select_n3A, %add3A_424 : vector<1x1024xi32>
    %ge3A_426 = arith.constant 0 : i32
    %ge3A_427 = vector.broadcast %ge3A_426 : i32 to vector<1x1024xi32>
    %ge3A_428 = arith.cmpi sge, %add3A_425, %ge3A_427 : vector<1x1024xi32>
    %add3A_429 = arith.constant 0 : i32
    %add3A_430 = vector.broadcast %add3A_429 : i32 to vector<1x1024xi32>
    %add3A_431 = arith.addi %select_n3A, %add3A_430 : vector<1x1024xi32>
    %lt3A_432 = arith.constant 32 : i32
    %lt3A_433 = vector.broadcast %lt3A_432 : i32 to vector<1x1024xi32>
    %lt3A_434 = arith.cmpi slt, %add3A_431, %lt3A_433 : vector<1x1024xi32>
    %and3A_435 = arith.andi %ge3A_428, %lt3A_434 : vector<1x1024xi1>
    %add3A_436 = arith.constant 0 : i32
    %add3A_437 = vector.broadcast %add3A_436 : i32 to vector<1x1024xi32>
    %add3A_438 = arith.addi %select_n3A_223, %add3A_437 : vector<1x1024xi32>
    %ge3A_439 = arith.constant 0 : i32
    %ge3A_440 = vector.broadcast %ge3A_439 : i32 to vector<1x1024xi32>
    %ge3A_441 = arith.cmpi sge, %add3A_438, %ge3A_440 : vector<1x1024xi32>
    %and3A_442 = arith.andi %and3A_435, %ge3A_441 : vector<1x1024xi1>
    %add3A_443 = arith.constant 0 : i32
    %add3A_444 = vector.broadcast %add3A_443 : i32 to vector<1x1024xi32>
    %add3A_445 = arith.addi %select_n3A_223, %add3A_444 : vector<1x1024xi32>
    %lt3A_446 = arith.constant 32 : i32
    %lt3A_447 = vector.broadcast %lt3A_446 : i32 to vector<1x1024xi32>
    %lt3A_448 = arith.cmpi slt, %add3A_445, %lt3A_447 : vector<1x1024xi32>
    %and3A_449 = arith.andi %and3A_442, %lt3A_448 : vector<1x1024xi1>
    %convert_element_type3A_450 = arith.extui %and3A_449 : vector<1x1024xi1> to vector<1x1024xi32>
    %convert_element_type3A_451 = arith.sitofp %convert_element_type3A_450 : vector<1x1024xi32> to vector<1x1024xf32>
    %mul3A_452 = vector.broadcast %convert_element_type3A_451 : vector<1x1024xf32> to vector<24x1024xf32>
    %mul3A_453 = arith.mulf %dot_general3A_172, %mul3A_452 : vector<24x1024xf32>
    %get3A_454 = arith.constant 4 : index
    %get3A_455 = arith.constant 0 : index
    %get3A_456 = arith.constant 0 : index
    %get3A_457 = vector.load %arg10[%get3A_454, %get3A_455, %get3A_456] : memref<9x96x12xf32, #tpu.memory_space<vmem>>, vector<1x96x12xf32>
    %get3A_458 = vector.shape_cast %get3A_457 : vector<1x96x12xf32> to vector<96x12xf32>
    %slice3A_459 = vector.extract_strided_slice %get3A_458 {offsets = [0, 0], sizes = [48, 12], strides = [1, 1]} : vector<96x12xf32> to vector<48x12xf32>
    %slice3A_460 = vector.extract_strided_slice %mul3A_453 {offsets = [0, 0], sizes = [12, 1024], strides = [1, 1]} : vector<24x1024xf32> to vector<12x1024xf32>
    %dot_general3A_461 = arith.constant dense<0.000000e+00> : vector<48x1024xf32>
    %dot_general3A_462 = tpu.matmul %slice3A_459, %slice3A_460, %dot_general3A_461 {dimension_numbers = #tpu.dot_dimension_numbers<[1], [0], [0], [1], [0, 0, 1, 1], [], []>, transpose_lhs_hint = false} : vector<48x12xf32>, vector<12x1024xf32>, vector<48x1024xf32> -> vector<48x1024xf32>
    %add3A_463 = arith.addf %add3A_417, %dot_general3A_462 : vector<48x1024xf32>
    %slice3A_464 = vector.extract_strided_slice %get3A_458 {offsets = [48, 0], sizes = [48, 12], strides = [1, 1]} : vector<96x12xf32> to vector<48x12xf32>
    %slice3A_465 = vector.extract_strided_slice %mul3A_453 {offsets = [12, 0], sizes = [12, 1024], strides = [1, 1]} : vector<24x1024xf32> to vector<12x1024xf32>
    %dot_general3A_466 = arith.constant dense<0.000000e+00> : vector<48x1024xf32>
    %dot_general3A_467 = tpu.matmul %slice3A_464, %slice3A_465, %dot_general3A_466 {dimension_numbers = #tpu.dot_dimension_numbers<[1], [0], [0], [1], [0, 0, 1, 1], [], []>, transpose_lhs_hint = false} : vector<48x12xf32>, vector<12x1024xf32>, vector<48x1024xf32> -> vector<48x1024xf32>
    %add3A_468 = arith.addf %add3A_422, %dot_general3A_467 : vector<48x1024xf32>
    %slice3A_469 = vector.extract_strided_slice %dot_general3A_172 {offsets = [0, 1], sizes = [24, 1023], strides = [1, 1]} : vector<24x1024xf32> to vector<24x1023xf32>
    %slice3A_470 = vector.extract_strided_slice %dot_general3A_172 {offsets = [0, 0], sizes = [24, 1], strides = [1, 1]} : vector<24x1024xf32> to vector<24x1xf32>
    %concatenate3A_471 = tpu.concatenate %slice3A_469, %slice3A_470 in 1 : vector<24x1023xf32>, vector<24x1xf32> -> vector<24x1024xf32>
    %add3A_472 = arith.constant 0 : i32
    %add3A_473 = vector.broadcast %add3A_472 : i32 to vector<1x1024xi32>
    %add3A_474 = arith.addi %select_n3A, %add3A_473 : vector<1x1024xi32>
    %ge3A_475 = arith.constant 0 : i32
    %ge3A_476 = vector.broadcast %ge3A_475 : i32 to vector<1x1024xi32>
    %ge3A_477 = arith.cmpi sge, %add3A_474, %ge3A_476 : vector<1x1024xi32>
    %add3A_478 = arith.constant 0 : i32
    %add3A_479 = vector.broadcast %add3A_478 : i32 to vector<1x1024xi32>
    %add3A_480 = arith.addi %select_n3A, %add3A_479 : vector<1x1024xi32>
    %lt3A_481 = arith.constant 32 : i32
    %lt3A_482 = vector.broadcast %lt3A_481 : i32 to vector<1x1024xi32>
    %lt3A_483 = arith.cmpi slt, %add3A_480, %lt3A_482 : vector<1x1024xi32>
    %and3A_484 = arith.andi %ge3A_477, %lt3A_483 : vector<1x1024xi1>
    %add3A_485 = arith.constant 1 : i32
    %add3A_486 = vector.broadcast %add3A_485 : i32 to vector<1x1024xi32>
    %add3A_487 = arith.addi %select_n3A_223, %add3A_486 : vector<1x1024xi32>
    %ge3A_488 = arith.constant 0 : i32
    %ge3A_489 = vector.broadcast %ge3A_488 : i32 to vector<1x1024xi32>
    %ge3A_490 = arith.cmpi sge, %add3A_487, %ge3A_489 : vector<1x1024xi32>
    %and3A_491 = arith.andi %and3A_484, %ge3A_490 : vector<1x1024xi1>
    %add3A_492 = arith.constant 1 : i32
    %add3A_493 = vector.broadcast %add3A_492 : i32 to vector<1x1024xi32>
    %add3A_494 = arith.addi %select_n3A_223, %add3A_493 : vector<1x1024xi32>
    %lt3A_495 = arith.constant 32 : i32
    %lt3A_496 = vector.broadcast %lt3A_495 : i32 to vector<1x1024xi32>
    %lt3A_497 = arith.cmpi slt, %add3A_494, %lt3A_496 : vector<1x1024xi32>
    %and3A_498 = arith.andi %and3A_491, %lt3A_497 : vector<1x1024xi1>
    %convert_element_type3A_499 = arith.extui %and3A_498 : vector<1x1024xi1> to vector<1x1024xi32>
    %convert_element_type3A_500 = arith.sitofp %convert_element_type3A_499 : vector<1x1024xi32> to vector<1x1024xf32>
    %mul3A_501 = vector.broadcast %convert_element_type3A_500 : vector<1x1024xf32> to vector<24x1024xf32>
    %mul3A_502 = arith.mulf %concatenate3A_471, %mul3A_501 : vector<24x1024xf32>
    %get3A_503 = arith.constant 5 : index
    %get3A_504 = arith.constant 0 : index
    %get3A_505 = arith.constant 0 : index
    %get3A_506 = vector.load %arg10[%get3A_503, %get3A_504, %get3A_505] : memref<9x96x12xf32, #tpu.memory_space<vmem>>, vector<1x96x12xf32>
    %get3A_507 = vector.shape_cast %get3A_506 : vector<1x96x12xf32> to vector<96x12xf32>
    %slice3A_508 = vector.extract_strided_slice %get3A_507 {offsets = [0, 0], sizes = [48, 12], strides = [1, 1]} : vector<96x12xf32> to vector<48x12xf32>
    %slice3A_509 = vector.extract_strided_slice %mul3A_502 {offsets = [0, 0], sizes = [12, 1024], strides = [1, 1]} : vector<24x1024xf32> to vector<12x1024xf32>
    %dot_general3A_510 = arith.constant dense<0.000000e+00> : vector<48x1024xf32>
    %dot_general3A_511 = tpu.matmul %slice3A_508, %slice3A_509, %dot_general3A_510 {dimension_numbers = #tpu.dot_dimension_numbers<[1], [0], [0], [1], [0, 0, 1, 1], [], []>, transpose_lhs_hint = false} : vector<48x12xf32>, vector<12x1024xf32>, vector<48x1024xf32> -> vector<48x1024xf32>
    %add3A_512 = arith.addf %add3A_463, %dot_general3A_511 : vector<48x1024xf32>
    %slice3A_513 = vector.extract_strided_slice %get3A_507 {offsets = [48, 0], sizes = [48, 12], strides = [1, 1]} : vector<96x12xf32> to vector<48x12xf32>
    %slice3A_514 = vector.extract_strided_slice %mul3A_502 {offsets = [12, 0], sizes = [12, 1024], strides = [1, 1]} : vector<24x1024xf32> to vector<12x1024xf32>
    %dot_general3A_515 = arith.constant dense<0.000000e+00> : vector<48x1024xf32>
    %dot_general3A_516 = tpu.matmul %slice3A_513, %slice3A_514, %dot_general3A_515 {dimension_numbers = #tpu.dot_dimension_numbers<[1], [0], [0], [1], [0, 0, 1, 1], [], []>, transpose_lhs_hint = false} : vector<48x12xf32>, vector<12x1024xf32>, vector<48x1024xf32> -> vector<48x1024xf32>
    %add3A_517 = arith.addf %add3A_468, %dot_general3A_516 : vector<48x1024xf32>
    %slice3A_518 = vector.extract_strided_slice %dot_general3A_172 {offsets = [0, 31], sizes = [24, 993], strides = [1, 1]} : vector<24x1024xf32> to vector<24x993xf32>
    %slice3A_519 = vector.extract_strided_slice %dot_general3A_172 {offsets = [0, 0], sizes = [24, 31], strides = [1, 1]} : vector<24x1024xf32> to vector<24x31xf32>
    %concatenate3A_520 = tpu.concatenate %slice3A_518, %slice3A_519 in 1 : vector<24x993xf32>, vector<24x31xf32> -> vector<24x1024xf32>
    %add3A_521 = arith.constant 1 : i32
    %add3A_522 = vector.broadcast %add3A_521 : i32 to vector<1x1024xi32>
    %add3A_523 = arith.addi %select_n3A, %add3A_522 : vector<1x1024xi32>
    %ge3A_524 = arith.constant 0 : i32
    %ge3A_525 = vector.broadcast %ge3A_524 : i32 to vector<1x1024xi32>
    %ge3A_526 = arith.cmpi sge, %add3A_523, %ge3A_525 : vector<1x1024xi32>
    %add3A_527 = arith.constant 1 : i32
    %add3A_528 = vector.broadcast %add3A_527 : i32 to vector<1x1024xi32>
    %add3A_529 = arith.addi %select_n3A, %add3A_528 : vector<1x1024xi32>
    %lt3A_530 = arith.constant 32 : i32
    %lt3A_531 = vector.broadcast %lt3A_530 : i32 to vector<1x1024xi32>
    %lt3A_532 = arith.cmpi slt, %add3A_529, %lt3A_531 : vector<1x1024xi32>
    %and3A_533 = arith.andi %ge3A_526, %lt3A_532 : vector<1x1024xi1>
    %add3A_534 = arith.constant -1 : i32
    %add3A_535 = vector.broadcast %add3A_534 : i32 to vector<1x1024xi32>
    %add3A_536 = arith.addi %select_n3A_223, %add3A_535 : vector<1x1024xi32>
    %ge3A_537 = arith.constant 0 : i32
    %ge3A_538 = vector.broadcast %ge3A_537 : i32 to vector<1x1024xi32>
    %ge3A_539 = arith.cmpi sge, %add3A_536, %ge3A_538 : vector<1x1024xi32>
    %and3A_540 = arith.andi %and3A_533, %ge3A_539 : vector<1x1024xi1>
    %add3A_541 = arith.constant -1 : i32
    %add3A_542 = vector.broadcast %add3A_541 : i32 to vector<1x1024xi32>
    %add3A_543 = arith.addi %select_n3A_223, %add3A_542 : vector<1x1024xi32>
    %lt3A_544 = arith.constant 32 : i32
    %lt3A_545 = vector.broadcast %lt3A_544 : i32 to vector<1x1024xi32>
    %lt3A_546 = arith.cmpi slt, %add3A_543, %lt3A_545 : vector<1x1024xi32>
    %and3A_547 = arith.andi %and3A_540, %lt3A_546 : vector<1x1024xi1>
    %convert_element_type3A_548 = arith.extui %and3A_547 : vector<1x1024xi1> to vector<1x1024xi32>
    %convert_element_type3A_549 = arith.sitofp %convert_element_type3A_548 : vector<1x1024xi32> to vector<1x1024xf32>
    %mul3A_550 = vector.broadcast %convert_element_type3A_549 : vector<1x1024xf32> to vector<24x1024xf32>
    %mul3A_551 = arith.mulf %concatenate3A_520, %mul3A_550 : vector<24x1024xf32>
    %get3A_552 = arith.constant 6 : index
    %get3A_553 = arith.constant 0 : index
    %get3A_554 = arith.constant 0 : index
    %get3A_555 = vector.load %arg10[%get3A_552, %get3A_553, %get3A_554] : memref<9x96x12xf32, #tpu.memory_space<vmem>>, vector<1x96x12xf32>
    %get3A_556 = vector.shape_cast %get3A_555 : vector<1x96x12xf32> to vector<96x12xf32>
    %slice3A_557 = vector.extract_strided_slice %get3A_556 {offsets = [0, 0], sizes = [48, 12], strides = [1, 1]} : vector<96x12xf32> to vector<48x12xf32>
    %slice3A_558 = vector.extract_strided_slice %mul3A_551 {offsets = [0, 0], sizes = [12, 1024], strides = [1, 1]} : vector<24x1024xf32> to vector<12x1024xf32>
    %dot_general3A_559 = arith.constant dense<0.000000e+00> : vector<48x1024xf32>
    %dot_general3A_560 = tpu.matmul %slice3A_557, %slice3A_558, %dot_general3A_559 {dimension_numbers = #tpu.dot_dimension_numbers<[1], [0], [0], [1], [0, 0, 1, 1], [], []>, transpose_lhs_hint = false} : vector<48x12xf32>, vector<12x1024xf32>, vector<48x1024xf32> -> vector<48x1024xf32>
    %add3A_561 = arith.addf %add3A_512, %dot_general3A_560 : vector<48x1024xf32>
    %slice3A_562 = vector.extract_strided_slice %get3A_556 {offsets = [48, 0], sizes = [48, 12], strides = [1, 1]} : vector<96x12xf32> to vector<48x12xf32>
    %slice3A_563 = vector.extract_strided_slice %mul3A_551 {offsets = [12, 0], sizes = [12, 1024], strides = [1, 1]} : vector<24x1024xf32> to vector<12x1024xf32>
    %dot_general3A_564 = arith.constant dense<0.000000e+00> : vector<48x1024xf32>
    %dot_general3A_565 = tpu.matmul %slice3A_562, %slice3A_563, %dot_general3A_564 {dimension_numbers = #tpu.dot_dimension_numbers<[1], [0], [0], [1], [0, 0, 1, 1], [], []>, transpose_lhs_hint = false} : vector<48x12xf32>, vector<12x1024xf32>, vector<48x1024xf32> -> vector<48x1024xf32>
    %add3A_566 = arith.addf %add3A_517, %dot_general3A_565 : vector<48x1024xf32>
    %slice3A_567 = vector.extract_strided_slice %dot_general3A_172 {offsets = [0, 32], sizes = [24, 992], strides = [1, 1]} : vector<24x1024xf32> to vector<24x992xf32>
    %slice3A_568 = vector.extract_strided_slice %dot_general3A_172 {offsets = [0, 0], sizes = [24, 32], strides = [1, 1]} : vector<24x1024xf32> to vector<24x32xf32>
    %concatenate3A_569 = tpu.concatenate %slice3A_567, %slice3A_568 in 1 : vector<24x992xf32>, vector<24x32xf32> -> vector<24x1024xf32>
    %add3A_570 = arith.constant 1 : i32
    %add3A_571 = vector.broadcast %add3A_570 : i32 to vector<1x1024xi32>
    %add3A_572 = arith.addi %select_n3A, %add3A_571 : vector<1x1024xi32>
    %ge3A_573 = arith.constant 0 : i32
    %ge3A_574 = vector.broadcast %ge3A_573 : i32 to vector<1x1024xi32>
    %ge3A_575 = arith.cmpi sge, %add3A_572, %ge3A_574 : vector<1x1024xi32>
    %add3A_576 = arith.constant 1 : i32
    %add3A_577 = vector.broadcast %add3A_576 : i32 to vector<1x1024xi32>
    %add3A_578 = arith.addi %select_n3A, %add3A_577 : vector<1x1024xi32>
    %lt3A_579 = arith.constant 32 : i32
    %lt3A_580 = vector.broadcast %lt3A_579 : i32 to vector<1x1024xi32>
    %lt3A_581 = arith.cmpi slt, %add3A_578, %lt3A_580 : vector<1x1024xi32>
    %and3A_582 = arith.andi %ge3A_575, %lt3A_581 : vector<1x1024xi1>
    %add3A_583 = arith.constant 0 : i32
    %add3A_584 = vector.broadcast %add3A_583 : i32 to vector<1x1024xi32>
    %add3A_585 = arith.addi %select_n3A_223, %add3A_584 : vector<1x1024xi32>
    %ge3A_586 = arith.constant 0 : i32
    %ge3A_587 = vector.broadcast %ge3A_586 : i32 to vector<1x1024xi32>
    %ge3A_588 = arith.cmpi sge, %add3A_585, %ge3A_587 : vector<1x1024xi32>
    %and3A_589 = arith.andi %and3A_582, %ge3A_588 : vector<1x1024xi1>
    %add3A_590 = arith.constant 0 : i32
    %add3A_591 = vector.broadcast %add3A_590 : i32 to vector<1x1024xi32>
    %add3A_592 = arith.addi %select_n3A_223, %add3A_591 : vector<1x1024xi32>
    %lt3A_593 = arith.constant 32 : i32
    %lt3A_594 = vector.broadcast %lt3A_593 : i32 to vector<1x1024xi32>
    %lt3A_595 = arith.cmpi slt, %add3A_592, %lt3A_594 : vector<1x1024xi32>
    %and3A_596 = arith.andi %and3A_589, %lt3A_595 : vector<1x1024xi1>
    %convert_element_type3A_597 = arith.extui %and3A_596 : vector<1x1024xi1> to vector<1x1024xi32>
    %convert_element_type3A_598 = arith.sitofp %convert_element_type3A_597 : vector<1x1024xi32> to vector<1x1024xf32>
    %mul3A_599 = vector.broadcast %convert_element_type3A_598 : vector<1x1024xf32> to vector<24x1024xf32>
    %mul3A_600 = arith.mulf %concatenate3A_569, %mul3A_599 : vector<24x1024xf32>
    %get3A_601 = arith.constant 7 : index
    %get3A_602 = arith.constant 0 : index
    %get3A_603 = arith.constant 0 : index
    %get3A_604 = vector.load %arg10[%get3A_601, %get3A_602, %get3A_603] : memref<9x96x12xf32, #tpu.memory_space<vmem>>, vector<1x96x12xf32>
    %get3A_605 = vector.shape_cast %get3A_604 : vector<1x96x12xf32> to vector<96x12xf32>
    %slice3A_606 = vector.extract_strided_slice %get3A_605 {offsets = [0, 0], sizes = [48, 12], strides = [1, 1]} : vector<96x12xf32> to vector<48x12xf32>
    %slice3A_607 = vector.extract_strided_slice %mul3A_600 {offsets = [0, 0], sizes = [12, 1024], strides = [1, 1]} : vector<24x1024xf32> to vector<12x1024xf32>
    %dot_general3A_608 = arith.constant dense<0.000000e+00> : vector<48x1024xf32>
    %dot_general3A_609 = tpu.matmul %slice3A_606, %slice3A_607, %dot_general3A_608 {dimension_numbers = #tpu.dot_dimension_numbers<[1], [0], [0], [1], [0, 0, 1, 1], [], []>, transpose_lhs_hint = false} : vector<48x12xf32>, vector<12x1024xf32>, vector<48x1024xf32> -> vector<48x1024xf32>
    %add3A_610 = arith.addf %add3A_561, %dot_general3A_609 : vector<48x1024xf32>
    %slice3A_611 = vector.extract_strided_slice %get3A_605 {offsets = [48, 0], sizes = [48, 12], strides = [1, 1]} : vector<96x12xf32> to vector<48x12xf32>
    %slice3A_612 = vector.extract_strided_slice %mul3A_600 {offsets = [12, 0], sizes = [12, 1024], strides = [1, 1]} : vector<24x1024xf32> to vector<12x1024xf32>
    %dot_general3A_613 = arith.constant dense<0.000000e+00> : vector<48x1024xf32>
    %dot_general3A_614 = tpu.matmul %slice3A_611, %slice3A_612, %dot_general3A_613 {dimension_numbers = #tpu.dot_dimension_numbers<[1], [0], [0], [1], [0, 0, 1, 1], [], []>, transpose_lhs_hint = false} : vector<48x12xf32>, vector<12x1024xf32>, vector<48x1024xf32> -> vector<48x1024xf32>
    %add3A_615 = arith.addf %add3A_566, %dot_general3A_614 : vector<48x1024xf32>
    %slice3A_616 = vector.extract_strided_slice %dot_general3A_172 {offsets = [0, 33], sizes = [24, 991], strides = [1, 1]} : vector<24x1024xf32> to vector<24x991xf32>
    %slice3A_617 = vector.extract_strided_slice %dot_general3A_172 {offsets = [0, 0], sizes = [24, 33], strides = [1, 1]} : vector<24x1024xf32> to vector<24x33xf32>
    %concatenate3A_618 = tpu.concatenate %slice3A_616, %slice3A_617 in 1 : vector<24x991xf32>, vector<24x33xf32> -> vector<24x1024xf32>
    %add3A_619 = arith.constant 1 : i32
    %add3A_620 = vector.broadcast %add3A_619 : i32 to vector<1x1024xi32>
    %add3A_621 = arith.addi %select_n3A, %add3A_620 : vector<1x1024xi32>
    %ge3A_622 = arith.constant 0 : i32
    %ge3A_623 = vector.broadcast %ge3A_622 : i32 to vector<1x1024xi32>
    %ge3A_624 = arith.cmpi sge, %add3A_621, %ge3A_623 : vector<1x1024xi32>
    %add3A_625 = arith.constant 1 : i32
    %add3A_626 = vector.broadcast %add3A_625 : i32 to vector<1x1024xi32>
    %add3A_627 = arith.addi %select_n3A, %add3A_626 : vector<1x1024xi32>
    %lt3A_628 = arith.constant 32 : i32
    %lt3A_629 = vector.broadcast %lt3A_628 : i32 to vector<1x1024xi32>
    %lt3A_630 = arith.cmpi slt, %add3A_627, %lt3A_629 : vector<1x1024xi32>
    %and3A_631 = arith.andi %ge3A_624, %lt3A_630 : vector<1x1024xi1>
    %add3A_632 = arith.constant 1 : i32
    %add3A_633 = vector.broadcast %add3A_632 : i32 to vector<1x1024xi32>
    %add3A_634 = arith.addi %select_n3A_223, %add3A_633 : vector<1x1024xi32>
    %ge3A_635 = arith.constant 0 : i32
    %ge3A_636 = vector.broadcast %ge3A_635 : i32 to vector<1x1024xi32>
    %ge3A_637 = arith.cmpi sge, %add3A_634, %ge3A_636 : vector<1x1024xi32>
    %and3A_638 = arith.andi %and3A_631, %ge3A_637 : vector<1x1024xi1>
    %add3A_639 = arith.constant 1 : i32
    %add3A_640 = vector.broadcast %add3A_639 : i32 to vector<1x1024xi32>
    %add3A_641 = arith.addi %select_n3A_223, %add3A_640 : vector<1x1024xi32>
    %lt3A_642 = arith.constant 32 : i32
    %lt3A_643 = vector.broadcast %lt3A_642 : i32 to vector<1x1024xi32>
    %lt3A_644 = arith.cmpi slt, %add3A_641, %lt3A_643 : vector<1x1024xi32>
    %and3A_645 = arith.andi %and3A_638, %lt3A_644 : vector<1x1024xi1>
    %convert_element_type3A_646 = arith.extui %and3A_645 : vector<1x1024xi1> to vector<1x1024xi32>
    %convert_element_type3A_647 = arith.sitofp %convert_element_type3A_646 : vector<1x1024xi32> to vector<1x1024xf32>
    %mul3A_648 = vector.broadcast %convert_element_type3A_647 : vector<1x1024xf32> to vector<24x1024xf32>
    %mul3A_649 = arith.mulf %concatenate3A_618, %mul3A_648 : vector<24x1024xf32>
    %get3A_650 = arith.constant 8 : index
    %get3A_651 = arith.constant 0 : index
    %get3A_652 = arith.constant 0 : index
    %get3A_653 = vector.load %arg10[%get3A_650, %get3A_651, %get3A_652] : memref<9x96x12xf32, #tpu.memory_space<vmem>>, vector<1x96x12xf32>
    %get3A_654 = vector.shape_cast %get3A_653 : vector<1x96x12xf32> to vector<96x12xf32>
    %slice3A_655 = vector.extract_strided_slice %get3A_654 {offsets = [0, 0], sizes = [48, 12], strides = [1, 1]} : vector<96x12xf32> to vector<48x12xf32>
    %slice3A_656 = vector.extract_strided_slice %mul3A_649 {offsets = [0, 0], sizes = [12, 1024], strides = [1, 1]} : vector<24x1024xf32> to vector<12x1024xf32>
    %dot_general3A_657 = arith.constant dense<0.000000e+00> : vector<48x1024xf32>
    %dot_general3A_658 = tpu.matmul %slice3A_655, %slice3A_656, %dot_general3A_657 {dimension_numbers = #tpu.dot_dimension_numbers<[1], [0], [0], [1], [0, 0, 1, 1], [], []>, transpose_lhs_hint = false} : vector<48x12xf32>, vector<12x1024xf32>, vector<48x1024xf32> -> vector<48x1024xf32>
    %add3A_659 = arith.addf %add3A_610, %dot_general3A_658 : vector<48x1024xf32>
    %slice3A_660 = vector.extract_strided_slice %get3A_654 {offsets = [48, 0], sizes = [48, 12], strides = [1, 1]} : vector<96x12xf32> to vector<48x12xf32>
    %slice3A_661 = vector.extract_strided_slice %mul3A_649 {offsets = [12, 0], sizes = [12, 1024], strides = [1, 1]} : vector<24x1024xf32> to vector<12x1024xf32>
    %dot_general3A_662 = arith.constant dense<0.000000e+00> : vector<48x1024xf32>
    %dot_general3A_663 = tpu.matmul %slice3A_660, %slice3A_661, %dot_general3A_662 {dimension_numbers = #tpu.dot_dimension_numbers<[1], [0], [0], [1], [0, 0, 1, 1], [], []>, transpose_lhs_hint = false} : vector<48x12xf32>, vector<12x1024xf32>, vector<48x1024xf32> -> vector<48x1024xf32>
    %add3A_664 = arith.addf %add3A_615, %dot_general3A_663 : vector<48x1024xf32>
    %concatenate3A_665 = tpu.concatenate %add3A_659, %add3A_664 in 0 : vector<48x1024xf32>, vector<48x1024xf32> -> vector<96x1024xf32>
    %get3A_666 = arith.constant 0 : index
    %get3A_667 = arith.constant 0 : index
    %get3A_668 = vector.load %arg12[%get3A_666, %get3A_667] : memref<96x24xf32, #tpu.memory_space<vmem>>, vector<96x24xf32>
    %dot_general3A_669 = arith.constant dense<0.000000e+00> : vector<96x1024xf32>
    %dot_general3A_670 = tpu.matmul %get3A_668, %dot_general3A_172, %dot_general3A_669 {dimension_numbers = #tpu.dot_dimension_numbers<[1], [0], [0], [1], [0, 0, 1, 1], [], []>, transpose_lhs_hint = false} : vector<96x24xf32>, vector<24x1024xf32>, vector<96x1024xf32> -> vector<96x1024xf32>
    %add3A_671 = arith.addf %concatenate3A_665, %dot_general3A_670 : vector<96x1024xf32>
    %get3A_672 = arith.constant 0 : index
    %get3A_673 = arith.constant 0 : index
    %get3A_674 = vector.load %arg11[%get3A_672, %get3A_673] : memref<96x1xf32, #tpu.memory_space<vmem>>, vector<96x1xf32>
    %add3A_675 = vector.broadcast %get3A_674 : vector<96x1xf32> to vector<96x1024xf32>
    %add3A_676 = arith.addf %add3A_671, %add3A_675 : vector<96x1024xf32>
    %get3A_677 = arith.constant 0 : index
    %get3A_678 = arith.constant 0 : index
    %get3A_679 = vector.load %arg13[%get3A_677, %get3A_678] : memref<72x24xf32, #tpu.memory_space<vmem>>, vector<72x24xf32>
    %dot_general3A_680 = arith.constant dense<0.000000e+00> : vector<72x1024xf32>
    %dot_general3A_681 = tpu.matmul %get3A_679, %dot_general3A_178, %dot_general3A_680 {dimension_numbers = #tpu.dot_dimension_numbers<[1], [0], [0], [1], [0, 0, 1, 1], [], []>, transpose_lhs_hint = false} : vector<72x24xf32>, vector<24x1024xf32>, vector<72x1024xf32> -> vector<72x1024xf32>
    %concatenate3A_682 = tpu.concatenate %dot_general3A_681, %dot_general3A_178 in 0 : vector<72x1024xf32>, vector<24x1024xf32> -> vector<96x1024xf32>
    %concatenate3A_683 = tpu.concatenate %add3A_676, %concatenate3A_682 in 0 : vector<96x1024xf32>, vector<96x1024xf32> -> vector<192x1024xf32>
    %reduce_sum3A_684 = arith.constant dense<0.000000e+00> : vector<192xf32>
    %reduce_sum3A_685 = vector.multi_reduction <add>, %concatenate3A_683, %reduce_sum3A_684 [1] : vector<192x1024xf32> to vector<192xf32>
    %broadcast_in_dim3A_686 = vector.shape_cast %reduce_sum3A_685 : vector<192xf32> to vector<192x1xf32>
    %div3A_687 = arith.constant 1.024000e+03 : f32
    %div3A_688 = vector.broadcast %div3A_687 : f32 to vector<192x1xf32>
    %div3A_689 = arith.divf %broadcast_in_dim3A_686, %div3A_688 : vector<192x1xf32>
    %reduce_max3A = vector.shape_cast %div3A_689 : vector<192x1xf32> to vector<1x192x1xf32>
    %reduce_max3A_690 = arith.constant dense<0xFF800000> : vector<1xf32>
    %reduce_max3A_691 = vector.multi_reduction <maximumf>, %reduce_max3A, %reduce_max3A_690 [1, 2] : vector<1x192x1xf32> to vector<1xf32>
    %reduce_max3A_692 = vector.shape_cast %reduce_max3A_691 : vector<1xf32> to vector<1x1x1xf32>
    %reduce_max3A_693 = vector.extract %reduce_max3A_692[0, 0, 0] : f32 from vector<1x1x1xf32>
    %sub3A_694 = vector.broadcast %reduce_max3A_693 : f32 to vector<192x1xf32>
    %sub3A_695 = arith.subf %div3A_689, %sub3A_694 : vector<192x1xf32>
    %exp3A = math.exp %sub3A_695 : vector<192x1xf32>
    %reduce_sum3A_696 = vector.shape_cast %exp3A : vector<192x1xf32> to vector<1x192x1xf32>
    %reduce_sum3A_697 = arith.constant dense<0.000000e+00> : vector<1xf32>
    %reduce_sum3A_698 = vector.multi_reduction <add>, %reduce_sum3A_696, %reduce_sum3A_697 [1, 2] : vector<1x192x1xf32> to vector<1xf32>
    %reduce_sum3A_699 = vector.shape_cast %reduce_sum3A_698 : vector<1xf32> to vector<1x1x1xf32>
    %reduce_sum3A_700 = vector.extract %reduce_sum3A_699[0, 0, 0] : f32 from vector<1x1x1xf32>
    %div3A_701 = vector.broadcast %reduce_sum3A_700 : f32 to vector<192x1xf32>
    %div3A_702 = arith.divf %exp3A, %div3A_701 : vector<192x1xf32>
    %mul3A_703 = vector.broadcast %div3A_702 : vector<192x1xf32> to vector<192x1024xf32>
    %mul3A_704 = arith.mulf %concatenate3A_683, %mul3A_703 : vector<192x1024xf32>
    %slice3A_705 = vector.extract_strided_slice %mul3A_704 {offsets = [0, 0], sizes = [96, 1024], strides = [1, 1]} : vector<192x1024xf32> to vector<96x1024xf32>
    %slice3A_706 = vector.extract_strided_slice %mul3A_704 {offsets = [96, 0], sizes = [96, 1024], strides = [1, 1]} : vector<192x1024xf32> to vector<96x1024xf32>
    %add3A_707 = arith.addf %slice3A_705, %slice3A_706 : vector<96x1024xf32>
    %reduce_sum3A_708 = arith.constant dense<0.000000e+00> : vector<96xf32>
    %reduce_sum3A_709 = vector.multi_reduction <add>, %add3A_707, %reduce_sum3A_708 [1] : vector<96x1024xf32> to vector<96xf32>
    %broadcast_in_dim3A_710 = vector.shape_cast %reduce_sum3A_709 : vector<96xf32> to vector<96x1xf32>
    %div3A_711 = arith.constant 1.024000e+03 : f32
    %div3A_712 = vector.broadcast %div3A_711 : f32 to vector<96x1xf32>
    %div3A_713 = arith.divf %broadcast_in_dim3A_710, %div3A_712 : vector<96x1xf32>
    %sub3A_714 = vector.broadcast %div3A_713 : vector<96x1xf32> to vector<96x1024xf32>
    %sub3A_715 = arith.subf %add3A_707, %sub3A_714 : vector<96x1024xf32>
    %mul3A_716 = arith.mulf %sub3A_715, %sub3A_715 : vector<96x1024xf32>
    %reduce_sum3A_717 = arith.constant dense<0.000000e+00> : vector<96xf32>
    %reduce_sum3A_718 = vector.multi_reduction <add>, %mul3A_716, %reduce_sum3A_717 [1] : vector<96x1024xf32> to vector<96xf32>
    %broadcast_in_dim3A_719 = vector.shape_cast %reduce_sum3A_718 : vector<96xf32> to vector<96x1xf32>
    %div3A_720 = arith.constant 1.024000e+03 : f32
    %div3A_721 = vector.broadcast %div3A_720 : f32 to vector<96x1xf32>
    %div3A_722 = arith.divf %broadcast_in_dim3A_719, %div3A_721 : vector<96x1xf32>
    %add3A_723 = arith.constant 9.99999974E-6 : f32
    %add3A_724 = vector.broadcast %add3A_723 : f32 to vector<96x1xf32>
    %add3A_725 = arith.addf %div3A_722, %add3A_724 : vector<96x1xf32>
    %sqrt3A_726 = math.sqrt %add3A_725 : vector<96x1xf32>
    %div3A_727 = vector.broadcast %sqrt3A_726 : vector<96x1xf32> to vector<96x1024xf32>
    %div3A_728 = arith.divf %sub3A_715, %div3A_727 : vector<96x1024xf32>
    %get3A_729 = arith.constant 0 : index
    %get3A_730 = arith.constant 0 : index
    %get3A_731 = arith.constant 0 : index
    %get3A_732 = vector.load %arg14[%get3A_729, %get3A_730, %get3A_731] : memref<1x96x1024xf32, #tpu.memory_space<vmem>>, vector<1x96x1024xf32>
    %get3A_733 = vector.shape_cast %get3A_732 : vector<1x96x1024xf32> to vector<96x1024xf32>
    %add3A_734 = arith.addf %get3A_733, %div3A_728 : vector<96x1024xf32>
    %swap3A = arith.constant 0 : index
    %swap3A_735 = arith.constant 0 : index
    %swap3A_736 = arith.constant 0 : index
    %swap3A_737 = vector.load %arg15[%swap3A, %swap3A_735, %swap3A_736] : memref<1x96x1024xf32, #tpu.memory_space<vmem>>, vector<1x96x1024xf32>
    %swap3A_738 = vector.shape_cast %swap3A_737 : vector<1x96x1024xf32> to vector<96x1024xf32>
    %swap3A_739 = vector.shape_cast %add3A_734 : vector<96x1024xf32> to vector<1x96x1024xf32>
    tpu.vector_store %arg15[%swap3A, %swap3A_735, %swap3A_736], %swap3A_739 {strides = array<i32>} : memref<1x96x1024xf32, #tpu.memory_space<vmem>>, vector<1x96x1024xf32>,
    return
  }
  func.func @transform_0(%arg0: i32) -> (i32, i32, i32) {
    %c0_i32 = arith.constant 0 : i32
    %c0_i32_0 = arith.constant 0 : i32
    %c0_i32_1 = arith.constant 0 : i32
    return %arg0, %c0_i32, %c0_i32_0 : i32, i32, i32
  }
  func.func @transform_1(%arg0: i32) -> (i32, i32) {
    %c0_i32 = arith.constant 0 : i32
    %c0_i32_0 = arith.constant 0 : i32
    %c0_i32_1 = arith.constant 0 : i32
    return %c0_i32, %c0_i32_0 : i32, i32
  }
  func.func @transform_2(%arg0: i32) -> (i32, i32) {
    %c0_i32 = arith.constant 0 : i32
    %c0_i32_0 = arith.constant 0 : i32
    %c0_i32_1 = arith.constant 0 : i32
    return %c0_i32, %c0_i32_0 : i32, i32
  }
  func.func @transform_3(%arg0: i32) -> (i32, i32) {
    %c0_i32 = arith.constant 0 : i32
    %c0_i32_0 = arith.constant 0 : i32
    %c0_i32_1 = arith.constant 0 : i32
    return %c0_i32, %c0_i32_0 : i32, i32
  }
  func.func @transform_4(%arg0: i32) -> (i32, i32, i32) {
    %c0_i32 = arith.constant 0 : i32
    %c0_i32_0 = arith.constant 0 : i32
    %c0_i32_1 = arith.constant 0 : i32
    return %arg0, %c0_i32, %c0_i32_0 : i32, i32, i32
  }
  func.func @transform_5(%arg0: i32) -> (i32, i32) {
    %c0_i32 = arith.constant 0 : i32
    %c0_i32_0 = arith.constant 0 : i32
    %c0_i32_1 = arith.constant 0 : i32
    return %c0_i32, %c0_i32_0 : i32, i32
  }
  func.func @transform_6(%arg0: i32) -> (i32, i32) {
    %c0_i32 = arith.constant 0 : i32
    %c0_i32_0 = arith.constant 0 : i32
    %c0_i32_1 = arith.constant 0 : i32
    return %c0_i32, %c0_i32_0 : i32, i32
  }
  func.func @transform_7(%arg0: i32) -> (i32, i32) {
    %c0_i32 = arith.constant 0 : i32
    %c0_i32_0 = arith.constant 0 : i32
    %c0_i32_1 = arith.constant 0 : i32
    return %c0_i32, %c0_i32_0 : i32, i32
  }
  func.func @transform_8(%arg0: i32) -> (i32, i32) {
    %c0_i32 = arith.constant 0 : i32
    %c0_i32_0 = arith.constant 0 : i32
    %c0_i32_1 = arith.constant 0 : i32
    return %c0_i32, %c0_i32_0 : i32, i32
  }
  func.func @transform_9(%arg0: i32) -> (i32, i32, i32) {
    %c0_i32 = arith.constant 0 : i32
    %c0_i32_0 = arith.constant 0 : i32
    %c0_i32_1 = arith.constant 0 : i32
    %c0_i32_2 = arith.constant 0 : i32
    return %c0_i32, %c0_i32_0, %c0_i32_1 : i32, i32, i32
  }
  func.func @transform_10(%arg0: i32) -> (i32, i32) {
    %c0_i32 = arith.constant 0 : i32
    %c0_i32_0 = arith.constant 0 : i32
    %c0_i32_1 = arith.constant 0 : i32
    return %c0_i32, %c0_i32_0 : i32, i32
  }
  func.func @transform_11(%arg0: i32) -> (i32, i32) {
    %c0_i32 = arith.constant 0 : i32
    %c0_i32_0 = arith.constant 0 : i32
    %c0_i32_1 = arith.constant 0 : i32
    return %c0_i32, %c0_i32_0 : i32, i32
  }
  func.func @transform_12(%arg0: i32) -> (i32, i32) {
    %c0_i32 = arith.constant 0 : i32
    %c0_i32_0 = arith.constant 0 : i32
    %c0_i32_1 = arith.constant 0 : i32
    return %c0_i32, %c0_i32_0 : i32, i32
  }
  func.func @transform_13(%arg0: i32) -> (i32, i32, i32) {
    %c0_i32 = arith.constant 0 : i32
    %c0_i32_0 = arith.constant 0 : i32
    %c0_i32_1 = arith.constant 0 : i32
    return %arg0, %c0_i32, %c0_i32_0 : i32, i32, i32
  }
  func.func @transform_14(%arg0: i32) -> (i32, i32, i32) {
    %c0_i32 = arith.constant 0 : i32
    %c0_i32_0 = arith.constant 0 : i32
    %c0_i32_1 = arith.constant 0 : i32
    return %arg0, %c0_i32, %c0_i32_0 : i32, i32, i32
  }
}

</mosaic_0001>

<sc_bundles>
// kernel: kernel.13.cloned.1.call-start
scs
__scs_entry_jumppad:
0x0: {  	(pc) =	sbr.rel $0x88, $3  }
0x1: {  	(tag) =	ssettag $0x0;
	lr =	simm.s32 $0x1  }
0x2: {  	[smem:$0x3F7A] =	sst lr;
	_ =	strace $0xD0000000  }
0x3: {  	_ = 	snop  }
0x4: {  	_ = 	snop  }
0x5: {  	_ = 	snop  }
0x6: {  	_ = 	snop  }
0x7: {  	_ = 	snop  }
__scs_overlays_trampoline_lowered:
0x8: {  	[smem:$0x3F89] =	sst s0  }
0x9: {  	[smem:$0x3F8A] =	sst s1  }
0xa: {  	[smem:$0x3F8B] =	sst s2  }
0xb: {  	[smem:$0x3F8C] =	sst s3  }
0xc: {  	[smem:$0x3F8D] =	sst s4  }
0xd: {  	[smem:$0x3F8E] =	sst s5  }
0xe: {  	[smem:$0x3F8F] =	sst s6  }
0xf: {  	[smem:$0x3F90] =	sst s7  }
0x10: {  	[smem:$0x3F91] =	sst s8  }
0x11: {  	[smem:$0x3F92] =	sst s9;
	s0 =	simm.s32 @!p0 $0x0  }
0x12: {  	s1 =	sld [smem:$0x3F78];
	s0 =	simm.s32 @p0 $0x1  }
0x13: {  	[smem:$0x3F93] =	sst s0;
	s0 =	simm.s32 @!p1 $0x0  }
0x14: {  	s2 =	sld [smem:$0x3F77];
	s0 =	simm.s32 @p1 $0x1  }
0x15: {  	[smem:$0x3F94] =	sst s0;
	s0 =	simm.s32 @!p2 $0x0  }
0x16: {  	s3 =	sld [smem:$0x3FDB];
	s0 =	simm.s32 @p2 $0x1  }
0x17: {  	s4 =	simm.s32 $0x1BF5;
	[smem:$0x3F96] =	sst s0  }
0x18: {  	s0 =	sld [smem:$0x3F79];
	_ =	swait.ge [sflag:s4], $0x0  }
0x19: {  	s7 =	sld [smem:$0x3F7A]  }
0x1a: {  	s8 =	sadd.s32 $0xFFFFE003, lr  }
0x1b: {  	s9 =	sadd.s32 $0xFFFFFEF7, lr;
	s5 =	simm.s32 $0xFFFFFFFF;
	p2 =	slt.u32 s8, $0xFFFFF086  }
0x1c: {  	p1 =	slt.u32 s9, $0xF7A;
	s5 =	simm.s32 @!p2 $0x0  }
0x1d: {  	s5 =	simm.s32 @p1 $0x1;
	p0 =	seq.s32 s7, s2  }
0x1e: {  	s7 =	smul.u32 @!p0 $0xF7A, s2;
	p2 =	seq.s32 @!p0 s5, $0x0  }
0x1f: {  	s9 =	smul.u32 $0xF7A, s1;
	s8 =	simm.s32 @!p0 $0x1BF5;
	p2 =	por !p2, p0  }
0x20: {  	[sflag:s8] =	ssyncset.s32 @!p0 $0xFFFFF086;
	s6 =	sadd.s32 @!p0 s3, s7;
	s7 =	simm.s32 @!p0 $0x108  }
0x21: {  	s3 =	sadd.s32 s3, s9;
	s6 =	sadd.s32 @!p0 $0x88, s6;
	s7 =	simm.s32 @p2 $0x1082  }
0x22: {  	[simem:s7], [sflag:s8] =	dma.local @!p0 [hbm:s6], $0xF7A  }
0x23: {  	s9 =	sor.u32 $0xD0000000, s2;
	s6 =	simm.s32 $0x108;
	_ =	swait.ge @!p0 [sflag:s8], $0x0  }
0x24: {  	s3 =	sadd.s32 $0x88, s3;
	s6 =	simm.s32 @!p1 $0x1082;
	[sflag:s4] =	ssyncset.s32 $0xFFFFF086  }
0x25: {  	[simem:s6], [sflag:s4] =	dma.local [hbm:s3], $0xF7A  }
0x26: {  	[smem:$0x3F7A] =	sst s1;
	(tag) =	ssettag s2;
	_ =	strace s9  }
0x27: {  	s1 =	sld [smem:$0x3F8A]  }
0x28: {  	s2 =	sld [smem:$0x3F8B]  }
0x29: {  	s4 =	sld [smem:$0x3F8D]  }
0x2a: {  	p0 =	seq.s32 s5, $0x0;
	s5 =	sld [smem:$0x3F8E]  }
0x2b: {  	s6 =	sld [smem:$0x3F8F]  }
0x2c: {  	s7 =	sld [smem:$0x3F90]  }
0x2d: {  	s3 =	simm.s32 $0x108;
	s8 =	sld [smem:$0x3F91]  }
0x2e: {  	s3 =	simm.s32 @!p0 $0x1082;
	s9 =	sld [smem:$0x3F92]  }
0x2f: {  	lr =	sadd.s32 s0, s3;
	s0 =	sld [smem:$0x3F89]  }
0x30: {  	s3 =	sld [smem:$0x3F8C]  }
0x31: {  	[smem:$0x3F95] =	sst s10  }
0x32: {  	s10 =	sld [smem:$0x3F93];
	_ =	sdelay $0x3  }
0x33: {  	p0 =	seq.s32 s10, $0x1;
	s10 =	sld [smem:$0x3F95];
	_ =	sdelay $0x3  }
0x34: {  	[smem:$0x3F95] =	sst s10  }
0x35: {  	s10 =	sld [smem:$0x3F94];
	_ =	sdelay $0x3  }
0x36: {  	p1 =	seq.s32 s10, $0x1;
	s10 =	sld [smem:$0x3F95];
	_ =	sdelay $0x3  }
0x37: {  	[smem:$0x3F95] =	sst s10  }
0x38: {  	s10 =	sld [smem:$0x3F96]  }
0x39: {  	_ = 	snop;
	(pc) =	sbr.ind lr, $3  }
0x3a: {  	_ = 	snop  }
0x3b: {  	_ = 	snop  }
0x3c: {  	p2 =	seq.s32 s10, $0x1;
	s10 =	sld [smem:$0x3F95]  }
0x3d: {  	_ =	shalt  }
0x3e: {  	_ =	shalt  }
0x3f: {  	_ =	shalt  }
0x40: {  	_ =	shalt  }
0x41: {  	_ =	shalt  }
0x42: {  	_ =	shalt  }
0x43: {  	_ =	shalt  }
0x44: {  	_ =	shalt  }
0x45: {  	_ =	shalt  }
0x46: {  	_ =	shalt  }
0x47: {  	_ =	shalt  }
0x48: {  	_ =	shalt  }
0x49: {  	_ =	shalt  }
0x4a: {  	_ =	shalt  }
0x4b: {  	_ =	shalt  }
0x4c: {  	_ =	shalt  }
0x4d: {  	_ =	shalt  }
0x4e: {  	_ =	shalt  }
0x4f: {  	_ =	shalt  }
0x50: {  	_ =	shalt  }
0x51: {  	_ =	shalt  }
0x52: {  	_ =	shalt  }
0x53: {  	_ =	shalt  }
0x54: {  	_ =	shalt  }
0x55: {  	_ =	shalt  }
0x56: {  	_ =	shalt  }
0x57: {  	_ =	shalt  }
0x58: {  	_ =	shalt  }
0x59: {  	_ =	shalt  }
0x5a: {  	_ =	shalt  }
0x5b: {  	_ =	shalt  }
0x5c: {  	_ =	shalt  }
0x5d: {  	_ =	shalt  }
0x5e: {  	_ =	shalt  }
0x5f: {  	_ =	shalt  }
0x60: {  	_ =	shalt  }
0x61: {  	_ =	shalt  }
0x62: {  	_ =	shalt  }
0x63: {  	_ =	shalt  }
0x64: {  	_ =	shalt  }
0x65: {  	_ =	shalt  }
0x66: {  	_ =	shalt  }
0x67: {  	_ =	shalt  }
0x68: {  	_ =	shalt  }
0x69: {  	_ =	shalt  }
0x6a: {  	_ =	shalt  }
0x6b: {  	_ =	shalt  }
0x6c: {  	_ =	shalt  }
0x6d: {  	_ =	shalt  }
0x6e: {  	_ =	shalt  }
0x6f: {  	_ =	shalt  }
0x70: {  	_ =	shalt  }
0x71: {  	_ =	shalt  }
0x72: {  	_ =	shalt  }
0x73: {  	_ =	shalt  }
0x74: {  	_ =	shalt  }
0x75: {  	_ =	shalt  }
0x76: {  	_ =	shalt  }
0x77: {  	_ =	shalt  }
0x78: {  	_ =	shalt  }
0x79: {  	_ =	shalt  }
0x7a: {  	_ =	shalt  }
0x7b: {  	_ =	shalt  }
0x7c: {  	_ =	shalt  }
0x7d: {  	_ =	shalt  }
0x7e: {  	_ =	shalt  }
0x7f: {  	_ =	shalt  }
0x80: {  	_ =	shalt  }
0x81: {  	_ =	shalt  }
0x82: {  	_ =	shalt  }
0x83: {  	_ =	shalt  }
0x84: {  	_ =	shalt  }
0x85: {  	_ =	shalt  }
0x86: {  	_ =	shalt  }
0x87: {  	_ =	shalt  }
.Lfunc_end0:
.L_simem_size_0:
called_computation_lowered:
.L_overlay_start_0:
0x88: {  	s2 =	sld [smem:$0x3FD9]  }
0x89: {  	s3 =	sld [smem:$0x3FFE];
	_ =	sdelay $0x1  }
0x8a: {  	s1 =	srdreg.scid  }
0x8b: {  	s0 =	sand.u32 $0x1, s1  }
0x8c: {  	s17 =	sshll.u32 s0, $0xA;
	s2 =	sadd.s32 s3, s2  }
0x8d: {  	s2 =	sadd.s32 s2, s17  }
0x8e: {  	[smem:$0x3FA1] =	sst s2  }
0x8f: {  	_ = 	snop  }
0x90: {  	s2 =	sld [smem:$0x3FD0];
	(tm) =	ssettm $0x1  }
0x91: {  	s18 =	sld [smem:$0x3FFB];
	_ =	sdelay $0x3  }
0x92: {  	_ =	strace s18  }
0x93: {  	s3 =	sld [smem:$0x3FFC];
	_ =	sdelay $0x3  }
0x94: {  	_ =	strace s3  }
0x95: {  	s3 =	sld [smem:$0x3FFD];
	_ =	sdelay $0x3  }
0x96: {  	_ =	strace s3  }
0x97: {  	_ =	strace $0x8FFFFFFF  }
0x98: {  	s19 =	sld [smem:$0x3FDB];
	_ =	sdelay $0x1  }
0x99: {  	s4 =	simm.s32 $_scs_section_size  }
0x9a: {  	s5 =	simm.s32 $_size__tile_overlayer_lowered;
	s6 =	simm.s32 $_tile_overlayer_lowered  }
0x9b: {  	s22 =	simm.s32 $0x1BFF;
	s21 =	sshll.u32 s6, $0x1;
	s3 =	sadd.s32 s4, s19  }
0x9c: {  	s7 =	simm.s32 $0x0;
	s20 =	sshll.u32 s5, $0x1;
	s5 =	sadd.s32 s21, s3  }
0x9d: {  	[timem:s7], [sflag:s22] =	dma.local [hbm:s5], s20  }
0x9e: {  	_ =	swait.ge [sflag:s22], s20  }
0x9f: {  	s4 =	ssub.s32 $0x0, s20;
	[sflag:s22] =	ssyncset.done $0x0  }
0xa0: {  	[sflag:s22] =	ssyncadd.s32 s4;
	_ =	sdelay $0x1  }
0xa1: {  	s23 =	simm.s32 $0x1B8B  }
0xa2: {  	_ =	swait.ge [sflag:s23], $0x1  }
0xa3: {  	[sflag:s23] =	ssyncset.done $0x0  }
0xa4: {  	s25 =	simm.s32 $0x1B8E;
	s24 =	sld [smem:$0x3FFE];
	[sflag:s23] =	ssyncadd.s32 $0xFFFFFFFF  }
0xa5: {  	s26 =	simm.s32 $execute0_lowered;
	[smem:$0x3FD2] =	sst s25  }
0xa6: {  	s5 =	sshll.u32 s26, $0x1;
	_ =	strace $0x80000046;
	[dreg:$0x1] =	wrdreg $0xFFFFFFFF  }
0xa7: {  	s28 =	simm.s32 $_size_execute0_lowered;
	s3 =	sadd.s32 s3, s5;
	[dreg:$0x0] =	wrdreg $0x0  }
0xa8: {  	s5 =	sshll.u32 s28, $0x1;
	[dreg:$0x2] =	wrdreg s3  }
0xa9: {  	[dreg:$0x3] =	wrdreg s5  }
0xaa: {  	[dreg:$0x4] =	wrdreg $0xC0  }
0xab: {  	_ =	task [dreg:s7], $0x5FFFF  }
0xac: {  	[dreg:$0x1] =	wrdreg $0xFFFFFFFF  }
0xad: {  	[dreg:$0x0] =	wrdreg $0x60  }
0xae: {  	[dreg:$0x2] =	wrdreg s2  }
0xaf: {  	[dreg:$0x3] =	wrdreg s24  }
0xb0: {  	[dreg:$0x4] =	wrdreg $0x9  }
0xb1: {  	_ =	task.clear_ibuf [dreg:s7], $0x5FFFF;
	_ =	strace $0x90000046  }
0xb2: {  	s29 =	simm.s32 $0x9;
	_ =	strace $0x80000048  }
0xb3: {  	_ =	swait.ge [sflag:s29], $0x1  }
0xb4: {  	[sflag:s29] =	ssyncadd.s32 $0xFFFFFFFF  }
0xb5: {  	_ =	strace $0x90000048  }
0xb6: {  	_ =	sfence  }
0xb7: {  	s30 =	sld [smem:$0x0];
	_ =	sdelay $0x2  }
0xb8: {  	s31 =	sshll.u32 s1, $0xD;
	s1 =	sshrl.u32 s1, $0x2  }
0xb9: {  	s3 =	sand.u32 $0x4000, s31;
	s1 =	sadd.s32 s1, s30  }
0xba: {  	s0 =	sor.u32 s3, s0;
	s1 =	sshll.u32 s1, $0x11  }
0xbb: {  	s0 =	sor.u32 s1, s0  }
0xbc: {  	s0 =	sadd.s32 $0x8F2B, s0  }
0xbd: {  	[sflag:s0] =	ssyncadd.remote.s32 $0x1  }
0xbe: {  	_ =	sfence.sel $0xFFFF  }
0xbf: {  	[dreg:$0x0] =	wrdreg $0xFFFFFFFF;
	(pc) =	sbr.abs _section_cstart, $3  }
0xc0: {  	[dreg:$0x1] =	wrdreg $0xFFFFFFFF  }
0xc1: {  	_ =	task.clear_ibuf [dreg:s7], $0x2FFFF;
	_ =	strace $0x9FFFFFFF  }
0xc2: {  	(tm) =	ssettm $0x7FFFFFFF  }
0xc3: {  	_ =	shalt  }
tec
execute0_lowered:
.L_overlay_start_1:
0x0: {  	(tag) =	ssettag $0x1  }
0x1: {  	s1 =	rddreg [dreg:$0x0]  }
0x2: {  	s5 =	rddreg [dreg:$0x1]  }
0x3: {  	s0 =	rddreg [dreg:$0x2]  }
0x4: {  	s2 =	simm.s32 $0x0;
	s3 =	srdreg.scid;
	s9 =	simm.s32 $0x80  }
0x5: {  	s10 =	simm.s32 $0x100;
	s11 =	simm.s32 $0x180;
	s12 =	simm.s32 $0x200  }
0x6: {  	s13 =	simm.s32 $0x280;
	s14 =	simm.s32 $0x300;
	s15 =	simm.s32 $0x40  }
0x7: {  	s16 =	simm.s32 $0x380;
	s17 =	simm.s32 $0x2380;
	s18 =	simm.s32 $0x4380  }
0x8: {  	s19 =	simm.s32 $0x6380;
	s20 =	simm.s32 $0x8380;
	s21 =	simm.s32 $0xA380  }
0x9: {  	s22 =	simm.s32 $0xC380;
	s23 =	simm.s32 $0x1;
	s24 =	simm.s32 $0xE380  }
0xa: {  	s25 =	simm.s32 $0x0;
	[smem:$0x7FF] =	sst s2;
	s6 =	sand.u32 $0x1, s3  }
0xb: {  	s4 =	sadd.s32 $0x37200, s5;
	s3 =	stileid.u32;
	s7 =	ssub.s32 $0x2, s6  }
0xc: {  	s5 =	sadd.s32 $0xA7200, s5;
	_ =	strace $0x80000047;
	s8 =	sshrl.u32 s7, $0x1  }
0xd: {  	s31 =	sshll.u32 s3, $0xA;
	s6 =	sshll.u32 s6, $0x9;
	s7 =	ssub.s32 s7, s8  }
0xe: {  	s6 =	sor.u32 s6, s31;
	s8 =	simm.s32 $0x2;
	s7 =	smax.u32 s7, $0x1  }
.LBB2_1:
0xf: {  	s26 =	simm.s32 $0x0  }
.LBB2_2:
0x10: {  	s29 =	sshll.u32 s26, $0x6  }
0x11: {  	s30 =	sand.u32 $0x1, s26;
	s28 =	sadd.s32 s6, s29  }
0x12: {  	p1 =	seq.s32 s30, $0x1;
	p0 =	seq.s32 s28, $0x0  }
0x13: {  	p0 =	por !p0, !p1  }
0x14: {  	s30 =	simm.s32 $0xFFFFFFFF;
	p0 =	por !p0, !p0  }
0x15: {  	s30 =	simm.s32 @!p0 $0x0  }
0x16: {  	s30 =	sshll.u32 s30, $0x7  }
0x17: {  	s30 =	sadd.s32 s28, s30  }
0x18: {  	s29 =	sand.u32 $0x40, s29;
	s30 =	sand.u32 $0xFFFFFF80, s30  }
0x19: {  	s29 =	sor.u32 s29, s30  }
0x1a: {  	s30 =	sshrl.u32 s29, $0x3  }
0x1b: {  	s31 =	simm.s32 $0x0;
	s30 =	sadd.s32 s4, s30  }
0x1c: {  	[tilespmem:s31], [sflag:$0x2] =	stream.linear.gather [hbm4b:s30+s31], $0x40, $0x38;
	[tilespmem:$0x10380] =	vst v63  }
0x1d: {  	s30 =	sadd.s32 $0x4000, s29;
	_ =	swait.ge [sflag:s8], $0x40  }
0x1e: {  	s30 =	sshrl.u32 s30, $0x3;
	[sflag:s8] =	ssyncset.done $0x0  }
0x1f: {  	s30 =	sadd.s32 s4, s30;
	[sflag:s8] =	ssyncadd.s32 $0xFFFFFFC0  }
0x20: {  	[tilespmem:s9], [sflag:$0x2] =	stream.linear.gather [hbm4b:s30+s31], $0x40, $0x38;
	[tilespmem:$0x10380] =	vst v63  }
0x21: {  	s30 =	sadd.s32 $0x8000, s29;
	_ =	swait.ge [sflag:s8], $0x40  }
0x22: {  	s30 =	sshrl.u32 s30, $0x3;
	[sflag:s8] =	ssyncset.done $0x0  }
0x23: {  	s30 =	sadd.s32 s4, s30;
	[sflag:s8] =	ssyncadd.s32 $0xFFFFFFC0  }
0x24: {  	[tilespmem:s10], [sflag:$0x2] =	stream.linear.gather [hbm4b:s30+s31], $0x40, $0x38;
	[tilespmem:$0x10380] =	vst v63  }
0x25: {  	s30 =	sadd.s32 $0xC000, s29;
	_ =	swait.ge [sflag:s8], $0x40  }
0x26: {  	s30 =	sshrl.u32 s30, $0x3;
	[sflag:s8] =	ssyncset.done $0x0  }
0x27: {  	s30 =	sadd.s32 s4, s30;
	[sflag:s8] =	ssyncadd.s32 $0xFFFFFFC0  }
0x28: {  	[tilespmem:s11], [sflag:$0x2] =	stream.linear.gather [hbm4b:s30+s31], $0x40, $0x38;
	[tilespmem:$0x10380] =	vst v63  }
0x29: {  	s30 =	sadd.s32 $0x10000, s29;
	_ =	swait.ge [sflag:s8], $0x40  }
0x2a: {  	s30 =	sshrl.u32 s30, $0x3;
	[sflag:s8] =	ssyncset.done $0x0  }
0x2b: {  	s30 =	sadd.s32 s4, s30;
	[sflag:s8] =	ssyncadd.s32 $0xFFFFFFC0  }
0x2c: {  	[tilespmem:s12], [sflag:$0x2] =	stream.linear.gather [hbm4b:s30+s31], $0x40, $0x38;
	[tilespmem:$0x10380] =	vst v63  }
0x2d: {  	s30 =	sadd.s32 $0x14000, s29;
	_ =	swait.ge [sflag:s8], $0x40  }
0x2e: {  	s30 =	sshrl.u32 s30, $0x3;
	[sflag:s8] =	ssyncset.done $0x0  }
0x2f: {  	s30 =	sadd.s32 s4, s30;
	[sflag:s8] =	ssyncadd.s32 $0xFFFFFFC0  }
0x30: {  	[tilespmem:s13], [sflag:$0x2] =	stream.linear.gather [hbm4b:s30+s31], $0x40, $0x38;
	[tilespmem:$0x10380] =	vst v63  }
0x31: {  	s29 =	sadd.s32 $0x18000, s29;
	_ =	swait.ge [sflag:s8], $0x40  }
0x32: {  	s29 =	sshrl.u32 s29, $0x3;
	[sflag:s8] =	ssyncset.done $0x0  }
0x33: {  	s29 =	sadd.s32 s4, s29;
	[sflag:s8] =	ssyncadd.s32 $0xFFFFFFC0  }
0x34: {  	[tilespmem:s14], [sflag:$0x2] =	stream.linear.gather [hbm4b:s29+s31], $0x40, $0x38;
	[tilespmem:$0x10380] =	vst v63  }
0x35: {  	_ =	swait.ge [sflag:s8], $0x40  }
0x36: {  	[sflag:s8] =	ssyncset.done $0x0  }
0x37: {  	[sflag:s8] =	ssyncadd.s32 $0xFFFFFFC0  }
0x38: {  	[tilespmem:s16], [sflag:$0x1] =	stream.indirect.gather [hbm4b:s1+s15], $0x80, s31, s15, $0xb8;
	[tilespmem:$0x10380] =	vst v63  }
0x39: {  	_ = 	snop  }
0x3a: {  	[tilespmem:s17], [sflag:$0x1] =	stream.indirect.gather [hbm4b:s1+s15], $0x80, s9, s15, $0xb8;
	[tilespmem:$0x10380] =	vst v63  }
0x3b: {  	_ = 	snop  }
0x3c: {  	[tilespmem:s18], [sflag:$0x1] =	stream.indirect.gather [hbm4b:s1+s15], $0x80, s10, s15, $0xb8;
	[tilespmem:$0x10380] =	vst v63  }
0x3d: {  	_ = 	snop  }
0x3e: {  	[tilespmem:s19], [sflag:$0x1] =	stream.indirect.gather [hbm4b:s1+s15], $0x80, s11, s15, $0xb8;
	[tilespmem:$0x10380] =	vst v63  }
0x3f: {  	_ = 	snop  }
0x40: {  	[tilespmem:s20], [sflag:$0x1] =	stream.indirect.gather [hbm4b:s1+s15], $0x80, s12, s15, $0xb8;
	[tilespmem:$0x10380] =	vst v63  }
0x41: {  	_ = 	snop  }
0x42: {  	[tilespmem:s21], [sflag:$0x1] =	stream.indirect.gather [hbm4b:s1+s15], $0x80, s13, s15, $0xb8;
	[tilespmem:$0x10380] =	vst v63  }
0x43: {  	_ = 	snop  }
0x44: {  	[tilespmem:s22], [sflag:$0x1] =	stream.indirect.gather [hbm4b:s1+s15], $0x80, s14, s15, $0xb8;
	[tilespmem:$0x10380] =	vst v63  }
0x45: {  	_ =	swait.ge [sflag:s23], $0x2000  }
0x46: {  	[sflag:s23] =	ssyncset.done $0x0  }
0x47: {  	[sflag:s23] =	ssyncadd.s32 $0xFFFFE000  }
0x48: {  	_ =	swait.ge [sflag:s23], $0x2000  }
0x49: {  	[sflag:s23] =	ssyncset.done $0x0  }
0x4a: {  	[sflag:s23] =	ssyncadd.s32 $0xFFFFE000  }
0x4b: {  	_ =	swait.ge [sflag:s23], $0x2000  }
0x4c: {  	[sflag:s23] =	ssyncset.done $0x0  }
0x4d: {  	[sflag:s23] =	ssyncadd.s32 $0xFFFFE000  }
0x4e: {  	_ =	swait.ge [sflag:s23], $0x2000  }
0x4f: {  	[sflag:s23] =	ssyncset.done $0x0  }
0x50: {  	[sflag:s23] =	ssyncadd.s32 $0xFFFFE000  }
0x51: {  	_ =	swait.ge [sflag:s23], $0x2000  }
0x52: {  	[sflag:s23] =	ssyncset.done $0x0  }
0x53: {  	[sflag:s23] =	ssyncadd.s32 $0xFFFFE000  }
0x54: {  	_ =	swait.ge [sflag:s23], $0x2000  }
0x55: {  	[sflag:s23] =	ssyncset.done $0x0  }
0x56: {  	[sflag:s23] =	ssyncadd.s32 $0xFFFFE000  }
0x57: {  	_ =	swait.ge [sflag:s23], $0x2000  }
0x58: {  	[sflag:s23] =	ssyncset.done $0x0  }
0x59: {  	s29 =	simm.s32 $0x0;
	[sflag:s23] =	ssyncadd.s32 $0xFFFFE000  }
0x5a: {  	v0 =	vld [tilespmem:s29+$0x3D0]  }
0x5b: {  	v1 =	vld [tilespmem:s29+$0x23D0]  }
0x5c: {  	v2 =	vld [tilespmem:s29+$0x43D0]  }
0x5d: {  	v3 =	vld [tilespmem:s29+$0x63D0]  }
0x5e: {  	v4 =	vld [tilespmem:s29+$0x83D0]  }
0x5f: {  	v5 =	vld [tilespmem:s29+$0xA3D0]  }
0x60: {  	v6 =	vld [tilespmem:s29+$0xC3D0]  }
0x61: {  	v7 =	vld [tilespmem:s29+$0x23B0]  }
0x62: {  	v8 =	vld [tilespmem:s29+$0x3C0]  }
0x63: {  	v9 =	vld [tilespmem:s29+$0x23C0]  }
0x64: {  	v10 =	vld [tilespmem:s29+$0x4380]  }
0x65: {  	v11 =	vld [tilespmem:s29+$0x4390]  }
0x66: {  	v12 =	vld [tilespmem:s29+$0x43A0]  }
0x67: {  	v13 =	vld [tilespmem:s29+$0x43B0]  }
0x68: {  	v14 =	vld [tilespmem:s29+$0x43C0]  }
0x69: {  	v15 =	vld [tilespmem:s29+$0x6380]  }
0x6a: {  	v16 =	vld [tilespmem:s29+$0x6390]  }
0x6b: {  	v17 =	vld [tilespmem:s29+$0x63A0]  }
0x6c: {  	v18 =	vld [tilespmem:s29+$0x63B0]  }
0x6d: {  	v19 =	vld [tilespmem:s29+$0x63C0]  }
0x6e: {  	v20 =	vld [tilespmem:s29+$0x8380]  }
0x6f: {  	v21 =	vld [tilespmem:s29+$0x8390]  }
0x70: {  	v22 =	vld [tilespmem:s29+$0x83A0]  }
0x71: {  	v23 =	vld [tilespmem:s29+$0x83B0]  }
0x72: {  	v24 =	vld [tilespmem:s29+$0x83C0]  }
0x73: {  	v0 =	vmax.f32 v0, v1;
	v1 =	vld [tilespmem:s29+$0x380]  }
0x74: {  	v0 =	vmax.f32 v0, v2;
	v2 =	vld [tilespmem:s29+$0x2380]  }
0x75: {  	v0 =	vmax.f32 v0, v3;
	v3 =	vld [tilespmem:s29+$0x390]  }
0x76: {  	v0 =	vmax.f32 v0, v4;
	v4 =	vld [tilespmem:s29+$0x2390]  }
0x77: {  	v0 =	vmax.f32 v0, v5;
	v5 =	vld [tilespmem:s29+$0x3A0]  }
0x78: {  	v0 =	vmax.f32 v0, v6;
	v6 =	vld [tilespmem:s29+$0x23A0]  }
0x79: {  	[tilespmem:s29+$0xE3D0] =	vst v0;
	v0 =	vld [tilespmem:s29+$0x3B0]  }
0x7a: {  	v25 =	vld [tilespmem:s29+$0xA380]  }
0x7b: {  	v26 =	vld [tilespmem:s29+$0xA390];
	v1 =	vmax.f32 v1, v2  }
0x7c: {  	v1 =	vmax.f32 v1, v10;
	v10 =	vld [tilespmem:s29+$0xC380];
	v2 =	vmax.f32 v3, v4  }
0x7d: {  	v4 =	vld [tilespmem:s29+$0xA3A0];
	v2 =	vmax.f32 v2, v11;
	v3 =	vmax.f32 v5, v6  }
0x7e: {  	v5 =	vmax.f32 v8, v9;
	v6 =	vld [tilespmem:s29+$0xA3B0];
	v2 =	vmax.f32 v2, v16;
	v0 =	vmax.f32 v0, v7  }
0x7f: {  	v9 =	vld [tilespmem:s29+$0xA3C0];
	v3 =	vmax.f32 v3, v12;
	v5 =	vmax.f32 v5, v14;
	v7 =	vmax.f32 v1, v15  }
0x80: {  	v1 =	vld [tilespmem:s29+$0xC390];
	v8 =	vmax.f32 v2, v21;
	v0 =	vmax.f32 v0, v13;
	v3 =	vmax.f32 v3, v17  }
0x81: {  	v2 =	vld [tilespmem:s29+$0xC3A0];
	v5 =	vmax.f32 v5, v19;
	v7 =	vmax.f32 v7, v20;
	v8 =	vmax.f32 v8, v26  }
0x82: {  	v0 =	vmax.f32 v0, v18;
	v11 =	vmax.f32 v3, v22;
	v5 =	vmax.f32 v5, v24;
	v3 =	vld [tilespmem:s29+$0xC3B0]  }
0x83: {  	s31 =	simm.s32 $0x80;
	v63 =	vmax.f32 v7, v25;
	v0 =	vmax.f32 v0, v23;
	v7 =	vmax.f32 v11, v4;
	v4 =	vld [tilespmem:s29+$0xC3C0]  }
0x84: {  	s30 =	simm.s32 $0x400;
	v6 =	vmax.f32 v0, v6;
	v5 =	vmax.f32 v5, v9;
	v0 =	vld [tilespmem:s31+$0x3D0];
	v9 =	vmax.f32 v63, v10  }
.LBB2_3:
0x85: {  	p0 =	sne.s32 s30, $0x7E00;
	v10 =	vld [tilespmem:s31+$0x23D0];
	[tilespmem:s29+$0xE380] =	vst v9;
	v1 =	vmax.f32 v8, v1  }
0x86: {  	v8 =	vld [tilespmem:s31+$0x43D0];
	[tilespmem:s29+$0xE390] =	vst v1;
	v1 =	vmax.f32 v7, v2  }
0x87: {  	v2 =	vld [tilespmem:s31+$0x63D0];
	[tilespmem:s29+$0xE3A0] =	vst v1;
	v1 =	vmax.f32 v6, v3  }
0x88: {  	v3 =	vld [tilespmem:s31+$0x83D0];
	[tilespmem:s29+$0xE3B0] =	vst v1;
	v1 =	vmax.f32 v5, v4  }
0x89: {  	v4 =	vld [tilespmem:s31+$0xA3D0];
	[tilespmem:s29+$0xE3C0] =	vst v1;
	s29 =	smov.u32 s31  }
0x8a: {  	v0 =	vmax.f32 v0, v10;
	v1 =	vld [tilespmem:s29+$0xC3D0]  }
0x8b: {  	v5 =	vld [tilespmem:s29+$0x380];
	v0 =	vmax.f32 v0, v8  }
0x8c: {  	v6 =	vld [tilespmem:s29+$0x2380];
	v0 =	vmax.f32 v0, v2  }
0x8d: {  	v2 =	vld [tilespmem:s29+$0x390];
	v0 =	vmax.f32 v0, v3  }
0x8e: {  	v3 =	vld [tilespmem:s29+$0x2390];
	v0 =	vmax.f32 v0, v4  }
0x8f: {  	v4 =	vld [tilespmem:s29+$0x3A0];
	v0 =	vmax.f32 v0, v1  }
0x90: {  	v1 =	vld [tilespmem:s29+$0x23A0];
	[tilespmem:s29+$0xE3D0] =	vst v0  }
0x91: {  	v0 =	vmax.f32 v5, v6;
	v5 =	vld [tilespmem:s29+$0x3B0]  }
0x92: {  	v6 =	vld [tilespmem:s29+$0x23B0]  }
0x93: {  	v2 =	vmax.f32 v2, v3;
	v3 =	vld [tilespmem:s29+$0x3C0]  }
0x94: {  	v7 =	vld [tilespmem:s29+$0x23C0]  }
0x95: {  	v8 =	vld [tilespmem:s29+$0x4380];
	v1 =	vmax.f32 v4, v1  }
0x96: {  	v4 =	vld [tilespmem:s29+$0x4390]  }
0x97: {  	v9 =	vld [tilespmem:s29+$0x43A0];
	v5 =	vmax.f32 v5, v6  }
0x98: {  	v6 =	vld [tilespmem:s29+$0x43B0]  }
0x99: {  	v3 =	vmax.f32 v3, v7;
	v7 =	vld [tilespmem:s29+$0x43C0]  }
0x9a: {  	v0 =	vmax.f32 v0, v8;
	v8 =	vld [tilespmem:s29+$0x6380]  }
0x9b: {  	v2 =	vmax.f32 v2, v4;
	v4 =	vld [tilespmem:s29+$0x6390]  }
0x9c: {  	v1 =	vmax.f32 v1, v9;
	v9 =	vld [tilespmem:s29+$0x63A0]  }
0x9d: {  	v5 =	vmax.f32 v5, v6;
	v6 =	vld [tilespmem:s29+$0x63B0]  }
0x9e: {  	v3 =	vmax.f32 v3, v7;
	v7 =	vld [tilespmem:s29+$0x63C0]  }
0x9f: {  	v0 =	vmax.f32 v0, v8;
	v8 =	vld [tilespmem:s29+$0x8380]  }
0xa0: {  	v2 =	vmax.f32 v2, v4;
	v4 =	vld [tilespmem:s29+$0x8390]  }
0xa1: {  	v1 =	vmax.f32 v1, v9;
	v9 =	vld [tilespmem:s29+$0x83A0]  }
0xa2: {  	v5 =	vmax.f32 v5, v6;
	v6 =	vld [tilespmem:s29+$0x83B0]  }
0xa3: {  	v3 =	vmax.f32 v3, v7;
	v7 =	vld [tilespmem:s29+$0x83C0]  }
0xa4: {  	v0 =	vmax.f32 v0, v8;
	v8 =	vld [tilespmem:s29+$0xA380]  }
0xa5: {  	v2 =	vmax.f32 v2, v4;
	v4 =	vld [tilespmem:s29+$0xA390]  }
0xa6: {  	v9 =	vmax.f32 v1, v9;
	v10 =	vld [tilespmem:s29+$0xA3A0]  }
0xa7: {  	v5 =	vmax.f32 v5, v6;
	v6 =	vld [tilespmem:s29+$0xA3B0]  }
0xa8: {  	v11 =	vmax.f32 v3, v7;
	v12 =	vld [tilespmem:s29+$0xA3C0]  }
0xa9: {  	v13 =	vmax.f32 v0, v8;
	v14 =	vld [tilespmem:s29+$0xC380]  }
.Ltmp0:
0xaa: {  	v8 =	vmax.f32 v2, v4;
	v1 =	vld [tilespmem:s29+$0xC390];
	(pc) =	sbr.rel @p0 .LBB2_3-.Ltmp0, $4  }
0xab: {  	v7 =	vmax.f32 v9, v10;
	v2 =	vld [tilespmem:s29+$0xC3A0]  }
0xac: {  	v6 =	vmax.f32 v5, v6;
	v3 =	vld [tilespmem:s29+$0xC3B0]  }
0xad: {  	s31 =	sshra.s32 s30, $0x2;
	v5 =	vmax.f32 v11, v12;
	v4 =	vld [tilespmem:s29+$0xC3C0]  }
0xae: {  	s30 =	sadd.s32 $0x200, s30;
	v0 =	vld [tilespmem:s31+$0x3D0];
	v9 =	vmax.f32 v13, v14  }
0xaf: {  	v10 =	vld [tilespmem:s31+$0x23D0];
	[tilespmem:s29+$0xE380] =	vst v9;
	v1 =	vmax.f32 v8, v1  }
0xb0: {  	v38 =	vld [tilespmem:s31+$0x43D0];
	[tilespmem:s29+$0xE390] =	vst v1;
	v39 =	vmax.f32 v7, v2  }
0xb1: {  	v40 =	vld [tilespmem:s31+$0x63D0];
	[tilespmem:s29+$0xE3A0] =	vst v39;
	v41 =	vmax.f32 v6, v3  }
0xb2: {  	v42 =	vld [tilespmem:s31+$0x83D0];
	[tilespmem:s29+$0xE3B0] =	vst v41;
	v43 =	vmax.f32 v5, v4  }
0xb3: {  	v44 =	vld [tilespmem:s31+$0xA3D0];
	[tilespmem:s29+$0xE3C0] =	vst v43  }
0xb4: {  	v1 =	vld [tilespmem:s31+$0xC3D0]  }
0xb5: {  	v45 =	vld [tilespmem:s31+$0x380]  }
0xb6: {  	v46 =	vld [tilespmem:s31+$0x2380]  }
0xb7: {  	v47 =	vld [tilespmem:s31+$0x390]  }
0xb8: {  	v48 =	vld [tilespmem:s31+$0x2390]  }
0xb9: {  	v49 =	vld [tilespmem:s31+$0x3A0]  }
0xba: {  	v50 =	vld [tilespmem:s31+$0x23A0]  }
0xbb: {  	v51 =	vld [tilespmem:s31+$0x3B0]  }
0xbc: {  	v52 =	vld [tilespmem:s31+$0x23B0]  }
0xbd: {  	v53 =	vld [tilespmem:s31+$0x3C0]  }
0xbe: {  	v9 =	vld [tilespmem:s31+$0x23C0]  }
0xbf: {  	v54 =	vld [tilespmem:s31+$0x4380]  }
0xc0: {  	v11 =	vld [tilespmem:s31+$0x4390]  }
0xc1: {  	v12 =	vld [tilespmem:s31+$0x43A0]  }
0xc2: {  	v13 =	vld [tilespmem:s31+$0x43B0]  }
0xc3: {  	v14 =	vld [tilespmem:s31+$0x43C0]  }
0xc4: {  	v15 =	vld [tilespmem:s31+$0x6380]  }
0xc5: {  	v16 =	vld [tilespmem:s31+$0x6390]  }
0xc6: {  	v17 =	vld [tilespmem:s31+$0x63A0]  }
0xc7: {  	v18 =	vld [tilespmem:s31+$0x63B0]  }
0xc8: {  	v19 =	vld [tilespmem:s31+$0x63C0]  }
0xc9: {  	v20 =	vld [tilespmem:s31+$0x8380]  }
0xca: {  	v21 =	vld [tilespmem:s31+$0x8390]  }
0xcb: {  	v22 =	vld [tilespmem:s31+$0x83A0]  }
0xcc: {  	v0 =	vmax.f32 v0, v10;
	v23 =	vld [tilespmem:s31+$0x83B0]  }
0xcd: {  	v24 =	vld [tilespmem:s31+$0x83C0];
	v0 =	vmax.f32 v0, v38  }
0xce: {  	v25 =	vld [tilespmem:s31+$0xA380];
	v0 =	vmax.f32 v0, v40  }
0xcf: {  	v26 =	vld [tilespmem:s31+$0xA390];
	v0 =	vmax.f32 v0, v42  }
0xd0: {  	v27 =	vld [tilespmem:s31+$0xA3A0];
	v0 =	vmax.f32 v0, v44  }
0xd1: {  	v28 =	vld [tilespmem:s31+$0xA3B0];
	v0 =	vmax.f32 v0, v1  }
0xd2: {  	v55 =	vld [tilespmem:s31+$0xA3C0];
	v5 =	vmax.f32 v45, v46;
	v2 =	vmax.f32 v47, v48;
	v1 =	vmax.f32 v49, v50  }
0xd3: {  	v57 =	vld [tilespmem:s31+$0xC380];
	v56 =	vmax.f32 v53, v9;
	[tilespmem:s31+$0xE3D0] =	vst v0;
	v0 =	vmax.f32 v51, v52;
	v5 =	vmax.f32 v5, v54  }
0xd4: {  	v58 =	vld [tilespmem:s31+$0xC390];
	v2 =	vmax.f32 v2, v11;
	v1 =	vmax.f32 v1, v12;
	v4 =	vmax.f32 v56, v14  }
0xd5: {  	v59 =	vld [tilespmem:s31+$0xC3A0];
	v0 =	vmax.f32 v0, v13;
	v5 =	vmax.f32 v5, v15;
	v2 =	vmax.f32 v2, v16  }
0xd6: {  	v61 =	vld [tilespmem:s31+$0xC3C0];
	v1 =	vmax.f32 v1, v17;
	v4 =	vmax.f32 v4, v19;
	v5 =	vmax.f32 v5, v20  }
0xd7: {  	v60 =	vld [tilespmem:s31+$0xC3B0];
	v0 =	vmax.f32 v0, v18;
	v2 =	vmax.f32 v2, v21;
	v5 =	vmax.f32 v5, v25  }
0xd8: {  	v1 =	vmax.f32 v1, v22;
	v2 =	vmax.f32 v2, v26;
	v5 =	vmax.f32 v5, v57  }
0xd9: {  	v4 =	vmax.f32 v4, v24;
	v1 =	vmax.f32 v1, v27;
	v2 =	vmax.f32 v2, v58;
	[tilespmem:s31+$0xE380] =	vst v5  }
0xda: {  	v0 =	vmax.f32 v0, v23;
	v62 =	vmax.f32 v4, v55;
	v1 =	vmax.f32 v1, v59;
	[tilespmem:s31+$0xE390] =	vst v2  }
0xdb: {  	s26 =	sadd.s32 $0x1, s26;
	v0 =	vmax.f32 v0, v28;
	v63 =	vmax.f32 v62, v61;
	[tilespmem:s31+$0xE3A0] =	vst v1  }
0xdc: {  	s28 =	sshll.u32 s28, $0x4;
	p0 =	sne.s32 s26, $0x8;
	v0 =	vmax.f32 v0, v60;
	[tilespmem:s31+$0xE3C0] =	vst v63  }
.Ltmp1:
0xdd: {  	s28 =	sadd.s32 s5, s28;
	[tilespmem:s31+$0xE3B0] =	vst v0;
	(pc) =	sbr.rel @p0 .LBB2_2-.Ltmp1, $4  }
0xde: {  	[hbm4b:s28+s2] =	stream.linear.scatter [tilespmem:s24], [sflag:$0x2], $0x2000, $0x38;
	[tilespmem:$0x10380] =	vst v63  }
0xdf: {  	_ =	swait.ge [sflag:s8], $0x2000  }
0xe0: {  	[sflag:s8] =	ssyncset.done $0x0  }
0xe1: {  	[sflag:s8] =	ssyncadd.s32 $0xFFFFE000  }
0xe2: {  	s25 =	sadd.s32 $0x1, s25  }
0xe3: {  	p0 =	sne.s32 s25, s7  }
.Ltmp2:
0xe4: {  	_ = 	snop;
	(pc) =	sbr.rel @p0 .LBB2_1-.Ltmp2, $1  }
0xe5: {  	_ =	sdelay $0x3  }
0xe6: {  	_ =	sfence.sel $0x180000  }
0xe7: {  	[bflag:$0x0] =	sbarrier.arrive $0xFFFF  }
0xe8: {  	p0 =	sne.s32 s3, $0x0;
	_ =	strace $0x90000047  }
0xe9: {  	s0 =	sadd.s32 @!p0 $0x100000, s0;
	[bflag:$0x2] =	sbarrier.arrive $0xFFFF  }
0xea: {  	[sflag:s0] =	ssyncadd.tile.s32 @!p0 $0x1;
	_ =	shalt  }
.Lfunc_end2:
_tile_overlayer_lowered:
.L_overlay_start_2:
0xeb: {  	(tag) =	ssettag $0x2  }
0xec: {  	s0 =	rddreg [dreg:$0x0];
	s2 =	stileid.u32  }
0xed: {  	s1 =	rddreg [dreg:$0x1];
	p0 =	sne.s32 s2, $0x0  }
0xee: {  	s3 =	rddreg [dreg:$0x2];
	[bflag:$0x3] =	sbarrier.arrive $0xFFFF;
	s2 =	simm.s32 @!p0 $0x1C02  }
0xef: {  	[timem:s3], [sflag:s2] =	dma.local @!p0 [hbm:s0], s1  }
0xf0: {  	s0 =	simm.s32 @!p0 $0x2  }
0xf1: {  	_ =	swait.ge @!p0 [sflag:s0], s1  }
0xf2: {  	s1 =	ssub.s32 @!p0 $0x0, s1;
	[sflag:s0] =	ssyncset.done @!p0 $0x0  }
0xf3: {  	[sflag:s0] =	ssyncadd.s32 @!p0 s1  }
0xf4: {  	[bflag:$0x3] =	sbarrier.arrive $0xFFFF  }
0xf5: {  	_ =	shalt  }

// kernel: kernel.16.cloned.1.call-start
scs
__scs_entry_jumppad:
0x0: {  	(pc) =	sbr.rel $0x88, $3  }
0x1: {  	(tag) =	ssettag $0x0;
	lr =	simm.s32 $0x1  }
0x2: {  	[smem:$0x3F7A] =	sst lr;
	_ =	strace $0xD0000000  }
0x3: {  	_ = 	snop  }
0x4: {  	_ = 	snop  }
0x5: {  	_ = 	snop  }
0x6: {  	_ = 	snop  }
0x7: {  	_ = 	snop  }
__scs_overlays_trampoline_lowered:
0x8: {  	[smem:$0x3F89] =	sst s0  }
0x9: {  	[smem:$0x3F8A] =	sst s1  }
0xa: {  	[smem:$0x3F8B] =	sst s2  }
0xb: {  	[smem:$0x3F8C] =	sst s3  }
0xc: {  	[smem:$0x3F8D] =	sst s4  }
0xd: {  	[smem:$0x3F8E] =	sst s5  }
0xe: {  	[smem:$0x3F8F] =	sst s6  }
0xf: {  	[smem:$0x3F90] =	sst s7  }
0x10: {  	[smem:$0x3F91] =	sst s8  }
0x11: {  	[smem:$0x3F92] =	sst s9;
	s0 =	simm.s32 @!p0 $0x0  }
0x12: {  	s1 =	sld [smem:$0x3F78];
	s0 =	simm.s32 @p0 $0x1  }
0x13: {  	[smem:$0x3F93] =	sst s0;
	s0 =	simm.s32 @!p1 $0x0  }
0x14: {  	s2 =	sld [smem:$0x3F77];
	s0 =	simm.s32 @p1 $0x1  }
0x15: {  	[smem:$0x3F94] =	sst s0;
	s0 =	simm.s32 @!p2 $0x0  }
0x16: {  	s3 =	sld [smem:$0x3FDB];
	s0 =	simm.s32 @p2 $0x1  }
0x17: {  	s4 =	simm.s32 $0x1BF5;
	[smem:$0x3F96] =	sst s0  }
0x18: {  	s0 =	sld [smem:$0x3F79];
	_ =	swait.ge [sflag:s4], $0x0  }
0x19: {  	s7 =	sld [smem:$0x3F7A]  }
0x1a: {  	s8 =	sadd.s32 $0xFFFFE003, lr  }
0x1b: {  	s9 =	sadd.s32 $0xFFFFFEF7, lr;
	s5 =	simm.s32 $0xFFFFFFFF;
	p2 =	slt.u32 s8, $0xFFFFF086  }
0x1c: {  	p1 =	slt.u32 s9, $0xF7A;
	s5 =	simm.s32 @!p2 $0x0  }
0x1d: {  	s5 =	simm.s32 @p1 $0x1;
	p0 =	seq.s32 s7, s2  }
0x1e: {  	s7 =	smul.u32 @!p0 $0xF7A, s2;
	p2 =	seq.s32 @!p0 s5, $0x0  }
0x1f: {  	s9 =	smul.u32 $0xF7A, s1;
	s8 =	simm.s32 @!p0 $0x1BF5;
	p2 =	por !p2, p0  }
0x20: {  	[sflag:s8] =	ssyncset.s32 @!p0 $0xFFFFF086;
	s6 =	sadd.s32 @!p0 s3, s7;
	s7 =	simm.s32 @!p0 $0x108  }
0x21: {  	s3 =	sadd.s32 s3, s9;
	s6 =	sadd.s32 @!p0 $0x88, s6;
	s7 =	simm.s32 @p2 $0x1082  }
0x22: {  	[simem:s7], [sflag:s8] =	dma.local @!p0 [hbm:s6], $0xF7A  }
0x23: {  	s9 =	sor.u32 $0xD0000000, s2;
	s6 =	simm.s32 $0x108;
	_ =	swait.ge @!p0 [sflag:s8], $0x0  }
0x24: {  	s3 =	sadd.s32 $0x88, s3;
	s6 =	simm.s32 @!p1 $0x1082;
	[sflag:s4] =	ssyncset.s32 $0xFFFFF086  }
0x25: {  	[simem:s6], [sflag:s4] =	dma.local [hbm:s3], $0xF7A  }
0x26: {  	[smem:$0x3F7A] =	sst s1;
	(tag) =	ssettag s2;
	_ =	strace s9  }
0x27: {  	s1 =	sld [smem:$0x3F8A]  }
0x28: {  	s2 =	sld [smem:$0x3F8B]  }
0x29: {  	s4 =	sld [smem:$0x3F8D]  }
0x2a: {  	p0 =	seq.s32 s5, $0x0;
	s5 =	sld [smem:$0x3F8E]  }
0x2b: {  	s6 =	sld [smem:$0x3F8F]  }
0x2c: {  	s7 =	sld [smem:$0x3F90]  }
0x2d: {  	s3 =	simm.s32 $0x108;
	s8 =	sld [smem:$0x3F91]  }
0x2e: {  	s3 =	simm.s32 @!p0 $0x1082;
	s9 =	sld [smem:$0x3F92]  }
0x2f: {  	lr =	sadd.s32 s0, s3;
	s0 =	sld [smem:$0x3F89]  }
0x30: {  	s3 =	sld [smem:$0x3F8C]  }
0x31: {  	[smem:$0x3F95] =	sst s10  }
0x32: {  	s10 =	sld [smem:$0x3F93];
	_ =	sdelay $0x3  }
0x33: {  	p0 =	seq.s32 s10, $0x1;
	s10 =	sld [smem:$0x3F95];
	_ =	sdelay $0x3  }
0x34: {  	[smem:$0x3F95] =	sst s10  }
0x35: {  	s10 =	sld [smem:$0x3F94];
	_ =	sdelay $0x3  }
0x36: {  	p1 =	seq.s32 s10, $0x1;
	s10 =	sld [smem:$0x3F95];
	_ =	sdelay $0x3  }
0x37: {  	[smem:$0x3F95] =	sst s10  }
0x38: {  	s10 =	sld [smem:$0x3F96]  }
0x39: {  	_ = 	snop;
	(pc) =	sbr.ind lr, $3  }
0x3a: {  	_ = 	snop  }
0x3b: {  	_ = 	snop  }
0x3c: {  	p2 =	seq.s32 s10, $0x1;
	s10 =	sld [smem:$0x3F95]  }
0x3d: {  	_ =	shalt  }
0x3e: {  	_ =	shalt  }
0x3f: {  	_ =	shalt  }
0x40: {  	_ =	shalt  }
0x41: {  	_ =	shalt  }
0x42: {  	_ =	shalt  }
0x43: {  	_ =	shalt  }
0x44: {  	_ =	shalt  }
0x45: {  	_ =	shalt  }
0x46: {  	_ =	shalt  }
0x47: {  	_ =	shalt  }
0x48: {  	_ =	shalt  }
0x49: {  	_ =	shalt  }
0x4a: {  	_ =	shalt  }
0x4b: {  	_ =	shalt  }
0x4c: {  	_ =	shalt  }
0x4d: {  	_ =	shalt  }
0x4e: {  	_ =	shalt  }
0x4f: {  	_ =	shalt  }
0x50: {  	_ =	shalt  }
0x51: {  	_ =	shalt  }
0x52: {  	_ =	shalt  }
0x53: {  	_ =	shalt  }
0x54: {  	_ =	shalt  }
0x55: {  	_ =	shalt  }
0x56: {  	_ =	shalt  }
0x57: {  	_ =	shalt  }
0x58: {  	_ =	shalt  }
0x59: {  	_ =	shalt  }
0x5a: {  	_ =	shalt  }
0x5b: {  	_ =	shalt  }
0x5c: {  	_ =	shalt  }
0x5d: {  	_ =	shalt  }
0x5e: {  	_ =	shalt  }
0x5f: {  	_ =	shalt  }
0x60: {  	_ =	shalt  }
0x61: {  	_ =	shalt  }
0x62: {  	_ =	shalt  }
0x63: {  	_ =	shalt  }
0x64: {  	_ =	shalt  }
0x65: {  	_ =	shalt  }
0x66: {  	_ =	shalt  }
0x67: {  	_ =	shalt  }
0x68: {  	_ =	shalt  }
0x69: {  	_ =	shalt  }
0x6a: {  	_ =	shalt  }
0x6b: {  	_ =	shalt  }
0x6c: {  	_ =	shalt  }
0x6d: {  	_ =	shalt  }
0x6e: {  	_ =	shalt  }
0x6f: {  	_ =	shalt  }
0x70: {  	_ =	shalt  }
0x71: {  	_ =	shalt  }
0x72: {  	_ =	shalt  }
0x73: {  	_ =	shalt  }
0x74: {  	_ =	shalt  }
0x75: {  	_ =	shalt  }
0x76: {  	_ =	shalt  }
0x77: {  	_ =	shalt  }
0x78: {  	_ =	shalt  }
0x79: {  	_ =	shalt  }
0x7a: {  	_ =	shalt  }
0x7b: {  	_ =	shalt  }
0x7c: {  	_ =	shalt  }
0x7d: {  	_ =	shalt  }
0x7e: {  	_ =	shalt  }
0x7f: {  	_ =	shalt  }
0x80: {  	_ =	shalt  }
0x81: {  	_ =	shalt  }
0x82: {  	_ =	shalt  }
0x83: {  	_ =	shalt  }
0x84: {  	_ =	shalt  }
0x85: {  	_ =	shalt  }
0x86: {  	_ =	shalt  }
0x87: {  	_ =	shalt  }
.Lfunc_end0:
.L_simem_size_0:
called_computation.1_lowered:
.L_overlay_start_0:
0x88: {  	s2 =	sld [smem:$0x3FD9]  }
0x89: {  	s3 =	sld [smem:$0x3FFE];
	_ =	sdelay $0x1  }
0x8a: {  	s1 =	srdreg.scid  }
0x8b: {  	s0 =	sand.u32 $0x1, s1  }
0x8c: {  	s17 =	sshll.u32 s0, $0xA;
	s2 =	sadd.s32 s3, s2  }
0x8d: {  	s2 =	sadd.s32 s2, s17  }
0x8e: {  	[smem:$0x3FA1] =	sst s2  }
0x8f: {  	_ = 	snop  }
0x90: {  	s2 =	sld [smem:$0x3FD0];
	(tm) =	ssettm $0x1  }
0x91: {  	s18 =	sld [smem:$0x3FFB];
	_ =	sdelay $0x3  }
0x92: {  	_ =	strace s18  }
0x93: {  	s3 =	sld [smem:$0x3FFC];
	_ =	sdelay $0x3  }
0x94: {  	_ =	strace s3  }
0x95: {  	s3 =	sld [smem:$0x3FFD];
	_ =	sdelay $0x3  }
0x96: {  	_ =	strace s3  }
0x97: {  	_ =	strace $0x8FFFFFFF  }
0x98: {  	s19 =	sld [smem:$0x3FDB];
	_ =	sdelay $0x1  }
0x99: {  	s4 =	simm.s32 $_scs_section_size  }
0x9a: {  	s5 =	simm.s32 $_size__tile_overlayer_lowered;
	s6 =	simm.s32 $_tile_overlayer_lowered  }
0x9b: {  	s22 =	simm.s32 $0x1BFF;
	s21 =	sshll.u32 s6, $0x1;
	s3 =	sadd.s32 s4, s19  }
0x9c: {  	s7 =	simm.s32 $0x0;
	s20 =	sshll.u32 s5, $0x1;
	s5 =	sadd.s32 s21, s3  }
0x9d: {  	[timem:s7], [sflag:s22] =	dma.local [hbm:s5], s20  }
0x9e: {  	_ =	swait.ge [sflag:s22], s20  }
0x9f: {  	s4 =	ssub.s32 $0x0, s20;
	[sflag:s22] =	ssyncset.done $0x0  }
0xa0: {  	[sflag:s22] =	ssyncadd.s32 s4;
	_ =	sdelay $0x1  }
0xa1: {  	s23 =	simm.s32 $0x1B8B  }
0xa2: {  	_ =	swait.ge [sflag:s23], $0x1  }
0xa3: {  	[sflag:s23] =	ssyncset.done $0x0  }
0xa4: {  	s25 =	simm.s32 $0x1B8E;
	s24 =	sld [smem:$0x3FFE];
	[sflag:s23] =	ssyncadd.s32 $0xFFFFFFFF  }
0xa5: {  	s26 =	simm.s32 $execute0_lowered;
	[smem:$0x3FD2] =	sst s25  }
0xa6: {  	s5 =	sshll.u32 s26, $0x1;
	_ =	strace $0x80000049;
	[dreg:$0x1] =	wrdreg $0xFFFFFFFF  }
0xa7: {  	s28 =	simm.s32 $_size_execute0_lowered;
	s3 =	sadd.s32 s3, s5;
	[dreg:$0x0] =	wrdreg $0x0  }
0xa8: {  	s5 =	sshll.u32 s28, $0x1;
	[dreg:$0x2] =	wrdreg s3  }
0xa9: {  	[dreg:$0x3] =	wrdreg s5  }
0xaa: {  	[dreg:$0x4] =	wrdreg $0xC0  }
0xab: {  	_ =	task [dreg:s7], $0x5FFFF  }
0xac: {  	[dreg:$0x1] =	wrdreg $0xFFFFFFFF  }
0xad: {  	[dreg:$0x0] =	wrdreg $0x60  }
0xae: {  	[dreg:$0x2] =	wrdreg s2  }
0xaf: {  	[dreg:$0x3] =	wrdreg s24  }
0xb0: {  	[dreg:$0x4] =	wrdreg $0x9  }
0xb1: {  	_ =	task.clear_ibuf [dreg:s7], $0x5FFFF;
	_ =	strace $0x90000049  }
0xb2: {  	s29 =	simm.s32 $0x9;
	_ =	strace $0x8000004B  }
0xb3: {  	_ =	swait.ge [sflag:s29], $0x1  }
0xb4: {  	[sflag:s29] =	ssyncadd.s32 $0xFFFFFFFF  }
0xb5: {  	_ =	strace $0x9000004B  }
0xb6: {  	_ =	sfence  }
0xb7: {  	s30 =	sld [smem:$0x0];
	_ =	sdelay $0x2  }
0xb8: {  	s31 =	sshll.u32 s1, $0xD;
	s1 =	sshrl.u32 s1, $0x2  }
0xb9: {  	s3 =	sand.u32 $0x4000, s31;
	s1 =	sadd.s32 s1, s30  }
0xba: {  	s0 =	sor.u32 s3, s0;
	s1 =	sshll.u32 s1, $0x11  }
0xbb: {  	s0 =	sor.u32 s1, s0  }
0xbc: {  	s0 =	sadd.s32 $0x8F2B, s0  }
0xbd: {  	[sflag:s0] =	ssyncadd.remote.s32 $0x1  }
0xbe: {  	_ =	sfence.sel $0xFFFF  }
0xbf: {  	[dreg:$0x0] =	wrdreg $0xFFFFFFFF;
	(pc) =	sbr.abs _section_cstart, $3  }
0xc0: {  	[dreg:$0x1] =	wrdreg $0xFFFFFFFF  }
0xc1: {  	_ =	task.clear_ibuf [dreg:s7], $0x2FFFF;
	_ =	strace $0x9FFFFFFF  }
0xc2: {  	(tm) =	ssettm $0x7FFFFFFF  }
0xc3: {  	_ =	shalt  }
tec
execute0_lowered:
.L_overlay_start_1:
0x0: {  	(tag) =	ssettag $0x1  }
0x1: {  	s1 =	rddreg [dreg:$0x0]  }
0x2: {  	s5 =	rddreg [dreg:$0x1]  }
0x3: {  	s0 =	rddreg [dreg:$0x2]  }
0x4: {  	s2 =	simm.s32 $0x0;
	s3 =	srdreg.scid;
	s9 =	simm.s32 $0x80  }
0x5: {  	s10 =	simm.s32 $0x100;
	s11 =	simm.s32 $0x180;
	s12 =	simm.s32 $0x200  }
0x6: {  	s13 =	simm.s32 $0x280;
	s14 =	simm.s32 $0x300;
	s15 =	simm.s32 $0x40  }
0x7: {  	s16 =	simm.s32 $0x380;
	s17 =	simm.s32 $0x2380;
	s18 =	simm.s32 $0x4380  }
0x8: {  	s19 =	simm.s32 $0x6380;
	s20 =	simm.s32 $0x8380;
	s21 =	simm.s32 $0xA380  }
0x9: {  	s22 =	simm.s32 $0xC380;
	s23 =	simm.s32 $0x1;
	s24 =	simm.s32 $0xE380  }
0xa: {  	s25 =	simm.s32 $0x0;
	[smem:$0x7FF] =	sst s2;
	s6 =	sand.u32 $0x1, s3  }
0xb: {  	s4 =	sadd.s32 $0x67200, s5;
	s3 =	stileid.u32;
	s7 =	ssub.s32 $0x2, s6  }
0xc: {  	s5 =	sadd.s32 $0x6B200, s5;
	_ =	strace $0x8000004A;
	s8 =	sshrl.u32 s7, $0x1  }
0xd: {  	s31 =	sshll.u32 s3, $0xA;
	s6 =	sshll.u32 s6, $0x9;
	s7 =	ssub.s32 s7, s8  }
0xe: {  	s6 =	sor.u32 s6, s31;
	s8 =	simm.s32 $0x2;
	s7 =	smax.u32 s7, $0x1  }
.LBB2_1:
0xf: {  	s26 =	simm.s32 $0x0  }
.LBB2_2:
0x10: {  	s29 =	sshll.u32 s26, $0x6  }
0x11: {  	s30 =	sand.u32 $0x1, s26;
	s28 =	sadd.s32 s6, s29  }
0x12: {  	p1 =	seq.s32 s30, $0x1;
	p0 =	seq.s32 s28, $0x0  }
0x13: {  	p0 =	por !p0, !p1  }
0x14: {  	s30 =	simm.s32 $0xFFFFFFFF;
	p0 =	por !p0, !p0  }
0x15: {  	s30 =	simm.s32 @!p0 $0x0  }
0x16: {  	s30 =	sshll.u32 s30, $0x7  }
0x17: {  	s30 =	sadd.s32 s28, s30  }
0x18: {  	s29 =	sand.u32 $0x40, s29;
	s30 =	sand.u32 $0xFFFFFF80, s30  }
0x19: {  	s29 =	sor.u32 s29, s30  }
0x1a: {  	s30 =	sshrl.u32 s29, $0x3  }
0x1b: {  	s31 =	simm.s32 $0x0;
	s30 =	sadd.s32 s4, s30  }
0x1c: {  	[tilespmem:s31], [sflag:$0x2] =	stream.linear.gather [hbm4b:s30+s31], $0x40, $0x38;
	[tilespmem:$0x10380] =	vst v63  }
0x1d: {  	s30 =	sadd.s32 $0x4000, s29;
	_ =	swait.ge [sflag:s8], $0x40  }
0x1e: {  	s30 =	sshrl.u32 s30, $0x3;
	[sflag:s8] =	ssyncset.done $0x0  }
0x1f: {  	s30 =	sadd.s32 s4, s30;
	[sflag:s8] =	ssyncadd.s32 $0xFFFFFFC0  }
0x20: {  	[tilespmem:s9], [sflag:$0x2] =	stream.linear.gather [hbm4b:s30+s31], $0x40, $0x38;
	[tilespmem:$0x10380] =	vst v63  }
0x21: {  	s30 =	sadd.s32 $0x8000, s29;
	_ =	swait.ge [sflag:s8], $0x40  }
0x22: {  	s30 =	sshrl.u32 s30, $0x3;
	[sflag:s8] =	ssyncset.done $0x0  }
0x23: {  	s30 =	sadd.s32 s4, s30;
	[sflag:s8] =	ssyncadd.s32 $0xFFFFFFC0  }
0x24: {  	[tilespmem:s10], [sflag:$0x2] =	stream.linear.gather [hbm4b:s30+s31], $0x40, $0x38;
	[tilespmem:$0x10380] =	vst v63  }
0x25: {  	s30 =	sadd.s32 $0xC000, s29;
	_ =	swait.ge [sflag:s8], $0x40  }
0x26: {  	s30 =	sshrl.u32 s30, $0x3;
	[sflag:s8] =	ssyncset.done $0x0  }
0x27: {  	s30 =	sadd.s32 s4, s30;
	[sflag:s8] =	ssyncadd.s32 $0xFFFFFFC0  }
0x28: {  	[tilespmem:s11], [sflag:$0x2] =	stream.linear.gather [hbm4b:s30+s31], $0x40, $0x38;
	[tilespmem:$0x10380] =	vst v63  }
0x29: {  	s30 =	sadd.s32 $0x10000, s29;
	_ =	swait.ge [sflag:s8], $0x40  }
0x2a: {  	s30 =	sshrl.u32 s30, $0x3;
	[sflag:s8] =	ssyncset.done $0x0  }
0x2b: {  	s30 =	sadd.s32 s4, s30;
	[sflag:s8] =	ssyncadd.s32 $0xFFFFFFC0  }
0x2c: {  	[tilespmem:s12], [sflag:$0x2] =	stream.linear.gather [hbm4b:s30+s31], $0x40, $0x38;
	[tilespmem:$0x10380] =	vst v63  }
0x2d: {  	s30 =	sadd.s32 $0x14000, s29;
	_ =	swait.ge [sflag:s8], $0x40  }
0x2e: {  	s30 =	sshrl.u32 s30, $0x3;
	[sflag:s8] =	ssyncset.done $0x0  }
0x2f: {  	s30 =	sadd.s32 s4, s30;
	[sflag:s8] =	ssyncadd.s32 $0xFFFFFFC0  }
0x30: {  	[tilespmem:s13], [sflag:$0x2] =	stream.linear.gather [hbm4b:s30+s31], $0x40, $0x38;
	[tilespmem:$0x10380] =	vst v63  }
0x31: {  	s29 =	sadd.s32 $0x18000, s29;
	_ =	swait.ge [sflag:s8], $0x40  }
0x32: {  	s29 =	sshrl.u32 s29, $0x3;
	[sflag:s8] =	ssyncset.done $0x0  }
0x33: {  	s29 =	sadd.s32 s4, s29;
	[sflag:s8] =	ssyncadd.s32 $0xFFFFFFC0  }
0x34: {  	[tilespmem:s14], [sflag:$0x2] =	stream.linear.gather [hbm4b:s29+s31], $0x40, $0x38;
	[tilespmem:$0x10380] =	vst v63  }
0x35: {  	_ =	swait.ge [sflag:s8], $0x40  }
0x36: {  	[sflag:s8] =	ssyncset.done $0x0  }
0x37: {  	[sflag:s8] =	ssyncadd.s32 $0xFFFFFFC0  }
0x38: {  	[tilespmem:s16], [sflag:$0x1] =	stream.indirect.gather [hbm4b:s1+s15], $0x80, s31, s15, $0xb8;
	[tilespmem:$0x10380] =	vst v63  }
0x39: {  	_ = 	snop  }
0x3a: {  	[tilespmem:s17], [sflag:$0x1] =	stream.indirect.gather [hbm4b:s1+s15], $0x80, s9, s15, $0xb8;
	[tilespmem:$0x10380] =	vst v63  }
0x3b: {  	_ = 	snop  }
0x3c: {  	[tilespmem:s18], [sflag:$0x1] =	stream.indirect.gather [hbm4b:s1+s15], $0x80, s10, s15, $0xb8;
	[tilespmem:$0x10380] =	vst v63  }
0x3d: {  	_ = 	snop  }
0x3e: {  	[tilespmem:s19], [sflag:$0x1] =	stream.indirect.gather [hbm4b:s1+s15], $0x80, s11, s15, $0xb8;
	[tilespmem:$0x10380] =	vst v63  }
0x3f: {  	_ = 	snop  }
0x40: {  	[tilespmem:s20], [sflag:$0x1] =	stream.indirect.gather [hbm4b:s1+s15], $0x80, s12, s15, $0xb8;
	[tilespmem:$0x10380] =	vst v63  }
0x41: {  	_ = 	snop  }
0x42: {  	[tilespmem:s21], [sflag:$0x1] =	stream.indirect.gather [hbm4b:s1+s15], $0x80, s13, s15, $0xb8;
	[tilespmem:$0x10380] =	vst v63  }
0x43: {  	_ = 	snop  }
0x44: {  	[tilespmem:s22], [sflag:$0x1] =	stream.indirect.gather [hbm4b:s1+s15], $0x80, s14, s15, $0xb8;
	[tilespmem:$0x10380] =	vst v63  }
0x45: {  	_ =	swait.ge [sflag:s23], $0x2000  }
0x46: {  	[sflag:s23] =	ssyncset.done $0x0  }
0x47: {  	[sflag:s23] =	ssyncadd.s32 $0xFFFFE000  }
0x48: {  	_ =	swait.ge [sflag:s23], $0x2000  }
0x49: {  	[sflag:s23] =	ssyncset.done $0x0  }
0x4a: {  	[sflag:s23] =	ssyncadd.s32 $0xFFFFE000  }
0x4b: {  	_ =	swait.ge [sflag:s23], $0x2000  }
0x4c: {  	[sflag:s23] =	ssyncset.done $0x0  }
0x4d: {  	[sflag:s23] =	ssyncadd.s32 $0xFFFFE000  }
0x4e: {  	_ =	swait.ge [sflag:s23], $0x2000  }
0x4f: {  	[sflag:s23] =	ssyncset.done $0x0  }
0x50: {  	[sflag:s23] =	ssyncadd.s32 $0xFFFFE000  }
0x51: {  	_ =	swait.ge [sflag:s23], $0x2000  }
0x52: {  	[sflag:s23] =	ssyncset.done $0x0  }
0x53: {  	[sflag:s23] =	ssyncadd.s32 $0xFFFFE000  }
0x54: {  	_ =	swait.ge [sflag:s23], $0x2000  }
0x55: {  	[sflag:s23] =	ssyncset.done $0x0  }
0x56: {  	[sflag:s23] =	ssyncadd.s32 $0xFFFFE000  }
0x57: {  	_ =	swait.ge [sflag:s23], $0x2000  }
0x58: {  	[sflag:s23] =	ssyncset.done $0x0  }
0x59: {  	s29 =	simm.s32 $0x0;
	[sflag:s23] =	ssyncadd.s32 $0xFFFFE000  }
0x5a: {  	v0 =	vld [tilespmem:s29+$0x3D0]  }
0x5b: {  	v1 =	vld [tilespmem:s29+$0x23D0]  }
0x5c: {  	v2 =	vld [tilespmem:s29+$0x43D0]  }
0x5d: {  	v3 =	vld [tilespmem:s29+$0x63D0]  }
0x5e: {  	v4 =	vld [tilespmem:s29+$0x83D0]  }
0x5f: {  	v5 =	vld [tilespmem:s29+$0xA3D0]  }
0x60: {  	v6 =	vld [tilespmem:s29+$0xC3D0]  }
0x61: {  	v7 =	vld [tilespmem:s29+$0x23B0]  }
0x62: {  	v8 =	vld [tilespmem:s29+$0x3C0]  }
0x63: {  	v9 =	vld [tilespmem:s29+$0x23C0]  }
0x64: {  	v10 =	vld [tilespmem:s29+$0x4380]  }
0x65: {  	v11 =	vld [tilespmem:s29+$0x4390]  }
0x66: {  	v12 =	vld [tilespmem:s29+$0x43A0]  }
0x67: {  	v13 =	vld [tilespmem:s29+$0x43B0]  }
0x68: {  	v14 =	vld [tilespmem:s29+$0x43C0]  }
0x69: {  	v15 =	vld [tilespmem:s29+$0x6380]  }
0x6a: {  	v16 =	vld [tilespmem:s29+$0x6390]  }
0x6b: {  	v17 =	vld [tilespmem:s29+$0x63A0]  }
0x6c: {  	v18 =	vld [tilespmem:s29+$0x63B0]  }
0x6d: {  	v19 =	vld [tilespmem:s29+$0x63C0]  }
0x6e: {  	v20 =	vld [tilespmem:s29+$0x8380]  }
0x6f: {  	v21 =	vld [tilespmem:s29+$0x8390]  }
0x70: {  	v22 =	vld [tilespmem:s29+$0x83A0]  }
0x71: {  	v23 =	vld [tilespmem:s29+$0x83B0]  }
0x72: {  	v24 =	vld [tilespmem:s29+$0x83C0]  }
0x73: {  	v0 =	vmax.f32 v0, v1;
	v1 =	vld [tilespmem:s29+$0x380]  }
0x74: {  	v0 =	vmax.f32 v0, v2;
	v2 =	vld [tilespmem:s29+$0x2380]  }
0x75: {  	v0 =	vmax.f32 v0, v3;
	v3 =	vld [tilespmem:s29+$0x390]  }
0x76: {  	v0 =	vmax.f32 v0, v4;
	v4 =	vld [tilespmem:s29+$0x2390]  }
0x77: {  	v0 =	vmax.f32 v0, v5;
	v5 =	vld [tilespmem:s29+$0x3A0]  }
0x78: {  	v0 =	vmax.f32 v0, v6;
	v6 =	vld [tilespmem:s29+$0x23A0]  }
0x79: {  	[tilespmem:s29+$0xE3D0] =	vst v0;
	v0 =	vld [tilespmem:s29+$0x3B0]  }
0x7a: {  	v25 =	vld [tilespmem:s29+$0xA380]  }
0x7b: {  	v26 =	vld [tilespmem:s29+$0xA390];
	v1 =	vmax.f32 v1, v2  }
0x7c: {  	v1 =	vmax.f32 v1, v10;
	v10 =	vld [tilespmem:s29+$0xC380];
	v2 =	vmax.f32 v3, v4  }
0x7d: {  	v4 =	vld [tilespmem:s29+$0xA3A0];
	v2 =	vmax.f32 v2, v11;
	v3 =	vmax.f32 v5, v6  }
0x7e: {  	v5 =	vmax.f32 v8, v9;
	v6 =	vld [tilespmem:s29+$0xA3B0];
	v2 =	vmax.f32 v2, v16;
	v0 =	vmax.f32 v0, v7  }
0x7f: {  	v9 =	vld [tilespmem:s29+$0xA3C0];
	v3 =	vmax.f32 v3, v12;
	v5 =	vmax.f32 v5, v14;
	v7 =	vmax.f32 v1, v15  }
0x80: {  	v1 =	vld [tilespmem:s29+$0xC390];
	v8 =	vmax.f32 v2, v21;
	v0 =	vmax.f32 v0, v13;
	v3 =	vmax.f32 v3, v17  }
0x81: {  	v2 =	vld [tilespmem:s29+$0xC3A0];
	v5 =	vmax.f32 v5, v19;
	v7 =	vmax.f32 v7, v20;
	v8 =	vmax.f32 v8, v26  }
0x82: {  	v0 =	vmax.f32 v0, v18;
	v11 =	vmax.f32 v3, v22;
	v5 =	vmax.f32 v5, v24;
	v3 =	vld [tilespmem:s29+$0xC3B0]  }
0x83: {  	s31 =	simm.s32 $0x80;
	v63 =	vmax.f32 v7, v25;
	v0 =	vmax.f32 v0, v23;
	v7 =	vmax.f32 v11, v4;
	v4 =	vld [tilespmem:s29+$0xC3C0]  }
0x84: {  	s30 =	simm.s32 $0x400;
	v6 =	vmax.f32 v0, v6;
	v5 =	vmax.f32 v5, v9;
	v0 =	vld [tilespmem:s31+$0x3D0];
	v9 =	vmax.f32 v63, v10  }
.LBB2_3:
0x85: {  	p0 =	sne.s32 s30, $0x7E00;
	v10 =	vld [tilespmem:s31+$0x23D0];
	[tilespmem:s29+$0xE380] =	vst v9;
	v1 =	vmax.f32 v8, v1  }
0x86: {  	v8 =	vld [tilespmem:s31+$0x43D0];
	[tilespmem:s29+$0xE390] =	vst v1;
	v1 =	vmax.f32 v7, v2  }
0x87: {  	v2 =	vld [tilespmem:s31+$0x63D0];
	[tilespmem:s29+$0xE3A0] =	vst v1;
	v1 =	vmax.f32 v6, v3  }
0x88: {  	v3 =	vld [tilespmem:s31+$0x83D0];
	[tilespmem:s29+$0xE3B0] =	vst v1;
	v1 =	vmax.f32 v5, v4  }
0x89: {  	v4 =	vld [tilespmem:s31+$0xA3D0];
	[tilespmem:s29+$0xE3C0] =	vst v1;
	s29 =	smov.u32 s31  }
0x8a: {  	v0 =	vmax.f32 v0, v10;
	v1 =	vld [tilespmem:s29+$0xC3D0]  }
0x8b: {  	v5 =	vld [tilespmem:s29+$0x380];
	v0 =	vmax.f32 v0, v8  }
0x8c: {  	v6 =	vld [tilespmem:s29+$0x2380];
	v0 =	vmax.f32 v0, v2  }
0x8d: {  	v2 =	vld [tilespmem:s29+$0x390];
	v0 =	vmax.f32 v0, v3  }
0x8e: {  	v3 =	vld [tilespmem:s29+$0x2390];
	v0 =	vmax.f32 v0, v4  }
0x8f: {  	v4 =	vld [tilespmem:s29+$0x3A0];
	v0 =	vmax.f32 v0, v1  }
0x90: {  	v1 =	vld [tilespmem:s29+$0x23A0];
	[tilespmem:s29+$0xE3D0] =	vst v0  }
0x91: {  	v0 =	vmax.f32 v5, v6;
	v5 =	vld [tilespmem:s29+$0x3B0]  }
0x92: {  	v6 =	vld [tilespmem:s29+$0x23B0]  }
0x93: {  	v2 =	vmax.f32 v2, v3;
	v3 =	vld [tilespmem:s29+$0x3C0]  }
0x94: {  	v7 =	vld [tilespmem:s29+$0x23C0]  }
0x95: {  	v8 =	vld [tilespmem:s29+$0x4380];
	v1 =	vmax.f32 v4, v1  }
0x96: {  	v4 =	vld [tilespmem:s29+$0x4390]  }
0x97: {  	v9 =	vld [tilespmem:s29+$0x43A0];
	v5 =	vmax.f32 v5, v6  }
0x98: {  	v6 =	vld [tilespmem:s29+$0x43B0]  }
0x99: {  	v3 =	vmax.f32 v3, v7;
	v7 =	vld [tilespmem:s29+$0x43C0]  }
0x9a: {  	v0 =	vmax.f32 v0, v8;
	v8 =	vld [tilespmem:s29+$0x6380]  }
0x9b: {  	v2 =	vmax.f32 v2, v4;
	v4 =	vld [tilespmem:s29+$0x6390]  }
0x9c: {  	v1 =	vmax.f32 v1, v9;
	v9 =	vld [tilespmem:s29+$0x63A0]  }
0x9d: {  	v5 =	vmax.f32 v5, v6;
	v6 =	vld [tilespmem:s29+$0x63B0]  }
0x9e: {  	v3 =	vmax.f32 v3, v7;
	v7 =	vld [tilespmem:s29+$0x63C0]  }
0x9f: {  	v0 =	vmax.f32 v0, v8;
	v8 =	vld [tilespmem:s29+$0x8380]  }
0xa0: {  	v2 =	vmax.f32 v2, v4;
	v4 =	vld [tilespmem:s29+$0x8390]  }
0xa1: {  	v1 =	vmax.f32 v1, v9;
	v9 =	vld [tilespmem:s29+$0x83A0]  }
0xa2: {  	v5 =	vmax.f32 v5, v6;
	v6 =	vld [tilespmem:s29+$0x83B0]  }
0xa3: {  	v3 =	vmax.f32 v3, v7;
	v7 =	vld [tilespmem:s29+$0x83C0]  }
0xa4: {  	v0 =	vmax.f32 v0, v8;
	v8 =	vld [tilespmem:s29+$0xA380]  }
0xa5: {  	v2 =	vmax.f32 v2, v4;
	v4 =	vld [tilespmem:s29+$0xA390]  }
0xa6: {  	v9 =	vmax.f32 v1, v9;
	v10 =	vld [tilespmem:s29+$0xA3A0]  }
0xa7: {  	v5 =	vmax.f32 v5, v6;
	v6 =	vld [tilespmem:s29+$0xA3B0]  }
0xa8: {  	v11 =	vmax.f32 v3, v7;
	v12 =	vld [tilespmem:s29+$0xA3C0]  }
0xa9: {  	v13 =	vmax.f32 v0, v8;
	v14 =	vld [tilespmem:s29+$0xC380]  }
.Ltmp0:
0xaa: {  	v8 =	vmax.f32 v2, v4;
	v1 =	vld [tilespmem:s29+$0xC390];
	(pc) =	sbr.rel @p0 .LBB2_3-.Ltmp0, $4  }
0xab: {  	v7 =	vmax.f32 v9, v10;
	v2 =	vld [tilespmem:s29+$0xC3A0]  }
0xac: {  	v6 =	vmax.f32 v5, v6;
	v3 =	vld [tilespmem:s29+$0xC3B0]  }
0xad: {  	s31 =	sshra.s32 s30, $0x2;
	v5 =	vmax.f32 v11, v12;
	v4 =	vld [tilespmem:s29+$0xC3C0]  }
0xae: {  	s30 =	sadd.s32 $0x200, s30;
	v0 =	vld [tilespmem:s31+$0x3D0];
	v9 =	vmax.f32 v13, v14  }
0xaf: {  	v10 =	vld [tilespmem:s31+$0x23D0];
	[tilespmem:s29+$0xE380] =	vst v9;
	v1 =	vmax.f32 v8, v1  }
0xb0: {  	v38 =	vld [tilespmem:s31+$0x43D0];
	[tilespmem:s29+$0xE390] =	vst v1;
	v39 =	vmax.f32 v7, v2  }
0xb1: {  	v40 =	vld [tilespmem:s31+$0x63D0];
	[tilespmem:s29+$0xE3A0] =	vst v39;
	v41 =	vmax.f32 v6, v3  }
0xb2: {  	v42 =	vld [tilespmem:s31+$0x83D0];
	[tilespmem:s29+$0xE3B0] =	vst v41;
	v43 =	vmax.f32 v5, v4  }
0xb3: {  	v44 =	vld [tilespmem:s31+$0xA3D0];
	[tilespmem:s29+$0xE3C0] =	vst v43  }
0xb4: {  	v1 =	vld [tilespmem:s31+$0xC3D0]  }
0xb5: {  	v45 =	vld [tilespmem:s31+$0x380]  }
0xb6: {  	v46 =	vld [tilespmem:s31+$0x2380]  }
0xb7: {  	v47 =	vld [tilespmem:s31+$0x390]  }
0xb8: {  	v48 =	vld [tilespmem:s31+$0x2390]  }
0xb9: {  	v49 =	vld [tilespmem:s31+$0x3A0]  }
0xba: {  	v50 =	vld [tilespmem:s31+$0x23A0]  }
0xbb: {  	v51 =	vld [tilespmem:s31+$0x3B0]  }
0xbc: {  	v52 =	vld [tilespmem:s31+$0x23B0]  }
0xbd: {  	v53 =	vld [tilespmem:s31+$0x3C0]  }
0xbe: {  	v9 =	vld [tilespmem:s31+$0x23C0]  }
0xbf: {  	v54 =	vld [tilespmem:s31+$0x4380]  }
0xc0: {  	v11 =	vld [tilespmem:s31+$0x4390]  }
0xc1: {  	v12 =	vld [tilespmem:s31+$0x43A0]  }
0xc2: {  	v13 =	vld [tilespmem:s31+$0x43B0]  }
0xc3: {  	v14 =	vld [tilespmem:s31+$0x43C0]  }
0xc4: {  	v15 =	vld [tilespmem:s31+$0x6380]  }
0xc5: {  	v16 =	vld [tilespmem:s31+$0x6390]  }
0xc6: {  	v17 =	vld [tilespmem:s31+$0x63A0]  }
0xc7: {  	v18 =	vld [tilespmem:s31+$0x63B0]  }
0xc8: {  	v19 =	vld [tilespmem:s31+$0x63C0]  }
0xc9: {  	v20 =	vld [tilespmem:s31+$0x8380]  }
0xca: {  	v21 =	vld [tilespmem:s31+$0x8390]  }
0xcb: {  	v22 =	vld [tilespmem:s31+$0x83A0]  }
0xcc: {  	v0 =	vmax.f32 v0, v10;
	v23 =	vld [tilespmem:s31+$0x83B0]  }
0xcd: {  	v24 =	vld [tilespmem:s31+$0x83C0];
	v0 =	vmax.f32 v0, v38  }
0xce: {  	v25 =	vld [tilespmem:s31+$0xA380];
	v0 =	vmax.f32 v0, v40  }
0xcf: {  	v26 =	vld [tilespmem:s31+$0xA390];
	v0 =	vmax.f32 v0, v42  }
0xd0: {  	v27 =	vld [tilespmem:s31+$0xA3A0];
	v0 =	vmax.f32 v0, v44  }
0xd1: {  	v28 =	vld [tilespmem:s31+$0xA3B0];
	v0 =	vmax.f32 v0, v1  }
0xd2: {  	v55 =	vld [tilespmem:s31+$0xA3C0];
	v5 =	vmax.f32 v45, v46;
	v2 =	vmax.f32 v47, v48;
	v1 =	vmax.f32 v49, v50  }
0xd3: {  	v57 =	vld [tilespmem:s31+$0xC380];
	v56 =	vmax.f32 v53, v9;
	[tilespmem:s31+$0xE3D0] =	vst v0;
	v0 =	vmax.f32 v51, v52;
	v5 =	vmax.f32 v5, v54  }
0xd4: {  	v58 =	vld [tilespmem:s31+$0xC390];
	v2 =	vmax.f32 v2, v11;
	v1 =	vmax.f32 v1, v12;
	v4 =	vmax.f32 v56, v14  }
0xd5: {  	v59 =	vld [tilespmem:s31+$0xC3A0];
	v0 =	vmax.f32 v0, v13;
	v5 =	vmax.f32 v5, v15;
	v2 =	vmax.f32 v2, v16  }
0xd6: {  	v61 =	vld [tilespmem:s31+$0xC3C0];
	v1 =	vmax.f32 v1, v17;
	v4 =	vmax.f32 v4, v19;
	v5 =	vmax.f32 v5, v20  }
0xd7: {  	v60 =	vld [tilespmem:s31+$0xC3B0];
	v0 =	vmax.f32 v0, v18;
	v2 =	vmax.f32 v2, v21;
	v5 =	vmax.f32 v5, v25  }
0xd8: {  	v1 =	vmax.f32 v1, v22;
	v2 =	vmax.f32 v2, v26;
	v5 =	vmax.f32 v5, v57  }
0xd9: {  	v4 =	vmax.f32 v4, v24;
	v1 =	vmax.f32 v1, v27;
	v2 =	vmax.f32 v2, v58;
	[tilespmem:s31+$0xE380] =	vst v5  }
0xda: {  	v0 =	vmax.f32 v0, v23;
	v62 =	vmax.f32 v4, v55;
	v1 =	vmax.f32 v1, v59;
	[tilespmem:s31+$0xE390] =	vst v2  }
0xdb: {  	s26 =	sadd.s32 $0x1, s26;
	v0 =	vmax.f32 v0, v28;
	v63 =	vmax.f32 v62, v61;
	[tilespmem:s31+$0xE3A0] =	vst v1  }
0xdc: {  	s28 =	sshll.u32 s28, $0x4;
	p0 =	sne.s32 s26, $0x8;
	v0 =	vmax.f32 v0, v60;
	[tilespmem:s31+$0xE3C0] =	vst v63  }
.Ltmp1:
0xdd: {  	s28 =	sadd.s32 s5, s28;
	[tilespmem:s31+$0xE3B0] =	vst v0;
	(pc) =	sbr.rel @p0 .LBB2_2-.Ltmp1, $4  }
0xde: {  	[hbm4b:s28+s2] =	stream.linear.scatter [tilespmem:s24], [sflag:$0x2], $0x2000, $0x38;
	[tilespmem:$0x10380] =	vst v63  }
0xdf: {  	_ =	swait.ge [sflag:s8], $0x2000  }
0xe0: {  	[sflag:s8] =	ssyncset.done $0x0  }
0xe1: {  	[sflag:s8] =	ssyncadd.s32 $0xFFFFE000  }
0xe2: {  	s25 =	sadd.s32 $0x1, s25  }
0xe3: {  	p0 =	sne.s32 s25, s7  }
.Ltmp2:
0xe4: {  	_ = 	snop;
	(pc) =	sbr.rel @p0 .LBB2_1-.Ltmp2, $1  }
0xe5: {  	_ =	sdelay $0x3  }
0xe6: {  	_ =	sfence.sel $0x180000  }
0xe7: {  	[bflag:$0x0] =	sbarrier.arrive $0xFFFF  }
0xe8: {  	p0 =	sne.s32 s3, $0x0;
	_ =	strace $0x9000004A  }
0xe9: {  	s0 =	sadd.s32 @!p0 $0x100000, s0;
	[bflag:$0x2] =	sbarrier.arrive $0xFFFF  }
0xea: {  	[sflag:s0] =	ssyncadd.tile.s32 @!p0 $0x1;
	_ =	shalt  }
.Lfunc_end2:
_tile_overlayer_lowered:
.L_overlay_start_2:
0xeb: {  	(tag) =	ssettag $0x2  }
0xec: {  	s0 =	rddreg [dreg:$0x0];
	s2 =	stileid.u32  }
0xed: {  	s1 =	rddreg [dreg:$0x1];
	p0 =	sne.s32 s2, $0x0  }
0xee: {  	s3 =	rddreg [dreg:$0x2];
	[bflag:$0x3] =	sbarrier.arrive $0xFFFF;
	s2 =	simm.s32 @!p0 $0x1C02  }
0xef: {  	[timem:s3], [sflag:s2] =	dma.local @!p0 [hbm:s0], s1  }
0xf0: {  	s0 =	simm.s32 @!p0 $0x2  }
0xf1: {  	_ =	swait.ge @!p0 [sflag:s0], s1  }
0xf2: {  	s1 =	ssub.s32 @!p0 $0x0, s1;
	[sflag:s0] =	ssyncset.done @!p0 $0x0  }
0xf3: {  	[sflag:s0] =	ssyncadd.s32 @!p0 s1  }
0xf4: {  	[bflag:$0x3] =	sbarrier.arrive $0xFFFF  }
0xf5: {  	_ =	shalt  }

</sc_bundles>
